<compile_context>
chip_gen: v7x
topology: tpu7x:2x2x1
jax: 0.10.2.dev20260603
libtpu: 0.0.44.dev20260713+nightly
codegen_flags: <defaults>
</compile_context>

<pallas_src>
import functools

import jax
import jax.numpy as jnp
from jax import lax
from jax.experimental import pallas as pl
from jax.experimental.pallas import tpu as pltpu
from jax.experimental.pallas import tpu_sc as plsc

B = 4096
V = 100000
D = 64
OUT = 128
L_NAME = 20
L_DESC = 200
L_ITEM = L_NAME + L_DESC

NC = 2
NS = 16
NW = NC * NS
BPW = B // NW
STRIDE = 224
NBUF = 4
LANES = 16
NG = D // LANES


def _emb_sum_kernel(desc_hbm, name_hbm, table_hbm, name_out, desc_out,
                    idx_d, idx_n, rows_v, nsum_v, dsum_v, *sems):
    wid = lax.axis_index("s") * NC + lax.axis_index("c")
    base = wid * BPW
    NPAD = STRIDE - L_DESC
    pltpu.sync_copy(desc_hbm.at[pl.ds(base * L_DESC, BPW * L_DESC)], idx_d)
    pltpu.sync_copy(name_hbm.at[pl.ds(base * NPAD, BPW * NPAD)], idx_n)

    def issue(j, b):
        pltpu.async_copy(table_hbm.at[idx_d.at[pl.ds(j * L_DESC, L_DESC)]],
                         rows_v.at[b, pl.ds(0, L_DESC)], sems[b])
        pltpu.async_copy(table_hbm.at[idx_n.at[pl.ds(j * NPAD, NPAD)]],
                         rows_v.at[b, pl.ds(L_DESC, NPAD)], sems[b])

    def wait(j, b):
        pltpu.make_async_copy(table_hbm.at[idx_d.at[pl.ds(0, STRIDE)]],
                              rows_v.at[b], sems[b]).wait()

    def accumulate(i, b):
        def dbody(r, accs):
            out = []
            for g in range(NG):
                a = accs[g]
                for k in range(8):
                    a = a + rows_v[b, r * 8 + k, pl.ds(g * LANES, LANES)]
                out.append(a)
            return tuple(out)

        accs = tuple(jnp.zeros((LANES,), jnp.float32) for _ in range(NG))
        accs = lax.fori_loop(0, L_DESC // 8, dbody, accs)
        for g in range(NG):
            dsum_v[i, pl.ds(g * LANES, LANES)] = accs[g]

        for g in range(NG):
            sl = pl.ds(g * LANES, LANES)
            acc = rows_v[b, L_DESC, sl]
            for r in range(1, L_NAME):
                acc = acc + rows_v[b, L_DESC + r, sl]
            nsum_v[i, sl] = acc

    for b in range(NBUF):
        issue(b, b)

    def body(g, _):
        for b in range(NBUF):
            j = NBUF * g + b
            wait(j, b)
            accumulate(j, b)

            @pl.when(j + NBUF < BPW)
            def _():
                issue(j + NBUF, b)

        return 0

    lax.fori_loop(0, BPW // NBUF, body, 0)

    pltpu.sync_copy(nsum_v, name_out.at[pl.ds(base, BPW)])
    pltpu.sync_copy(dsum_v, desc_out.at[pl.ds(base, BPW)])


@functools.partial(
    pl.kernel,
    out_type=(jax.ShapeDtypeStruct((B, D), jnp.float32),
              jax.ShapeDtypeStruct((B, D), jnp.float32)),
    mesh=plsc.VectorSubcoreMesh(core_axis_name="c", subcore_axis_name="s"),
    scratch_types=[
        pltpu.VMEM((BPW * L_DESC,), jnp.int32),
        pltpu.VMEM((BPW * (STRIDE - L_DESC),), jnp.int32),
        pltpu.VMEM((NBUF, STRIDE, D), jnp.float32),
        pltpu.VMEM((BPW, D), jnp.float32),
        pltpu.VMEM((BPW, D), jnp.float32),
    ] + [pltpu.SemaphoreType.DMA] * NBUF,
    compiler_params=pltpu.CompilerParams(use_tc_tiling_on_sc=False),
)
def _emb_sums(desc_hbm, name_hbm, table_hbm, name_out, desc_out,
              idx_d, idx_n, rows_v, nsum_v, dsum_v, *sems):
    _emb_sum_kernel(desc_hbm, name_hbm, table_hbm, name_out, desc_out,
                    idx_d, idx_n, rows_v, nsum_v, dsum_v, *sems)


def _fc_body(nsum, dsum, nlen, dlen, price, wnt, wdt, wp, bias, out):
    x1 = nsum[...] / nlen[...]
    x2 = dsum[...] / dlen[...]
    acc = jnp.dot(x1, wnt[...], preferred_element_type=jnp.float32)
    acc = acc + jnp.dot(x2, wdt[...], preferred_element_type=jnp.float32)
    out[...] = acc + price[...] * wp[...] + bias[...]


def _fc(nsum, dsum, nlen, dlen, price, wnt, wdt, wp, bias):
    grid = 8
    bb = B // grid
    return pl.pallas_call(
        _fc_body,
        grid=(grid,),
        in_specs=[
            pl.BlockSpec((bb, D), lambda i: (i, 0)),
            pl.BlockSpec((bb, D), lambda i: (i, 0)),
            pl.BlockSpec((bb, 1), lambda i: (i, 0)),
            pl.BlockSpec((bb, 1), lambda i: (i, 0)),
            pl.BlockSpec((bb, 1), lambda i: (i, 0)),
            pl.BlockSpec((D, OUT), lambda i: (0, 0)),
            pl.BlockSpec((D, OUT), lambda i: (0, 0)),
            pl.BlockSpec((1, OUT), lambda i: (0, 0)),
            pl.BlockSpec((1, OUT), lambda i: (0, 0)),
        ],
        out_specs=pl.BlockSpec((bb, OUT), lambda i: (i, 0)),
        out_shape=jax.ShapeDtypeStruct((B, OUT), jnp.float32),
    )(nsum, dsum, nlen, dlen, price, wnt, wdt, wp, bias)


def kernel(name_idxs, name_len, desc_idxs, desc_len, union_idxs, union_len,
           price, emb_table, fc_w, fc_b):
    del union_idxs, union_len

    ni = name_idxs.astype(jnp.int32)
    name_pad = jnp.concatenate(
        [ni, ni[:, :STRIDE - L_DESC - L_NAME]], axis=1)
    nsum, dsum = _emb_sums(desc_idxs.astype(jnp.int32).reshape(-1),
                           name_pad.reshape(-1), emb_table)

    nlen = jnp.maximum(name_len, 1).astype(jnp.float32).reshape(B, 1)
    dlen = jnp.maximum(desc_len, 1).astype(jnp.float32).reshape(B, 1)
    wnt = fc_w[:, :D].T
    wdt = fc_w[:, D:2 * D].T
    wp = fc_w[:, 2 * D].reshape(1, OUT)
    bias = fc_b.reshape(1, OUT)
    return _fc(nsum, dsum, nlen, dlen, price.reshape(B, 1), wnt, wdt, wp, bias)

# --- scband reference (transcript-rebuilt; emitter-appended) ---
"""Pipeline reference for scband-mean-embedding-model-77859167141989 (READ-ONLY COPY).

The authoritative reference and input builder live on the scoring server;
editing this copy changes nothing except your own understanding.
"""

import jax, jax.numpy as jnp
import numpy as np

B = 4096
V = 100000
D = 64
OUT = 128
L_NAME = 20
L_DESC = 200


def setup_inputs(seed: int = 0):
    key = jax.random.key(seed)
    ks = jax.random.split(key, 10)
    name_idxs = jax.random.randint(ks[0], (B, L_NAME), 0, V)
    name_len = jax.random.randint(ks[1], (B,), 0, 21)
    desc_idxs = jax.random.randint(ks[2], (B, L_DESC), 0, V)
    desc_len = jax.random.randint(ks[3], (B,), 0, 201)
    union_idxs = jax.random.randint(ks[4], (B, L_DESC), 0, V)
    union_len = jax.random.randint(ks[5], (B,), 0, 201)
    price = jax.random.normal(ks[6], (B,), dtype=jnp.float32)
    emb_table = jax.random.normal(ks[7], (V, D), dtype=jnp.float32) * 0.02
    fan_in = 2 * D + 1
    limit = float(np.sqrt(6.0 / (fan_in + OUT)))
    fc_w = jax.random.uniform(ks[8], (OUT, fan_in), minval=-limit, maxval=limit, dtype=jnp.float32)
    b_bound = float(1.0 / np.sqrt(fan_in))
    fc_b = jax.random.uniform(ks[9], (OUT,), minval=-b_bound, maxval=b_bound, dtype=jnp.float32)
    return {
        'name_idxs': name_idxs, 'name_len': name_len,
        'desc_idxs': desc_idxs, 'desc_len': desc_len,
        'union_idxs': union_idxs, 'union_len': union_len,
        'price': price, 'emb_table': emb_table, 'fc_w': fc_w, 'fc_b': fc_b,
    }


def _calc_emb(emb_table, idxs, length):
    emb = jnp.take(emb_table, idxs, axis=0)
    emb = jnp.sum(emb, axis=1)
    safe_len = jnp.where(length == 0, 1, length).astype(emb.dtype)
    return emb / safe_len[:, None]


def reference(name_idxs, name_len, desc_idxs, desc_len, union_idxs, union_len, price, emb_table, fc_w, fc_b):
    name_emb = _calc_emb(emb_table, name_idxs, name_len)
    desc_emb = _calc_emb(emb_table, desc_idxs, desc_len)
    x = jnp.concatenate([name_emb, desc_emb, price[:, None]], axis=-1)
    return x @ fc_w.T + fc_b

if __name__ == "__main__":
    import jax
    _d = setup_inputs()
    print(jax.jit(kernel)(*tuple(_d.values())))

</pallas_src>

<mosaic_0001>
#map = affine_map<(d0, d1) -> (0)>
#map1 = affine_map<(d0, d1) -> (0, 0)>
module attributes {stable_mosaic.version = 14 : i64} {
  func.func @_emb_sums(%arg0: i32, %arg1: i32, %arg2: memref<819200xi32, #tpu.memory_space<hbm>>, %arg3: memref<98304xi32, #tpu.memory_space<hbm>>, %arg4: memref<100000x64xf32, #tpu.memory_space<hbm>>, %arg5: memref<4096x64xf32, #tpu.memory_space<hbm>>, %arg6: memref<4096x64xf32, #tpu.memory_space<hbm>>, %arg7: memref<25600xi32, #tpu.memory_space<vmem>>, %arg8: memref<3072xi32, #tpu.memory_space<vmem>>, %arg9: memref<4x224x64xf32, #tpu.memory_space<vmem>>, %arg10: memref<128x64xf32, #tpu.memory_space<vmem>>, %arg11: memref<128x64xf32, #tpu.memory_space<vmem>>, %arg12: memref<!tpu.dma_semaphore, #tpu.memory_space<semaphore_mem>>, %arg13: memref<!tpu.dma_semaphore, #tpu.memory_space<semaphore_mem>>, %arg14: memref<!tpu.dma_semaphore, #tpu.memory_space<semaphore_mem>>, %arg15: memref<!tpu.dma_semaphore, #tpu.memory_space<semaphore_mem>>) attributes {dimension_semantics = [#tpu.dimension_semantics<core_parallel>, #tpu.dimension_semantics<subcore_parallel>], iteration_bounds = array<i64: 2, 16>, scalar_prefetch = 0 : i64, scratch_operands = 9 : i64, tpu.core_type = #tpu.core_type<sc_vector_subcore>, window_params = [{transform_indices = #map}, {transform_indices = #map}, {transform_indices = #map1}, {transform_indices = #map1}, {transform_indices = #map1}]} {
    %mul3A = arith.constant 2 : i32
    %mul3A_0 = arith.muli %arg1, %mul3A : i32
    %add3A = arith.addi %mul3A_0, %arg0 : i32
    %mul3A_1 = arith.constant 128 : i32
    %mul3A_2 = arith.muli %add3A, %mul3A_1 : i32
    %mul3A_3 = arith.constant 200 : i32
    %mul3A_4 = arith.muli %mul3A_2, %mul3A_3 : i32
    "tpu.region"() ({
      %run_scoped3A = tpu.sem_alloc : memref<!tpu.dma_semaphore, #tpu.memory_space<semaphore_mem>>
      %dma_start3A_92 = tpu.memref_slice %arg2[%mul3A_4] : memref<819200xi32, #tpu.memory_space<hbm>> -> memref<25600xi32, #tpu.memory_space<hbm>>
      %dma_start3A_93 = tpu.memref_slice %arg2[%mul3A_4] : memref<819200xi32, #tpu.memory_space<hbm>> -> memref<25600xi32, #tpu.memory_space<hbm>>
      tpu.enqueue_dma source(%dma_start3A_93 : memref<25600xi32, #tpu.memory_space<hbm>>) target(%arg7 : memref<25600xi32, #tpu.memory_space<vmem>>) target_semaphore(%run_scoped3A : memref<!tpu.dma_semaphore, #tpu.memory_space<semaphore_mem>>)
      %dma_wait3A = tpu.memref_slice %arg2[%mul3A_4] : memref<819200xi32, #tpu.memory_space<hbm>> -> memref<25600xi32, #tpu.memory_space<hbm>>
      %dma_wait3A_94 = tpu.memref_slice %arg2[%mul3A_4] : memref<819200xi32, #tpu.memory_space<hbm>> -> memref<25600xi32, #tpu.memory_space<hbm>>
      tpu.wait_dma2 semaphore(%run_scoped3A : memref<!tpu.dma_semaphore, #tpu.memory_space<semaphore_mem>>) src(%dma_wait3A_94 : memref<25600xi32, #tpu.memory_space<hbm>>) dst(%arg7 : memref<25600xi32, #tpu.memory_space<vmem>>)
      tpu.yield
    }) : () -> ()
    %mul3A_5 = arith.constant 24 : i32
    %mul3A_6 = arith.muli %mul3A_2, %mul3A_5 : i32
    "tpu.region"() ({
      %run_scoped3A = tpu.sem_alloc : memref<!tpu.dma_semaphore, #tpu.memory_space<semaphore_mem>>
      %dma_start3A_92 = tpu.memref_slice %arg3[%mul3A_6] : memref<98304xi32, #tpu.memory_space<hbm>> -> memref<3072xi32, #tpu.memory_space<hbm>>
      %dma_start3A_93 = tpu.memref_slice %arg3[%mul3A_6] : memref<98304xi32, #tpu.memory_space<hbm>> -> memref<3072xi32, #tpu.memory_space<hbm>>
      tpu.enqueue_dma source(%dma_start3A_93 : memref<3072xi32, #tpu.memory_space<hbm>>) target(%arg8 : memref<3072xi32, #tpu.memory_space<vmem>>) target_semaphore(%run_scoped3A : memref<!tpu.dma_semaphore, #tpu.memory_space<semaphore_mem>>)
      %dma_wait3A = tpu.memref_slice %arg3[%mul3A_6] : memref<98304xi32, #tpu.memory_space<hbm>> -> memref<3072xi32, #tpu.memory_space<hbm>>
      %dma_wait3A_94 = tpu.memref_slice %arg3[%mul3A_6] : memref<98304xi32, #tpu.memory_space<hbm>> -> memref<3072xi32, #tpu.memory_space<hbm>>
      tpu.wait_dma2 semaphore(%run_scoped3A : memref<!tpu.dma_semaphore, #tpu.memory_space<semaphore_mem>>) src(%dma_wait3A_94 : memref<3072xi32, #tpu.memory_space<hbm>>) dst(%arg8 : memref<3072xi32, #tpu.memory_space<vmem>>)
      tpu.yield
    }) : () -> ()
    %dma_start3A = arith.constant 0 : i32
    %dma_start3A_7 = arith.constant 0 : i32
    %dma_start3A_8 = arith.constant 0 : i32
    %dma_start3A_9 = tpu.memref_slice %arg9[%dma_start3A, %dma_start3A_7, %dma_start3A_8] : memref<4x224x64xf32, #tpu.memory_space<vmem>> -> memref<1x200x64xf32, #tpu.memory_space<vmem>>
    %dma_start3A_10 = tpu.memref_squeeze %dma_start3A_9 : memref<1x200x64xf32, #tpu.memory_space<vmem>> -> memref<200x64xf32, #tpu.memory_space<vmem>>
    %dma_start3A_11 = arith.constant 0 : i32
    %dma_start3A_12 = tpu.memref_slice %arg7[%dma_start3A_11] : memref<25600xi32, #tpu.memory_space<vmem>> -> memref<200xi32, #tpu.memory_space<vmem>>
    %dma_start3A_13 = arith.constant 0 : i32
    %dma_start3A_14 = arith.constant 0 : i32
    %dma_start3A_15 = tpu.memref_slice %arg4[%dma_start3A_13, %dma_start3A_14] : memref<100000x64xf32, #tpu.memory_space<hbm>> -> memref<100000x64xf32, #tpu.memory_space<hbm>>
    tpu.enqueue_indirect_dma source(%dma_start3A_15 : memref<100000x64xf32, #tpu.memory_space<hbm>>) target(%dma_start3A_10 : memref<200x64xf32, #tpu.memory_space<vmem>>) offsets(%dma_start3A_12 : memref<200xi32, #tpu.memory_space<vmem>>) semaphore(%arg12 : memref<!tpu.dma_semaphore, #tpu.memory_space<semaphore_mem>>)
    %dma_start3A_16 = arith.constant 0 : i32
    %dma_start3A_17 = arith.constant 200 : i32
    %dma_start3A_18 = arith.constant 0 : i32
    %dma_start3A_19 = tpu.memref_slice %arg9[%dma_start3A_16, %dma_start3A_17, %dma_start3A_18] : memref<4x224x64xf32, #tpu.memory_space<vmem>> -> memref<1x24x64xf32, #tpu.memory_space<vmem>>
    %dma_start3A_20 = tpu.memref_squeeze %dma_start3A_19 : memref<1x24x64xf32, #tpu.memory_space<vmem>> -> memref<24x64xf32, #tpu.memory_space<vmem>>
    %dma_start3A_21 = arith.constant 0 : i32
    %dma_start3A_22 = tpu.memref_slice %arg8[%dma_start3A_21] : memref<3072xi32, #tpu.memory_space<vmem>> -> memref<24xi32, #tpu.memory_space<vmem>>
    %dma_start3A_23 = arith.constant 0 : i32
    %dma_start3A_24 = arith.constant 0 : i32
    %dma_start3A_25 = tpu.memref_slice %arg4[%dma_start3A_23, %dma_start3A_24] : memref<100000x64xf32, #tpu.memory_space<hbm>> -> memref<100000x64xf32, #tpu.memory_space<hbm>>
    tpu.enqueue_indirect_dma source(%dma_start3A_25 : memref<100000x64xf32, #tpu.memory_space<hbm>>) target(%dma_start3A_20 : memref<24x64xf32, #tpu.memory_space<vmem>>) offsets(%dma_start3A_22 : memref<24xi32, #tpu.memory_space<vmem>>) semaphore(%arg12 : memref<!tpu.dma_semaphore, #tpu.memory_space<semaphore_mem>>)
    %dma_start3A_26 = arith.constant 1 : i32
    %dma_start3A_27 = arith.constant 0 : i32
    %dma_start3A_28 = arith.constant 0 : i32
    %dma_start3A_29 = tpu.memref_slice %arg9[%dma_start3A_26, %dma_start3A_27, %dma_start3A_28] : memref<4x224x64xf32, #tpu.memory_space<vmem>> -> memref<1x200x64xf32, #tpu.memory_space<vmem>>
    %dma_start3A_30 = tpu.memref_squeeze %dma_start3A_29 : memref<1x200x64xf32, #tpu.memory_space<vmem>> -> memref<200x64xf32, #tpu.memory_space<vmem>>
    %dma_start3A_31 = arith.constant 200 : i32
    %dma_start3A_32 = tpu.memref_slice %arg7[%dma_start3A_31] : memref<25600xi32, #tpu.memory_space<vmem>> -> memref<200xi32, #tpu.memory_space<vmem>>
    %dma_start3A_33 = arith.constant 0 : i32
    %dma_start3A_34 = arith.constant 0 : i32
    %dma_start3A_35 = tpu.memref_slice %arg4[%dma_start3A_33, %dma_start3A_34] : memref<100000x64xf32, #tpu.memory_space<hbm>> -> memref<100000x64xf32, #tpu.memory_space<hbm>>
    tpu.enqueue_indirect_dma source(%dma_start3A_35 : memref<100000x64xf32, #tpu.memory_space<hbm>>) target(%dma_start3A_30 : memref<200x64xf32, #tpu.memory_space<vmem>>) offsets(%dma_start3A_32 : memref<200xi32, #tpu.memory_space<vmem>>) semaphore(%arg13 : memref<!tpu.dma_semaphore, #tpu.memory_space<semaphore_mem>>)
    %dma_start3A_36 = arith.constant 1 : i32
    %dma_start3A_37 = arith.constant 200 : i32
    %dma_start3A_38 = arith.constant 0 : i32
    %dma_start3A_39 = tpu.memref_slice %arg9[%dma_start3A_36, %dma_start3A_37, %dma_start3A_38] : memref<4x224x64xf32, #tpu.memory_space<vmem>> -> memref<1x24x64xf32, #tpu.memory_space<vmem>>
    %dma_start3A_40 = tpu.memref_squeeze %dma_start3A_39 : memref<1x24x64xf32, #tpu.memory_space<vmem>> -> memref<24x64xf32, #tpu.memory_space<vmem>>
    %dma_start3A_41 = arith.constant 24 : i32
    %dma_start3A_42 = tpu.memref_slice %arg8[%dma_start3A_41] : memref<3072xi32, #tpu.memory_space<vmem>> -> memref<24xi32, #tpu.memory_space<vmem>>
    %dma_start3A_43 = arith.constant 0 : i32
    %dma_start3A_44 = arith.constant 0 : i32
    %dma_start3A_45 = tpu.memref_slice %arg4[%dma_start3A_43, %dma_start3A_44] : memref<100000x64xf32, #tpu.memory_space<hbm>> -> memref<100000x64xf32, #tpu.memory_space<hbm>>
    tpu.enqueue_indirect_dma source(%dma_start3A_45 : memref<100000x64xf32, #tpu.memory_space<hbm>>) target(%dma_start3A_40 : memref<24x64xf32, #tpu.memory_space<vmem>>) offsets(%dma_start3A_42 : memref<24xi32, #tpu.memory_space<vmem>>) semaphore(%arg13 : memref<!tpu.dma_semaphore, #tpu.memory_space<semaphore_mem>>)
    %dma_start3A_46 = arith.constant 2 : i32
    %dma_start3A_47 = arith.constant 0 : i32
    %dma_start3A_48 = arith.constant 0 : i32
    %dma_start3A_49 = tpu.memref_slice %arg9[%dma_start3A_46, %dma_start3A_47, %dma_start3A_48] : memref<4x224x64xf32, #tpu.memory_space<vmem>> -> memref<1x200x64xf32, #tpu.memory_space<vmem>>
    %dma_start3A_50 = tpu.memref_squeeze %dma_start3A_49 : memref<1x200x64xf32, #tpu.memory_space<vmem>> -> memref<200x64xf32, #tpu.memory_space<vmem>>
    %dma_start3A_51 = arith.constant 400 : i32
    %dma_start3A_52 = tpu.memref_slice %arg7[%dma_start3A_51] : memref<25600xi32, #tpu.memory_space<vmem>> -> memref<200xi32, #tpu.memory_space<vmem>>
    %dma_start3A_53 = arith.constant 0 : i32
    %dma_start3A_54 = arith.constant 0 : i32
    %dma_start3A_55 = tpu.memref_slice %arg4[%dma_start3A_53, %dma_start3A_54] : memref<100000x64xf32, #tpu.memory_space<hbm>> -> memref<100000x64xf32, #tpu.memory_space<hbm>>
    tpu.enqueue_indirect_dma source(%dma_start3A_55 : memref<100000x64xf32, #tpu.memory_space<hbm>>) target(%dma_start3A_50 : memref<200x64xf32, #tpu.memory_space<vmem>>) offsets(%dma_start3A_52 : memref<200xi32, #tpu.memory_space<vmem>>) semaphore(%arg14 : memref<!tpu.dma_semaphore, #tpu.memory_space<semaphore_mem>>)
    %dma_start3A_56 = arith.constant 2 : i32
    %dma_start3A_57 = arith.constant 200 : i32
    %dma_start3A_58 = arith.constant 0 : i32
    %dma_start3A_59 = tpu.memref_slice %arg9[%dma_start3A_56, %dma_start3A_57, %dma_start3A_58] : memref<4x224x64xf32, #tpu.memory_space<vmem>> -> memref<1x24x64xf32, #tpu.memory_space<vmem>>
    %dma_start3A_60 = tpu.memref_squeeze %dma_start3A_59 : memref<1x24x64xf32, #tpu.memory_space<vmem>> -> memref<24x64xf32, #tpu.memory_space<vmem>>
    %dma_start3A_61 = arith.constant 48 : i32
    %dma_start3A_62 = tpu.memref_slice %arg8[%dma_start3A_61] : memref<3072xi32, #tpu.memory_space<vmem>> -> memref<24xi32, #tpu.memory_space<vmem>>
    %dma_start3A_63 = arith.constant 0 : i32
    %dma_start3A_64 = arith.constant 0 : i32
    %dma_start3A_65 = tpu.memref_slice %arg4[%dma_start3A_63, %dma_start3A_64] : memref<100000x64xf32, #tpu.memory_space<hbm>> -> memref<100000x64xf32, #tpu.memory_space<hbm>>
    tpu.enqueue_indirect_dma source(%dma_start3A_65 : memref<100000x64xf32, #tpu.memory_space<hbm>>) target(%dma_start3A_60 : memref<24x64xf32, #tpu.memory_space<vmem>>) offsets(%dma_start3A_62 : memref<24xi32, #tpu.memory_space<vmem>>) semaphore(%arg14 : memref<!tpu.dma_semaphore, #tpu.memory_space<semaphore_mem>>)
    %dma_start3A_66 = arith.constant 3 : i32
    %dma_start3A_67 = arith.constant 0 : i32
    %dma_start3A_68 = arith.constant 0 : i32
    %dma_start3A_69 = tpu.memref_slice %arg9[%dma_start3A_66, %dma_start3A_67, %dma_start3A_68] : memref<4x224x64xf32, #tpu.memory_space<vmem>> -> memref<1x200x64xf32, #tpu.memory_space<vmem>>
    %dma_start3A_70 = tpu.memref_squeeze %dma_start3A_69 : memref<1x200x64xf32, #tpu.memory_space<vmem>> -> memref<200x64xf32, #tpu.memory_space<vmem>>
    %dma_start3A_71 = arith.constant 600 : i32
    %dma_start3A_72 = tpu.memref_slice %arg7[%dma_start3A_71] : memref<25600xi32, #tpu.memory_space<vmem>> -> memref<200xi32, #tpu.memory_space<vmem>>
    %dma_start3A_73 = arith.constant 0 : i32
    %dma_start3A_74 = arith.constant 0 : i32
    %dma_start3A_75 = tpu.memref_slice %arg4[%dma_start3A_73, %dma_start3A_74] : memref<100000x64xf32, #tpu.memory_space<hbm>> -> memref<100000x64xf32, #tpu.memory_space<hbm>>
    tpu.enqueue_indirect_dma source(%dma_start3A_75 : memref<100000x64xf32, #tpu.memory_space<hbm>>) target(%dma_start3A_70 : memref<200x64xf32, #tpu.memory_space<vmem>>) offsets(%dma_start3A_72 : memref<200xi32, #tpu.memory_space<vmem>>) semaphore(%arg15 : memref<!tpu.dma_semaphore, #tpu.memory_space<semaphore_mem>>)
    %dma_start3A_76 = arith.constant 3 : i32
    %dma_start3A_77 = arith.constant 200 : i32
    %dma_start3A_78 = arith.constant 0 : i32
    %dma_start3A_79 = tpu.memref_slice %arg9[%dma_start3A_76, %dma_start3A_77, %dma_start3A_78] : memref<4x224x64xf32, #tpu.memory_space<vmem>> -> memref<1x24x64xf32, #tpu.memory_space<vmem>>
    %dma_start3A_80 = tpu.memref_squeeze %dma_start3A_79 : memref<1x24x64xf32, #tpu.memory_space<vmem>> -> memref<24x64xf32, #tpu.memory_space<vmem>>
    %dma_start3A_81 = arith.constant 72 : i32
    %dma_start3A_82 = tpu.memref_slice %arg8[%dma_start3A_81] : memref<3072xi32, #tpu.memory_space<vmem>> -> memref<24xi32, #tpu.memory_space<vmem>>
    %dma_start3A_83 = arith.constant 0 : i32
    %dma_start3A_84 = arith.constant 0 : i32
    %dma_start3A_85 = tpu.memref_slice %arg4[%dma_start3A_83, %dma_start3A_84] : memref<100000x64xf32, #tpu.memory_space<hbm>> -> memref<100000x64xf32, #tpu.memory_space<hbm>>
    tpu.enqueue_indirect_dma source(%dma_start3A_85 : memref<100000x64xf32, #tpu.memory_space<hbm>>) target(%dma_start3A_80 : memref<24x64xf32, #tpu.memory_space<vmem>>) offsets(%dma_start3A_82 : memref<24xi32, #tpu.memory_space<vmem>>) semaphore(%arg15 : memref<!tpu.dma_semaphore, #tpu.memory_space<semaphore_mem>>)
    %scan3A = arith.constant 0 : i32
    %scan3A_86 = arith.constant 0 : i32
    %scan3A_87 = arith.constant 32 : i32
    %scan3A_88 = arith.addi %scan3A_86, %scan3A_87 : i32
    %scan3A_89 = arith.constant 1 : i32
    %scan3A_90 = scf.for %scan3A_92 = %scan3A_86 to %scan3A_88 step %scan3A_89 iter_args(%scan3A_93 = %scan3A) -> (i32)  : i32 {
      %mul3A_94 = arith.constant 4 : i32
      %mul3A_95 = arith.muli %mul3A_94, %scan3A_92 : i32
      %add3A_96 = arith.constant 0 : i32
      %add3A_97 = arith.addi %mul3A_95, %add3A_96 : i32
      %dma_wait3A = arith.constant 0 : i32
      %dma_wait3A_98 = arith.constant 0 : i32
      %dma_wait3A_99 = arith.constant 0 : i32
      %dma_wait3A_100 = tpu.memref_slice %arg9[%dma_wait3A, %dma_wait3A_98, %dma_wait3A_99] : memref<4x224x64xf32, #tpu.memory_space<vmem>> -> memref<1x224x64xf32, #tpu.memory_space<vmem>>
      %dma_wait3A_101 = tpu.memref_squeeze %dma_wait3A_100 : memref<1x224x64xf32, #tpu.memory_space<vmem>> -> memref<224x64xf32, #tpu.memory_space<vmem>>
      %dma_wait3A_102 = arith.constant 0 : i32
      %dma_wait3A_103 = tpu.memref_slice %arg7[%dma_wait3A_102] : memref<25600xi32, #tpu.memory_space<vmem>> -> memref<224xi32, #tpu.memory_space<vmem>>
      %dma_wait3A_104 = arith.constant 0 : i32
      %dma_wait3A_105 = arith.constant 0 : i32
      %dma_wait3A_106 = tpu.memref_slice %arg4[%dma_wait3A_104, %dma_wait3A_105] : memref<100000x64xf32, #tpu.memory_space<hbm>> -> memref<100000x64xf32, #tpu.memory_space<hbm>>
      tpu.wait_indirect_dma semaphore(%arg12 : memref<!tpu.dma_semaphore, #tpu.memory_space<semaphore_mem>>) src(%dma_wait3A_106 : memref<100000x64xf32, #tpu.memory_space<hbm>>) dst(%dma_wait3A_101 : memref<224x64xf32, #tpu.memory_space<vmem>>)
      %broadcast_in_dim3A = arith.constant 0.000000e+00 : f32
      %broadcast_in_dim3A_107 = vector.broadcast %broadcast_in_dim3A : f32 to vector<16xf32>
      %broadcast_in_dim3A_108 = arith.constant 0.000000e+00 : f32
      %broadcast_in_dim3A_109 = vector.broadcast %broadcast_in_dim3A_108 : f32 to vector<16xf32>
      %broadcast_in_dim3A_110 = arith.constant 0.000000e+00 : f32
      %broadcast_in_dim3A_111 = vector.broadcast %broadcast_in_dim3A_110 : f32 to vector<16xf32>
      %broadcast_in_dim3A_112 = arith.constant 0.000000e+00 : f32
      %broadcast_in_dim3A_113 = vector.broadcast %broadcast_in_dim3A_112 : f32 to vector<16xf32>
      %scan3A_114 = arith.constant 0 : i32
      %scan3A_115 = arith.constant 25 : i32
      %scan3A_116 = arith.addi %scan3A_114, %scan3A_115 : i32
      %scan3A_117 = arith.constant 1 : i32
      %scan3A_118:4 = scf.for %scan3A_2932 = %scan3A_114 to %scan3A_116 step %scan3A_117 iter_args(%scan3A_2933 = %broadcast_in_dim3A_107, %scan3A_2934 = %broadcast_in_dim3A_109, %scan3A_2935 = %broadcast_in_dim3A_111, %scan3A_2936 = %broadcast_in_dim3A_113) -> (vector<16xf32>, vector<16xf32>, vector<16xf32>, vector<16xf32>)  : i32 {
        %mul3A_2937 = arith.constant 8 : i32
        %mul3A_2938 = arith.muli %scan3A_2932, %mul3A_2937 : i32
        %add3A_2939 = arith.constant 0 : i32
        %add3A_2940 = arith.addi %mul3A_2938, %add3A_2939 : i32
        %get3A_2941 = arith.constant 0 : i32
        %get3A_2942 = arith.index_cast %get3A_2941 : i32 to index
        %get3A_2943 = arith.index_cast %add3A_2940 : i32 to index
        %get3A_2944 = arith.constant 0 : index
        %get3A_2945 = tpu.vector_load %arg9[%get3A_2942, %get3A_2943, %get3A_2944] {strides = array<i32>} : memref<4x224x64xf32, #tpu.memory_space<vmem>>, vector<1x1x16xf32>,
        %get3A_2946 = vector.shape_cast %get3A_2945 : vector<1x1x16xf32> to vector<16xf32>
        %add3A_2947 = arith.addf %scan3A_2933, %get3A_2946 : vector<16xf32>
        %mul3A_2948 = arith.constant 8 : i32
        %mul3A_2949 = arith.muli %scan3A_2932, %mul3A_2948 : i32
        %add3A_2950 = arith.constant 1 : i32
        %add3A_2951 = arith.addi %mul3A_2949, %add3A_2950 : i32
        %get3A_2952 = arith.constant 0 : i32
        %get3A_2953 = arith.index_cast %get3A_2952 : i32 to index
        %get3A_2954 = arith.index_cast %add3A_2951 : i32 to index
        %get3A_2955 = arith.constant 0 : index
        %get3A_2956 = tpu.vector_load %arg9[%get3A_2953, %get3A_2954, %get3A_2955] {strides = array<i32>} : memref<4x224x64xf32, #tpu.memory_space<vmem>>, vector<1x1x16xf32>,
        %get3A_2957 = vector.shape_cast %get3A_2956 : vector<1x1x16xf32> to vector<16xf32>
        %add3A_2958 = arith.addf %add3A_2947, %get3A_2957 : vector<16xf32>
        %mul3A_2959 = arith.constant 8 : i32
        %mul3A_2960 = arith.muli %scan3A_2932, %mul3A_2959 : i32
        %add3A_2961 = arith.constant 2 : i32
        %add3A_2962 = arith.addi %mul3A_2960, %add3A_2961 : i32
        %get3A_2963 = arith.constant 0 : i32
        %get3A_2964 = arith.index_cast %get3A_2963 : i32 to index
        %get3A_2965 = arith.index_cast %add3A_2962 : i32 to index
        %get3A_2966 = arith.constant 0 : index
        %get3A_2967 = tpu.vector_load %arg9[%get3A_2964, %get3A_2965, %get3A_2966] {strides = array<i32>} : memref<4x224x64xf32, #tpu.memory_space<vmem>>, vector<1x1x16xf32>,
        %get3A_2968 = vector.shape_cast %get3A_2967 : vector<1x1x16xf32> to vector<16xf32>
        %add3A_2969 = arith.addf %add3A_2958, %get3A_2968 : vector<16xf32>
        %mul3A_2970 = arith.constant 8 : i32
        %mul3A_2971 = arith.muli %scan3A_2932, %mul3A_2970 : i32
        %add3A_2972 = arith.constant 3 : i32
        %add3A_2973 = arith.addi %mul3A_2971, %add3A_2972 : i32
        %get3A_2974 = arith.constant 0 : i32
        %get3A_2975 = arith.index_cast %get3A_2974 : i32 to index
        %get3A_2976 = arith.index_cast %add3A_2973 : i32 to index
        %get3A_2977 = arith.constant 0 : index
        %get3A_2978 = tpu.vector_load %arg9[%get3A_2975, %get3A_2976, %get3A_2977] {strides = array<i32>} : memref<4x224x64xf32, #tpu.memory_space<vmem>>, vector<1x1x16xf32>,
        %get3A_2979 = vector.shape_cast %get3A_2978 : vector<1x1x16xf32> to vector<16xf32>
        %add3A_2980 = arith.addf %add3A_2969, %get3A_2979 : vector<16xf32>
        %mul3A_2981 = arith.constant 8 : i32
        %mul3A_2982 = arith.muli %scan3A_2932, %mul3A_2981 : i32
        %add3A_2983 = arith.constant 4 : i32
        %add3A_2984 = arith.addi %mul3A_2982, %add3A_2983 : i32
        %get3A_2985 = arith.constant 0 : i32
        %get3A_2986 = arith.index_cast %get3A_2985 : i32 to index
        %get3A_2987 = arith.index_cast %add3A_2984 : i32 to index
        %get3A_2988 = arith.constant 0 : index
        %get3A_2989 = tpu.vector_load %arg9[%get3A_2986, %get3A_2987, %get3A_2988] {strides = array<i32>} : memref<4x224x64xf32, #tpu.memory_space<vmem>>, vector<1x1x16xf32>,
        %get3A_2990 = vector.shape_cast %get3A_2989 : vector<1x1x16xf32> to vector<16xf32>
        %add3A_2991 = arith.addf %add3A_2980, %get3A_2990 : vector<16xf32>
        %mul3A_2992 = arith.constant 8 : i32
        %mul3A_2993 = arith.muli %scan3A_2932, %mul3A_2992 : i32
        %add3A_2994 = arith.constant 5 : i32
        %add3A_2995 = arith.addi %mul3A_2993, %add3A_2994 : i32
        %get3A_2996 = arith.constant 0 : i32
        %get3A_2997 = arith.index_cast %get3A_2996 : i32 to index
        %get3A_2998 = arith.index_cast %add3A_2995 : i32 to index
        %get3A_2999 = arith.constant 0 : index
        %get3A_3000 = tpu.vector_load %arg9[%get3A_2997, %get3A_2998, %get3A_2999] {strides = array<i32>} : memref<4x224x64xf32, #tpu.memory_space<vmem>>, vector<1x1x16xf32>,
        %get3A_3001 = vector.shape_cast %get3A_3000 : vector<1x1x16xf32> to vector<16xf32>
        %add3A_3002 = arith.addf %add3A_2991, %get3A_3001 : vector<16xf32>
        %mul3A_3003 = arith.constant 8 : i32
        %mul3A_3004 = arith.muli %scan3A_2932, %mul3A_3003 : i32
        %add3A_3005 = arith.constant 6 : i32
        %add3A_3006 = arith.addi %mul3A_3004, %add3A_3005 : i32
        %get3A_3007 = arith.constant 0 : i32
        %get3A_3008 = arith.index_cast %get3A_3007 : i32 to index
        %get3A_3009 = arith.index_cast %add3A_3006 : i32 to index
        %get3A_3010 = arith.constant 0 : index
        %get3A_3011 = tpu.vector_load %arg9[%get3A_3008, %get3A_3009, %get3A_3010] {strides = array<i32>} : memref<4x224x64xf32, #tpu.memory_space<vmem>>, vector<1x1x16xf32>,
        %get3A_3012 = vector.shape_cast %get3A_3011 : vector<1x1x16xf32> to vector<16xf32>
        %add3A_3013 = arith.addf %add3A_3002, %get3A_3012 : vector<16xf32>
        %mul3A_3014 = arith.constant 8 : i32
        %mul3A_3015 = arith.muli %scan3A_2932, %mul3A_3014 : i32
        %add3A_3016 = arith.constant 7 : i32
        %add3A_3017 = arith.addi %mul3A_3015, %add3A_3016 : i32
        %get3A_3018 = arith.constant 0 : i32
        %get3A_3019 = arith.index_cast %get3A_3018 : i32 to index
        %get3A_3020 = arith.index_cast %add3A_3017 : i32 to index
        %get3A_3021 = arith.constant 0 : index
        %get3A_3022 = tpu.vector_load %arg9[%get3A_3019, %get3A_3020, %get3A_3021] {strides = array<i32>} : memref<4x224x64xf32, #tpu.memory_space<vmem>>, vector<1x1x16xf32>,
        %get3A_3023 = vector.shape_cast %get3A_3022 : vector<1x1x16xf32> to vector<16xf32>
        %add3A_3024 = arith.addf %add3A_3013, %get3A_3023 : vector<16xf32>
        %mul3A_3025 = arith.constant 8 : i32
        %mul3A_3026 = arith.muli %scan3A_2932, %mul3A_3025 : i32
        %add3A_3027 = arith.constant 0 : i32
        %add3A_3028 = arith.addi %mul3A_3026, %add3A_3027 : i32
        %get3A_3029 = arith.constant 0 : i32
        %get3A_3030 = arith.index_cast %get3A_3029 : i32 to index
        %get3A_3031 = arith.index_cast %add3A_3028 : i32 to index
        %get3A_3032 = arith.constant 16 : index
        %get3A_3033 = tpu.vector_load %arg9[%get3A_3030, %get3A_3031, %get3A_3032] {strides = array<i32>} : memref<4x224x64xf32, #tpu.memory_space<vmem>>, vector<1x1x16xf32>,
        %get3A_3034 = vector.shape_cast %get3A_3033 : vector<1x1x16xf32> to vector<16xf32>
        %add3A_3035 = arith.addf %scan3A_2934, %get3A_3034 : vector<16xf32>
        %mul3A_3036 = arith.constant 8 : i32
        %mul3A_3037 = arith.muli %scan3A_2932, %mul3A_3036 : i32
        %add3A_3038 = arith.constant 1 : i32
        %add3A_3039 = arith.addi %mul3A_3037, %add3A_3038 : i32
        %get3A_3040 = arith.constant 0 : i32
        %get3A_3041 = arith.index_cast %get3A_3040 : i32 to index
        %get3A_3042 = arith.index_cast %add3A_3039 : i32 to index
        %get3A_3043 = arith.constant 16 : index
        %get3A_3044 = tpu.vector_load %arg9[%get3A_3041, %get3A_3042, %get3A_3043] {strides = array<i32>} : memref<4x224x64xf32, #tpu.memory_space<vmem>>, vector<1x1x16xf32>,
        %get3A_3045 = vector.shape_cast %get3A_3044 : vector<1x1x16xf32> to vector<16xf32>
        %add3A_3046 = arith.addf %add3A_3035, %get3A_3045 : vector<16xf32>
        %mul3A_3047 = arith.constant 8 : i32
        %mul3A_3048 = arith.muli %scan3A_2932, %mul3A_3047 : i32
        %add3A_3049 = arith.constant 2 : i32
        %add3A_3050 = arith.addi %mul3A_3048, %add3A_3049 : i32
        %get3A_3051 = arith.constant 0 : i32
        %get3A_3052 = arith.index_cast %get3A_3051 : i32 to index
        %get3A_3053 = arith.index_cast %add3A_3050 : i32 to index
        %get3A_3054 = arith.constant 16 : index
        %get3A_3055 = tpu.vector_load %arg9[%get3A_3052, %get3A_3053, %get3A_3054] {strides = array<i32>} : memref<4x224x64xf32, #tpu.memory_space<vmem>>, vector<1x1x16xf32>,
        %get3A_3056 = vector.shape_cast %get3A_3055 : vector<1x1x16xf32> to vector<16xf32>
        %add3A_3057 = arith.addf %add3A_3046, %get3A_3056 : vector<16xf32>
        %mul3A_3058 = arith.constant 8 : i32
        %mul3A_3059 = arith.muli %scan3A_2932, %mul3A_3058 : i32
        %add3A_3060 = arith.constant 3 : i32
        %add3A_3061 = arith.addi %mul3A_3059, %add3A_3060 : i32
        %get3A_3062 = arith.constant 0 : i32
        %get3A_3063 = arith.index_cast %get3A_3062 : i32 to index
        %get3A_3064 = arith.index_cast %add3A_3061 : i32 to index
        %get3A_3065 = arith.constant 16 : index
        %get3A_3066 = tpu.vector_load %arg9[%get3A_3063, %get3A_3064, %get3A_3065] {strides = array<i32>} : memref<4x224x64xf32, #tpu.memory_space<vmem>>, vector<1x1x16xf32>,
        %get3A_3067 = vector.shape_cast %get3A_3066 : vector<1x1x16xf32> to vector<16xf32>
        %add3A_3068 = arith.addf %add3A_3057, %get3A_3067 : vector<16xf32>
        %mul3A_3069 = arith.constant 8 : i32
        %mul3A_3070 = arith.muli %scan3A_2932, %mul3A_3069 : i32
        %add3A_3071 = arith.constant 4 : i32
        %add3A_3072 = arith.addi %mul3A_3070, %add3A_3071 : i32
        %get3A_3073 = arith.constant 0 : i32
        %get3A_3074 = arith.index_cast %get3A_3073 : i32 to index
        %get3A_3075 = arith.index_cast %add3A_3072 : i32 to index
        %get3A_3076 = arith.constant 16 : index
        %get3A_3077 = tpu.vector_load %arg9[%get3A_3074, %get3A_3075, %get3A_3076] {strides = array<i32>} : memref<4x224x64xf32, #tpu.memory_space<vmem>>, vector<1x1x16xf32>,
        %get3A_3078 = vector.shape_cast %get3A_3077 : vector<1x1x16xf32> to vector<16xf32>
        %add3A_3079 = arith.addf %add3A_3068, %get3A_3078 : vector<16xf32>
        %mul3A_3080 = arith.constant 8 : i32
        %mul3A_3081 = arith.muli %scan3A_2932, %mul3A_3080 : i32
        %add3A_3082 = arith.constant 5 : i32
        %add3A_3083 = arith.addi %mul3A_3081, %add3A_3082 : i32
        %get3A_3084 = arith.constant 0 : i32
        %get3A_3085 = arith.index_cast %get3A_3084 : i32 to index
        %get3A_3086 = arith.index_cast %add3A_3083 : i32 to index
        %get3A_3087 = arith.constant 16 : index
        %get3A_3088 = tpu.vector_load %arg9[%get3A_3085, %get3A_3086, %get3A_3087] {strides = array<i32>} : memref<4x224x64xf32, #tpu.memory_space<vmem>>, vector<1x1x16xf32>,
        %get3A_3089 = vector.shape_cast %get3A_3088 : vector<1x1x16xf32> to vector<16xf32>
        %add3A_3090 = arith.addf %add3A_3079, %get3A_3089 : vector<16xf32>
        %mul3A_3091 = arith.constant 8 : i32
        %mul3A_3092 = arith.muli %scan3A_2932, %mul3A_3091 : i32
        %add3A_3093 = arith.constant 6 : i32
        %add3A_3094 = arith.addi %mul3A_3092, %add3A_3093 : i32
        %get3A_3095 = arith.constant 0 : i32
        %get3A_3096 = arith.index_cast %get3A_3095 : i32 to index
        %get3A_3097 = arith.index_cast %add3A_3094 : i32 to index
        %get3A_3098 = arith.constant 16 : index
        %get3A_3099 = tpu.vector_load %arg9[%get3A_3096, %get3A_3097, %get3A_3098] {strides = array<i32>} : memref<4x224x64xf32, #tpu.memory_space<vmem>>, vector<1x1x16xf32>,
        %get3A_3100 = vector.shape_cast %get3A_3099 : vector<1x1x16xf32> to vector<16xf32>
        %add3A_3101 = arith.addf %add3A_3090, %get3A_3100 : vector<16xf32>
        %mul3A_3102 = arith.constant 8 : i32
        %mul3A_3103 = arith.muli %scan3A_2932, %mul3A_3102 : i32
        %add3A_3104 = arith.constant 7 : i32
        %add3A_3105 = arith.addi %mul3A_3103, %add3A_3104 : i32
        %get3A_3106 = arith.constant 0 : i32
        %get3A_3107 = arith.index_cast %get3A_3106 : i32 to index
        %get3A_3108 = arith.index_cast %add3A_3105 : i32 to index
        %get3A_3109 = arith.constant 16 : index
        %get3A_3110 = tpu.vector_load %arg9[%get3A_3107, %get3A_3108, %get3A_3109] {strides = array<i32>} : memref<4x224x64xf32, #tpu.memory_space<vmem>>, vector<1x1x16xf32>,
        %get3A_3111 = vector.shape_cast %get3A_3110 : vector<1x1x16xf32> to vector<16xf32>
        %add3A_3112 = arith.addf %add3A_3101, %get3A_3111 : vector<16xf32>
        %mul3A_3113 = arith.constant 8 : i32
        %mul3A_3114 = arith.muli %scan3A_2932, %mul3A_3113 : i32
        %add3A_3115 = arith.constant 0 : i32
        %add3A_3116 = arith.addi %mul3A_3114, %add3A_3115 : i32
        %get3A_3117 = arith.constant 0 : i32
        %get3A_3118 = arith.index_cast %get3A_3117 : i32 to index
        %get3A_3119 = arith.index_cast %add3A_3116 : i32 to index
        %get3A_3120 = arith.constant 32 : index
        %get3A_3121 = tpu.vector_load %arg9[%get3A_3118, %get3A_3119, %get3A_3120] {strides = array<i32>} : memref<4x224x64xf32, #tpu.memory_space<vmem>>, vector<1x1x16xf32>,
        %get3A_3122 = vector.shape_cast %get3A_3121 : vector<1x1x16xf32> to vector<16xf32>
        %add3A_3123 = arith.addf %scan3A_2935, %get3A_3122 : vector<16xf32>
        %mul3A_3124 = arith.constant 8 : i32
        %mul3A_3125 = arith.muli %scan3A_2932, %mul3A_3124 : i32
        %add3A_3126 = arith.constant 1 : i32
        %add3A_3127 = arith.addi %mul3A_3125, %add3A_3126 : i32
        %get3A_3128 = arith.constant 0 : i32
        %get3A_3129 = arith.index_cast %get3A_3128 : i32 to index
        %get3A_3130 = arith.index_cast %add3A_3127 : i32 to index
        %get3A_3131 = arith.constant 32 : index
        %get3A_3132 = tpu.vector_load %arg9[%get3A_3129, %get3A_3130, %get3A_3131] {strides = array<i32>} : memref<4x224x64xf32, #tpu.memory_space<vmem>>, vector<1x1x16xf32>,
        %get3A_3133 = vector.shape_cast %get3A_3132 : vector<1x1x16xf32> to vector<16xf32>
        %add3A_3134 = arith.addf %add3A_3123, %get3A_3133 : vector<16xf32>
        %mul3A_3135 = arith.constant 8 : i32
        %mul3A_3136 = arith.muli %scan3A_2932, %mul3A_3135 : i32
        %add3A_3137 = arith.constant 2 : i32
        %add3A_3138 = arith.addi %mul3A_3136, %add3A_3137 : i32
        %get3A_3139 = arith.constant 0 : i32
        %get3A_3140 = arith.index_cast %get3A_3139 : i32 to index
        %get3A_3141 = arith.index_cast %add3A_3138 : i32 to index
        %get3A_3142 = arith.constant 32 : index
        %get3A_3143 = tpu.vector_load %arg9[%get3A_3140, %get3A_3141, %get3A_3142] {strides = array<i32>} : memref<4x224x64xf32, #tpu.memory_space<vmem>>, vector<1x1x16xf32>,
        %get3A_3144 = vector.shape_cast %get3A_3143 : vector<1x1x16xf32> to vector<16xf32>
        %add3A_3145 = arith.addf %add3A_3134, %get3A_3144 : vector<16xf32>
        %mul3A_3146 = arith.constant 8 : i32
        %mul3A_3147 = arith.muli %scan3A_2932, %mul3A_3146 : i32
        %add3A_3148 = arith.constant 3 : i32
        %add3A_3149 = arith.addi %mul3A_3147, %add3A_3148 : i32
        %get3A_3150 = arith.constant 0 : i32
        %get3A_3151 = arith.index_cast %get3A_3150 : i32 to index
        %get3A_3152 = arith.index_cast %add3A_3149 : i32 to index
        %get3A_3153 = arith.constant 32 : index
        %get3A_3154 = tpu.vector_load %arg9[%get3A_3151, %get3A_3152, %get3A_3153] {strides = array<i32>} : memref<4x224x64xf32, #tpu.memory_space<vmem>>, vector<1x1x16xf32>,
        %get3A_3155 = vector.shape_cast %get3A_3154 : vector<1x1x16xf32> to vector<16xf32>
        %add3A_3156 = arith.addf %add3A_3145, %get3A_3155 : vector<16xf32>
        %mul3A_3157 = arith.constant 8 : i32
        %mul3A_3158 = arith.muli %scan3A_2932, %mul3A_3157 : i32
        %add3A_3159 = arith.constant 4 : i32
        %add3A_3160 = arith.addi %mul3A_3158, %add3A_3159 : i32
        %get3A_3161 = arith.constant 0 : i32
        %get3A_3162 = arith.index_cast %get3A_3161 : i32 to index
        %get3A_3163 = arith.index_cast %add3A_3160 : i32 to index
        %get3A_3164 = arith.constant 32 : index
        %get3A_3165 = tpu.vector_load %arg9[%get3A_3162, %get3A_3163, %get3A_3164] {strides = array<i32>} : memref<4x224x64xf32, #tpu.memory_space<vmem>>, vector<1x1x16xf32>,
        %get3A_3166 = vector.shape_cast %get3A_3165 : vector<1x1x16xf32> to vector<16xf32>
        %add3A_3167 = arith.addf %add3A_3156, %get3A_3166 : vector<16xf32>
        %mul3A_3168 = arith.constant 8 : i32
        %mul3A_3169 = arith.muli %scan3A_2932, %mul3A_3168 : i32
        %add3A_3170 = arith.constant 5 : i32
        %add3A_3171 = arith.addi %mul3A_3169, %add3A_3170 : i32
        %get3A_3172 = arith.constant 0 : i32
        %get3A_3173 = arith.index_cast %get3A_3172 : i32 to index
        %get3A_3174 = arith.index_cast %add3A_3171 : i32 to index
        %get3A_3175 = arith.constant 32 : index
        %get3A_3176 = tpu.vector_load %arg9[%get3A_3173, %get3A_3174, %get3A_3175] {strides = array<i32>} : memref<4x224x64xf32, #tpu.memory_space<vmem>>, vector<1x1x16xf32>,
        %get3A_3177 = vector.shape_cast %get3A_3176 : vector<1x1x16xf32> to vector<16xf32>
        %add3A_3178 = arith.addf %add3A_3167, %get3A_3177 : vector<16xf32>
        %mul3A_3179 = arith.constant 8 : i32
        %mul3A_3180 = arith.muli %scan3A_2932, %mul3A_3179 : i32
        %add3A_3181 = arith.constant 6 : i32
        %add3A_3182 = arith.addi %mul3A_3180, %add3A_3181 : i32
        %get3A_3183 = arith.constant 0 : i32
        %get3A_3184 = arith.index_cast %get3A_3183 : i32 to index
        %get3A_3185 = arith.index_cast %add3A_3182 : i32 to index
        %get3A_3186 = arith.constant 32 : index
        %get3A_3187 = tpu.vector_load %arg9[%get3A_3184, %get3A_3185, %get3A_3186] {strides = array<i32>} : memref<4x224x64xf32, #tpu.memory_space<vmem>>, vector<1x1x16xf32>,
        %get3A_3188 = vector.shape_cast %get3A_3187 : vector<1x1x16xf32> to vector<16xf32>
        %add3A_3189 = arith.addf %add3A_3178, %get3A_3188 : vector<16xf32>
        %mul3A_3190 = arith.constant 8 : i32
        %mul3A_3191 = arith.muli %scan3A_2932, %mul3A_3190 : i32
        %add3A_3192 = arith.constant 7 : i32
        %add3A_3193 = arith.addi %mul3A_3191, %add3A_3192 : i32
        %get3A_3194 = arith.constant 0 : i32
        %get3A_3195 = arith.index_cast %get3A_3194 : i32 to index
        %get3A_3196 = arith.index_cast %add3A_3193 : i32 to index
        %get3A_3197 = arith.constant 32 : index
        %get3A_3198 = tpu.vector_load %arg9[%get3A_3195, %get3A_3196, %get3A_3197] {strides = array<i32>} : memref<4x224x64xf32, #tpu.memory_space<vmem>>, vector<1x1x16xf32>,
        %get3A_3199 = vector.shape_cast %get3A_3198 : vector<1x1x16xf32> to vector<16xf32>
        %add3A_3200 = arith.addf %add3A_3189, %get3A_3199 : vector<16xf32>
        %mul3A_3201 = arith.constant 8 : i32
        %mul3A_3202 = arith.muli %scan3A_2932, %mul3A_3201 : i32
        %add3A_3203 = arith.constant 0 : i32
        %add3A_3204 = arith.addi %mul3A_3202, %add3A_3203 : i32
        %get3A_3205 = arith.constant 0 : i32
        %get3A_3206 = arith.index_cast %get3A_3205 : i32 to index
        %get3A_3207 = arith.index_cast %add3A_3204 : i32 to index
        %get3A_3208 = arith.constant 48 : index
        %get3A_3209 = tpu.vector_load %arg9[%get3A_3206, %get3A_3207, %get3A_3208] {strides = array<i32>} : memref<4x224x64xf32, #tpu.memory_space<vmem>>, vector<1x1x16xf32>,
        %get3A_3210 = vector.shape_cast %get3A_3209 : vector<1x1x16xf32> to vector<16xf32>
        %add3A_3211 = arith.addf %scan3A_2936, %get3A_3210 : vector<16xf32>
        %mul3A_3212 = arith.constant 8 : i32
        %mul3A_3213 = arith.muli %scan3A_2932, %mul3A_3212 : i32
        %add3A_3214 = arith.constant 1 : i32
        %add3A_3215 = arith.addi %mul3A_3213, %add3A_3214 : i32
        %get3A_3216 = arith.constant 0 : i32
        %get3A_3217 = arith.index_cast %get3A_3216 : i32 to index
        %get3A_3218 = arith.index_cast %add3A_3215 : i32 to index
        %get3A_3219 = arith.constant 48 : index
        %get3A_3220 = tpu.vector_load %arg9[%get3A_3217, %get3A_3218, %get3A_3219] {strides = array<i32>} : memref<4x224x64xf32, #tpu.memory_space<vmem>>, vector<1x1x16xf32>,
        %get3A_3221 = vector.shape_cast %get3A_3220 : vector<1x1x16xf32> to vector<16xf32>
        %add3A_3222 = arith.addf %add3A_3211, %get3A_3221 : vector<16xf32>
        %mul3A_3223 = arith.constant 8 : i32
        %mul3A_3224 = arith.muli %scan3A_2932, %mul3A_3223 : i32
        %add3A_3225 = arith.constant 2 : i32
        %add3A_3226 = arith.addi %mul3A_3224, %add3A_3225 : i32
        %get3A_3227 = arith.constant 0 : i32
        %get3A_3228 = arith.index_cast %get3A_3227 : i32 to index
        %get3A_3229 = arith.index_cast %add3A_3226 : i32 to index
        %get3A_3230 = arith.constant 48 : index
        %get3A_3231 = tpu.vector_load %arg9[%get3A_3228, %get3A_3229, %get3A_3230] {strides = array<i32>} : memref<4x224x64xf32, #tpu.memory_space<vmem>>, vector<1x1x16xf32>,
        %get3A_3232 = vector.shape_cast %get3A_3231 : vector<1x1x16xf32> to vector<16xf32>
        %add3A_3233 = arith.addf %add3A_3222, %get3A_3232 : vector<16xf32>
        %mul3A_3234 = arith.constant 8 : i32
        %mul3A_3235 = arith.muli %scan3A_2932, %mul3A_3234 : i32
        %add3A_3236 = arith.constant 3 : i32
        %add3A_3237 = arith.addi %mul3A_3235, %add3A_3236 : i32
        %get3A_3238 = arith.constant 0 : i32
        %get3A_3239 = arith.index_cast %get3A_3238 : i32 to index
        %get3A_3240 = arith.index_cast %add3A_3237 : i32 to index
        %get3A_3241 = arith.constant 48 : index
        %get3A_3242 = tpu.vector_load %arg9[%get3A_3239, %get3A_3240, %get3A_3241] {strides = array<i32>} : memref<4x224x64xf32, #tpu.memory_space<vmem>>, vector<1x1x16xf32>,
        %get3A_3243 = vector.shape_cast %get3A_3242 : vector<1x1x16xf32> to vector<16xf32>
        %add3A_3244 = arith.addf %add3A_3233, %get3A_3243 : vector<16xf32>
        %mul3A_3245 = arith.constant 8 : i32
        %mul3A_3246 = arith.muli %scan3A_2932, %mul3A_3245 : i32
        %add3A_3247 = arith.constant 4 : i32
        %add3A_3248 = arith.addi %mul3A_3246, %add3A_3247 : i32
        %get3A_3249 = arith.constant 0 : i32
        %get3A_3250 = arith.index_cast %get3A_3249 : i32 to index
        %get3A_3251 = arith.index_cast %add3A_3248 : i32 to index
        %get3A_3252 = arith.constant 48 : index
        %get3A_3253 = tpu.vector_load %arg9[%get3A_3250, %get3A_3251, %get3A_3252] {strides = array<i32>} : memref<4x224x64xf32, #tpu.memory_space<vmem>>, vector<1x1x16xf32>,
        %get3A_3254 = vector.shape_cast %get3A_3253 : vector<1x1x16xf32> to vector<16xf32>
        %add3A_3255 = arith.addf %add3A_3244, %get3A_3254 : vector<16xf32>
        %mul3A_3256 = arith.constant 8 : i32
        %mul3A_3257 = arith.muli %scan3A_2932, %mul3A_3256 : i32
        %add3A_3258 = arith.constant 5 : i32
        %add3A_3259 = arith.addi %mul3A_3257, %add3A_3258 : i32
        %get3A_3260 = arith.constant 0 : i32
        %get3A_3261 = arith.index_cast %get3A_3260 : i32 to index
        %get3A_3262 = arith.index_cast %add3A_3259 : i32 to index
        %get3A_3263 = arith.constant 48 : index
        %get3A_3264 = tpu.vector_load %arg9[%get3A_3261, %get3A_3262, %get3A_3263] {strides = array<i32>} : memref<4x224x64xf32, #tpu.memory_space<vmem>>, vector<1x1x16xf32>,
        %get3A_3265 = vector.shape_cast %get3A_3264 : vector<1x1x16xf32> to vector<16xf32>
        %add3A_3266 = arith.addf %add3A_3255, %get3A_3265 : vector<16xf32>
        %mul3A_3267 = arith.constant 8 : i32
        %mul3A_3268 = arith.muli %scan3A_2932, %mul3A_3267 : i32
        %add3A_3269 = arith.constant 6 : i32
        %add3A_3270 = arith.addi %mul3A_3268, %add3A_3269 : i32
        %get3A_3271 = arith.constant 0 : i32
        %get3A_3272 = arith.index_cast %get3A_3271 : i32 to index
        %get3A_3273 = arith.index_cast %add3A_3270 : i32 to index
        %get3A_3274 = arith.constant 48 : index
        %get3A_3275 = tpu.vector_load %arg9[%get3A_3272, %get3A_3273, %get3A_3274] {strides = array<i32>} : memref<4x224x64xf32, #tpu.memory_space<vmem>>, vector<1x1x16xf32>,
        %get3A_3276 = vector.shape_cast %get3A_3275 : vector<1x1x16xf32> to vector<16xf32>
        %add3A_3277 = arith.addf %add3A_3266, %get3A_3276 : vector<16xf32>
        %mul3A_3278 = arith.constant 8 : i32
        %mul3A_3279 = arith.muli %scan3A_2932, %mul3A_3278 : i32
        %add3A_3280 = arith.constant 7 : i32
        %add3A_3281 = arith.addi %mul3A_3279, %add3A_3280 : i32
        %get3A_3282 = arith.constant 0 : i32
        %get3A_3283 = arith.index_cast %get3A_3282 : i32 to index
        %get3A_3284 = arith.index_cast %add3A_3281 : i32 to index
        %get3A_3285 = arith.constant 48 : index
        %get3A_3286 = tpu.vector_load %arg9[%get3A_3283, %get3A_3284, %get3A_3285] {strides = array<i32>} : memref<4x224x64xf32, #tpu.memory_space<vmem>>, vector<1x1x16xf32>,
        %get3A_3287 = vector.shape_cast %get3A_3286 : vector<1x1x16xf32> to vector<16xf32>
        %add3A_3288 = arith.addf %add3A_3277, %get3A_3287 : vector<16xf32>
        scf.yield %add3A_3024, %add3A_3112, %add3A_3200, %add3A_3288 : vector<16xf32>, vector<16xf32>, vector<16xf32>, vector<16xf32>
      }
      %scan3A_119 = arith.constant 25 : i32
      %swap3A = arith.index_cast %add3A_97 : i32 to index
      %swap3A_120 = arith.constant 0 : index
      %swap3A_121 = tpu.vector_load %arg11[%swap3A, %swap3A_120] {strides = array<i32>} : memref<128x64xf32, #tpu.memory_space<vmem>>, vector<1x16xf32>,
      %swap3A_122 = vector.shape_cast %swap3A_121 : vector<1x16xf32> to vector<16xf32>
      %swap3A_123 = vector.shape_cast %scan3A_118#0 : vector<16xf32> to vector<1x16xf32>
      tpu.vector_store %arg11[%swap3A, %swap3A_120], %swap3A_123 {strides = array<i32>} : memref<128x64xf32, #tpu.memory_space<vmem>>, vector<1x16xf32>,
      %swap3A_124 = arith.index_cast %add3A_97 : i32 to index
      %swap3A_125 = arith.constant 16 : index
      %swap3A_126 = tpu.vector_load %arg11[%swap3A_124, %swap3A_125] {strides = array<i32>} : memref<128x64xf32, #tpu.memory_space<vmem>>, vector<1x16xf32>,
      %swap3A_127 = vector.shape_cast %swap3A_126 : vector<1x16xf32> to vector<16xf32>
      %swap3A_128 = vector.shape_cast %scan3A_118#1 : vector<16xf32> to vector<1x16xf32>
      tpu.vector_store %arg11[%swap3A_124, %swap3A_125], %swap3A_128 {strides = array<i32>} : memref<128x64xf32, #tpu.memory_space<vmem>>, vector<1x16xf32>,
      %swap3A_129 = arith.index_cast %add3A_97 : i32 to index
      %swap3A_130 = arith.constant 32 : index
      %swap3A_131 = tpu.vector_load %arg11[%swap3A_129, %swap3A_130] {strides = array<i32>} : memref<128x64xf32, #tpu.memory_space<vmem>>, vector<1x16xf32>,
      %swap3A_132 = vector.shape_cast %swap3A_131 : vector<1x16xf32> to vector<16xf32>
      %swap3A_133 = vector.shape_cast %scan3A_118#2 : vector<16xf32> to vector<1x16xf32>
      tpu.vector_store %arg11[%swap3A_129, %swap3A_130], %swap3A_133 {strides = array<i32>} : memref<128x64xf32, #tpu.memory_space<vmem>>, vector<1x16xf32>,
      %swap3A_134 = arith.index_cast %add3A_97 : i32 to index
      %swap3A_135 = arith.constant 48 : index
      %swap3A_136 = tpu.vector_load %arg11[%swap3A_134, %swap3A_135] {strides = array<i32>} : memref<128x64xf32, #tpu.memory_space<vmem>>, vector<1x16xf32>,
      %swap3A_137 = vector.shape_cast %swap3A_136 : vector<1x16xf32> to vector<16xf32>
      %swap3A_138 = vector.shape_cast %scan3A_118#3 : vector<16xf32> to vector<1x16xf32>
      tpu.vector_store %arg11[%swap3A_134, %swap3A_135], %swap3A_138 {strides = array<i32>} : memref<128x64xf32, #tpu.memory_space<vmem>>, vector<1x16xf32>,
      %get3A = arith.constant 0 : i32
      %get3A_139 = arith.constant 200 : i32
      %get3A_140 = arith.index_cast %get3A : i32 to index
      %get3A_141 = arith.index_cast %get3A_139 : i32 to index
      %get3A_142 = arith.constant 0 : index
      %get3A_143 = tpu.vector_load %arg9[%get3A_140, %get3A_141, %get3A_142] {strides = array<i32>} : memref<4x224x64xf32, #tpu.memory_space<vmem>>, vector<1x1x16xf32>,
      %get3A_144 = vector.shape_cast %get3A_143 : vector<1x1x16xf32> to vector<16xf32>
      %get3A_145 = arith.constant 0 : i32
      %get3A_146 = arith.constant 201 : i32
      %get3A_147 = arith.index_cast %get3A_145 : i32 to index
      %get3A_148 = arith.index_cast %get3A_146 : i32 to index
      %get3A_149 = arith.constant 0 : index
      %get3A_150 = tpu.vector_load %arg9[%get3A_147, %get3A_148, %get3A_149] {strides = array<i32>} : memref<4x224x64xf32, #tpu.memory_space<vmem>>, vector<1x1x16xf32>,
      %get3A_151 = vector.shape_cast %get3A_150 : vector<1x1x16xf32> to vector<16xf32>
      %add3A_152 = arith.addf %get3A_144, %get3A_151 : vector<16xf32>
      %get3A_153 = arith.constant 0 : i32
      %get3A_154 = arith.constant 202 : i32
      %get3A_155 = arith.index_cast %get3A_153 : i32 to index
      %get3A_156 = arith.index_cast %get3A_154 : i32 to index
      %get3A_157 = arith.constant 0 : index
      %get3A_158 = tpu.vector_load %arg9[%get3A_155, %get3A_156, %get3A_157] {strides = array<i32>} : memref<4x224x64xf32, #tpu.memory_space<vmem>>, vector<1x1x16xf32>,
      %get3A_159 = vector.shape_cast %get3A_158 : vector<1x1x16xf32> to vector<16xf32>
      %add3A_160 = arith.addf %add3A_152, %get3A_159 : vector<16xf32>
      %get3A_161 = arith.constant 0 : i32
      %get3A_162 = arith.constant 203 : i32
      %get3A_163 = arith.index_cast %get3A_161 : i32 to index
      %get3A_164 = arith.index_cast %get3A_162 : i32 to index
      %get3A_165 = arith.constant 0 : index
      %get3A_166 = tpu.vector_load %arg9[%get3A_163, %get3A_164, %get3A_165] {strides = array<i32>} : memref<4x224x64xf32, #tpu.memory_space<vmem>>, vector<1x1x16xf32>,
      %get3A_167 = vector.shape_cast %get3A_166 : vector<1x1x16xf32> to vector<16xf32>
      %add3A_168 = arith.addf %add3A_160, %get3A_167 : vector<16xf32>
      %get3A_169 = arith.constant 0 : i32
      %get3A_170 = arith.constant 204 : i32
      %get3A_171 = arith.index_cast %get3A_169 : i32 to index
      %get3A_172 = arith.index_cast %get3A_170 : i32 to index
      %get3A_173 = arith.constant 0 : index
      %get3A_174 = tpu.vector_load %arg9[%get3A_171, %get3A_172, %get3A_173] {strides = array<i32>} : memref<4x224x64xf32, #tpu.memory_space<vmem>>, vector<1x1x16xf32>,
      %get3A_175 = vector.shape_cast %get3A_174 : vector<1x1x16xf32> to vector<16xf32>
      %add3A_176 = arith.addf %add3A_168, %get3A_175 : vector<16xf32>
      %get3A_177 = arith.constant 0 : i32
      %get3A_178 = arith.constant 205 : i32
      %get3A_179 = arith.index_cast %get3A_177 : i32 to index
      %get3A_180 = arith.index_cast %get3A_178 : i32 to index
      %get3A_181 = arith.constant 0 : index
      %get3A_182 = tpu.vector_load %arg9[%get3A_179, %get3A_180, %get3A_181] {strides = array<i32>} : memref<4x224x64xf32, #tpu.memory_space<vmem>>, vector<1x1x16xf32>,
      %get3A_183 = vector.shape_cast %get3A_182 : vector<1x1x16xf32> to vector<16xf32>
      %add3A_184 = arith.addf %add3A_176, %get3A_183 : vector<16xf32>
      %get3A_185 = arith.constant 0 : i32
      %get3A_186 = arith.constant 206 : i32
      %get3A_187 = arith.index_cast %get3A_185 : i32 to index
      %get3A_188 = arith.index_cast %get3A_186 : i32 to index
      %get3A_189 = arith.constant 0 : index
      %get3A_190 = tpu.vector_load %arg9[%get3A_187, %get3A_188, %get3A_189] {strides = array<i32>} : memref<4x224x64xf32, #tpu.memory_space<vmem>>, vector<1x1x16xf32>,
      %get3A_191 = vector.shape_cast %get3A_190 : vector<1x1x16xf32> to vector<16xf32>
      %add3A_192 = arith.addf %add3A_184, %get3A_191 : vector<16xf32>
      %get3A_193 = arith.constant 0 : i32
      %get3A_194 = arith.constant 207 : i32
      %get3A_195 = arith.index_cast %get3A_193 : i32 to index
      %get3A_196 = arith.index_cast %get3A_194 : i32 to index
      %get3A_197 = arith.constant 0 : index
      %get3A_198 = tpu.vector_load %arg9[%get3A_195, %get3A_196, %get3A_197] {strides = array<i32>} : memref<4x224x64xf32, #tpu.memory_space<vmem>>, vector<1x1x16xf32>,
      %get3A_199 = vector.shape_cast %get3A_198 : vector<1x1x16xf32> to vector<16xf32>
      %add3A_200 = arith.addf %add3A_192, %get3A_199 : vector<16xf32>
      %get3A_201 = arith.constant 0 : i32
      %get3A_202 = arith.constant 208 : i32
      %get3A_203 = arith.index_cast %get3A_201 : i32 to index
      %get3A_204 = arith.index_cast %get3A_202 : i32 to index
      %get3A_205 = arith.constant 0 : index
      %get3A_206 = tpu.vector_load %arg9[%get3A_203, %get3A_204, %get3A_205] {strides = array<i32>} : memref<4x224x64xf32, #tpu.memory_space<vmem>>, vector<1x1x16xf32>,
      %get3A_207 = vector.shape_cast %get3A_206 : vector<1x1x16xf32> to vector<16xf32>
      %add3A_208 = arith.addf %add3A_200, %get3A_207 : vector<16xf32>
      %get3A_209 = arith.constant 0 : i32
      %get3A_210 = arith.constant 209 : i32
      %get3A_211 = arith.index_cast %get3A_209 : i32 to index
      %get3A_212 = arith.index_cast %get3A_210 : i32 to index
      %get3A_213 = arith.constant 0 : index
      %get3A_214 = tpu.vector_load %arg9[%get3A_211, %get3A_212, %get3A_213] {strides = array<i32>} : memref<4x224x64xf32, #tpu.memory_space<vmem>>, vector<1x1x16xf32>,
      %get3A_215 = vector.shape_cast %get3A_214 : vector<1x1x16xf32> to vector<16xf32>
      %add3A_216 = arith.addf %add3A_208, %get3A_215 : vector<16xf32>
      %get3A_217 = arith.constant 0 : i32
      %get3A_218 = arith.constant 210 : i32
      %get3A_219 = arith.index_cast %get3A_217 : i32 to index
      %get3A_220 = arith.index_cast %get3A_218 : i32 to index
      %get3A_221 = arith.constant 0 : index
      %get3A_222 = tpu.vector_load %arg9[%get3A_219, %get3A_220, %get3A_221] {strides = array<i32>} : memref<4x224x64xf32, #tpu.memory_space<vmem>>, vector<1x1x16xf32>,
      %get3A_223 = vector.shape_cast %get3A_222 : vector<1x1x16xf32> to vector<16xf32>
      %add3A_224 = arith.addf %add3A_216, %get3A_223 : vector<16xf32>
      %get3A_225 = arith.constant 0 : i32
      %get3A_226 = arith.constant 211 : i32
      %get3A_227 = arith.index_cast %get3A_225 : i32 to index
      %get3A_228 = arith.index_cast %get3A_226 : i32 to index
      %get3A_229 = arith.constant 0 : index
      %get3A_230 = tpu.vector_load %arg9[%get3A_227, %get3A_228, %get3A_229] {strides = array<i32>} : memref<4x224x64xf32, #tpu.memory_space<vmem>>, vector<1x1x16xf32>,
      %get3A_231 = vector.shape_cast %get3A_230 : vector<1x1x16xf32> to vector<16xf32>
      %add3A_232 = arith.addf %add3A_224, %get3A_231 : vector<16xf32>
      %get3A_233 = arith.constant 0 : i32
      %get3A_234 = arith.constant 212 : i32
      %get3A_235 = arith.index_cast %get3A_233 : i32 to index
      %get3A_236 = arith.index_cast %get3A_234 : i32 to index
      %get3A_237 = arith.constant 0 : index
      %get3A_238 = tpu.vector_load %arg9[%get3A_235, %get3A_236, %get3A_237] {strides = array<i32>} : memref<4x224x64xf32, #tpu.memory_space<vmem>>, vector<1x1x16xf32>,
      %get3A_239 = vector.shape_cast %get3A_238 : vector<1x1x16xf32> to vector<16xf32>
      %add3A_240 = arith.addf %add3A_232, %get3A_239 : vector<16xf32>
      %get3A_241 = arith.constant 0 : i32
      %get3A_242 = arith.constant 213 : i32
      %get3A_243 = arith.index_cast %get3A_241 : i32 to index
      %get3A_244 = arith.index_cast %get3A_242 : i32 to index
      %get3A_245 = arith.constant 0 : index
      %get3A_246 = tpu.vector_load %arg9[%get3A_243, %get3A_244, %get3A_245] {strides = array<i32>} : memref<4x224x64xf32, #tpu.memory_space<vmem>>, vector<1x1x16xf32>,
      %get3A_247 = vector.shape_cast %get3A_246 : vector<1x1x16xf32> to vector<16xf32>
      %add3A_248 = arith.addf %add3A_240, %get3A_247 : vector<16xf32>
      %get3A_249 = arith.constant 0 : i32
      %get3A_250 = arith.constant 214 : i32
      %get3A_251 = arith.index_cast %get3A_249 : i32 to index
      %get3A_252 = arith.index_cast %get3A_250 : i32 to index
      %get3A_253 = arith.constant 0 : index
      %get3A_254 = tpu.vector_load %arg9[%get3A_251, %get3A_252, %get3A_253] {strides = array<i32>} : memref<4x224x64xf32, #tpu.memory_space<vmem>>, vector<1x1x16xf32>,
      %get3A_255 = vector.shape_cast %get3A_254 : vector<1x1x16xf32> to vector<16xf32>
      %add3A_256 = arith.addf %add3A_248, %get3A_255 : vector<16xf32>
      %get3A_257 = arith.constant 0 : i32
      %get3A_258 = arith.constant 215 : i32
      %get3A_259 = arith.index_cast %get3A_257 : i32 to index
      %get3A_260 = arith.index_cast %get3A_258 : i32 to index
      %get3A_261 = arith.constant 0 : index
      %get3A_262 = tpu.vector_load %arg9[%get3A_259, %get3A_260, %get3A_261] {strides = array<i32>} : memref<4x224x64xf32, #tpu.memory_space<vmem>>, vector<1x1x16xf32>,
      %get3A_263 = vector.shape_cast %get3A_262 : vector<1x1x16xf32> to vector<16xf32>
      %add3A_264 = arith.addf %add3A_256, %get3A_263 : vector<16xf32>
      %get3A_265 = arith.constant 0 : i32
      %get3A_266 = arith.constant 216 : i32
      %get3A_267 = arith.index_cast %get3A_265 : i32 to index
      %get3A_268 = arith.index_cast %get3A_266 : i32 to index
      %get3A_269 = arith.constant 0 : index
      %get3A_270 = tpu.vector_load %arg9[%get3A_267, %get3A_268, %get3A_269] {strides = array<i32>} : memref<4x224x64xf32, #tpu.memory_space<vmem>>, vector<1x1x16xf32>,
      %get3A_271 = vector.shape_cast %get3A_270 : vector<1x1x16xf32> to vector<16xf32>
      %add3A_272 = arith.addf %add3A_264, %get3A_271 : vector<16xf32>
      %get3A_273 = arith.constant 0 : i32
      %get3A_274 = arith.constant 217 : i32
      %get3A_275 = arith.index_cast %get3A_273 : i32 to index
      %get3A_276 = arith.index_cast %get3A_274 : i32 to index
      %get3A_277 = arith.constant 0 : index
      %get3A_278 = tpu.vector_load %arg9[%get3A_275, %get3A_276, %get3A_277] {strides = array<i32>} : memref<4x224x64xf32, #tpu.memory_space<vmem>>, vector<1x1x16xf32>,
      %get3A_279 = vector.shape_cast %get3A_278 : vector<1x1x16xf32> to vector<16xf32>
      %add3A_280 = arith.addf %add3A_272, %get3A_279 : vector<16xf32>
      %get3A_281 = arith.constant 0 : i32
      %get3A_282 = arith.constant 218 : i32
      %get3A_283 = arith.index_cast %get3A_281 : i32 to index
      %get3A_284 = arith.index_cast %get3A_282 : i32 to index
      %get3A_285 = arith.constant 0 : index
      %get3A_286 = tpu.vector_load %arg9[%get3A_283, %get3A_284, %get3A_285] {strides = array<i32>} : memref<4x224x64xf32, #tpu.memory_space<vmem>>, vector<1x1x16xf32>,
      %get3A_287 = vector.shape_cast %get3A_286 : vector<1x1x16xf32> to vector<16xf32>
      %add3A_288 = arith.addf %add3A_280, %get3A_287 : vector<16xf32>
      %get3A_289 = arith.constant 0 : i32
      %get3A_290 = arith.constant 219 : i32
      %get3A_291 = arith.index_cast %get3A_289 : i32 to index
      %get3A_292 = arith.index_cast %get3A_290 : i32 to index
      %get3A_293 = arith.constant 0 : index
      %get3A_294 = tpu.vector_load %arg9[%get3A_291, %get3A_292, %get3A_293] {strides = array<i32>} : memref<4x224x64xf32, #tpu.memory_space<vmem>>, vector<1x1x16xf32>,
      %get3A_295 = vector.shape_cast %get3A_294 : vector<1x1x16xf32> to vector<16xf32>
      %add3A_296 = arith.addf %add3A_288, %get3A_295 : vector<16xf32>
      %swap3A_297 = arith.index_cast %add3A_97 : i32 to index
      %swap3A_298 = arith.constant 0 : index
      %swap3A_299 = tpu.vector_load %arg10[%swap3A_297, %swap3A_298] {strides = array<i32>} : memref<128x64xf32, #tpu.memory_space<vmem>>, vector<1x16xf32>,
      %swap3A_300 = vector.shape_cast %swap3A_299 : vector<1x16xf32> to vector<16xf32>
      %swap3A_301 = vector.shape_cast %add3A_296 : vector<16xf32> to vector<1x16xf32>
      tpu.vector_store %arg10[%swap3A_297, %swap3A_298], %swap3A_301 {strides = array<i32>} : memref<128x64xf32, #tpu.memory_space<vmem>>, vector<1x16xf32>,
      %get3A_302 = arith.constant 0 : i32
      %get3A_303 = arith.constant 200 : i32
      %get3A_304 = arith.index_cast %get3A_302 : i32 to index
      %get3A_305 = arith.index_cast %get3A_303 : i32 to index
      %get3A_306 = arith.constant 16 : index
      %get3A_307 = tpu.vector_load %arg9[%get3A_304, %get3A_305, %get3A_306] {strides = array<i32>} : memref<4x224x64xf32, #tpu.memory_space<vmem>>, vector<1x1x16xf32>,
      %get3A_308 = vector.shape_cast %get3A_307 : vector<1x1x16xf32> to vector<16xf32>
      %get3A_309 = arith.constant 0 : i32
      %get3A_310 = arith.constant 201 : i32
      %get3A_311 = arith.index_cast %get3A_309 : i32 to index
      %get3A_312 = arith.index_cast %get3A_310 : i32 to index
      %get3A_313 = arith.constant 16 : index
      %get3A_314 = tpu.vector_load %arg9[%get3A_311, %get3A_312, %get3A_313] {strides = array<i32>} : memref<4x224x64xf32, #tpu.memory_space<vmem>>, vector<1x1x16xf32>,
      %get3A_315 = vector.shape_cast %get3A_314 : vector<1x1x16xf32> to vector<16xf32>
      %add3A_316 = arith.addf %get3A_308, %get3A_315 : vector<16xf32>
      %get3A_317 = arith.constant 0 : i32
      %get3A_318 = arith.constant 202 : i32
      %get3A_319 = arith.index_cast %get3A_317 : i32 to index
      %get3A_320 = arith.index_cast %get3A_318 : i32 to index
      %get3A_321 = arith.constant 16 : index
      %get3A_322 = tpu.vector_load %arg9[%get3A_319, %get3A_320, %get3A_321] {strides = array<i32>} : memref<4x224x64xf32, #tpu.memory_space<vmem>>, vector<1x1x16xf32>,
      %get3A_323 = vector.shape_cast %get3A_322 : vector<1x1x16xf32> to vector<16xf32>
      %add3A_324 = arith.addf %add3A_316, %get3A_323 : vector<16xf32>
      %get3A_325 = arith.constant 0 : i32
      %get3A_326 = arith.constant 203 : i32
      %get3A_327 = arith.index_cast %get3A_325 : i32 to index
      %get3A_328 = arith.index_cast %get3A_326 : i32 to index
      %get3A_329 = arith.constant 16 : index
      %get3A_330 = tpu.vector_load %arg9[%get3A_327, %get3A_328, %get3A_329] {strides = array<i32>} : memref<4x224x64xf32, #tpu.memory_space<vmem>>, vector<1x1x16xf32>,
      %get3A_331 = vector.shape_cast %get3A_330 : vector<1x1x16xf32> to vector<16xf32>
      %add3A_332 = arith.addf %add3A_324, %get3A_331 : vector<16xf32>
      %get3A_333 = arith.constant 0 : i32
      %get3A_334 = arith.constant 204 : i32
      %get3A_335 = arith.index_cast %get3A_333 : i32 to index
      %get3A_336 = arith.index_cast %get3A_334 : i32 to index
      %get3A_337 = arith.constant 16 : index
      %get3A_338 = tpu.vector_load %arg9[%get3A_335, %get3A_336, %get3A_337] {strides = array<i32>} : memref<4x224x64xf32, #tpu.memory_space<vmem>>, vector<1x1x16xf32>,
      %get3A_339 = vector.shape_cast %get3A_338 : vector<1x1x16xf32> to vector<16xf32>
      %add3A_340 = arith.addf %add3A_332, %get3A_339 : vector<16xf32>
      %get3A_341 = arith.constant 0 : i32
      %get3A_342 = arith.constant 205 : i32
      %get3A_343 = arith.index_cast %get3A_341 : i32 to index
      %get3A_344 = arith.index_cast %get3A_342 : i32 to index
      %get3A_345 = arith.constant 16 : index
      %get3A_346 = tpu.vector_load %arg9[%get3A_343, %get3A_344, %get3A_345] {strides = array<i32>} : memref<4x224x64xf32, #tpu.memory_space<vmem>>, vector<1x1x16xf32>,
      %get3A_347 = vector.shape_cast %get3A_346 : vector<1x1x16xf32> to vector<16xf32>
      %add3A_348 = arith.addf %add3A_340, %get3A_347 : vector<16xf32>
      %get3A_349 = arith.constant 0 : i32
      %get3A_350 = arith.constant 206 : i32
      %get3A_351 = arith.index_cast %get3A_349 : i32 to index
      %get3A_352 = arith.index_cast %get3A_350 : i32 to index
      %get3A_353 = arith.constant 16 : index
      %get3A_354 = tpu.vector_load %arg9[%get3A_351, %get3A_352, %get3A_353] {strides = array<i32>} : memref<4x224x64xf32, #tpu.memory_space<vmem>>, vector<1x1x16xf32>,
      %get3A_355 = vector.shape_cast %get3A_354 : vector<1x1x16xf32> to vector<16xf32>
      %add3A_356 = arith.addf %add3A_348, %get3A_355 : vector<16xf32>
      %get3A_357 = arith.constant 0 : i32
      %get3A_358 = arith.constant 207 : i32
      %get3A_359 = arith.index_cast %get3A_357 : i32 to index
      %get3A_360 = arith.index_cast %get3A_358 : i32 to index
      %get3A_361 = arith.constant 16 : index
      %get3A_362 = tpu.vector_load %arg9[%get3A_359, %get3A_360, %get3A_361] {strides = array<i32>} : memref<4x224x64xf32, #tpu.memory_space<vmem>>, vector<1x1x16xf32>,
      %get3A_363 = vector.shape_cast %get3A_362 : vector<1x1x16xf32> to vector<16xf32>
      %add3A_364 = arith.addf %add3A_356, %get3A_363 : vector<16xf32>
      %get3A_365 = arith.constant 0 : i32
      %get3A_366 = arith.constant 208 : i32
      %get3A_367 = arith.index_cast %get3A_365 : i32 to index
      %get3A_368 = arith.index_cast %get3A_366 : i32 to index
      %get3A_369 = arith.constant 16 : index
      %get3A_370 = tpu.vector_load %arg9[%get3A_367, %get3A_368, %get3A_369] {strides = array<i32>} : memref<4x224x64xf32, #tpu.memory_space<vmem>>, vector<1x1x16xf32>,
      %get3A_371 = vector.shape_cast %get3A_370 : vector<1x1x16xf32> to vector<16xf32>
      %add3A_372 = arith.addf %add3A_364, %get3A_371 : vector<16xf32>
      %get3A_373 = arith.constant 0 : i32
      %get3A_374 = arith.constant 209 : i32
      %get3A_375 = arith.index_cast %get3A_373 : i32 to index
      %get3A_376 = arith.index_cast %get3A_374 : i32 to index
      %get3A_377 = arith.constant 16 : index
      %get3A_378 = tpu.vector_load %arg9[%get3A_375, %get3A_376, %get3A_377] {strides = array<i32>} : memref<4x224x64xf32, #tpu.memory_space<vmem>>, vector<1x1x16xf32>,
      %get3A_379 = vector.shape_cast %get3A_378 : vector<1x1x16xf32> to vector<16xf32>
      %add3A_380 = arith.addf %add3A_372, %get3A_379 : vector<16xf32>
      %get3A_381 = arith.constant 0 : i32
      %get3A_382 = arith.constant 210 : i32
      %get3A_383 = arith.index_cast %get3A_381 : i32 to index
      %get3A_384 = arith.index_cast %get3A_382 : i32 to index
      %get3A_385 = arith.constant 16 : index
      %get3A_386 = tpu.vector_load %arg9[%get3A_383, %get3A_384, %get3A_385] {strides = array<i32>} : memref<4x224x64xf32, #tpu.memory_space<vmem>>, vector<1x1x16xf32>,
      %get3A_387 = vector.shape_cast %get3A_386 : vector<1x1x16xf32> to vector<16xf32>
      %add3A_388 = arith.addf %add3A_380, %get3A_387 : vector<16xf32>
      %get3A_389 = arith.constant 0 : i32
      %get3A_390 = arith.constant 211 : i32
      %get3A_391 = arith.index_cast %get3A_389 : i32 to index
      %get3A_392 = arith.index_cast %get3A_390 : i32 to index
      %get3A_393 = arith.constant 16 : index
      %get3A_394 = tpu.vector_load %arg9[%get3A_391, %get3A_392, %get3A_393] {strides = array<i32>} : memref<4x224x64xf32, #tpu.memory_space<vmem>>, vector<1x1x16xf32>,
      %get3A_395 = vector.shape_cast %get3A_394 : vector<1x1x16xf32> to vector<16xf32>
      %add3A_396 = arith.addf %add3A_388, %get3A_395 : vector<16xf32>
      %get3A_397 = arith.constant 0 : i32
      %get3A_398 = arith.constant 212 : i32
      %get3A_399 = arith.index_cast %get3A_397 : i32 to index
      %get3A_400 = arith.index_cast %get3A_398 : i32 to index
      %get3A_401 = arith.constant 16 : index
      %get3A_402 = tpu.vector_load %arg9[%get3A_399, %get3A_400, %get3A_401] {strides = array<i32>} : memref<4x224x64xf32, #tpu.memory_space<vmem>>, vector<1x1x16xf32>,
      %get3A_403 = vector.shape_cast %get3A_402 : vector<1x1x16xf32> to vector<16xf32>
      %add3A_404 = arith.addf %add3A_396, %get3A_403 : vector<16xf32>
      %get3A_405 = arith.constant 0 : i32
      %get3A_406 = arith.constant 213 : i32
      %get3A_407 = arith.index_cast %get3A_405 : i32 to index
      %get3A_408 = arith.index_cast %get3A_406 : i32 to index
      %get3A_409 = arith.constant 16 : index
      %get3A_410 = tpu.vector_load %arg9[%get3A_407, %get3A_408, %get3A_409] {strides = array<i32>} : memref<4x224x64xf32, #tpu.memory_space<vmem>>, vector<1x1x16xf32>,
      %get3A_411 = vector.shape_cast %get3A_410 : vector<1x1x16xf32> to vector<16xf32>
      %add3A_412 = arith.addf %add3A_404, %get3A_411 : vector<16xf32>
      %get3A_413 = arith.constant 0 : i32
      %get3A_414 = arith.constant 214 : i32
      %get3A_415 = arith.index_cast %get3A_413 : i32 to index
      %get3A_416 = arith.index_cast %get3A_414 : i32 to index
      %get3A_417 = arith.constant 16 : index
      %get3A_418 = tpu.vector_load %arg9[%get3A_415, %get3A_416, %get3A_417] {strides = array<i32>} : memref<4x224x64xf32, #tpu.memory_space<vmem>>, vector<1x1x16xf32>,
      %get3A_419 = vector.shape_cast %get3A_418 : vector<1x1x16xf32> to vector<16xf32>
      %add3A_420 = arith.addf %add3A_412, %get3A_419 : vector<16xf32>
      %get3A_421 = arith.constant 0 : i32
      %get3A_422 = arith.constant 215 : i32
      %get3A_423 = arith.index_cast %get3A_421 : i32 to index
      %get3A_424 = arith.index_cast %get3A_422 : i32 to index
      %get3A_425 = arith.constant 16 : index
      %get3A_426 = tpu.vector_load %arg9[%get3A_423, %get3A_424, %get3A_425] {strides = array<i32>} : memref<4x224x64xf32, #tpu.memory_space<vmem>>, vector<1x1x16xf32>,
      %get3A_427 = vector.shape_cast %get3A_426 : vector<1x1x16xf32> to vector<16xf32>
      %add3A_428 = arith.addf %add3A_420, %get3A_427 : vector<16xf32>
      %get3A_429 = arith.constant 0 : i32
      %get3A_430 = arith.constant 216 : i32
      %get3A_431 = arith.index_cast %get3A_429 : i32 to index
      %get3A_432 = arith.index_cast %get3A_430 : i32 to index
      %get3A_433 = arith.constant 16 : index
      %get3A_434 = tpu.vector_load %arg9[%get3A_431, %get3A_432, %get3A_433] {strides = array<i32>} : memref<4x224x64xf32, #tpu.memory_space<vmem>>, vector<1x1x16xf32>,
      %get3A_435 = vector.shape_cast %get3A_434 : vector<1x1x16xf32> to vector<16xf32>
      %add3A_436 = arith.addf %add3A_428, %get3A_435 : vector<16xf32>
      %get3A_437 = arith.constant 0 : i32
      %get3A_438 = arith.constant 217 : i32
      %get3A_439 = arith.index_cast %get3A_437 : i32 to index
      %get3A_440 = arith.index_cast %get3A_438 : i32 to index
      %get3A_441 = arith.constant 16 : index
      %get3A_442 = tpu.vector_load %arg9[%get3A_439, %get3A_440, %get3A_441] {strides = array<i32>} : memref<4x224x64xf32, #tpu.memory_space<vmem>>, vector<1x1x16xf32>,
      %get3A_443 = vector.shape_cast %get3A_442 : vector<1x1x16xf32> to vector<16xf32>
      %add3A_444 = arith.addf %add3A_436, %get3A_443 : vector<16xf32>
      %get3A_445 = arith.constant 0 : i32
      %get3A_446 = arith.constant 218 : i32
      %get3A_447 = arith.index_cast %get3A_445 : i32 to index
      %get3A_448 = arith.index_cast %get3A_446 : i32 to index
      %get3A_449 = arith.constant 16 : index
      %get3A_450 = tpu.vector_load %arg9[%get3A_447, %get3A_448, %get3A_449] {strides = array<i32>} : memref<4x224x64xf32, #tpu.memory_space<vmem>>, vector<1x1x16xf32>,
      %get3A_451 = vector.shape_cast %get3A_450 : vector<1x1x16xf32> to vector<16xf32>
      %add3A_452 = arith.addf %add3A_444, %get3A_451 : vector<16xf32>
      %get3A_453 = arith.constant 0 : i32
      %get3A_454 = arith.constant 219 : i32
      %get3A_455 = arith.index_cast %get3A_453 : i32 to index
      %get3A_456 = arith.index_cast %get3A_454 : i32 to index
      %get3A_457 = arith.constant 16 : index
      %get3A_458 = tpu.vector_load %arg9[%get3A_455, %get3A_456, %get3A_457] {strides = array<i32>} : memref<4x224x64xf32, #tpu.memory_space<vmem>>, vector<1x1x16xf32>,
      %get3A_459 = vector.shape_cast %get3A_458 : vector<1x1x16xf32> to vector<16xf32>
      %add3A_460 = arith.addf %add3A_452, %get3A_459 : vector<16xf32>
      %swap3A_461 = arith.index_cast %add3A_97 : i32 to index
      %swap3A_462 = arith.constant 16 : index
      %swap3A_463 = tpu.vector_load %arg10[%swap3A_461, %swap3A_462] {strides = array<i32>} : memref<128x64xf32, #tpu.memory_space<vmem>>, vector<1x16xf32>,
      %swap3A_464 = vector.shape_cast %swap3A_463 : vector<1x16xf32> to vector<16xf32>
      %swap3A_465 = vector.shape_cast %add3A_460 : vector<16xf32> to vector<1x16xf32>
      tpu.vector_store %arg10[%swap3A_461, %swap3A_462], %swap3A_465 {strides = array<i32>} : memref<128x64xf32, #tpu.memory_space<vmem>>, vector<1x16xf32>,
      %get3A_466 = arith.constant 0 : i32
      %get3A_467 = arith.constant 200 : i32
      %get3A_468 = arith.index_cast %get3A_466 : i32 to index
      %get3A_469 = arith.index_cast %get3A_467 : i32 to index
      %get3A_470 = arith.constant 32 : index
      %get3A_471 = tpu.vector_load %arg9[%get3A_468, %get3A_469, %get3A_470] {strides = array<i32>} : memref<4x224x64xf32, #tpu.memory_space<vmem>>, vector<1x1x16xf32>,
      %get3A_472 = vector.shape_cast %get3A_471 : vector<1x1x16xf32> to vector<16xf32>
      %get3A_473 = arith.constant 0 : i32
      %get3A_474 = arith.constant 201 : i32
      %get3A_475 = arith.index_cast %get3A_473 : i32 to index
      %get3A_476 = arith.index_cast %get3A_474 : i32 to index
      %get3A_477 = arith.constant 32 : index
      %get3A_478 = tpu.vector_load %arg9[%get3A_475, %get3A_476, %get3A_477] {strides = array<i32>} : memref<4x224x64xf32, #tpu.memory_space<vmem>>, vector<1x1x16xf32>,
      %get3A_479 = vector.shape_cast %get3A_478 : vector<1x1x16xf32> to vector<16xf32>
      %add3A_480 = arith.addf %get3A_472, %get3A_479 : vector<16xf32>
      %get3A_481 = arith.constant 0 : i32
      %get3A_482 = arith.constant 202 : i32
      %get3A_483 = arith.index_cast %get3A_481 : i32 to index
      %get3A_484 = arith.index_cast %get3A_482 : i32 to index
      %get3A_485 = arith.constant 32 : index
      %get3A_486 = tpu.vector_load %arg9[%get3A_483, %get3A_484, %get3A_485] {strides = array<i32>} : memref<4x224x64xf32, #tpu.memory_space<vmem>>, vector<1x1x16xf32>,
      %get3A_487 = vector.shape_cast %get3A_486 : vector<1x1x16xf32> to vector<16xf32>
      %add3A_488 = arith.addf %add3A_480, %get3A_487 : vector<16xf32>
      %get3A_489 = arith.constant 0 : i32
      %get3A_490 = arith.constant 203 : i32
      %get3A_491 = arith.index_cast %get3A_489 : i32 to index
      %get3A_492 = arith.index_cast %get3A_490 : i32 to index
      %get3A_493 = arith.constant 32 : index
      %get3A_494 = tpu.vector_load %arg9[%get3A_491, %get3A_492, %get3A_493] {strides = array<i32>} : memref<4x224x64xf32, #tpu.memory_space<vmem>>, vector<1x1x16xf32>,
      %get3A_495 = vector.shape_cast %get3A_494 : vector<1x1x16xf32> to vector<16xf32>
      %add3A_496 = arith.addf %add3A_488, %get3A_495 : vector<16xf32>
      %get3A_497 = arith.constant 0 : i32
      %get3A_498 = arith.constant 204 : i32
      %get3A_499 = arith.index_cast %get3A_497 : i32 to index
      %get3A_500 = arith.index_cast %get3A_498 : i32 to index
      %get3A_501 = arith.constant 32 : index
      %get3A_502 = tpu.vector_load %arg9[%get3A_499, %get3A_500, %get3A_501] {strides = array<i32>} : memref<4x224x64xf32, #tpu.memory_space<vmem>>, vector<1x1x16xf32>,
      %get3A_503 = vector.shape_cast %get3A_502 : vector<1x1x16xf32> to vector<16xf32>
      %add3A_504 = arith.addf %add3A_496, %get3A_503 : vector<16xf32>
      %get3A_505 = arith.constant 0 : i32
      %get3A_506 = arith.constant 205 : i32
      %get3A_507 = arith.index_cast %get3A_505 : i32 to index
      %get3A_508 = arith.index_cast %get3A_506 : i32 to index
      %get3A_509 = arith.constant 32 : index
      %get3A_510 = tpu.vector_load %arg9[%get3A_507, %get3A_508, %get3A_509] {strides = array<i32>} : memref<4x224x64xf32, #tpu.memory_space<vmem>>, vector<1x1x16xf32>,
      %get3A_511 = vector.shape_cast %get3A_510 : vector<1x1x16xf32> to vector<16xf32>
      %add3A_512 = arith.addf %add3A_504, %get3A_511 : vector<16xf32>
      %get3A_513 = arith.constant 0 : i32
      %get3A_514 = arith.constant 206 : i32
      %get3A_515 = arith.index_cast %get3A_513 : i32 to index
      %get3A_516 = arith.index_cast %get3A_514 : i32 to index
      %get3A_517 = arith.constant 32 : index
      %get3A_518 = tpu.vector_load %arg9[%get3A_515, %get3A_516, %get3A_517] {strides = array<i32>} : memref<4x224x64xf32, #tpu.memory_space<vmem>>, vector<1x1x16xf32>,
      %get3A_519 = vector.shape_cast %get3A_518 : vector<1x1x16xf32> to vector<16xf32>
      %add3A_520 = arith.addf %add3A_512, %get3A_519 : vector<16xf32>
      %get3A_521 = arith.constant 0 : i32
      %get3A_522 = arith.constant 207 : i32
      %get3A_523 = arith.index_cast %get3A_521 : i32 to index
      %get3A_524 = arith.index_cast %get3A_522 : i32 to index
      %get3A_525 = arith.constant 32 : index
      %get3A_526 = tpu.vector_load %arg9[%get3A_523, %get3A_524, %get3A_525] {strides = array<i32>} : memref<4x224x64xf32, #tpu.memory_space<vmem>>, vector<1x1x16xf32>,
      %get3A_527 = vector.shape_cast %get3A_526 : vector<1x1x16xf32> to vector<16xf32>
      %add3A_528 = arith.addf %add3A_520, %get3A_527 : vector<16xf32>
      %get3A_529 = arith.constant 0 : i32
      %get3A_530 = arith.constant 208 : i32
      %get3A_531 = arith.index_cast %get3A_529 : i32 to index
      %get3A_532 = arith.index_cast %get3A_530 : i32 to index
      %get3A_533 = arith.constant 32 : index
      %get3A_534 = tpu.vector_load %arg9[%get3A_531, %get3A_532, %get3A_533] {strides = array<i32>} : memref<4x224x64xf32, #tpu.memory_space<vmem>>, vector<1x1x16xf32>,
      %get3A_535 = vector.shape_cast %get3A_534 : vector<1x1x16xf32> to vector<16xf32>
      %add3A_536 = arith.addf %add3A_528, %get3A_535 : vector<16xf32>
      %get3A_537 = arith.constant 0 : i32
      %get3A_538 = arith.constant 209 : i32
      %get3A_539 = arith.index_cast %get3A_537 : i32 to index
      %get3A_540 = arith.index_cast %get3A_538 : i32 to index
      %get3A_541 = arith.constant 32 : index
      %get3A_542 = tpu.vector_load %arg9[%get3A_539, %get3A_540, %get3A_541] {strides = array<i32>} : memref<4x224x64xf32, #tpu.memory_space<vmem>>, vector<1x1x16xf32>,
      %get3A_543 = vector.shape_cast %get3A_542 : vector<1x1x16xf32> to vector<16xf32>
      %add3A_544 = arith.addf %add3A_536, %get3A_543 : vector<16xf32>
      %get3A_545 = arith.constant 0 : i32
      %get3A_546 = arith.constant 210 : i32
      %get3A_547 = arith.index_cast %get3A_545 : i32 to index
      %get3A_548 = arith.index_cast %get3A_546 : i32 to index
      %get3A_549 = arith.constant 32 : index
      %get3A_550 = tpu.vector_load %arg9[%get3A_547, %get3A_548, %get3A_549] {strides = array<i32>} : memref<4x224x64xf32, #tpu.memory_space<vmem>>, vector<1x1x16xf32>,
      %get3A_551 = vector.shape_cast %get3A_550 : vector<1x1x16xf32> to vector<16xf32>
      %add3A_552 = arith.addf %add3A_544, %get3A_551 : vector<16xf32>
      %get3A_553 = arith.constant 0 : i32
      %get3A_554 = arith.constant 211 : i32
      %get3A_555 = arith.index_cast %get3A_553 : i32 to index
      %get3A_556 = arith.index_cast %get3A_554 : i32 to index
      %get3A_557 = arith.constant 32 : index
      %get3A_558 = tpu.vector_load %arg9[%get3A_555, %get3A_556, %get3A_557] {strides = array<i32>} : memref<4x224x64xf32, #tpu.memory_space<vmem>>, vector<1x1x16xf32>,
      %get3A_559 = vector.shape_cast %get3A_558 : vector<1x1x16xf32> to vector<16xf32>
      %add3A_560 = arith.addf %add3A_552, %get3A_559 : vector<16xf32>
      %get3A_561 = arith.constant 0 : i32
      %get3A_562 = arith.constant 212 : i32
      %get3A_563 = arith.index_cast %get3A_561 : i32 to index
      %get3A_564 = arith.index_cast %get3A_562 : i32 to index
      %get3A_565 = arith.constant 32 : index
      %get3A_566 = tpu.vector_load %arg9[%get3A_563, %get3A_564, %get3A_565] {strides = array<i32>} : memref<4x224x64xf32, #tpu.memory_space<vmem>>, vector<1x1x16xf32>,
      %get3A_567 = vector.shape_cast %get3A_566 : vector<1x1x16xf32> to vector<16xf32>
      %add3A_568 = arith.addf %add3A_560, %get3A_567 : vector<16xf32>
      %get3A_569 = arith.constant 0 : i32
      %get3A_570 = arith.constant 213 : i32
      %get3A_571 = arith.index_cast %get3A_569 : i32 to index
      %get3A_572 = arith.index_cast %get3A_570 : i32 to index
      %get3A_573 = arith.constant 32 : index
      %get3A_574 = tpu.vector_load %arg9[%get3A_571, %get3A_572, %get3A_573] {strides = array<i32>} : memref<4x224x64xf32, #tpu.memory_space<vmem>>, vector<1x1x16xf32>,
      %get3A_575 = vector.shape_cast %get3A_574 : vector<1x1x16xf32> to vector<16xf32>
      %add3A_576 = arith.addf %add3A_568, %get3A_575 : vector<16xf32>
      %get3A_577 = arith.constant 0 : i32
      %get3A_578 = arith.constant 214 : i32
      %get3A_579 = arith.index_cast %get3A_577 : i32 to index
      %get3A_580 = arith.index_cast %get3A_578 : i32 to index
      %get3A_581 = arith.constant 32 : index
      %get3A_582 = tpu.vector_load %arg9[%get3A_579, %get3A_580, %get3A_581] {strides = array<i32>} : memref<4x224x64xf32, #tpu.memory_space<vmem>>, vector<1x1x16xf32>,
      %get3A_583 = vector.shape_cast %get3A_582 : vector<1x1x16xf32> to vector<16xf32>
      %add3A_584 = arith.addf %add3A_576, %get3A_583 : vector<16xf32>
      %get3A_585 = arith.constant 0 : i32
      %get3A_586 = arith.constant 215 : i32
      %get3A_587 = arith.index_cast %get3A_585 : i32 to index
      %get3A_588 = arith.index_cast %get3A_586 : i32 to index
      %get3A_589 = arith.constant 32 : index
      %get3A_590 = tpu.vector_load %arg9[%get3A_587, %get3A_588, %get3A_589] {strides = array<i32>} : memref<4x224x64xf32, #tpu.memory_space<vmem>>, vector<1x1x16xf32>,
      %get3A_591 = vector.shape_cast %get3A_590 : vector<1x1x16xf32> to vector<16xf32>
      %add3A_592 = arith.addf %add3A_584, %get3A_591 : vector<16xf32>
      %get3A_593 = arith.constant 0 : i32
      %get3A_594 = arith.constant 216 : i32
      %get3A_595 = arith.index_cast %get3A_593 : i32 to index
      %get3A_596 = arith.index_cast %get3A_594 : i32 to index
      %get3A_597 = arith.constant 32 : index
      %get3A_598 = tpu.vector_load %arg9[%get3A_595, %get3A_596, %get3A_597] {strides = array<i32>} : memref<4x224x64xf32, #tpu.memory_space<vmem>>, vector<1x1x16xf32>,
      %get3A_599 = vector.shape_cast %get3A_598 : vector<1x1x16xf32> to vector<16xf32>
      %add3A_600 = arith.addf %add3A_592, %get3A_599 : vector<16xf32>
      %get3A_601 = arith.constant 0 : i32
      %get3A_602 = arith.constant 217 : i32
      %get3A_603 = arith.index_cast %get3A_601 : i32 to index
      %get3A_604 = arith.index_cast %get3A_602 : i32 to index
      %get3A_605 = arith.constant 32 : index
      %get3A_606 = tpu.vector_load %arg9[%get3A_603, %get3A_604, %get3A_605] {strides = array<i32>} : memref<4x224x64xf32, #tpu.memory_space<vmem>>, vector<1x1x16xf32>,
      %get3A_607 = vector.shape_cast %get3A_606 : vector<1x1x16xf32> to vector<16xf32>
      %add3A_608 = arith.addf %add3A_600, %get3A_607 : vector<16xf32>
      %get3A_609 = arith.constant 0 : i32
      %get3A_610 = arith.constant 218 : i32
      %get3A_611 = arith.index_cast %get3A_609 : i32 to index
      %get3A_612 = arith.index_cast %get3A_610 : i32 to index
      %get3A_613 = arith.constant 32 : index
      %get3A_614 = tpu.vector_load %arg9[%get3A_611, %get3A_612, %get3A_613] {strides = array<i32>} : memref<4x224x64xf32, #tpu.memory_space<vmem>>, vector<1x1x16xf32>,
      %get3A_615 = vector.shape_cast %get3A_614 : vector<1x1x16xf32> to vector<16xf32>
      %add3A_616 = arith.addf %add3A_608, %get3A_615 : vector<16xf32>
      %get3A_617 = arith.constant 0 : i32
      %get3A_618 = arith.constant 219 : i32
      %get3A_619 = arith.index_cast %get3A_617 : i32 to index
      %get3A_620 = arith.index_cast %get3A_618 : i32 to index
      %get3A_621 = arith.constant 32 : index
      %get3A_622 = tpu.vector_load %arg9[%get3A_619, %get3A_620, %get3A_621] {strides = array<i32>} : memref<4x224x64xf32, #tpu.memory_space<vmem>>, vector<1x1x16xf32>,
      %get3A_623 = vector.shape_cast %get3A_622 : vector<1x1x16xf32> to vector<16xf32>
      %add3A_624 = arith.addf %add3A_616, %get3A_623 : vector<16xf32>
      %swap3A_625 = arith.index_cast %add3A_97 : i32 to index
      %swap3A_626 = arith.constant 32 : index
      %swap3A_627 = tpu.vector_load %arg10[%swap3A_625, %swap3A_626] {strides = array<i32>} : memref<128x64xf32, #tpu.memory_space<vmem>>, vector<1x16xf32>,
      %swap3A_628 = vector.shape_cast %swap3A_627 : vector<1x16xf32> to vector<16xf32>
      %swap3A_629 = vector.shape_cast %add3A_624 : vector<16xf32> to vector<1x16xf32>
      tpu.vector_store %arg10[%swap3A_625, %swap3A_626], %swap3A_629 {strides = array<i32>} : memref<128x64xf32, #tpu.memory_space<vmem>>, vector<1x16xf32>,
      %get3A_630 = arith.constant 0 : i32
      %get3A_631 = arith.constant 200 : i32
      %get3A_632 = arith.index_cast %get3A_630 : i32 to index
      %get3A_633 = arith.index_cast %get3A_631 : i32 to index
      %get3A_634 = arith.constant 48 : index
      %get3A_635 = tpu.vector_load %arg9[%get3A_632, %get3A_633, %get3A_634] {strides = array<i32>} : memref<4x224x64xf32, #tpu.memory_space<vmem>>, vector<1x1x16xf32>,
      %get3A_636 = vector.shape_cast %get3A_635 : vector<1x1x16xf32> to vector<16xf32>
      %get3A_637 = arith.constant 0 : i32
      %get3A_638 = arith.constant 201 : i32
      %get3A_639 = arith.index_cast %get3A_637 : i32 to index
      %get3A_640 = arith.index_cast %get3A_638 : i32 to index
      %get3A_641 = arith.constant 48 : index
      %get3A_642 = tpu.vector_load %arg9[%get3A_639, %get3A_640, %get3A_641] {strides = array<i32>} : memref<4x224x64xf32, #tpu.memory_space<vmem>>, vector<1x1x16xf32>,
      %get3A_643 = vector.shape_cast %get3A_642 : vector<1x1x16xf32> to vector<16xf32>
      %add3A_644 = arith.addf %get3A_636, %get3A_643 : vector<16xf32>
      %get3A_645 = arith.constant 0 : i32
      %get3A_646 = arith.constant 202 : i32
      %get3A_647 = arith.index_cast %get3A_645 : i32 to index
      %get3A_648 = arith.index_cast %get3A_646 : i32 to index
      %get3A_649 = arith.constant 48 : index
      %get3A_650 = tpu.vector_load %arg9[%get3A_647, %get3A_648, %get3A_649] {strides = array<i32>} : memref<4x224x64xf32, #tpu.memory_space<vmem>>, vector<1x1x16xf32>,
      %get3A_651 = vector.shape_cast %get3A_650 : vector<1x1x16xf32> to vector<16xf32>
      %add3A_652 = arith.addf %add3A_644, %get3A_651 : vector<16xf32>
      %get3A_653 = arith.constant 0 : i32
      %get3A_654 = arith.constant 203 : i32
      %get3A_655 = arith.index_cast %get3A_653 : i32 to index
      %get3A_656 = arith.index_cast %get3A_654 : i32 to index
      %get3A_657 = arith.constant 48 : index
      %get3A_658 = tpu.vector_load %arg9[%get3A_655, %get3A_656, %get3A_657] {strides = array<i32>} : memref<4x224x64xf32, #tpu.memory_space<vmem>>, vector<1x1x16xf32>,
      %get3A_659 = vector.shape_cast %get3A_658 : vector<1x1x16xf32> to vector<16xf32>
      %add3A_660 = arith.addf %add3A_652, %get3A_659 : vector<16xf32>
      %get3A_661 = arith.constant 0 : i32
      %get3A_662 = arith.constant 204 : i32
      %get3A_663 = arith.index_cast %get3A_661 : i32 to index
      %get3A_664 = arith.index_cast %get3A_662 : i32 to index
      %get3A_665 = arith.constant 48 : index
      %get3A_666 = tpu.vector_load %arg9[%get3A_663, %get3A_664, %get3A_665] {strides = array<i32>} : memref<4x224x64xf32, #tpu.memory_space<vmem>>, vector<1x1x16xf32>,
      %get3A_667 = vector.shape_cast %get3A_666 : vector<1x1x16xf32> to vector<16xf32>
      %add3A_668 = arith.addf %add3A_660, %get3A_667 : vector<16xf32>
      %get3A_669 = arith.constant 0 : i32
      %get3A_670 = arith.constant 205 : i32
      %get3A_671 = arith.index_cast %get3A_669 : i32 to index
      %get3A_672 = arith.index_cast %get3A_670 : i32 to index
      %get3A_673 = arith.constant 48 : index
      %get3A_674 = tpu.vector_load %arg9[%get3A_671, %get3A_672, %get3A_673] {strides = array<i32>} : memref<4x224x64xf32, #tpu.memory_space<vmem>>, vector<1x1x16xf32>,
      %get3A_675 = vector.shape_cast %get3A_674 : vector<1x1x16xf32> to vector<16xf32>
      %add3A_676 = arith.addf %add3A_668, %get3A_675 : vector<16xf32>
      %get3A_677 = arith.constant 0 : i32
      %get3A_678 = arith.constant 206 : i32
      %get3A_679 = arith.index_cast %get3A_677 : i32 to index
      %get3A_680 = arith.index_cast %get3A_678 : i32 to index
      %get3A_681 = arith.constant 48 : index
      %get3A_682 = tpu.vector_load %arg9[%get3A_679, %get3A_680, %get3A_681] {strides = array<i32>} : memref<4x224x64xf32, #tpu.memory_space<vmem>>, vector<1x1x16xf32>,
      %get3A_683 = vector.shape_cast %get3A_682 : vector<1x1x16xf32> to vector<16xf32>
      %add3A_684 = arith.addf %add3A_676, %get3A_683 : vector<16xf32>
      %get3A_685 = arith.constant 0 : i32
      %get3A_686 = arith.constant 207 : i32
      %get3A_687 = arith.index_cast %get3A_685 : i32 to index
      %get3A_688 = arith.index_cast %get3A_686 : i32 to index
      %get3A_689 = arith.constant 48 : index
      %get3A_690 = tpu.vector_load %arg9[%get3A_687, %get3A_688, %get3A_689] {strides = array<i32>} : memref<4x224x64xf32, #tpu.memory_space<vmem>>, vector<1x1x16xf32>,
      %get3A_691 = vector.shape_cast %get3A_690 : vector<1x1x16xf32> to vector<16xf32>
      %add3A_692 = arith.addf %add3A_684, %get3A_691 : vector<16xf32>
      %get3A_693 = arith.constant 0 : i32
      %get3A_694 = arith.constant 208 : i32
      %get3A_695 = arith.index_cast %get3A_693 : i32 to index
      %get3A_696 = arith.index_cast %get3A_694 : i32 to index
      %get3A_697 = arith.constant 48 : index
      %get3A_698 = tpu.vector_load %arg9[%get3A_695, %get3A_696, %get3A_697] {strides = array<i32>} : memref<4x224x64xf32, #tpu.memory_space<vmem>>, vector<1x1x16xf32>,
      %get3A_699 = vector.shape_cast %get3A_698 : vector<1x1x16xf32> to vector<16xf32>
      %add3A_700 = arith.addf %add3A_692, %get3A_699 : vector<16xf32>
      %get3A_701 = arith.constant 0 : i32
      %get3A_702 = arith.constant 209 : i32
      %get3A_703 = arith.index_cast %get3A_701 : i32 to index
      %get3A_704 = arith.index_cast %get3A_702 : i32 to index
      %get3A_705 = arith.constant 48 : index
      %get3A_706 = tpu.vector_load %arg9[%get3A_703, %get3A_704, %get3A_705] {strides = array<i32>} : memref<4x224x64xf32, #tpu.memory_space<vmem>>, vector<1x1x16xf32>,
      %get3A_707 = vector.shape_cast %get3A_706 : vector<1x1x16xf32> to vector<16xf32>
      %add3A_708 = arith.addf %add3A_700, %get3A_707 : vector<16xf32>
      %get3A_709 = arith.constant 0 : i32
      %get3A_710 = arith.constant 210 : i32
      %get3A_711 = arith.index_cast %get3A_709 : i32 to index
      %get3A_712 = arith.index_cast %get3A_710 : i32 to index
      %get3A_713 = arith.constant 48 : index
      %get3A_714 = tpu.vector_load %arg9[%get3A_711, %get3A_712, %get3A_713] {strides = array<i32>} : memref<4x224x64xf32, #tpu.memory_space<vmem>>, vector<1x1x16xf32>,
      %get3A_715 = vector.shape_cast %get3A_714 : vector<1x1x16xf32> to vector<16xf32>
      %add3A_716 = arith.addf %add3A_708, %get3A_715 : vector<16xf32>
      %get3A_717 = arith.constant 0 : i32
      %get3A_718 = arith.constant 211 : i32
      %get3A_719 = arith.index_cast %get3A_717 : i32 to index
      %get3A_720 = arith.index_cast %get3A_718 : i32 to index
      %get3A_721 = arith.constant 48 : index
      %get3A_722 = tpu.vector_load %arg9[%get3A_719, %get3A_720, %get3A_721] {strides = array<i32>} : memref<4x224x64xf32, #tpu.memory_space<vmem>>, vector<1x1x16xf32>,
      %get3A_723 = vector.shape_cast %get3A_722 : vector<1x1x16xf32> to vector<16xf32>
      %add3A_724 = arith.addf %add3A_716, %get3A_723 : vector<16xf32>
      %get3A_725 = arith.constant 0 : i32
      %get3A_726 = arith.constant 212 : i32
      %get3A_727 = arith.index_cast %get3A_725 : i32 to index
      %get3A_728 = arith.index_cast %get3A_726 : i32 to index
      %get3A_729 = arith.constant 48 : index
      %get3A_730 = tpu.vector_load %arg9[%get3A_727, %get3A_728, %get3A_729] {strides = array<i32>} : memref<4x224x64xf32, #tpu.memory_space<vmem>>, vector<1x1x16xf32>,
      %get3A_731 = vector.shape_cast %get3A_730 : vector<1x1x16xf32> to vector<16xf32>
      %add3A_732 = arith.addf %add3A_724, %get3A_731 : vector<16xf32>
      %get3A_733 = arith.constant 0 : i32
      %get3A_734 = arith.constant 213 : i32
      %get3A_735 = arith.index_cast %get3A_733 : i32 to index
      %get3A_736 = arith.index_cast %get3A_734 : i32 to index
      %get3A_737 = arith.constant 48 : index
      %get3A_738 = tpu.vector_load %arg9[%get3A_735, %get3A_736, %get3A_737] {strides = array<i32>} : memref<4x224x64xf32, #tpu.memory_space<vmem>>, vector<1x1x16xf32>,
      %get3A_739 = vector.shape_cast %get3A_738 : vector<1x1x16xf32> to vector<16xf32>
      %add3A_740 = arith.addf %add3A_732, %get3A_739 : vector<16xf32>
      %get3A_741 = arith.constant 0 : i32
      %get3A_742 = arith.constant 214 : i32
      %get3A_743 = arith.index_cast %get3A_741 : i32 to index
      %get3A_744 = arith.index_cast %get3A_742 : i32 to index
      %get3A_745 = arith.constant 48 : index
      %get3A_746 = tpu.vector_load %arg9[%get3A_743, %get3A_744, %get3A_745] {strides = array<i32>} : memref<4x224x64xf32, #tpu.memory_space<vmem>>, vector<1x1x16xf32>,
      %get3A_747 = vector.shape_cast %get3A_746 : vector<1x1x16xf32> to vector<16xf32>
      %add3A_748 = arith.addf %add3A_740, %get3A_747 : vector<16xf32>
      %get3A_749 = arith.constant 0 : i32
      %get3A_750 = arith.constant 215 : i32
      %get3A_751 = arith.index_cast %get3A_749 : i32 to index
      %get3A_752 = arith.index_cast %get3A_750 : i32 to index
      %get3A_753 = arith.constant 48 : index
      %get3A_754 = tpu.vector_load %arg9[%get3A_751, %get3A_752, %get3A_753] {strides = array<i32>} : memref<4x224x64xf32, #tpu.memory_space<vmem>>, vector<1x1x16xf32>,
      %get3A_755 = vector.shape_cast %get3A_754 : vector<1x1x16xf32> to vector<16xf32>
      %add3A_756 = arith.addf %add3A_748, %get3A_755 : vector<16xf32>
      %get3A_757 = arith.constant 0 : i32
      %get3A_758 = arith.constant 216 : i32
      %get3A_759 = arith.index_cast %get3A_757 : i32 to index
      %get3A_760 = arith.index_cast %get3A_758 : i32 to index
      %get3A_761 = arith.constant 48 : index
      %get3A_762 = tpu.vector_load %arg9[%get3A_759, %get3A_760, %get3A_761] {strides = array<i32>} : memref<4x224x64xf32, #tpu.memory_space<vmem>>, vector<1x1x16xf32>,
      %get3A_763 = vector.shape_cast %get3A_762 : vector<1x1x16xf32> to vector<16xf32>
      %add3A_764 = arith.addf %add3A_756, %get3A_763 : vector<16xf32>
      %get3A_765 = arith.constant 0 : i32
      %get3A_766 = arith.constant 217 : i32
      %get3A_767 = arith.index_cast %get3A_765 : i32 to index
      %get3A_768 = arith.index_cast %get3A_766 : i32 to index
      %get3A_769 = arith.constant 48 : index
      %get3A_770 = tpu.vector_load %arg9[%get3A_767, %get3A_768, %get3A_769] {strides = array<i32>} : memref<4x224x64xf32, #tpu.memory_space<vmem>>, vector<1x1x16xf32>,
      %get3A_771 = vector.shape_cast %get3A_770 : vector<1x1x16xf32> to vector<16xf32>
      %add3A_772 = arith.addf %add3A_764, %get3A_771 : vector<16xf32>
      %get3A_773 = arith.constant 0 : i32
      %get3A_774 = arith.constant 218 : i32
      %get3A_775 = arith.index_cast %get3A_773 : i32 to index
      %get3A_776 = arith.index_cast %get3A_774 : i32 to index
      %get3A_777 = arith.constant 48 : index
      %get3A_778 = tpu.vector_load %arg9[%get3A_775, %get3A_776, %get3A_777] {strides = array<i32>} : memref<4x224x64xf32, #tpu.memory_space<vmem>>, vector<1x1x16xf32>,
      %get3A_779 = vector.shape_cast %get3A_778 : vector<1x1x16xf32> to vector<16xf32>
      %add3A_780 = arith.addf %add3A_772, %get3A_779 : vector<16xf32>
      %get3A_781 = arith.constant 0 : i32
      %get3A_782 = arith.constant 219 : i32
      %get3A_783 = arith.index_cast %get3A_781 : i32 to index
      %get3A_784 = arith.index_cast %get3A_782 : i32 to index
      %get3A_785 = arith.constant 48 : index
      %get3A_786 = tpu.vector_load %arg9[%get3A_783, %get3A_784, %get3A_785] {strides = array<i32>} : memref<4x224x64xf32, #tpu.memory_space<vmem>>, vector<1x1x16xf32>,
      %get3A_787 = vector.shape_cast %get3A_786 : vector<1x1x16xf32> to vector<16xf32>
      %add3A_788 = arith.addf %add3A_780, %get3A_787 : vector<16xf32>
      %swap3A_789 = arith.index_cast %add3A_97 : i32 to index
      %swap3A_790 = arith.constant 48 : index
      %swap3A_791 = tpu.vector_load %arg10[%swap3A_789, %swap3A_790] {strides = array<i32>} : memref<128x64xf32, #tpu.memory_space<vmem>>, vector<1x16xf32>,
      %swap3A_792 = vector.shape_cast %swap3A_791 : vector<1x16xf32> to vector<16xf32>
      %swap3A_793 = vector.shape_cast %add3A_788 : vector<16xf32> to vector<1x16xf32>
      tpu.vector_store %arg10[%swap3A_789, %swap3A_790], %swap3A_793 {strides = array<i32>} : memref<128x64xf32, #tpu.memory_space<vmem>>, vector<1x16xf32>,
      %add3A_794 = arith.constant 4 : i32
      %add3A_795 = arith.addi %add3A_97, %add3A_794 : i32
      %lt3A = arith.constant 128 : i32
      %lt3A_796 = arith.cmpi slt, %add3A_795, %lt3A : i32
      %convert_element_type3A = arith.extui %lt3A_796 : i1 to i32
      %cond3A = arith.constant 0 : i32
      %cond3A_797 = arith.cmpi ne, %convert_element_type3A, %cond3A : i32
      scf.if %cond3A_797 {
        %add3A_2932 = arith.constant 4 : i32
        %add3A_2933 = arith.addi %add3A_97, %add3A_2932 : i32
        %mul3A_2934 = arith.constant 200 : i32
        %mul3A_2935 = arith.muli %add3A_2933, %mul3A_2934 : i32
        %dma_start3A_2936 = arith.constant 0 : i32
        %dma_start3A_2937 = arith.constant 0 : i32
        %dma_start3A_2938 = arith.constant 0 : i32
        %dma_start3A_2939 = tpu.memref_slice %arg9[%dma_start3A_2936, %dma_start3A_2937, %dma_start3A_2938] : memref<4x224x64xf32, #tpu.memory_space<vmem>> -> memref<1x200x64xf32, #tpu.memory_space<vmem>>
        %dma_start3A_2940 = tpu.memref_squeeze %dma_start3A_2939 : memref<1x200x64xf32, #tpu.memory_space<vmem>> -> memref<200x64xf32, #tpu.memory_space<vmem>>
        %dma_start3A_2941 = tpu.memref_slice %arg7[%mul3A_2935] : memref<25600xi32, #tpu.memory_space<vmem>> -> memref<200xi32, #tpu.memory_space<vmem>>
        %dma_start3A_2942 = arith.constant 0 : i32
        %dma_start3A_2943 = arith.constant 0 : i32
        %dma_start3A_2944 = tpu.memref_slice %arg4[%dma_start3A_2942, %dma_start3A_2943] : memref<100000x64xf32, #tpu.memory_space<hbm>> -> memref<100000x64xf32, #tpu.memory_space<hbm>>
        tpu.enqueue_indirect_dma source(%dma_start3A_2944 : memref<100000x64xf32, #tpu.memory_space<hbm>>) target(%dma_start3A_2940 : memref<200x64xf32, #tpu.memory_space<vmem>>) offsets(%dma_start3A_2941 : memref<200xi32, #tpu.memory_space<vmem>>) semaphore(%arg12 : memref<!tpu.dma_semaphore, #tpu.memory_space<semaphore_mem>>)
        %mul3A_2945 = arith.constant 24 : i32
        %mul3A_2946 = arith.muli %add3A_2933, %mul3A_2945 : i32
        %dma_start3A_2947 = arith.constant 0 : i32
        %dma_start3A_2948 = arith.constant 200 : i32
        %dma_start3A_2949 = arith.constant 0 : i32
        %dma_start3A_2950 = tpu.memref_slice %arg9[%dma_start3A_2947, %dma_start3A_2948, %dma_start3A_2949] : memref<4x224x64xf32, #tpu.memory_space<vmem>> -> memref<1x24x64xf32, #tpu.memory_space<vmem>>
        %dma_start3A_2951 = tpu.memref_squeeze %dma_start3A_2950 : memref<1x24x64xf32, #tpu.memory_space<vmem>> -> memref<24x64xf32, #tpu.memory_space<vmem>>
        %dma_start3A_2952 = tpu.memref_slice %arg8[%mul3A_2946] : memref<3072xi32, #tpu.memory_space<vmem>> -> memref<24xi32, #tpu.memory_space<vmem>>
        %dma_start3A_2953 = arith.constant 0 : i32
        %dma_start3A_2954 = arith.constant 0 : i32
        %dma_start3A_2955 = tpu.memref_slice %arg4[%dma_start3A_2953, %dma_start3A_2954] : memref<100000x64xf32, #tpu.memory_space<hbm>> -> memref<100000x64xf32, #tpu.memory_space<hbm>>
        tpu.enqueue_indirect_dma source(%dma_start3A_2955 : memref<100000x64xf32, #tpu.memory_space<hbm>>) target(%dma_start3A_2951 : memref<24x64xf32, #tpu.memory_space<vmem>>) offsets(%dma_start3A_2952 : memref<24xi32, #tpu.memory_space<vmem>>) semaphore(%arg12 : memref<!tpu.dma_semaphore, #tpu.memory_space<semaphore_mem>>)
      } else {
      }
      %mul3A_798 = arith.constant 4 : i32
      %mul3A_799 = arith.muli %mul3A_798, %scan3A_92 : i32
      %add3A_800 = arith.constant 1 : i32
      %add3A_801 = arith.addi %mul3A_799, %add3A_800 : i32
      %dma_wait3A_802 = arith.constant 1 : i32
      %dma_wait3A_803 = arith.constant 0 : i32
      %dma_wait3A_804 = arith.constant 0 : i32
      %dma_wait3A_805 = tpu.memref_slice %arg9[%dma_wait3A_802, %dma_wait3A_803, %dma_wait3A_804] : memref<4x224x64xf32, #tpu.memory_space<vmem>> -> memref<1x224x64xf32, #tpu.memory_space<vmem>>
      %dma_wait3A_806 = tpu.memref_squeeze %dma_wait3A_805 : memref<1x224x64xf32, #tpu.memory_space<vmem>> -> memref<224x64xf32, #tpu.memory_space<vmem>>
      %dma_wait3A_807 = arith.constant 0 : i32
      %dma_wait3A_808 = tpu.memref_slice %arg7[%dma_wait3A_807] : memref<25600xi32, #tpu.memory_space<vmem>> -> memref<224xi32, #tpu.memory_space<vmem>>
      %dma_wait3A_809 = arith.constant 0 : i32
      %dma_wait3A_810 = arith.constant 0 : i32
      %dma_wait3A_811 = tpu.memref_slice %arg4[%dma_wait3A_809, %dma_wait3A_810] : memref<100000x64xf32, #tpu.memory_space<hbm>> -> memref<100000x64xf32, #tpu.memory_space<hbm>>
      tpu.wait_indirect_dma semaphore(%arg13 : memref<!tpu.dma_semaphore, #tpu.memory_space<semaphore_mem>>) src(%dma_wait3A_811 : memref<100000x64xf32, #tpu.memory_space<hbm>>) dst(%dma_wait3A_806 : memref<224x64xf32, #tpu.memory_space<vmem>>)
      %broadcast_in_dim3A_812 = arith.constant 0.000000e+00 : f32
      %broadcast_in_dim3A_813 = vector.broadcast %broadcast_in_dim3A_812 : f32 to vector<16xf32>
      %broadcast_in_dim3A_814 = arith.constant 0.000000e+00 : f32
      %broadcast_in_dim3A_815 = vector.broadcast %broadcast_in_dim3A_814 : f32 to vector<16xf32>
      %broadcast_in_dim3A_816 = arith.constant 0.000000e+00 : f32
      %broadcast_in_dim3A_817 = vector.broadcast %broadcast_in_dim3A_816 : f32 to vector<16xf32>
      %broadcast_in_dim3A_818 = arith.constant 0.000000e+00 : f32
      %broadcast_in_dim3A_819 = vector.broadcast %broadcast_in_dim3A_818 : f32 to vector<16xf32>
      %scan3A_820 = arith.constant 0 : i32
      %scan3A_821 = arith.constant 25 : i32
      %scan3A_822 = arith.addi %scan3A_820, %scan3A_821 : i32
      %scan3A_823 = arith.constant 1 : i32
      %scan3A_824:4 = scf.for %scan3A_2932 = %scan3A_820 to %scan3A_822 step %scan3A_823 iter_args(%scan3A_2933 = %broadcast_in_dim3A_813, %scan3A_2934 = %broadcast_in_dim3A_815, %scan3A_2935 = %broadcast_in_dim3A_817, %scan3A_2936 = %broadcast_in_dim3A_819) -> (vector<16xf32>, vector<16xf32>, vector<16xf32>, vector<16xf32>)  : i32 {
        %mul3A_2937 = arith.constant 8 : i32
        %mul3A_2938 = arith.muli %scan3A_2932, %mul3A_2937 : i32
        %add3A_2939 = arith.constant 0 : i32
        %add3A_2940 = arith.addi %mul3A_2938, %add3A_2939 : i32
        %get3A_2941 = arith.constant 1 : i32
        %get3A_2942 = arith.index_cast %get3A_2941 : i32 to index
        %get3A_2943 = arith.index_cast %add3A_2940 : i32 to index
        %get3A_2944 = arith.constant 0 : index
        %get3A_2945 = tpu.vector_load %arg9[%get3A_2942, %get3A_2943, %get3A_2944] {strides = array<i32>} : memref<4x224x64xf32, #tpu.memory_space<vmem>>, vector<1x1x16xf32>,
        %get3A_2946 = vector.shape_cast %get3A_2945 : vector<1x1x16xf32> to vector<16xf32>
        %add3A_2947 = arith.addf %scan3A_2933, %get3A_2946 : vector<16xf32>
        %mul3A_2948 = arith.constant 8 : i32
        %mul3A_2949 = arith.muli %scan3A_2932, %mul3A_2948 : i32
        %add3A_2950 = arith.constant 1 : i32
        %add3A_2951 = arith.addi %mul3A_2949, %add3A_2950 : i32
        %get3A_2952 = arith.constant 1 : i32
        %get3A_2953 = arith.index_cast %get3A_2952 : i32 to index
        %get3A_2954 = arith.index_cast %add3A_2951 : i32 to index
        %get3A_2955 = arith.constant 0 : index
        %get3A_2956 = tpu.vector_load %arg9[%get3A_2953, %get3A_2954, %get3A_2955] {strides = array<i32>} : memref<4x224x64xf32, #tpu.memory_space<vmem>>, vector<1x1x16xf32>,
        %get3A_2957 = vector.shape_cast %get3A_2956 : vector<1x1x16xf32> to vector<16xf32>
        %add3A_2958 = arith.addf %add3A_2947, %get3A_2957 : vector<16xf32>
        %mul3A_2959 = arith.constant 8 : i32
        %mul3A_2960 = arith.muli %scan3A_2932, %mul3A_2959 : i32
        %add3A_2961 = arith.constant 2 : i32
        %add3A_2962 = arith.addi %mul3A_2960, %add3A_2961 : i32
        %get3A_2963 = arith.constant 1 : i32
        %get3A_2964 = arith.index_cast %get3A_2963 : i32 to index
        %get3A_2965 = arith.index_cast %add3A_2962 : i32 to index
        %get3A_2966 = arith.constant 0 : index
        %get3A_2967 = tpu.vector_load %arg9[%get3A_2964, %get3A_2965, %get3A_2966] {strides = array<i32>} : memref<4x224x64xf32, #tpu.memory_space<vmem>>, vector<1x1x16xf32>,
        %get3A_2968 = vector.shape_cast %get3A_2967 : vector<1x1x16xf32> to vector<16xf32>
        %add3A_2969 = arith.addf %add3A_2958, %get3A_2968 : vector<16xf32>
        %mul3A_2970 = arith.constant 8 : i32
        %mul3A_2971 = arith.muli %scan3A_2932, %mul3A_2970 : i32
        %add3A_2972 = arith.constant 3 : i32
        %add3A_2973 = arith.addi %mul3A_2971, %add3A_2972 : i32
        %get3A_2974 = arith.constant 1 : i32
        %get3A_2975 = arith.index_cast %get3A_2974 : i32 to index
        %get3A_2976 = arith.index_cast %add3A_2973 : i32 to index
        %get3A_2977 = arith.constant 0 : index
        %get3A_2978 = tpu.vector_load %arg9[%get3A_2975, %get3A_2976, %get3A_2977] {strides = array<i32>} : memref<4x224x64xf32, #tpu.memory_space<vmem>>, vector<1x1x16xf32>,
        %get3A_2979 = vector.shape_cast %get3A_2978 : vector<1x1x16xf32> to vector<16xf32>
        %add3A_2980 = arith.addf %add3A_2969, %get3A_2979 : vector<16xf32>
        %mul3A_2981 = arith.constant 8 : i32
        %mul3A_2982 = arith.muli %scan3A_2932, %mul3A_2981 : i32
        %add3A_2983 = arith.constant 4 : i32
        %add3A_2984 = arith.addi %mul3A_2982, %add3A_2983 : i32
        %get3A_2985 = arith.constant 1 : i32
        %get3A_2986 = arith.index_cast %get3A_2985 : i32 to index
        %get3A_2987 = arith.index_cast %add3A_2984 : i32 to index
        %get3A_2988 = arith.constant 0 : index
        %get3A_2989 = tpu.vector_load %arg9[%get3A_2986, %get3A_2987, %get3A_2988] {strides = array<i32>} : memref<4x224x64xf32, #tpu.memory_space<vmem>>, vector<1x1x16xf32>,
        %get3A_2990 = vector.shape_cast %get3A_2989 : vector<1x1x16xf32> to vector<16xf32>
        %add3A_2991 = arith.addf %add3A_2980, %get3A_2990 : vector<16xf32>
        %mul3A_2992 = arith.constant 8 : i32
        %mul3A_2993 = arith.muli %scan3A_2932, %mul3A_2992 : i32
        %add3A_2994 = arith.constant 5 : i32
        %add3A_2995 = arith.addi %mul3A_2993, %add3A_2994 : i32
        %get3A_2996 = arith.constant 1 : i32
        %get3A_2997 = arith.index_cast %get3A_2996 : i32 to index
        %get3A_2998 = arith.index_cast %add3A_2995 : i32 to index
        %get3A_2999 = arith.constant 0 : index
        %get3A_3000 = tpu.vector_load %arg9[%get3A_2997, %get3A_2998, %get3A_2999] {strides = array<i32>} : memref<4x224x64xf32, #tpu.memory_space<vmem>>, vector<1x1x16xf32>,
        %get3A_3001 = vector.shape_cast %get3A_3000 : vector<1x1x16xf32> to vector<16xf32>
        %add3A_3002 = arith.addf %add3A_2991, %get3A_3001 : vector<16xf32>
        %mul3A_3003 = arith.constant 8 : i32
        %mul3A_3004 = arith.muli %scan3A_2932, %mul3A_3003 : i32
        %add3A_3005 = arith.constant 6 : i32
        %add3A_3006 = arith.addi %mul3A_3004, %add3A_3005 : i32
        %get3A_3007 = arith.constant 1 : i32
        %get3A_3008 = arith.index_cast %get3A_3007 : i32 to index
        %get3A_3009 = arith.index_cast %add3A_3006 : i32 to index
        %get3A_3010 = arith.constant 0 : index
        %get3A_3011 = tpu.vector_load %arg9[%get3A_3008, %get3A_3009, %get3A_3010] {strides = array<i32>} : memref<4x224x64xf32, #tpu.memory_space<vmem>>, vector<1x1x16xf32>,
        %get3A_3012 = vector.shape_cast %get3A_3011 : vector<1x1x16xf32> to vector<16xf32>
        %add3A_3013 = arith.addf %add3A_3002, %get3A_3012 : vector<16xf32>
        %mul3A_3014 = arith.constant 8 : i32
        %mul3A_3015 = arith.muli %scan3A_2932, %mul3A_3014 : i32
        %add3A_3016 = arith.constant 7 : i32
        %add3A_3017 = arith.addi %mul3A_3015, %add3A_3016 : i32
        %get3A_3018 = arith.constant 1 : i32
        %get3A_3019 = arith.index_cast %get3A_3018 : i32 to index
        %get3A_3020 = arith.index_cast %add3A_3017 : i32 to index
        %get3A_3021 = arith.constant 0 : index
        %get3A_3022 = tpu.vector_load %arg9[%get3A_3019, %get3A_3020, %get3A_3021] {strides = array<i32>} : memref<4x224x64xf32, #tpu.memory_space<vmem>>, vector<1x1x16xf32>,
        %get3A_3023 = vector.shape_cast %get3A_3022 : vector<1x1x16xf32> to vector<16xf32>
        %add3A_3024 = arith.addf %add3A_3013, %get3A_3023 : vector<16xf32>
        %mul3A_3025 = arith.constant 8 : i32
        %mul3A_3026 = arith.muli %scan3A_2932, %mul3A_3025 : i32
        %add3A_3027 = arith.constant 0 : i32
        %add3A_3028 = arith.addi %mul3A_3026, %add3A_3027 : i32
        %get3A_3029 = arith.constant 1 : i32
        %get3A_3030 = arith.index_cast %get3A_3029 : i32 to index
        %get3A_3031 = arith.index_cast %add3A_3028 : i32 to index
        %get3A_3032 = arith.constant 16 : index
        %get3A_3033 = tpu.vector_load %arg9[%get3A_3030, %get3A_3031, %get3A_3032] {strides = array<i32>} : memref<4x224x64xf32, #tpu.memory_space<vmem>>, vector<1x1x16xf32>,
        %get3A_3034 = vector.shape_cast %get3A_3033 : vector<1x1x16xf32> to vector<16xf32>
        %add3A_3035 = arith.addf %scan3A_2934, %get3A_3034 : vector<16xf32>
        %mul3A_3036 = arith.constant 8 : i32
        %mul3A_3037 = arith.muli %scan3A_2932, %mul3A_3036 : i32
        %add3A_3038 = arith.constant 1 : i32
        %add3A_3039 = arith.addi %mul3A_3037, %add3A_3038 : i32
        %get3A_3040 = arith.constant 1 : i32
        %get3A_3041 = arith.index_cast %get3A_3040 : i32 to index
        %get3A_3042 = arith.index_cast %add3A_3039 : i32 to index
        %get3A_3043 = arith.constant 16 : index
        %get3A_3044 = tpu.vector_load %arg9[%get3A_3041, %get3A_3042, %get3A_3043] {strides = array<i32>} : memref<4x224x64xf32, #tpu.memory_space<vmem>>, vector<1x1x16xf32>,
        %get3A_3045 = vector.shape_cast %get3A_3044 : vector<1x1x16xf32> to vector<16xf32>
        %add3A_3046 = arith.addf %add3A_3035, %get3A_3045 : vector<16xf32>
        %mul3A_3047 = arith.constant 8 : i32
        %mul3A_3048 = arith.muli %scan3A_2932, %mul3A_3047 : i32
        %add3A_3049 = arith.constant 2 : i32
        %add3A_3050 = arith.addi %mul3A_3048, %add3A_3049 : i32
        %get3A_3051 = arith.constant 1 : i32
        %get3A_3052 = arith.index_cast %get3A_3051 : i32 to index
        %get3A_3053 = arith.index_cast %add3A_3050 : i32 to index
        %get3A_3054 = arith.constant 16 : index
        %get3A_3055 = tpu.vector_load %arg9[%get3A_3052, %get3A_3053, %get3A_3054] {strides = array<i32>} : memref<4x224x64xf32, #tpu.memory_space<vmem>>, vector<1x1x16xf32>,
        %get3A_3056 = vector.shape_cast %get3A_3055 : vector<1x1x16xf32> to vector<16xf32>
        %add3A_3057 = arith.addf %add3A_3046, %get3A_3056 : vector<16xf32>
        %mul3A_3058 = arith.constant 8 : i32
        %mul3A_3059 = arith.muli %scan3A_2932, %mul3A_3058 : i32
        %add3A_3060 = arith.constant 3 : i32
        %add3A_3061 = arith.addi %mul3A_3059, %add3A_3060 : i32
        %get3A_3062 = arith.constant 1 : i32
        %get3A_3063 = arith.index_cast %get3A_3062 : i32 to index
        %get3A_3064 = arith.index_cast %add3A_3061 : i32 to index
        %get3A_3065 = arith.constant 16 : index
        %get3A_3066 = tpu.vector_load %arg9[%get3A_3063, %get3A_3064, %get3A_3065] {strides = array<i32>} : memref<4x224x64xf32, #tpu.memory_space<vmem>>, vector<1x1x16xf32>,
        %get3A_3067 = vector.shape_cast %get3A_3066 : vector<1x1x16xf32> to vector<16xf32>
        %add3A_3068 = arith.addf %add3A_3057, %get3A_3067 : vector<16xf32>
        %mul3A_3069 = arith.constant 8 : i32
        %mul3A_3070 = arith.muli %scan3A_2932, %mul3A_3069 : i32
        %add3A_3071 = arith.constant 4 : i32
        %add3A_3072 = arith.addi %mul3A_3070, %add3A_3071 : i32
        %get3A_3073 = arith.constant 1 : i32
        %get3A_3074 = arith.index_cast %get3A_3073 : i32 to index
        %get3A_3075 = arith.index_cast %add3A_3072 : i32 to index
        %get3A_3076 = arith.constant 16 : index
        %get3A_3077 = tpu.vector_load %arg9[%get3A_3074, %get3A_3075, %get3A_3076] {strides = array<i32>} : memref<4x224x64xf32, #tpu.memory_space<vmem>>, vector<1x1x16xf32>,
        %get3A_3078 = vector.shape_cast %get3A_3077 : vector<1x1x16xf32> to vector<16xf32>
        %add3A_3079 = arith.addf %add3A_3068, %get3A_3078 : vector<16xf32>
        %mul3A_3080 = arith.constant 8 : i32
        %mul3A_3081 = arith.muli %scan3A_2932, %mul3A_3080 : i32
        %add3A_3082 = arith.constant 5 : i32
        %add3A_3083 = arith.addi %mul3A_3081, %add3A_3082 : i32
        %get3A_3084 = arith.constant 1 : i32
        %get3A_3085 = arith.index_cast %get3A_3084 : i32 to index
        %get3A_3086 = arith.index_cast %add3A_3083 : i32 to index
        %get3A_3087 = arith.constant 16 : index
        %get3A_3088 = tpu.vector_load %arg9[%get3A_3085, %get3A_3086, %get3A_3087] {strides = array<i32>} : memref<4x224x64xf32, #tpu.memory_space<vmem>>, vector<1x1x16xf32>,
        %get3A_3089 = vector.shape_cast %get3A_3088 : vector<1x1x16xf32> to vector<16xf32>
        %add3A_3090 = arith.addf %add3A_3079, %get3A_3089 : vector<16xf32>
        %mul3A_3091 = arith.constant 8 : i32
        %mul3A_3092 = arith.muli %scan3A_2932, %mul3A_3091 : i32
        %add3A_3093 = arith.constant 6 : i32
        %add3A_3094 = arith.addi %mul3A_3092, %add3A_3093 : i32
        %get3A_3095 = arith.constant 1 : i32
        %get3A_3096 = arith.index_cast %get3A_3095 : i32 to index
        %get3A_3097 = arith.index_cast %add3A_3094 : i32 to index
        %get3A_3098 = arith.constant 16 : index
        %get3A_3099 = tpu.vector_load %arg9[%get3A_3096, %get3A_3097, %get3A_3098] {strides = array<i32>} : memref<4x224x64xf32, #tpu.memory_space<vmem>>, vector<1x1x16xf32>,
        %get3A_3100 = vector.shape_cast %get3A_3099 : vector<1x1x16xf32> to vector<16xf32>
        %add3A_3101 = arith.addf %add3A_3090, %get3A_3100 : vector<16xf32>
        %mul3A_3102 = arith.constant 8 : i32
        %mul3A_3103 = arith.muli %scan3A_2932, %mul3A_3102 : i32
        %add3A_3104 = arith.constant 7 : i32
        %add3A_3105 = arith.addi %mul3A_3103, %add3A_3104 : i32
        %get3A_3106 = arith.constant 1 : i32
        %get3A_3107 = arith.index_cast %get3A_3106 : i32 to index
        %get3A_3108 = arith.index_cast %add3A_3105 : i32 to index
        %get3A_3109 = arith.constant 16 : index
        %get3A_3110 = tpu.vector_load %arg9[%get3A_3107, %get3A_3108, %get3A_3109] {strides = array<i32>} : memref<4x224x64xf32, #tpu.memory_space<vmem>>, vector<1x1x16xf32>,
        %get3A_3111 = vector.shape_cast %get3A_3110 : vector<1x1x16xf32> to vector<16xf32>
        %add3A_3112 = arith.addf %add3A_3101, %get3A_3111 : vector<16xf32>
        %mul3A_3113 = arith.constant 8 : i32
        %mul3A_3114 = arith.muli %scan3A_2932, %mul3A_3113 : i32
        %add3A_3115 = arith.constant 0 : i32
        %add3A_3116 = arith.addi %mul3A_3114, %add3A_3115 : i32
        %get3A_3117 = arith.constant 1 : i32
        %get3A_3118 = arith.index_cast %get3A_3117 : i32 to index
        %get3A_3119 = arith.index_cast %add3A_3116 : i32 to index
        %get3A_3120 = arith.constant 32 : index
        %get3A_3121 = tpu.vector_load %arg9[%get3A_3118, %get3A_3119, %get3A_3120] {strides = array<i32>} : memref<4x224x64xf32, #tpu.memory_space<vmem>>, vector<1x1x16xf32>,
        %get3A_3122 = vector.shape_cast %get3A_3121 : vector<1x1x16xf32> to vector<16xf32>
        %add3A_3123 = arith.addf %scan3A_2935, %get3A_3122 : vector<16xf32>
        %mul3A_3124 = arith.constant 8 : i32
        %mul3A_3125 = arith.muli %scan3A_2932, %mul3A_3124 : i32
        %add3A_3126 = arith.constant 1 : i32
        %add3A_3127 = arith.addi %mul3A_3125, %add3A_3126 : i32
        %get3A_3128 = arith.constant 1 : i32
        %get3A_3129 = arith.index_cast %get3A_3128 : i32 to index
        %get3A_3130 = arith.index_cast %add3A_3127 : i32 to index
        %get3A_3131 = arith.constant 32 : index
        %get3A_3132 = tpu.vector_load %arg9[%get3A_3129, %get3A_3130, %get3A_3131] {strides = array<i32>} : memref<4x224x64xf32, #tpu.memory_space<vmem>>, vector<1x1x16xf32>,
        %get3A_3133 = vector.shape_cast %get3A_3132 : vector<1x1x16xf32> to vector<16xf32>
        %add3A_3134 = arith.addf %add3A_3123, %get3A_3133 : vector<16xf32>
        %mul3A_3135 = arith.constant 8 : i32
        %mul3A_3136 = arith.muli %scan3A_2932, %mul3A_3135 : i32
        %add3A_3137 = arith.constant 2 : i32
        %add3A_3138 = arith.addi %mul3A_3136, %add3A_3137 : i32
        %get3A_3139 = arith.constant 1 : i32
        %get3A_3140 = arith.index_cast %get3A_3139 : i32 to index
        %get3A_3141 = arith.index_cast %add3A_3138 : i32 to index
        %get3A_3142 = arith.constant 32 : index
        %get3A_3143 = tpu.vector_load %arg9[%get3A_3140, %get3A_3141, %get3A_3142] {strides = array<i32>} : memref<4x224x64xf32, #tpu.memory_space<vmem>>, vector<1x1x16xf32>,
        %get3A_3144 = vector.shape_cast %get3A_3143 : vector<1x1x16xf32> to vector<16xf32>
        %add3A_3145 = arith.addf %add3A_3134, %get3A_3144 : vector<16xf32>
        %mul3A_3146 = arith.constant 8 : i32
        %mul3A_3147 = arith.muli %scan3A_2932, %mul3A_3146 : i32
        %add3A_3148 = arith.constant 3 : i32
        %add3A_3149 = arith.addi %mul3A_3147, %add3A_3148 : i32
        %get3A_3150 = arith.constant 1 : i32
        %get3A_3151 = arith.index_cast %get3A_3150 : i32 to index
        %get3A_3152 = arith.index_cast %add3A_3149 : i32 to index
        %get3A_3153 = arith.constant 32 : index
        %get3A_3154 = tpu.vector_load %arg9[%get3A_3151, %get3A_3152, %get3A_3153] {strides = array<i32>} : memref<4x224x64xf32, #tpu.memory_space<vmem>>, vector<1x1x16xf32>,
        %get3A_3155 = vector.shape_cast %get3A_3154 : vector<1x1x16xf32> to vector<16xf32>
        %add3A_3156 = arith.addf %add3A_3145, %get3A_3155 : vector<16xf32>
        %mul3A_3157 = arith.constant 8 : i32
        %mul3A_3158 = arith.muli %scan3A_2932, %mul3A_3157 : i32
        %add3A_3159 = arith.constant 4 : i32
        %add3A_3160 = arith.addi %mul3A_3158, %add3A_3159 : i32
        %get3A_3161 = arith.constant 1 : i32
        %get3A_3162 = arith.index_cast %get3A_3161 : i32 to index
        %get3A_3163 = arith.index_cast %add3A_3160 : i32 to index
        %get3A_3164 = arith.constant 32 : index
        %get3A_3165 = tpu.vector_load %arg9[%get3A_3162, %get3A_3163, %get3A_3164] {strides = array<i32>} : memref<4x224x64xf32, #tpu.memory_space<vmem>>, vector<1x1x16xf32>,
        %get3A_3166 = vector.shape_cast %get3A_3165 : vector<1x1x16xf32> to vector<16xf32>
        %add3A_3167 = arith.addf %add3A_3156, %get3A_3166 : vector<16xf32>
        %mul3A_3168 = arith.constant 8 : i32
        %mul3A_3169 = arith.muli %scan3A_2932, %mul3A_3168 : i32
        %add3A_3170 = arith.constant 5 : i32
        %add3A_3171 = arith.addi %mul3A_3169, %add3A_3170 : i32
        %get3A_3172 = arith.constant 1 : i32
        %get3A_3173 = arith.index_cast %get3A_3172 : i32 to index
        %get3A_3174 = arith.index_cast %add3A_3171 : i32 to index
        %get3A_3175 = arith.constant 32 : index
        %get3A_3176 = tpu.vector_load %arg9[%get3A_3173, %get3A_3174, %get3A_3175] {strides = array<i32>} : memref<4x224x64xf32, #tpu.memory_space<vmem>>, vector<1x1x16xf32>,
        %get3A_3177 = vector.shape_cast %get3A_3176 : vector<1x1x16xf32> to vector<16xf32>
        %add3A_3178 = arith.addf %add3A_3167, %get3A_3177 : vector<16xf32>
        %mul3A_3179 = arith.constant 8 : i32
        %mul3A_3180 = arith.muli %scan3A_2932, %mul3A_3179 : i32
        %add3A_3181 = arith.constant 6 : i32
        %add3A_3182 = arith.addi %mul3A_3180, %add3A_3181 : i32
        %get3A_3183 = arith.constant 1 : i32
        %get3A_3184 = arith.index_cast %get3A_3183 : i32 to index
        %get3A_3185 = arith.index_cast %add3A_3182 : i32 to index
        %get3A_3186 = arith.constant 32 : index
        %get3A_3187 = tpu.vector_load %arg9[%get3A_3184, %get3A_3185, %get3A_3186] {strides = array<i32>} : memref<4x224x64xf32, #tpu.memory_space<vmem>>, vector<1x1x16xf32>,
        %get3A_3188 = vector.shape_cast %get3A_3187 : vector<1x1x16xf32> to vector<16xf32>
        %add3A_3189 = arith.addf %add3A_3178, %get3A_3188 : vector<16xf32>
        %mul3A_3190 = arith.constant 8 : i32
        %mul3A_3191 = arith.muli %scan3A_2932, %mul3A_3190 : i32
        %add3A_3192 = arith.constant 7 : i32
        %add3A_3193 = arith.addi %mul3A_3191, %add3A_3192 : i32
        %get3A_3194 = arith.constant 1 : i32
        %get3A_3195 = arith.index_cast %get3A_3194 : i32 to index
        %get3A_3196 = arith.index_cast %add3A_3193 : i32 to index
        %get3A_3197 = arith.constant 32 : index
        %get3A_3198 = tpu.vector_load %arg9[%get3A_3195, %get3A_3196, %get3A_3197] {strides = array<i32>} : memref<4x224x64xf32, #tpu.memory_space<vmem>>, vector<1x1x16xf32>,
        %get3A_3199 = vector.shape_cast %get3A_3198 : vector<1x1x16xf32> to vector<16xf32>
        %add3A_3200 = arith.addf %add3A_3189, %get3A_3199 : vector<16xf32>
        %mul3A_3201 = arith.constant 8 : i32
        %mul3A_3202 = arith.muli %scan3A_2932, %mul3A_3201 : i32
        %add3A_3203 = arith.constant 0 : i32
        %add3A_3204 = arith.addi %mul3A_3202, %add3A_3203 : i32
        %get3A_3205 = arith.constant 1 : i32
        %get3A_3206 = arith.index_cast %get3A_3205 : i32 to index
        %get3A_3207 = arith.index_cast %add3A_3204 : i32 to index
        %get3A_3208 = arith.constant 48 : index
        %get3A_3209 = tpu.vector_load %arg9[%get3A_3206, %get3A_3207, %get3A_3208] {strides = array<i32>} : memref<4x224x64xf32, #tpu.memory_space<vmem>>, vector<1x1x16xf32>,
        %get3A_3210 = vector.shape_cast %get3A_3209 : vector<1x1x16xf32> to vector<16xf32>
        %add3A_3211 = arith.addf %scan3A_2936, %get3A_3210 : vector<16xf32>
        %mul3A_3212 = arith.constant 8 : i32
        %mul3A_3213 = arith.muli %scan3A_2932, %mul3A_3212 : i32
        %add3A_3214 = arith.constant 1 : i32
        %add3A_3215 = arith.addi %mul3A_3213, %add3A_3214 : i32
        %get3A_3216 = arith.constant 1 : i32
        %get3A_3217 = arith.index_cast %get3A_3216 : i32 to index
        %get3A_3218 = arith.index_cast %add3A_3215 : i32 to index
        %get3A_3219 = arith.constant 48 : index
        %get3A_3220 = tpu.vector_load %arg9[%get3A_3217, %get3A_3218, %get3A_3219] {strides = array<i32>} : memref<4x224x64xf32, #tpu.memory_space<vmem>>, vector<1x1x16xf32>,
        %get3A_3221 = vector.shape_cast %get3A_3220 : vector<1x1x16xf32> to vector<16xf32>
        %add3A_3222 = arith.addf %add3A_3211, %get3A_3221 : vector<16xf32>
        %mul3A_3223 = arith.constant 8 : i32
        %mul3A_3224 = arith.muli %scan3A_2932, %mul3A_3223 : i32
        %add3A_3225 = arith.constant 2 : i32
        %add3A_3226 = arith.addi %mul3A_3224, %add3A_3225 : i32
        %get3A_3227 = arith.constant 1 : i32
        %get3A_3228 = arith.index_cast %get3A_3227 : i32 to index
        %get3A_3229 = arith.index_cast %add3A_3226 : i32 to index
        %get3A_3230 = arith.constant 48 : index
        %get3A_3231 = tpu.vector_load %arg9[%get3A_3228, %get3A_3229, %get3A_3230] {strides = array<i32>} : memref<4x224x64xf32, #tpu.memory_space<vmem>>, vector<1x1x16xf32>,
        %get3A_3232 = vector.shape_cast %get3A_3231 : vector<1x1x16xf32> to vector<16xf32>
        %add3A_3233 = arith.addf %add3A_3222, %get3A_3232 : vector<16xf32>
        %mul3A_3234 = arith.constant 8 : i32
        %mul3A_3235 = arith.muli %scan3A_2932, %mul3A_3234 : i32
        %add3A_3236 = arith.constant 3 : i32
        %add3A_3237 = arith.addi %mul3A_3235, %add3A_3236 : i32
        %get3A_3238 = arith.constant 1 : i32
        %get3A_3239 = arith.index_cast %get3A_3238 : i32 to index
        %get3A_3240 = arith.index_cast %add3A_3237 : i32 to index
        %get3A_3241 = arith.constant 48 : index
        %get3A_3242 = tpu.vector_load %arg9[%get3A_3239, %get3A_3240, %get3A_3241] {strides = array<i32>} : memref<4x224x64xf32, #tpu.memory_space<vmem>>, vector<1x1x16xf32>,
        %get3A_3243 = vector.shape_cast %get3A_3242 : vector<1x1x16xf32> to vector<16xf32>
        %add3A_3244 = arith.addf %add3A_3233, %get3A_3243 : vector<16xf32>
        %mul3A_3245 = arith.constant 8 : i32
        %mul3A_3246 = arith.muli %scan3A_2932, %mul3A_3245 : i32
        %add3A_3247 = arith.constant 4 : i32
        %add3A_3248 = arith.addi %mul3A_3246, %add3A_3247 : i32
        %get3A_3249 = arith.constant 1 : i32
        %get3A_3250 = arith.index_cast %get3A_3249 : i32 to index
        %get3A_3251 = arith.index_cast %add3A_3248 : i32 to index
        %get3A_3252 = arith.constant 48 : index
        %get3A_3253 = tpu.vector_load %arg9[%get3A_3250, %get3A_3251, %get3A_3252] {strides = array<i32>} : memref<4x224x64xf32, #tpu.memory_space<vmem>>, vector<1x1x16xf32>,
        %get3A_3254 = vector.shape_cast %get3A_3253 : vector<1x1x16xf32> to vector<16xf32>
        %add3A_3255 = arith.addf %add3A_3244, %get3A_3254 : vector<16xf32>
        %mul3A_3256 = arith.constant 8 : i32
        %mul3A_3257 = arith.muli %scan3A_2932, %mul3A_3256 : i32
        %add3A_3258 = arith.constant 5 : i32
        %add3A_3259 = arith.addi %mul3A_3257, %add3A_3258 : i32
        %get3A_3260 = arith.constant 1 : i32
        %get3A_3261 = arith.index_cast %get3A_3260 : i32 to index
        %get3A_3262 = arith.index_cast %add3A_3259 : i32 to index
        %get3A_3263 = arith.constant 48 : index
        %get3A_3264 = tpu.vector_load %arg9[%get3A_3261, %get3A_3262, %get3A_3263] {strides = array<i32>} : memref<4x224x64xf32, #tpu.memory_space<vmem>>, vector<1x1x16xf32>,
        %get3A_3265 = vector.shape_cast %get3A_3264 : vector<1x1x16xf32> to vector<16xf32>
        %add3A_3266 = arith.addf %add3A_3255, %get3A_3265 : vector<16xf32>
        %mul3A_3267 = arith.constant 8 : i32
        %mul3A_3268 = arith.muli %scan3A_2932, %mul3A_3267 : i32
        %add3A_3269 = arith.constant 6 : i32
        %add3A_3270 = arith.addi %mul3A_3268, %add3A_3269 : i32
        %get3A_3271 = arith.constant 1 : i32
        %get3A_3272 = arith.index_cast %get3A_3271 : i32 to index
        %get3A_3273 = arith.index_cast %add3A_3270 : i32 to index
        %get3A_3274 = arith.constant 48 : index
        %get3A_3275 = tpu.vector_load %arg9[%get3A_3272, %get3A_3273, %get3A_3274] {strides = array<i32>} : memref<4x224x64xf32, #tpu.memory_space<vmem>>, vector<1x1x16xf32>,
        %get3A_3276 = vector.shape_cast %get3A_3275 : vector<1x1x16xf32> to vector<16xf32>
        %add3A_3277 = arith.addf %add3A_3266, %get3A_3276 : vector<16xf32>
        %mul3A_3278 = arith.constant 8 : i32
        %mul3A_3279 = arith.muli %scan3A_2932, %mul3A_3278 : i32
        %add3A_3280 = arith.constant 7 : i32
        %add3A_3281 = arith.addi %mul3A_3279, %add3A_3280 : i32
        %get3A_3282 = arith.constant 1 : i32
        %get3A_3283 = arith.index_cast %get3A_3282 : i32 to index
        %get3A_3284 = arith.index_cast %add3A_3281 : i32 to index
        %get3A_3285 = arith.constant 48 : index
        %get3A_3286 = tpu.vector_load %arg9[%get3A_3283, %get3A_3284, %get3A_3285] {strides = array<i32>} : memref<4x224x64xf32, #tpu.memory_space<vmem>>, vector<1x1x16xf32>,
        %get3A_3287 = vector.shape_cast %get3A_3286 : vector<1x1x16xf32> to vector<16xf32>
        %add3A_3288 = arith.addf %add3A_3277, %get3A_3287 : vector<16xf32>
        scf.yield %add3A_3024, %add3A_3112, %add3A_3200, %add3A_3288 : vector<16xf32>, vector<16xf32>, vector<16xf32>, vector<16xf32>
      }
      %scan3A_825 = arith.constant 25 : i32
      %swap3A_826 = arith.index_cast %add3A_801 : i32 to index
      %swap3A_827 = arith.constant 0 : index
      %swap3A_828 = tpu.vector_load %arg11[%swap3A_826, %swap3A_827] {strides = array<i32>} : memref<128x64xf32, #tpu.memory_space<vmem>>, vector<1x16xf32>,
      %swap3A_829 = vector.shape_cast %swap3A_828 : vector<1x16xf32> to vector<16xf32>
      %swap3A_830 = vector.shape_cast %scan3A_824#0 : vector<16xf32> to vector<1x16xf32>
      tpu.vector_store %arg11[%swap3A_826, %swap3A_827], %swap3A_830 {strides = array<i32>} : memref<128x64xf32, #tpu.memory_space<vmem>>, vector<1x16xf32>,
      %swap3A_831 = arith.index_cast %add3A_801 : i32 to index
      %swap3A_832 = arith.constant 16 : index
      %swap3A_833 = tpu.vector_load %arg11[%swap3A_831, %swap3A_832] {strides = array<i32>} : memref<128x64xf32, #tpu.memory_space<vmem>>, vector<1x16xf32>,
      %swap3A_834 = vector.shape_cast %swap3A_833 : vector<1x16xf32> to vector<16xf32>
      %swap3A_835 = vector.shape_cast %scan3A_824#1 : vector<16xf32> to vector<1x16xf32>
      tpu.vector_store %arg11[%swap3A_831, %swap3A_832], %swap3A_835 {strides = array<i32>} : memref<128x64xf32, #tpu.memory_space<vmem>>, vector<1x16xf32>,
      %swap3A_836 = arith.index_cast %add3A_801 : i32 to index
      %swap3A_837 = arith.constant 32 : index
      %swap3A_838 = tpu.vector_load %arg11[%swap3A_836, %swap3A_837] {strides = array<i32>} : memref<128x64xf32, #tpu.memory_space<vmem>>, vector<1x16xf32>,
      %swap3A_839 = vector.shape_cast %swap3A_838 : vector<1x16xf32> to vector<16xf32>
      %swap3A_840 = vector.shape_cast %scan3A_824#2 : vector<16xf32> to vector<1x16xf32>
      tpu.vector_store %arg11[%swap3A_836, %swap3A_837], %swap3A_840 {strides = array<i32>} : memref<128x64xf32, #tpu.memory_space<vmem>>, vector<1x16xf32>,
      %swap3A_841 = arith.index_cast %add3A_801 : i32 to index
      %swap3A_842 = arith.constant 48 : index
      %swap3A_843 = tpu.vector_load %arg11[%swap3A_841, %swap3A_842] {strides = array<i32>} : memref<128x64xf32, #tpu.memory_space<vmem>>, vector<1x16xf32>,
      %swap3A_844 = vector.shape_cast %swap3A_843 : vector<1x16xf32> to vector<16xf32>
      %swap3A_845 = vector.shape_cast %scan3A_824#3 : vector<16xf32> to vector<1x16xf32>
      tpu.vector_store %arg11[%swap3A_841, %swap3A_842], %swap3A_845 {strides = array<i32>} : memref<128x64xf32, #tpu.memory_space<vmem>>, vector<1x16xf32>,
      %get3A_846 = arith.constant 1 : i32
      %get3A_847 = arith.constant 200 : i32
      %get3A_848 = arith.index_cast %get3A_846 : i32 to index
      %get3A_849 = arith.index_cast %get3A_847 : i32 to index
      %get3A_850 = arith.constant 0 : index
      %get3A_851 = tpu.vector_load %arg9[%get3A_848, %get3A_849, %get3A_850] {strides = array<i32>} : memref<4x224x64xf32, #tpu.memory_space<vmem>>, vector<1x1x16xf32>,
      %get3A_852 = vector.shape_cast %get3A_851 : vector<1x1x16xf32> to vector<16xf32>
      %get3A_853 = arith.constant 1 : i32
      %get3A_854 = arith.constant 201 : i32
      %get3A_855 = arith.index_cast %get3A_853 : i32 to index
      %get3A_856 = arith.index_cast %get3A_854 : i32 to index
      %get3A_857 = arith.constant 0 : index
      %get3A_858 = tpu.vector_load %arg9[%get3A_855, %get3A_856, %get3A_857] {strides = array<i32>} : memref<4x224x64xf32, #tpu.memory_space<vmem>>, vector<1x1x16xf32>,
      %get3A_859 = vector.shape_cast %get3A_858 : vector<1x1x16xf32> to vector<16xf32>
      %add3A_860 = arith.addf %get3A_852, %get3A_859 : vector<16xf32>
      %get3A_861 = arith.constant 1 : i32
      %get3A_862 = arith.constant 202 : i32
      %get3A_863 = arith.index_cast %get3A_861 : i32 to index
      %get3A_864 = arith.index_cast %get3A_862 : i32 to index
      %get3A_865 = arith.constant 0 : index
      %get3A_866 = tpu.vector_load %arg9[%get3A_863, %get3A_864, %get3A_865] {strides = array<i32>} : memref<4x224x64xf32, #tpu.memory_space<vmem>>, vector<1x1x16xf32>,
      %get3A_867 = vector.shape_cast %get3A_866 : vector<1x1x16xf32> to vector<16xf32>
      %add3A_868 = arith.addf %add3A_860, %get3A_867 : vector<16xf32>
      %get3A_869 = arith.constant 1 : i32
      %get3A_870 = arith.constant 203 : i32
      %get3A_871 = arith.index_cast %get3A_869 : i32 to index
      %get3A_872 = arith.index_cast %get3A_870 : i32 to index
      %get3A_873 = arith.constant 0 : index
      %get3A_874 = tpu.vector_load %arg9[%get3A_871, %get3A_872, %get3A_873] {strides = array<i32>} : memref<4x224x64xf32, #tpu.memory_space<vmem>>, vector<1x1x16xf32>,
      %get3A_875 = vector.shape_cast %get3A_874 : vector<1x1x16xf32> to vector<16xf32>
      %add3A_876 = arith.addf %add3A_868, %get3A_875 : vector<16xf32>
      %get3A_877 = arith.constant 1 : i32
      %get3A_878 = arith.constant 204 : i32
      %get3A_879 = arith.index_cast %get3A_877 : i32 to index
      %get3A_880 = arith.index_cast %get3A_878 : i32 to index
      %get3A_881 = arith.constant 0 : index
      %get3A_882 = tpu.vector_load %arg9[%get3A_879, %get3A_880, %get3A_881] {strides = array<i32>} : memref<4x224x64xf32, #tpu.memory_space<vmem>>, vector<1x1x16xf32>,
      %get3A_883 = vector.shape_cast %get3A_882 : vector<1x1x16xf32> to vector<16xf32>
      %add3A_884 = arith.addf %add3A_876, %get3A_883 : vector<16xf32>
      %get3A_885 = arith.constant 1 : i32
      %get3A_886 = arith.constant 205 : i32
      %get3A_887 = arith.index_cast %get3A_885 : i32 to index
      %get3A_888 = arith.index_cast %get3A_886 : i32 to index
      %get3A_889 = arith.constant 0 : index
      %get3A_890 = tpu.vector_load %arg9[%get3A_887, %get3A_888, %get3A_889] {strides = array<i32>} : memref<4x224x64xf32, #tpu.memory_space<vmem>>, vector<1x1x16xf32>,
      %get3A_891 = vector.shape_cast %get3A_890 : vector<1x1x16xf32> to vector<16xf32>
      %add3A_892 = arith.addf %add3A_884, %get3A_891 : vector<16xf32>
      %get3A_893 = arith.constant 1 : i32
      %get3A_894 = arith.constant 206 : i32
      %get3A_895 = arith.index_cast %get3A_893 : i32 to index
      %get3A_896 = arith.index_cast %get3A_894 : i32 to index
      %get3A_897 = arith.constant 0 : index
      %get3A_898 = tpu.vector_load %arg9[%get3A_895, %get3A_896, %get3A_897] {strides = array<i32>} : memref<4x224x64xf32, #tpu.memory_space<vmem>>, vector<1x1x16xf32>,
      %get3A_899 = vector.shape_cast %get3A_898 : vector<1x1x16xf32> to vector<16xf32>
      %add3A_900 = arith.addf %add3A_892, %get3A_899 : vector<16xf32>
      %get3A_901 = arith.constant 1 : i32
      %get3A_902 = arith.constant 207 : i32
      %get3A_903 = arith.index_cast %get3A_901 : i32 to index
      %get3A_904 = arith.index_cast %get3A_902 : i32 to index
      %get3A_905 = arith.constant 0 : index
      %get3A_906 = tpu.vector_load %arg9[%get3A_903, %get3A_904, %get3A_905] {strides = array<i32>} : memref<4x224x64xf32, #tpu.memory_space<vmem>>, vector<1x1x16xf32>,
      %get3A_907 = vector.shape_cast %get3A_906 : vector<1x1x16xf32> to vector<16xf32>
      %add3A_908 = arith.addf %add3A_900, %get3A_907 : vector<16xf32>
      %get3A_909 = arith.constant 1 : i32
      %get3A_910 = arith.constant 208 : i32
      %get3A_911 = arith.index_cast %get3A_909 : i32 to index
      %get3A_912 = arith.index_cast %get3A_910 : i32 to index
      %get3A_913 = arith.constant 0 : index
      %get3A_914 = tpu.vector_load %arg9[%get3A_911, %get3A_912, %get3A_913] {strides = array<i32>} : memref<4x224x64xf32, #tpu.memory_space<vmem>>, vector<1x1x16xf32>,
      %get3A_915 = vector.shape_cast %get3A_914 : vector<1x1x16xf32> to vector<16xf32>
      %add3A_916 = arith.addf %add3A_908, %get3A_915 : vector<16xf32>
      %get3A_917 = arith.constant 1 : i32
      %get3A_918 = arith.constant 209 : i32
      %get3A_919 = arith.index_cast %get3A_917 : i32 to index
      %get3A_920 = arith.index_cast %get3A_918 : i32 to index
      %get3A_921 = arith.constant 0 : index
      %get3A_922 = tpu.vector_load %arg9[%get3A_919, %get3A_920, %get3A_921] {strides = array<i32>} : memref<4x224x64xf32, #tpu.memory_space<vmem>>, vector<1x1x16xf32>,
      %get3A_923 = vector.shape_cast %get3A_922 : vector<1x1x16xf32> to vector<16xf32>
      %add3A_924 = arith.addf %add3A_916, %get3A_923 : vector<16xf32>
      %get3A_925 = arith.constant 1 : i32
      %get3A_926 = arith.constant 210 : i32
      %get3A_927 = arith.index_cast %get3A_925 : i32 to index
      %get3A_928 = arith.index_cast %get3A_926 : i32 to index
      %get3A_929 = arith.constant 0 : index
      %get3A_930 = tpu.vector_load %arg9[%get3A_927, %get3A_928, %get3A_929] {strides = array<i32>} : memref<4x224x64xf32, #tpu.memory_space<vmem>>, vector<1x1x16xf32>,
      %get3A_931 = vector.shape_cast %get3A_930 : vector<1x1x16xf32> to vector<16xf32>
      %add3A_932 = arith.addf %add3A_924, %get3A_931 : vector<16xf32>
      %get3A_933 = arith.constant 1 : i32
      %get3A_934 = arith.constant 211 : i32
      %get3A_935 = arith.index_cast %get3A_933 : i32 to index
      %get3A_936 = arith.index_cast %get3A_934 : i32 to index
      %get3A_937 = arith.constant 0 : index
      %get3A_938 = tpu.vector_load %arg9[%get3A_935, %get3A_936, %get3A_937] {strides = array<i32>} : memref<4x224x64xf32, #tpu.memory_space<vmem>>, vector<1x1x16xf32>,
      %get3A_939 = vector.shape_cast %get3A_938 : vector<1x1x16xf32> to vector<16xf32>
      %add3A_940 = arith.addf %add3A_932, %get3A_939 : vector<16xf32>
      %get3A_941 = arith.constant 1 : i32
      %get3A_942 = arith.constant 212 : i32
      %get3A_943 = arith.index_cast %get3A_941 : i32 to index
      %get3A_944 = arith.index_cast %get3A_942 : i32 to index
      %get3A_945 = arith.constant 0 : index
      %get3A_946 = tpu.vector_load %arg9[%get3A_943, %get3A_944, %get3A_945] {strides = array<i32>} : memref<4x224x64xf32, #tpu.memory_space<vmem>>, vector<1x1x16xf32>,
      %get3A_947 = vector.shape_cast %get3A_946 : vector<1x1x16xf32> to vector<16xf32>
      %add3A_948 = arith.addf %add3A_940, %get3A_947 : vector<16xf32>
      %get3A_949 = arith.constant 1 : i32
      %get3A_950 = arith.constant 213 : i32
      %get3A_951 = arith.index_cast %get3A_949 : i32 to index
      %get3A_952 = arith.index_cast %get3A_950 : i32 to index
      %get3A_953 = arith.constant 0 : index
      %get3A_954 = tpu.vector_load %arg9[%get3A_951, %get3A_952, %get3A_953] {strides = array<i32>} : memref<4x224x64xf32, #tpu.memory_space<vmem>>, vector<1x1x16xf32>,
      %get3A_955 = vector.shape_cast %get3A_954 : vector<1x1x16xf32> to vector<16xf32>
      %add3A_956 = arith.addf %add3A_948, %get3A_955 : vector<16xf32>
      %get3A_957 = arith.constant 1 : i32
      %get3A_958 = arith.constant 214 : i32
      %get3A_959 = arith.index_cast %get3A_957 : i32 to index
      %get3A_960 = arith.index_cast %get3A_958 : i32 to index
      %get3A_961 = arith.constant 0 : index
      %get3A_962 = tpu.vector_load %arg9[%get3A_959, %get3A_960, %get3A_961] {strides = array<i32>} : memref<4x224x64xf32, #tpu.memory_space<vmem>>, vector<1x1x16xf32>,
      %get3A_963 = vector.shape_cast %get3A_962 : vector<1x1x16xf32> to vector<16xf32>
      %add3A_964 = arith.addf %add3A_956, %get3A_963 : vector<16xf32>
      %get3A_965 = arith.constant 1 : i32
      %get3A_966 = arith.constant 215 : i32
      %get3A_967 = arith.index_cast %get3A_965 : i32 to index
      %get3A_968 = arith.index_cast %get3A_966 : i32 to index
      %get3A_969 = arith.constant 0 : index
      %get3A_970 = tpu.vector_load %arg9[%get3A_967, %get3A_968, %get3A_969] {strides = array<i32>} : memref<4x224x64xf32, #tpu.memory_space<vmem>>, vector<1x1x16xf32>,
      %get3A_971 = vector.shape_cast %get3A_970 : vector<1x1x16xf32> to vector<16xf32>
      %add3A_972 = arith.addf %add3A_964, %get3A_971 : vector<16xf32>
      %get3A_973 = arith.constant 1 : i32
      %get3A_974 = arith.constant 216 : i32
      %get3A_975 = arith.index_cast %get3A_973 : i32 to index
      %get3A_976 = arith.index_cast %get3A_974 : i32 to index
      %get3A_977 = arith.constant 0 : index
      %get3A_978 = tpu.vector_load %arg9[%get3A_975, %get3A_976, %get3A_977] {strides = array<i32>} : memref<4x224x64xf32, #tpu.memory_space<vmem>>, vector<1x1x16xf32>,
      %get3A_979 = vector.shape_cast %get3A_978 : vector<1x1x16xf32> to vector<16xf32>
      %add3A_980 = arith.addf %add3A_972, %get3A_979 : vector<16xf32>
      %get3A_981 = arith.constant 1 : i32
      %get3A_982 = arith.constant 217 : i32
      %get3A_983 = arith.index_cast %get3A_981 : i32 to index
      %get3A_984 = arith.index_cast %get3A_982 : i32 to index
      %get3A_985 = arith.constant 0 : index
      %get3A_986 = tpu.vector_load %arg9[%get3A_983, %get3A_984, %get3A_985] {strides = array<i32>} : memref<4x224x64xf32, #tpu.memory_space<vmem>>, vector<1x1x16xf32>,
      %get3A_987 = vector.shape_cast %get3A_986 : vector<1x1x16xf32> to vector<16xf32>
      %add3A_988 = arith.addf %add3A_980, %get3A_987 : vector<16xf32>
      %get3A_989 = arith.constant 1 : i32
      %get3A_990 = arith.constant 218 : i32
      %get3A_991 = arith.index_cast %get3A_989 : i32 to index
      %get3A_992 = arith.index_cast %get3A_990 : i32 to index
      %get3A_993 = arith.constant 0 : index
      %get3A_994 = tpu.vector_load %arg9[%get3A_991, %get3A_992, %get3A_993] {strides = array<i32>} : memref<4x224x64xf32, #tpu.memory_space<vmem>>, vector<1x1x16xf32>,
      %get3A_995 = vector.shape_cast %get3A_994 : vector<1x1x16xf32> to vector<16xf32>
      %add3A_996 = arith.addf %add3A_988, %get3A_995 : vector<16xf32>
      %get3A_997 = arith.constant 1 : i32
      %get3A_998 = arith.constant 219 : i32
      %get3A_999 = arith.index_cast %get3A_997 : i32 to index
      %get3A_1000 = arith.index_cast %get3A_998 : i32 to index
      %get3A_1001 = arith.constant 0 : index
      %get3A_1002 = tpu.vector_load %arg9[%get3A_999, %get3A_1000, %get3A_1001] {strides = array<i32>} : memref<4x224x64xf32, #tpu.memory_space<vmem>>, vector<1x1x16xf32>,
      %get3A_1003 = vector.shape_cast %get3A_1002 : vector<1x1x16xf32> to vector<16xf32>
      %add3A_1004 = arith.addf %add3A_996, %get3A_1003 : vector<16xf32>
      %swap3A_1005 = arith.index_cast %add3A_801 : i32 to index
      %swap3A_1006 = arith.constant 0 : index
      %swap3A_1007 = tpu.vector_load %arg10[%swap3A_1005, %swap3A_1006] {strides = array<i32>} : memref<128x64xf32, #tpu.memory_space<vmem>>, vector<1x16xf32>,
      %swap3A_1008 = vector.shape_cast %swap3A_1007 : vector<1x16xf32> to vector<16xf32>
      %swap3A_1009 = vector.shape_cast %add3A_1004 : vector<16xf32> to vector<1x16xf32>
      tpu.vector_store %arg10[%swap3A_1005, %swap3A_1006], %swap3A_1009 {strides = array<i32>} : memref<128x64xf32, #tpu.memory_space<vmem>>, vector<1x16xf32>,
      %get3A_1010 = arith.constant 1 : i32
      %get3A_1011 = arith.constant 200 : i32
      %get3A_1012 = arith.index_cast %get3A_1010 : i32 to index
      %get3A_1013 = arith.index_cast %get3A_1011 : i32 to index
      %get3A_1014 = arith.constant 16 : index
      %get3A_1015 = tpu.vector_load %arg9[%get3A_1012, %get3A_1013, %get3A_1014] {strides = array<i32>} : memref<4x224x64xf32, #tpu.memory_space<vmem>>, vector<1x1x16xf32>,
      %get3A_1016 = vector.shape_cast %get3A_1015 : vector<1x1x16xf32> to vector<16xf32>
      %get3A_1017 = arith.constant 1 : i32
      %get3A_1018 = arith.constant 201 : i32
      %get3A_1019 = arith.index_cast %get3A_1017 : i32 to index
      %get3A_1020 = arith.index_cast %get3A_1018 : i32 to index
      %get3A_1021 = arith.constant 16 : index
      %get3A_1022 = tpu.vector_load %arg9[%get3A_1019, %get3A_1020, %get3A_1021] {strides = array<i32>} : memref<4x224x64xf32, #tpu.memory_space<vmem>>, vector<1x1x16xf32>,
      %get3A_1023 = vector.shape_cast %get3A_1022 : vector<1x1x16xf32> to vector<16xf32>
      %add3A_1024 = arith.addf %get3A_1016, %get3A_1023 : vector<16xf32>
      %get3A_1025 = arith.constant 1 : i32
      %get3A_1026 = arith.constant 202 : i32
      %get3A_1027 = arith.index_cast %get3A_1025 : i32 to index
      %get3A_1028 = arith.index_cast %get3A_1026 : i32 to index
      %get3A_1029 = arith.constant 16 : index
      %get3A_1030 = tpu.vector_load %arg9[%get3A_1027, %get3A_1028, %get3A_1029] {strides = array<i32>} : memref<4x224x64xf32, #tpu.memory_space<vmem>>, vector<1x1x16xf32>,
      %get3A_1031 = vector.shape_cast %get3A_1030 : vector<1x1x16xf32> to vector<16xf32>
      %add3A_1032 = arith.addf %add3A_1024, %get3A_1031 : vector<16xf32>
      %get3A_1033 = arith.constant 1 : i32
      %get3A_1034 = arith.constant 203 : i32
      %get3A_1035 = arith.index_cast %get3A_1033 : i32 to index
      %get3A_1036 = arith.index_cast %get3A_1034 : i32 to index
      %get3A_1037 = arith.constant 16 : index
      %get3A_1038 = tpu.vector_load %arg9[%get3A_1035, %get3A_1036, %get3A_1037] {strides = array<i32>} : memref<4x224x64xf32, #tpu.memory_space<vmem>>, vector<1x1x16xf32>,
      %get3A_1039 = vector.shape_cast %get3A_1038 : vector<1x1x16xf32> to vector<16xf32>
      %add3A_1040 = arith.addf %add3A_1032, %get3A_1039 : vector<16xf32>
      %get3A_1041 = arith.constant 1 : i32
      %get3A_1042 = arith.constant 204 : i32
      %get3A_1043 = arith.index_cast %get3A_1041 : i32 to index
      %get3A_1044 = arith.index_cast %get3A_1042 : i32 to index
      %get3A_1045 = arith.constant 16 : index
      %get3A_1046 = tpu.vector_load %arg9[%get3A_1043, %get3A_1044, %get3A_1045] {strides = array<i32>} : memref<4x224x64xf32, #tpu.memory_space<vmem>>, vector<1x1x16xf32>,
      %get3A_1047 = vector.shape_cast %get3A_1046 : vector<1x1x16xf32> to vector<16xf32>
      %add3A_1048 = arith.addf %add3A_1040, %get3A_1047 : vector<16xf32>
      %get3A_1049 = arith.constant 1 : i32
      %get3A_1050 = arith.constant 205 : i32
      %get3A_1051 = arith.index_cast %get3A_1049 : i32 to index
      %get3A_1052 = arith.index_cast %get3A_1050 : i32 to index
      %get3A_1053 = arith.constant 16 : index
      %get3A_1054 = tpu.vector_load %arg9[%get3A_1051, %get3A_1052, %get3A_1053] {strides = array<i32>} : memref<4x224x64xf32, #tpu.memory_space<vmem>>, vector<1x1x16xf32>,
      %get3A_1055 = vector.shape_cast %get3A_1054 : vector<1x1x16xf32> to vector<16xf32>
      %add3A_1056 = arith.addf %add3A_1048, %get3A_1055 : vector<16xf32>
      %get3A_1057 = arith.constant 1 : i32
      %get3A_1058 = arith.constant 206 : i32
      %get3A_1059 = arith.index_cast %get3A_1057 : i32 to index
      %get3A_1060 = arith.index_cast %get3A_1058 : i32 to index
      %get3A_1061 = arith.constant 16 : index
      %get3A_1062 = tpu.vector_load %arg9[%get3A_1059, %get3A_1060, %get3A_1061] {strides = array<i32>} : memref<4x224x64xf32, #tpu.memory_space<vmem>>, vector<1x1x16xf32>,
      %get3A_1063 = vector.shape_cast %get3A_1062 : vector<1x1x16xf32> to vector<16xf32>
      %add3A_1064 = arith.addf %add3A_1056, %get3A_1063 : vector<16xf32>
      %get3A_1065 = arith.constant 1 : i32
      %get3A_1066 = arith.constant 207 : i32
      %get3A_1067 = arith.index_cast %get3A_1065 : i32 to index
      %get3A_1068 = arith.index_cast %get3A_1066 : i32 to index
      %get3A_1069 = arith.constant 16 : index
      %get3A_1070 = tpu.vector_load %arg9[%get3A_1067, %get3A_1068, %get3A_1069] {strides = array<i32>} : memref<4x224x64xf32, #tpu.memory_space<vmem>>, vector<1x1x16xf32>,
      %get3A_1071 = vector.shape_cast %get3A_1070 : vector<1x1x16xf32> to vector<16xf32>
      %add3A_1072 = arith.addf %add3A_1064, %get3A_1071 : vector<16xf32>
      %get3A_1073 = arith.constant 1 : i32
      %get3A_1074 = arith.constant 208 : i32
      %get3A_1075 = arith.index_cast %get3A_1073 : i32 to index
      %get3A_1076 = arith.index_cast %get3A_1074 : i32 to index
      %get3A_1077 = arith.constant 16 : index
      %get3A_1078 = tpu.vector_load %arg9[%get3A_1075, %get3A_1076, %get3A_1077] {strides = array<i32>} : memref<4x224x64xf32, #tpu.memory_space<vmem>>, vector<1x1x16xf32>,
      %get3A_1079 = vector.shape_cast %get3A_1078 : vector<1x1x16xf32> to vector<16xf32>
      %add3A_1080 = arith.addf %add3A_1072, %get3A_1079 : vector<16xf32>
      %get3A_1081 = arith.constant 1 : i32
      %get3A_1082 = arith.constant 209 : i32
      %get3A_1083 = arith.index_cast %get3A_1081 : i32 to index
      %get3A_1084 = arith.index_cast %get3A_1082 : i32 to index
      %get3A_1085 = arith.constant 16 : index
      %get3A_1086 = tpu.vector_load %arg9[%get3A_1083, %get3A_1084, %get3A_1085] {strides = array<i32>} : memref<4x224x64xf32, #tpu.memory_space<vmem>>, vector<1x1x16xf32>,
      %get3A_1087 = vector.shape_cast %get3A_1086 : vector<1x1x16xf32> to vector<16xf32>
      %add3A_1088 = arith.addf %add3A_1080, %get3A_1087 : vector<16xf32>
      %get3A_1089 = arith.constant 1 : i32
      %get3A_1090 = arith.constant 210 : i32
      %get3A_1091 = arith.index_cast %get3A_1089 : i32 to index
      %get3A_1092 = arith.index_cast %get3A_1090 : i32 to index
      %get3A_1093 = arith.constant 16 : index
      %get3A_1094 = tpu.vector_load %arg9[%get3A_1091, %get3A_1092, %get3A_1093] {strides = array<i32>} : memref<4x224x64xf32, #tpu.memory_space<vmem>>, vector<1x1x16xf32>,
      %get3A_1095 = vector.shape_cast %get3A_1094 : vector<1x1x16xf32> to vector<16xf32>
      %add3A_1096 = arith.addf %add3A_1088, %get3A_1095 : vector<16xf32>
      %get3A_1097 = arith.constant 1 : i32
      %get3A_1098 = arith.constant 211 : i32
      %get3A_1099 = arith.index_cast %get3A_1097 : i32 to index
      %get3A_1100 = arith.index_cast %get3A_1098 : i32 to index
      %get3A_1101 = arith.constant 16 : index
      %get3A_1102 = tpu.vector_load %arg9[%get3A_1099, %get3A_1100, %get3A_1101] {strides = array<i32>} : memref<4x224x64xf32, #tpu.memory_space<vmem>>, vector<1x1x16xf32>,
      %get3A_1103 = vector.shape_cast %get3A_1102 : vector<1x1x16xf32> to vector<16xf32>
      %add3A_1104 = arith.addf %add3A_1096, %get3A_1103 : vector<16xf32>
      %get3A_1105 = arith.constant 1 : i32
      %get3A_1106 = arith.constant 212 : i32
      %get3A_1107 = arith.index_cast %get3A_1105 : i32 to index
      %get3A_1108 = arith.index_cast %get3A_1106 : i32 to index
      %get3A_1109 = arith.constant 16 : index
      %get3A_1110 = tpu.vector_load %arg9[%get3A_1107, %get3A_1108, %get3A_1109] {strides = array<i32>} : memref<4x224x64xf32, #tpu.memory_space<vmem>>, vector<1x1x16xf32>,
      %get3A_1111 = vector.shape_cast %get3A_1110 : vector<1x1x16xf32> to vector<16xf32>
      %add3A_1112 = arith.addf %add3A_1104, %get3A_1111 : vector<16xf32>
      %get3A_1113 = arith.constant 1 : i32
      %get3A_1114 = arith.constant 213 : i32
      %get3A_1115 = arith.index_cast %get3A_1113 : i32 to index
      %get3A_1116 = arith.index_cast %get3A_1114 : i32 to index
      %get3A_1117 = arith.constant 16 : index
      %get3A_1118 = tpu.vector_load %arg9[%get3A_1115, %get3A_1116, %get3A_1117] {strides = array<i32>} : memref<4x224x64xf32, #tpu.memory_space<vmem>>, vector<1x1x16xf32>,
      %get3A_1119 = vector.shape_cast %get3A_1118 : vector<1x1x16xf32> to vector<16xf32>
      %add3A_1120 = arith.addf %add3A_1112, %get3A_1119 : vector<16xf32>
      %get3A_1121 = arith.constant 1 : i32
      %get3A_1122 = arith.constant 214 : i32
      %get3A_1123 = arith.index_cast %get3A_1121 : i32 to index
      %get3A_1124 = arith.index_cast %get3A_1122 : i32 to index
      %get3A_1125 = arith.constant 16 : index
      %get3A_1126 = tpu.vector_load %arg9[%get3A_1123, %get3A_1124, %get3A_1125] {strides = array<i32>} : memref<4x224x64xf32, #tpu.memory_space<vmem>>, vector<1x1x16xf32>,
      %get3A_1127 = vector.shape_cast %get3A_1126 : vector<1x1x16xf32> to vector<16xf32>
      %add3A_1128 = arith.addf %add3A_1120, %get3A_1127 : vector<16xf32>
      %get3A_1129 = arith.constant 1 : i32
      %get3A_1130 = arith.constant 215 : i32
      %get3A_1131 = arith.index_cast %get3A_1129 : i32 to index
      %get3A_1132 = arith.index_cast %get3A_1130 : i32 to index
      %get3A_1133 = arith.constant 16 : index
      %get3A_1134 = tpu.vector_load %arg9[%get3A_1131, %get3A_1132, %get3A_1133] {strides = array<i32>} : memref<4x224x64xf32, #tpu.memory_space<vmem>>, vector<1x1x16xf32>,
      %get3A_1135 = vector.shape_cast %get3A_1134 : vector<1x1x16xf32> to vector<16xf32>
      %add3A_1136 = arith.addf %add3A_1128, %get3A_1135 : vector<16xf32>
      %get3A_1137 = arith.constant 1 : i32
      %get3A_1138 = arith.constant 216 : i32
      %get3A_1139 = arith.index_cast %get3A_1137 : i32 to index
      %get3A_1140 = arith.index_cast %get3A_1138 : i32 to index
      %get3A_1141 = arith.constant 16 : index
      %get3A_1142 = tpu.vector_load %arg9[%get3A_1139, %get3A_1140, %get3A_1141] {strides = array<i32>} : memref<4x224x64xf32, #tpu.memory_space<vmem>>, vector<1x1x16xf32>,
      %get3A_1143 = vector.shape_cast %get3A_1142 : vector<1x1x16xf32> to vector<16xf32>
      %add3A_1144 = arith.addf %add3A_1136, %get3A_1143 : vector<16xf32>
      %get3A_1145 = arith.constant 1 : i32
      %get3A_1146 = arith.constant 217 : i32
      %get3A_1147 = arith.index_cast %get3A_1145 : i32 to index
      %get3A_1148 = arith.index_cast %get3A_1146 : i32 to index
      %get3A_1149 = arith.constant 16 : index
      %get3A_1150 = tpu.vector_load %arg9[%get3A_1147, %get3A_1148, %get3A_1149] {strides = array<i32>} : memref<4x224x64xf32, #tpu.memory_space<vmem>>, vector<1x1x16xf32>,
      %get3A_1151 = vector.shape_cast %get3A_1150 : vector<1x1x16xf32> to vector<16xf32>
      %add3A_1152 = arith.addf %add3A_1144, %get3A_1151 : vector<16xf32>
      %get3A_1153 = arith.constant 1 : i32
      %get3A_1154 = arith.constant 218 : i32
      %get3A_1155 = arith.index_cast %get3A_1153 : i32 to index
      %get3A_1156 = arith.index_cast %get3A_1154 : i32 to index
      %get3A_1157 = arith.constant 16 : index
      %get3A_1158 = tpu.vector_load %arg9[%get3A_1155, %get3A_1156, %get3A_1157] {strides = array<i32>} : memref<4x224x64xf32, #tpu.memory_space<vmem>>, vector<1x1x16xf32>,
      %get3A_1159 = vector.shape_cast %get3A_1158 : vector<1x1x16xf32> to vector<16xf32>
      %add3A_1160 = arith.addf %add3A_1152, %get3A_1159 : vector<16xf32>
      %get3A_1161 = arith.constant 1 : i32
      %get3A_1162 = arith.constant 219 : i32
      %get3A_1163 = arith.index_cast %get3A_1161 : i32 to index
      %get3A_1164 = arith.index_cast %get3A_1162 : i32 to index
      %get3A_1165 = arith.constant 16 : index
      %get3A_1166 = tpu.vector_load %arg9[%get3A_1163, %get3A_1164, %get3A_1165] {strides = array<i32>} : memref<4x224x64xf32, #tpu.memory_space<vmem>>, vector<1x1x16xf32>,
      %get3A_1167 = vector.shape_cast %get3A_1166 : vector<1x1x16xf32> to vector<16xf32>
      %add3A_1168 = arith.addf %add3A_1160, %get3A_1167 : vector<16xf32>
      %swap3A_1169 = arith.index_cast %add3A_801 : i32 to index
      %swap3A_1170 = arith.constant 16 : index
      %swap3A_1171 = tpu.vector_load %arg10[%swap3A_1169, %swap3A_1170] {strides = array<i32>} : memref<128x64xf32, #tpu.memory_space<vmem>>, vector<1x16xf32>,
      %swap3A_1172 = vector.shape_cast %swap3A_1171 : vector<1x16xf32> to vector<16xf32>
      %swap3A_1173 = vector.shape_cast %add3A_1168 : vector<16xf32> to vector<1x16xf32>
      tpu.vector_store %arg10[%swap3A_1169, %swap3A_1170], %swap3A_1173 {strides = array<i32>} : memref<128x64xf32, #tpu.memory_space<vmem>>, vector<1x16xf32>,
      %get3A_1174 = arith.constant 1 : i32
      %get3A_1175 = arith.constant 200 : i32
      %get3A_1176 = arith.index_cast %get3A_1174 : i32 to index
      %get3A_1177 = arith.index_cast %get3A_1175 : i32 to index
      %get3A_1178 = arith.constant 32 : index
      %get3A_1179 = tpu.vector_load %arg9[%get3A_1176, %get3A_1177, %get3A_1178] {strides = array<i32>} : memref<4x224x64xf32, #tpu.memory_space<vmem>>, vector<1x1x16xf32>,
      %get3A_1180 = vector.shape_cast %get3A_1179 : vector<1x1x16xf32> to vector<16xf32>
      %get3A_1181 = arith.constant 1 : i32
      %get3A_1182 = arith.constant 201 : i32
      %get3A_1183 = arith.index_cast %get3A_1181 : i32 to index
      %get3A_1184 = arith.index_cast %get3A_1182 : i32 to index
      %get3A_1185 = arith.constant 32 : index
      %get3A_1186 = tpu.vector_load %arg9[%get3A_1183, %get3A_1184, %get3A_1185] {strides = array<i32>} : memref<4x224x64xf32, #tpu.memory_space<vmem>>, vector<1x1x16xf32>,
      %get3A_1187 = vector.shape_cast %get3A_1186 : vector<1x1x16xf32> to vector<16xf32>
      %add3A_1188 = arith.addf %get3A_1180, %get3A_1187 : vector<16xf32>
      %get3A_1189 = arith.constant 1 : i32
      %get3A_1190 = arith.constant 202 : i32
      %get3A_1191 = arith.index_cast %get3A_1189 : i32 to index
      %get3A_1192 = arith.index_cast %get3A_1190 : i32 to index
      %get3A_1193 = arith.constant 32 : index
      %get3A_1194 = tpu.vector_load %arg9[%get3A_1191, %get3A_1192, %get3A_1193] {strides = array<i32>} : memref<4x224x64xf32, #tpu.memory_space<vmem>>, vector<1x1x16xf32>,
      %get3A_1195 = vector.shape_cast %get3A_1194 : vector<1x1x16xf32> to vector<16xf32>
      %add3A_1196 = arith.addf %add3A_1188, %get3A_1195 : vector<16xf32>
      %get3A_1197 = arith.constant 1 : i32
      %get3A_1198 = arith.constant 203 : i32
      %get3A_1199 = arith.index_cast %get3A_1197 : i32 to index
      %get3A_1200 = arith.index_cast %get3A_1198 : i32 to index
      %get3A_1201 = arith.constant 32 : index
      %get3A_1202 = tpu.vector_load %arg9[%get3A_1199, %get3A_1200, %get3A_1201] {strides = array<i32>} : memref<4x224x64xf32, #tpu.memory_space<vmem>>, vector<1x1x16xf32>,
      %get3A_1203 = vector.shape_cast %get3A_1202 : vector<1x1x16xf32> to vector<16xf32>
      %add3A_1204 = arith.addf %add3A_1196, %get3A_1203 : vector<16xf32>
      %get3A_1205 = arith.constant 1 : i32
      %get3A_1206 = arith.constant 204 : i32
      %get3A_1207 = arith.index_cast %get3A_1205 : i32 to index
      %get3A_1208 = arith.index_cast %get3A_1206 : i32 to index
      %get3A_1209 = arith.constant 32 : index
      %get3A_1210 = tpu.vector_load %arg9[%get3A_1207, %get3A_1208, %get3A_1209] {strides = array<i32>} : memref<4x224x64xf32, #tpu.memory_space<vmem>>, vector<1x1x16xf32>,
      %get3A_1211 = vector.shape_cast %get3A_1210 : vector<1x1x16xf32> to vector<16xf32>
      %add3A_1212 = arith.addf %add3A_1204, %get3A_1211 : vector<16xf32>
      %get3A_1213 = arith.constant 1 : i32
      %get3A_1214 = arith.constant 205 : i32
      %get3A_1215 = arith.index_cast %get3A_1213 : i32 to index
      %get3A_1216 = arith.index_cast %get3A_1214 : i32 to index
      %get3A_1217 = arith.constant 32 : index
      %get3A_1218 = tpu.vector_load %arg9[%get3A_1215, %get3A_1216, %get3A_1217] {strides = array<i32>} : memref<4x224x64xf32, #tpu.memory_space<vmem>>, vector<1x1x16xf32>,
      %get3A_1219 = vector.shape_cast %get3A_1218 : vector<1x1x16xf32> to vector<16xf32>
      %add3A_1220 = arith.addf %add3A_1212, %get3A_1219 : vector<16xf32>
      %get3A_1221 = arith.constant 1 : i32
      %get3A_1222 = arith.constant 206 : i32
      %get3A_1223 = arith.index_cast %get3A_1221 : i32 to index
      %get3A_1224 = arith.index_cast %get3A_1222 : i32 to index
      %get3A_1225 = arith.constant 32 : index
      %get3A_1226 = tpu.vector_load %arg9[%get3A_1223, %get3A_1224, %get3A_1225] {strides = array<i32>} : memref<4x224x64xf32, #tpu.memory_space<vmem>>, vector<1x1x16xf32>,
      %get3A_1227 = vector.shape_cast %get3A_1226 : vector<1x1x16xf32> to vector<16xf32>
      %add3A_1228 = arith.addf %add3A_1220, %get3A_1227 : vector<16xf32>
      %get3A_1229 = arith.constant 1 : i32
      %get3A_1230 = arith.constant 207 : i32
      %get3A_1231 = arith.index_cast %get3A_1229 : i32 to index
      %get3A_1232 = arith.index_cast %get3A_1230 : i32 to index
      %get3A_1233 = arith.constant 32 : index
      %get3A_1234 = tpu.vector_load %arg9[%get3A_1231, %get3A_1232, %get3A_1233] {strides = array<i32>} : memref<4x224x64xf32, #tpu.memory_space<vmem>>, vector<1x1x16xf32>,
      %get3A_1235 = vector.shape_cast %get3A_1234 : vector<1x1x16xf32> to vector<16xf32>
      %add3A_1236 = arith.addf %add3A_1228, %get3A_1235 : vector<16xf32>
      %get3A_1237 = arith.constant 1 : i32
      %get3A_1238 = arith.constant 208 : i32
      %get3A_1239 = arith.index_cast %get3A_1237 : i32 to index
      %get3A_1240 = arith.index_cast %get3A_1238 : i32 to index
      %get3A_1241 = arith.constant 32 : index
      %get3A_1242 = tpu.vector_load %arg9[%get3A_1239, %get3A_1240, %get3A_1241] {strides = array<i32>} : memref<4x224x64xf32, #tpu.memory_space<vmem>>, vector<1x1x16xf32>,
      %get3A_1243 = vector.shape_cast %get3A_1242 : vector<1x1x16xf32> to vector<16xf32>
      %add3A_1244 = arith.addf %add3A_1236, %get3A_1243 : vector<16xf32>
      %get3A_1245 = arith.constant 1 : i32
      %get3A_1246 = arith.constant 209 : i32
      %get3A_1247 = arith.index_cast %get3A_1245 : i32 to index
      %get3A_1248 = arith.index_cast %get3A_1246 : i32 to index
      %get3A_1249 = arith.constant 32 : index
      %get3A_1250 = tpu.vector_load %arg9[%get3A_1247, %get3A_1248, %get3A_1249] {strides = array<i32>} : memref<4x224x64xf32, #tpu.memory_space<vmem>>, vector<1x1x16xf32>,
      %get3A_1251 = vector.shape_cast %get3A_1250 : vector<1x1x16xf32> to vector<16xf32>
      %add3A_1252 = arith.addf %add3A_1244, %get3A_1251 : vector<16xf32>
      %get3A_1253 = arith.constant 1 : i32
      %get3A_1254 = arith.constant 210 : i32
      %get3A_1255 = arith.index_cast %get3A_1253 : i32 to index
      %get3A_1256 = arith.index_cast %get3A_1254 : i32 to index
      %get3A_1257 = arith.constant 32 : index
      %get3A_1258 = tpu.vector_load %arg9[%get3A_1255, %get3A_1256, %get3A_1257] {strides = array<i32>} : memref<4x224x64xf32, #tpu.memory_space<vmem>>, vector<1x1x16xf32>,
      %get3A_1259 = vector.shape_cast %get3A_1258 : vector<1x1x16xf32> to vector<16xf32>
      %add3A_1260 = arith.addf %add3A_1252, %get3A_1259 : vector<16xf32>
      %get3A_1261 = arith.constant 1 : i32
      %get3A_1262 = arith.constant 211 : i32
      %get3A_1263 = arith.index_cast %get3A_1261 : i32 to index
      %get3A_1264 = arith.index_cast %get3A_1262 : i32 to index
      %get3A_1265 = arith.constant 32 : index
      %get3A_1266 = tpu.vector_load %arg9[%get3A_1263, %get3A_1264, %get3A_1265] {strides = array<i32>} : memref<4x224x64xf32, #tpu.memory_space<vmem>>, vector<1x1x16xf32>,
      %get3A_1267 = vector.shape_cast %get3A_1266 : vector<1x1x16xf32> to vector<16xf32>
      %add3A_1268 = arith.addf %add3A_1260, %get3A_1267 : vector<16xf32>
      %get3A_1269 = arith.constant 1 : i32
      %get3A_1270 = arith.constant 212 : i32
      %get3A_1271 = arith.index_cast %get3A_1269 : i32 to index
      %get3A_1272 = arith.index_cast %get3A_1270 : i32 to index
      %get3A_1273 = arith.constant 32 : index
      %get3A_1274 = tpu.vector_load %arg9[%get3A_1271, %get3A_1272, %get3A_1273] {strides = array<i32>} : memref<4x224x64xf32, #tpu.memory_space<vmem>>, vector<1x1x16xf32>,
      %get3A_1275 = vector.shape_cast %get3A_1274 : vector<1x1x16xf32> to vector<16xf32>
      %add3A_1276 = arith.addf %add3A_1268, %get3A_1275 : vector<16xf32>
      %get3A_1277 = arith.constant 1 : i32
      %get3A_1278 = arith.constant 213 : i32
      %get3A_1279 = arith.index_cast %get3A_1277 : i32 to index
      %get3A_1280 = arith.index_cast %get3A_1278 : i32 to index
      %get3A_1281 = arith.constant 32 : index
      %get3A_1282 = tpu.vector_load %arg9[%get3A_1279, %get3A_1280, %get3A_1281] {strides = array<i32>} : memref<4x224x64xf32, #tpu.memory_space<vmem>>, vector<1x1x16xf32>,
      %get3A_1283 = vector.shape_cast %get3A_1282 : vector<1x1x16xf32> to vector<16xf32>
      %add3A_1284 = arith.addf %add3A_1276, %get3A_1283 : vector<16xf32>
      %get3A_1285 = arith.constant 1 : i32
      %get3A_1286 = arith.constant 214 : i32
      %get3A_1287 = arith.index_cast %get3A_1285 : i32 to index
      %get3A_1288 = arith.index_cast %get3A_1286 : i32 to index
      %get3A_1289 = arith.constant 32 : index
      %get3A_1290 = tpu.vector_load %arg9[%get3A_1287, %get3A_1288, %get3A_1289] {strides = array<i32>} : memref<4x224x64xf32, #tpu.memory_space<vmem>>, vector<1x1x16xf32>,
      %get3A_1291 = vector.shape_cast %get3A_1290 : vector<1x1x16xf32> to vector<16xf32>
      %add3A_1292 = arith.addf %add3A_1284, %get3A_1291 : vector<16xf32>
      %get3A_1293 = arith.constant 1 : i32
      %get3A_1294 = arith.constant 215 : i32
      %get3A_1295 = arith.index_cast %get3A_1293 : i32 to index
      %get3A_1296 = arith.index_cast %get3A_1294 : i32 to index
      %get3A_1297 = arith.constant 32 : index
      %get3A_1298 = tpu.vector_load %arg9[%get3A_1295, %get3A_1296, %get3A_1297] {strides = array<i32>} : memref<4x224x64xf32, #tpu.memory_space<vmem>>, vector<1x1x16xf32>,
      %get3A_1299 = vector.shape_cast %get3A_1298 : vector<1x1x16xf32> to vector<16xf32>
      %add3A_1300 = arith.addf %add3A_1292, %get3A_1299 : vector<16xf32>
      %get3A_1301 = arith.constant 1 : i32
      %get3A_1302 = arith.constant 216 : i32
      %get3A_1303 = arith.index_cast %get3A_1301 : i32 to index
      %get3A_1304 = arith.index_cast %get3A_1302 : i32 to index
      %get3A_1305 = arith.constant 32 : index
      %get3A_1306 = tpu.vector_load %arg9[%get3A_1303, %get3A_1304, %get3A_1305] {strides = array<i32>} : memref<4x224x64xf32, #tpu.memory_space<vmem>>, vector<1x1x16xf32>,
      %get3A_1307 = vector.shape_cast %get3A_1306 : vector<1x1x16xf32> to vector<16xf32>
      %add3A_1308 = arith.addf %add3A_1300, %get3A_1307 : vector<16xf32>
      %get3A_1309 = arith.constant 1 : i32
      %get3A_1310 = arith.constant 217 : i32
      %get3A_1311 = arith.index_cast %get3A_1309 : i32 to index
      %get3A_1312 = arith.index_cast %get3A_1310 : i32 to index
      %get3A_1313 = arith.constant 32 : index
      %get3A_1314 = tpu.vector_load %arg9[%get3A_1311, %get3A_1312, %get3A_1313] {strides = array<i32>} : memref<4x224x64xf32, #tpu.memory_space<vmem>>, vector<1x1x16xf32>,
      %get3A_1315 = vector.shape_cast %get3A_1314 : vector<1x1x16xf32> to vector<16xf32>
      %add3A_1316 = arith.addf %add3A_1308, %get3A_1315 : vector<16xf32>
      %get3A_1317 = arith.constant 1 : i32
      %get3A_1318 = arith.constant 218 : i32
      %get3A_1319 = arith.index_cast %get3A_1317 : i32 to index
      %get3A_1320 = arith.index_cast %get3A_1318 : i32 to index
      %get3A_1321 = arith.constant 32 : index
      %get3A_1322 = tpu.vector_load %arg9[%get3A_1319, %get3A_1320, %get3A_1321] {strides = array<i32>} : memref<4x224x64xf32, #tpu.memory_space<vmem>>, vector<1x1x16xf32>,
      %get3A_1323 = vector.shape_cast %get3A_1322 : vector<1x1x16xf32> to vector<16xf32>
      %add3A_1324 = arith.addf %add3A_1316, %get3A_1323 : vector<16xf32>
      %get3A_1325 = arith.constant 1 : i32
      %get3A_1326 = arith.constant 219 : i32
      %get3A_1327 = arith.index_cast %get3A_1325 : i32 to index
      %get3A_1328 = arith.index_cast %get3A_1326 : i32 to index
      %get3A_1329 = arith.constant 32 : index
      %get3A_1330 = tpu.vector_load %arg9[%get3A_1327, %get3A_1328, %get3A_1329] {strides = array<i32>} : memref<4x224x64xf32, #tpu.memory_space<vmem>>, vector<1x1x16xf32>,
      %get3A_1331 = vector.shape_cast %get3A_1330 : vector<1x1x16xf32> to vector<16xf32>
      %add3A_1332 = arith.addf %add3A_1324, %get3A_1331 : vector<16xf32>
      %swap3A_1333 = arith.index_cast %add3A_801 : i32 to index
      %swap3A_1334 = arith.constant 32 : index
      %swap3A_1335 = tpu.vector_load %arg10[%swap3A_1333, %swap3A_1334] {strides = array<i32>} : memref<128x64xf32, #tpu.memory_space<vmem>>, vector<1x16xf32>,
      %swap3A_1336 = vector.shape_cast %swap3A_1335 : vector<1x16xf32> to vector<16xf32>
      %swap3A_1337 = vector.shape_cast %add3A_1332 : vector<16xf32> to vector<1x16xf32>
      tpu.vector_store %arg10[%swap3A_1333, %swap3A_1334], %swap3A_1337 {strides = array<i32>} : memref<128x64xf32, #tpu.memory_space<vmem>>, vector<1x16xf32>,
      %get3A_1338 = arith.constant 1 : i32
      %get3A_1339 = arith.constant 200 : i32
      %get3A_1340 = arith.index_cast %get3A_1338 : i32 to index
      %get3A_1341 = arith.index_cast %get3A_1339 : i32 to index
      %get3A_1342 = arith.constant 48 : index
      %get3A_1343 = tpu.vector_load %arg9[%get3A_1340, %get3A_1341, %get3A_1342] {strides = array<i32>} : memref<4x224x64xf32, #tpu.memory_space<vmem>>, vector<1x1x16xf32>,
      %get3A_1344 = vector.shape_cast %get3A_1343 : vector<1x1x16xf32> to vector<16xf32>
      %get3A_1345 = arith.constant 1 : i32
      %get3A_1346 = arith.constant 201 : i32
      %get3A_1347 = arith.index_cast %get3A_1345 : i32 to index
      %get3A_1348 = arith.index_cast %get3A_1346 : i32 to index
      %get3A_1349 = arith.constant 48 : index
      %get3A_1350 = tpu.vector_load %arg9[%get3A_1347, %get3A_1348, %get3A_1349] {strides = array<i32>} : memref<4x224x64xf32, #tpu.memory_space<vmem>>, vector<1x1x16xf32>,
      %get3A_1351 = vector.shape_cast %get3A_1350 : vector<1x1x16xf32> to vector<16xf32>
      %add3A_1352 = arith.addf %get3A_1344, %get3A_1351 : vector<16xf32>
      %get3A_1353 = arith.constant 1 : i32
      %get3A_1354 = arith.constant 202 : i32
      %get3A_1355 = arith.index_cast %get3A_1353 : i32 to index
      %get3A_1356 = arith.index_cast %get3A_1354 : i32 to index
      %get3A_1357 = arith.constant 48 : index
      %get3A_1358 = tpu.vector_load %arg9[%get3A_1355, %get3A_1356, %get3A_1357] {strides = array<i32>} : memref<4x224x64xf32, #tpu.memory_space<vmem>>, vector<1x1x16xf32>,
      %get3A_1359 = vector.shape_cast %get3A_1358 : vector<1x1x16xf32> to vector<16xf32>
      %add3A_1360 = arith.addf %add3A_1352, %get3A_1359 : vector<16xf32>
      %get3A_1361 = arith.constant 1 : i32
      %get3A_1362 = arith.constant 203 : i32
      %get3A_1363 = arith.index_cast %get3A_1361 : i32 to index
      %get3A_1364 = arith.index_cast %get3A_1362 : i32 to index
      %get3A_1365 = arith.constant 48 : index
      %get3A_1366 = tpu.vector_load %arg9[%get3A_1363, %get3A_1364, %get3A_1365] {strides = array<i32>} : memref<4x224x64xf32, #tpu.memory_space<vmem>>, vector<1x1x16xf32>,
      %get3A_1367 = vector.shape_cast %get3A_1366 : vector<1x1x16xf32> to vector<16xf32>
      %add3A_1368 = arith.addf %add3A_1360, %get3A_1367 : vector<16xf32>
      %get3A_1369 = arith.constant 1 : i32
      %get3A_1370 = arith.constant 204 : i32
      %get3A_1371 = arith.index_cast %get3A_1369 : i32 to index
      %get3A_1372 = arith.index_cast %get3A_1370 : i32 to index
      %get3A_1373 = arith.constant 48 : index
      %get3A_1374 = tpu.vector_load %arg9[%get3A_1371, %get3A_1372, %get3A_1373] {strides = array<i32>} : memref<4x224x64xf32, #tpu.memory_space<vmem>>, vector<1x1x16xf32>,
      %get3A_1375 = vector.shape_cast %get3A_1374 : vector<1x1x16xf32> to vector<16xf32>
      %add3A_1376 = arith.addf %add3A_1368, %get3A_1375 : vector<16xf32>
      %get3A_1377 = arith.constant 1 : i32
      %get3A_1378 = arith.constant 205 : i32
      %get3A_1379 = arith.index_cast %get3A_1377 : i32 to index
      %get3A_1380 = arith.index_cast %get3A_1378 : i32 to index
      %get3A_1381 = arith.constant 48 : index
      %get3A_1382 = tpu.vector_load %arg9[%get3A_1379, %get3A_1380, %get3A_1381] {strides = array<i32>} : memref<4x224x64xf32, #tpu.memory_space<vmem>>, vector<1x1x16xf32>,
      %get3A_1383 = vector.shape_cast %get3A_1382 : vector<1x1x16xf32> to vector<16xf32>
      %add3A_1384 = arith.addf %add3A_1376, %get3A_1383 : vector<16xf32>
      %get3A_1385 = arith.constant 1 : i32
      %get3A_1386 = arith.constant 206 : i32
      %get3A_1387 = arith.index_cast %get3A_1385 : i32 to index
      %get3A_1388 = arith.index_cast %get3A_1386 : i32 to index
      %get3A_1389 = arith.constant 48 : index
      %get3A_1390 = tpu.vector_load %arg9[%get3A_1387, %get3A_1388, %get3A_1389] {strides = array<i32>} : memref<4x224x64xf32, #tpu.memory_space<vmem>>, vector<1x1x16xf32>,
      %get3A_1391 = vector.shape_cast %get3A_1390 : vector<1x1x16xf32> to vector<16xf32>
      %add3A_1392 = arith.addf %add3A_1384, %get3A_1391 : vector<16xf32>
      %get3A_1393 = arith.constant 1 : i32
      %get3A_1394 = arith.constant 207 : i32
      %get3A_1395 = arith.index_cast %get3A_1393 : i32 to index
      %get3A_1396 = arith.index_cast %get3A_1394 : i32 to index
      %get3A_1397 = arith.constant 48 : index
      %get3A_1398 = tpu.vector_load %arg9[%get3A_1395, %get3A_1396, %get3A_1397] {strides = array<i32>} : memref<4x224x64xf32, #tpu.memory_space<vmem>>, vector<1x1x16xf32>,
      %get3A_1399 = vector.shape_cast %get3A_1398 : vector<1x1x16xf32> to vector<16xf32>
      %add3A_1400 = arith.addf %add3A_1392, %get3A_1399 : vector<16xf32>
      %get3A_1401 = arith.constant 1 : i32
      %get3A_1402 = arith.constant 208 : i32
      %get3A_1403 = arith.index_cast %get3A_1401 : i32 to index
      %get3A_1404 = arith.index_cast %get3A_1402 : i32 to index
      %get3A_1405 = arith.constant 48 : index
      %get3A_1406 = tpu.vector_load %arg9[%get3A_1403, %get3A_1404, %get3A_1405] {strides = array<i32>} : memref<4x224x64xf32, #tpu.memory_space<vmem>>, vector<1x1x16xf32>,
      %get3A_1407 = vector.shape_cast %get3A_1406 : vector<1x1x16xf32> to vector<16xf32>
      %add3A_1408 = arith.addf %add3A_1400, %get3A_1407 : vector<16xf32>
      %get3A_1409 = arith.constant 1 : i32
      %get3A_1410 = arith.constant 209 : i32
      %get3A_1411 = arith.index_cast %get3A_1409 : i32 to index
      %get3A_1412 = arith.index_cast %get3A_1410 : i32 to index
      %get3A_1413 = arith.constant 48 : index
      %get3A_1414 = tpu.vector_load %arg9[%get3A_1411, %get3A_1412, %get3A_1413] {strides = array<i32>} : memref<4x224x64xf32, #tpu.memory_space<vmem>>, vector<1x1x16xf32>,
      %get3A_1415 = vector.shape_cast %get3A_1414 : vector<1x1x16xf32> to vector<16xf32>
      %add3A_1416 = arith.addf %add3A_1408, %get3A_1415 : vector<16xf32>
      %get3A_1417 = arith.constant 1 : i32
      %get3A_1418 = arith.constant 210 : i32
      %get3A_1419 = arith.index_cast %get3A_1417 : i32 to index
      %get3A_1420 = arith.index_cast %get3A_1418 : i32 to index
      %get3A_1421 = arith.constant 48 : index
      %get3A_1422 = tpu.vector_load %arg9[%get3A_1419, %get3A_1420, %get3A_1421] {strides = array<i32>} : memref<4x224x64xf32, #tpu.memory_space<vmem>>, vector<1x1x16xf32>,
      %get3A_1423 = vector.shape_cast %get3A_1422 : vector<1x1x16xf32> to vector<16xf32>
      %add3A_1424 = arith.addf %add3A_1416, %get3A_1423 : vector<16xf32>
      %get3A_1425 = arith.constant 1 : i32
      %get3A_1426 = arith.constant 211 : i32
      %get3A_1427 = arith.index_cast %get3A_1425 : i32 to index
      %get3A_1428 = arith.index_cast %get3A_1426 : i32 to index
      %get3A_1429 = arith.constant 48 : index
      %get3A_1430 = tpu.vector_load %arg9[%get3A_1427, %get3A_1428, %get3A_1429] {strides = array<i32>} : memref<4x224x64xf32, #tpu.memory_space<vmem>>, vector<1x1x16xf32>,
      %get3A_1431 = vector.shape_cast %get3A_1430 : vector<1x1x16xf32> to vector<16xf32>
      %add3A_1432 = arith.addf %add3A_1424, %get3A_1431 : vector<16xf32>
      %get3A_1433 = arith.constant 1 : i32
      %get3A_1434 = arith.constant 212 : i32
      %get3A_1435 = arith.index_cast %get3A_1433 : i32 to index
      %get3A_1436 = arith.index_cast %get3A_1434 : i32 to index
      %get3A_1437 = arith.constant 48 : index
      %get3A_1438 = tpu.vector_load %arg9[%get3A_1435, %get3A_1436, %get3A_1437] {strides = array<i32>} : memref<4x224x64xf32, #tpu.memory_space<vmem>>, vector<1x1x16xf32>,
      %get3A_1439 = vector.shape_cast %get3A_1438 : vector<1x1x16xf32> to vector<16xf32>
      %add3A_1440 = arith.addf %add3A_1432, %get3A_1439 : vector<16xf32>
      %get3A_1441 = arith.constant 1 : i32
      %get3A_1442 = arith.constant 213 : i32
      %get3A_1443 = arith.index_cast %get3A_1441 : i32 to index
      %get3A_1444 = arith.index_cast %get3A_1442 : i32 to index
      %get3A_1445 = arith.constant 48 : index
      %get3A_1446 = tpu.vector_load %arg9[%get3A_1443, %get3A_1444, %get3A_1445] {strides = array<i32>} : memref<4x224x64xf32, #tpu.memory_space<vmem>>, vector<1x1x16xf32>,
      %get3A_1447 = vector.shape_cast %get3A_1446 : vector<1x1x16xf32> to vector<16xf32>
      %add3A_1448 = arith.addf %add3A_1440, %get3A_1447 : vector<16xf32>
      %get3A_1449 = arith.constant 1 : i32
      %get3A_1450 = arith.constant 214 : i32
      %get3A_1451 = arith.index_cast %get3A_1449 : i32 to index
      %get3A_1452 = arith.index_cast %get3A_1450 : i32 to index
      %get3A_1453 = arith.constant 48 : index
      %get3A_1454 = tpu.vector_load %arg9[%get3A_1451, %get3A_1452, %get3A_1453] {strides = array<i32>} : memref<4x224x64xf32, #tpu.memory_space<vmem>>, vector<1x1x16xf32>,
      %get3A_1455 = vector.shape_cast %get3A_1454 : vector<1x1x16xf32> to vector<16xf32>
      %add3A_1456 = arith.addf %add3A_1448, %get3A_1455 : vector<16xf32>
      %get3A_1457 = arith.constant 1 : i32
      %get3A_1458 = arith.constant 215 : i32
      %get3A_1459 = arith.index_cast %get3A_1457 : i32 to index
      %get3A_1460 = arith.index_cast %get3A_1458 : i32 to index
      %get3A_1461 = arith.constant 48 : index
      %get3A_1462 = tpu.vector_load %arg9[%get3A_1459, %get3A_1460, %get3A_1461] {strides = array<i32>} : memref<4x224x64xf32, #tpu.memory_space<vmem>>, vector<1x1x16xf32>,
      %get3A_1463 = vector.shape_cast %get3A_1462 : vector<1x1x16xf32> to vector<16xf32>
      %add3A_1464 = arith.addf %add3A_1456, %get3A_1463 : vector<16xf32>
      %get3A_1465 = arith.constant 1 : i32
      %get3A_1466 = arith.constant 216 : i32
      %get3A_1467 = arith.index_cast %get3A_1465 : i32 to index
      %get3A_1468 = arith.index_cast %get3A_1466 : i32 to index
      %get3A_1469 = arith.constant 48 : index
      %get3A_1470 = tpu.vector_load %arg9[%get3A_1467, %get3A_1468, %get3A_1469] {strides = array<i32>} : memref<4x224x64xf32, #tpu.memory_space<vmem>>, vector<1x1x16xf32>,
      %get3A_1471 = vector.shape_cast %get3A_1470 : vector<1x1x16xf32> to vector<16xf32>
      %add3A_1472 = arith.addf %add3A_1464, %get3A_1471 : vector<16xf32>
      %get3A_1473 = arith.constant 1 : i32
      %get3A_1474 = arith.constant 217 : i32
      %get3A_1475 = arith.index_cast %get3A_1473 : i32 to index
      %get3A_1476 = arith.index_cast %get3A_1474 : i32 to index
      %get3A_1477 = arith.constant 48 : index
      %get3A_1478 = tpu.vector_load %arg9[%get3A_1475, %get3A_1476, %get3A_1477] {strides = array<i32>} : memref<4x224x64xf32, #tpu.memory_space<vmem>>, vector<1x1x16xf32>,
      %get3A_1479 = vector.shape_cast %get3A_1478 : vector<1x1x16xf32> to vector<16xf32>
      %add3A_1480 = arith.addf %add3A_1472, %get3A_1479 : vector<16xf32>
      %get3A_1481 = arith.constant 1 : i32
      %get3A_1482 = arith.constant 218 : i32
      %get3A_1483 = arith.index_cast %get3A_1481 : i32 to index
      %get3A_1484 = arith.index_cast %get3A_1482 : i32 to index
      %get3A_1485 = arith.constant 48 : index
      %get3A_1486 = tpu.vector_load %arg9[%get3A_1483, %get3A_1484, %get3A_1485] {strides = array<i32>} : memref<4x224x64xf32, #tpu.memory_space<vmem>>, vector<1x1x16xf32>,
      %get3A_1487 = vector.shape_cast %get3A_1486 : vector<1x1x16xf32> to vector<16xf32>
      %add3A_1488 = arith.addf %add3A_1480, %get3A_1487 : vector<16xf32>
      %get3A_1489 = arith.constant 1 : i32
      %get3A_1490 = arith.constant 219 : i32
      %get3A_1491 = arith.index_cast %get3A_1489 : i32 to index
      %get3A_1492 = arith.index_cast %get3A_1490 : i32 to index
      %get3A_1493 = arith.constant 48 : index
      %get3A_1494 = tpu.vector_load %arg9[%get3A_1491, %get3A_1492, %get3A_1493] {strides = array<i32>} : memref<4x224x64xf32, #tpu.memory_space<vmem>>, vector<1x1x16xf32>,
      %get3A_1495 = vector.shape_cast %get3A_1494 : vector<1x1x16xf32> to vector<16xf32>
      %add3A_1496 = arith.addf %add3A_1488, %get3A_1495 : vector<16xf32>
      %swap3A_1497 = arith.index_cast %add3A_801 : i32 to index
      %swap3A_1498 = arith.constant 48 : index
      %swap3A_1499 = tpu.vector_load %arg10[%swap3A_1497, %swap3A_1498] {strides = array<i32>} : memref<128x64xf32, #tpu.memory_space<vmem>>, vector<1x16xf32>,
      %swap3A_1500 = vector.shape_cast %swap3A_1499 : vector<1x16xf32> to vector<16xf32>
      %swap3A_1501 = vector.shape_cast %add3A_1496 : vector<16xf32> to vector<1x16xf32>
      tpu.vector_store %arg10[%swap3A_1497, %swap3A_1498], %swap3A_1501 {strides = array<i32>} : memref<128x64xf32, #tpu.memory_space<vmem>>, vector<1x16xf32>,
      %add3A_1502 = arith.constant 4 : i32
      %add3A_1503 = arith.addi %add3A_801, %add3A_1502 : i32
      %lt3A_1504 = arith.constant 128 : i32
      %lt3A_1505 = arith.cmpi slt, %add3A_1503, %lt3A_1504 : i32
      %convert_element_type3A_1506 = arith.extui %lt3A_1505 : i1 to i32
      %cond3A_1507 = arith.constant 0 : i32
      %cond3A_1508 = arith.cmpi ne, %convert_element_type3A_1506, %cond3A_1507 : i32
      scf.if %cond3A_1508 {
        %add3A_2932 = arith.constant 4 : i32
        %add3A_2933 = arith.addi %add3A_801, %add3A_2932 : i32
        %mul3A_2934 = arith.constant 200 : i32
        %mul3A_2935 = arith.muli %add3A_2933, %mul3A_2934 : i32
        %dma_start3A_2936 = arith.constant 1 : i32
        %dma_start3A_2937 = arith.constant 0 : i32
        %dma_start3A_2938 = arith.constant 0 : i32
        %dma_start3A_2939 = tpu.memref_slice %arg9[%dma_start3A_2936, %dma_start3A_2937, %dma_start3A_2938] : memref<4x224x64xf32, #tpu.memory_space<vmem>> -> memref<1x200x64xf32, #tpu.memory_space<vmem>>
        %dma_start3A_2940 = tpu.memref_squeeze %dma_start3A_2939 : memref<1x200x64xf32, #tpu.memory_space<vmem>> -> memref<200x64xf32, #tpu.memory_space<vmem>>
        %dma_start3A_2941 = tpu.memref_slice %arg7[%mul3A_2935] : memref<25600xi32, #tpu.memory_space<vmem>> -> memref<200xi32, #tpu.memory_space<vmem>>
        %dma_start3A_2942 = arith.constant 0 : i32
        %dma_start3A_2943 = arith.constant 0 : i32
        %dma_start3A_2944 = tpu.memref_slice %arg4[%dma_start3A_2942, %dma_start3A_2943] : memref<100000x64xf32, #tpu.memory_space<hbm>> -> memref<100000x64xf32, #tpu.memory_space<hbm>>
        tpu.enqueue_indirect_dma source(%dma_start3A_2944 : memref<100000x64xf32, #tpu.memory_space<hbm>>) target(%dma_start3A_2940 : memref<200x64xf32, #tpu.memory_space<vmem>>) offsets(%dma_start3A_2941 : memref<200xi32, #tpu.memory_space<vmem>>) semaphore(%arg13 : memref<!tpu.dma_semaphore, #tpu.memory_space<semaphore_mem>>)
        %mul3A_2945 = arith.constant 24 : i32
        %mul3A_2946 = arith.muli %add3A_2933, %mul3A_2945 : i32
        %dma_start3A_2947 = arith.constant 1 : i32
        %dma_start3A_2948 = arith.constant 200 : i32
        %dma_start3A_2949 = arith.constant 0 : i32
        %dma_start3A_2950 = tpu.memref_slice %arg9[%dma_start3A_2947, %dma_start3A_2948, %dma_start3A_2949] : memref<4x224x64xf32, #tpu.memory_space<vmem>> -> memref<1x24x64xf32, #tpu.memory_space<vmem>>
        %dma_start3A_2951 = tpu.memref_squeeze %dma_start3A_2950 : memref<1x24x64xf32, #tpu.memory_space<vmem>> -> memref<24x64xf32, #tpu.memory_space<vmem>>
        %dma_start3A_2952 = tpu.memref_slice %arg8[%mul3A_2946] : memref<3072xi32, #tpu.memory_space<vmem>> -> memref<24xi32, #tpu.memory_space<vmem>>
        %dma_start3A_2953 = arith.constant 0 : i32
        %dma_start3A_2954 = arith.constant 0 : i32
        %dma_start3A_2955 = tpu.memref_slice %arg4[%dma_start3A_2953, %dma_start3A_2954] : memref<100000x64xf32, #tpu.memory_space<hbm>> -> memref<100000x64xf32, #tpu.memory_space<hbm>>
        tpu.enqueue_indirect_dma source(%dma_start3A_2955 : memref<100000x64xf32, #tpu.memory_space<hbm>>) target(%dma_start3A_2951 : memref<24x64xf32, #tpu.memory_space<vmem>>) offsets(%dma_start3A_2952 : memref<24xi32, #tpu.memory_space<vmem>>) semaphore(%arg13 : memref<!tpu.dma_semaphore, #tpu.memory_space<semaphore_mem>>)
      } else {
      }
      %mul3A_1509 = arith.constant 4 : i32
      %mul3A_1510 = arith.muli %mul3A_1509, %scan3A_92 : i32
      %add3A_1511 = arith.constant 2 : i32
      %add3A_1512 = arith.addi %mul3A_1510, %add3A_1511 : i32
      %dma_wait3A_1513 = arith.constant 2 : i32
      %dma_wait3A_1514 = arith.constant 0 : i32
      %dma_wait3A_1515 = arith.constant 0 : i32
      %dma_wait3A_1516 = tpu.memref_slice %arg9[%dma_wait3A_1513, %dma_wait3A_1514, %dma_wait3A_1515] : memref<4x224x64xf32, #tpu.memory_space<vmem>> -> memref<1x224x64xf32, #tpu.memory_space<vmem>>
      %dma_wait3A_1517 = tpu.memref_squeeze %dma_wait3A_1516 : memref<1x224x64xf32, #tpu.memory_space<vmem>> -> memref<224x64xf32, #tpu.memory_space<vmem>>
      %dma_wait3A_1518 = arith.constant 0 : i32
      %dma_wait3A_1519 = tpu.memref_slice %arg7[%dma_wait3A_1518] : memref<25600xi32, #tpu.memory_space<vmem>> -> memref<224xi32, #tpu.memory_space<vmem>>
      %dma_wait3A_1520 = arith.constant 0 : i32
      %dma_wait3A_1521 = arith.constant 0 : i32
      %dma_wait3A_1522 = tpu.memref_slice %arg4[%dma_wait3A_1520, %dma_wait3A_1521] : memref<100000x64xf32, #tpu.memory_space<hbm>> -> memref<100000x64xf32, #tpu.memory_space<hbm>>
      tpu.wait_indirect_dma semaphore(%arg14 : memref<!tpu.dma_semaphore, #tpu.memory_space<semaphore_mem>>) src(%dma_wait3A_1522 : memref<100000x64xf32, #tpu.memory_space<hbm>>) dst(%dma_wait3A_1517 : memref<224x64xf32, #tpu.memory_space<vmem>>)
      %broadcast_in_dim3A_1523 = arith.constant 0.000000e+00 : f32
      %broadcast_in_dim3A_1524 = vector.broadcast %broadcast_in_dim3A_1523 : f32 to vector<16xf32>
      %broadcast_in_dim3A_1525 = arith.constant 0.000000e+00 : f32
      %broadcast_in_dim3A_1526 = vector.broadcast %broadcast_in_dim3A_1525 : f32 to vector<16xf32>
      %broadcast_in_dim3A_1527 = arith.constant 0.000000e+00 : f32
      %broadcast_in_dim3A_1528 = vector.broadcast %broadcast_in_dim3A_1527 : f32 to vector<16xf32>
      %broadcast_in_dim3A_1529 = arith.constant 0.000000e+00 : f32
      %broadcast_in_dim3A_1530 = vector.broadcast %broadcast_in_dim3A_1529 : f32 to vector<16xf32>
      %scan3A_1531 = arith.constant 0 : i32
      %scan3A_1532 = arith.constant 25 : i32
      %scan3A_1533 = arith.addi %scan3A_1531, %scan3A_1532 : i32
      %scan3A_1534 = arith.constant 1 : i32
      %scan3A_1535:4 = scf.for %scan3A_2932 = %scan3A_1531 to %scan3A_1533 step %scan3A_1534 iter_args(%scan3A_2933 = %broadcast_in_dim3A_1524, %scan3A_2934 = %broadcast_in_dim3A_1526, %scan3A_2935 = %broadcast_in_dim3A_1528, %scan3A_2936 = %broadcast_in_dim3A_1530) -> (vector<16xf32>, vector<16xf32>, vector<16xf32>, vector<16xf32>)  : i32 {
        %mul3A_2937 = arith.constant 8 : i32
        %mul3A_2938 = arith.muli %scan3A_2932, %mul3A_2937 : i32
        %add3A_2939 = arith.constant 0 : i32
        %add3A_2940 = arith.addi %mul3A_2938, %add3A_2939 : i32
        %get3A_2941 = arith.constant 2 : i32
        %get3A_2942 = arith.index_cast %get3A_2941 : i32 to index
        %get3A_2943 = arith.index_cast %add3A_2940 : i32 to index
        %get3A_2944 = arith.constant 0 : index
        %get3A_2945 = tpu.vector_load %arg9[%get3A_2942, %get3A_2943, %get3A_2944] {strides = array<i32>} : memref<4x224x64xf32, #tpu.memory_space<vmem>>, vector<1x1x16xf32>,
        %get3A_2946 = vector.shape_cast %get3A_2945 : vector<1x1x16xf32> to vector<16xf32>
        %add3A_2947 = arith.addf %scan3A_2933, %get3A_2946 : vector<16xf32>
        %mul3A_2948 = arith.constant 8 : i32
        %mul3A_2949 = arith.muli %scan3A_2932, %mul3A_2948 : i32
        %add3A_2950 = arith.constant 1 : i32
        %add3A_2951 = arith.addi %mul3A_2949, %add3A_2950 : i32
        %get3A_2952 = arith.constant 2 : i32
        %get3A_2953 = arith.index_cast %get3A_2952 : i32 to index
        %get3A_2954 = arith.index_cast %add3A_2951 : i32 to index
        %get3A_2955 = arith.constant 0 : index
        %get3A_2956 = tpu.vector_load %arg9[%get3A_2953, %get3A_2954, %get3A_2955] {strides = array<i32>} : memref<4x224x64xf32, #tpu.memory_space<vmem>>, vector<1x1x16xf32>,
        %get3A_2957 = vector.shape_cast %get3A_2956 : vector<1x1x16xf32> to vector<16xf32>
        %add3A_2958 = arith.addf %add3A_2947, %get3A_2957 : vector<16xf32>
        %mul3A_2959 = arith.constant 8 : i32
        %mul3A_2960 = arith.muli %scan3A_2932, %mul3A_2959 : i32
        %add3A_2961 = arith.constant 2 : i32
        %add3A_2962 = arith.addi %mul3A_2960, %add3A_2961 : i32
        %get3A_2963 = arith.constant 2 : i32
        %get3A_2964 = arith.index_cast %get3A_2963 : i32 to index
        %get3A_2965 = arith.index_cast %add3A_2962 : i32 to index
        %get3A_2966 = arith.constant 0 : index
        %get3A_2967 = tpu.vector_load %arg9[%get3A_2964, %get3A_2965, %get3A_2966] {strides = array<i32>} : memref<4x224x64xf32, #tpu.memory_space<vmem>>, vector<1x1x16xf32>,
        %get3A_2968 = vector.shape_cast %get3A_2967 : vector<1x1x16xf32> to vector<16xf32>
        %add3A_2969 = arith.addf %add3A_2958, %get3A_2968 : vector<16xf32>
        %mul3A_2970 = arith.constant 8 : i32
        %mul3A_2971 = arith.muli %scan3A_2932, %mul3A_2970 : i32
        %add3A_2972 = arith.constant 3 : i32
        %add3A_2973 = arith.addi %mul3A_2971, %add3A_2972 : i32
        %get3A_2974 = arith.constant 2 : i32
        %get3A_2975 = arith.index_cast %get3A_2974 : i32 to index
        %get3A_2976 = arith.index_cast %add3A_2973 : i32 to index
        %get3A_2977 = arith.constant 0 : index
        %get3A_2978 = tpu.vector_load %arg9[%get3A_2975, %get3A_2976, %get3A_2977] {strides = array<i32>} : memref<4x224x64xf32, #tpu.memory_space<vmem>>, vector<1x1x16xf32>,
        %get3A_2979 = vector.shape_cast %get3A_2978 : vector<1x1x16xf32> to vector<16xf32>
        %add3A_2980 = arith.addf %add3A_2969, %get3A_2979 : vector<16xf32>
        %mul3A_2981 = arith.constant 8 : i32
        %mul3A_2982 = arith.muli %scan3A_2932, %mul3A_2981 : i32
        %add3A_2983 = arith.constant 4 : i32
        %add3A_2984 = arith.addi %mul3A_2982, %add3A_2983 : i32
        %get3A_2985 = arith.constant 2 : i32
        %get3A_2986 = arith.index_cast %get3A_2985 : i32 to index
        %get3A_2987 = arith.index_cast %add3A_2984 : i32 to index
        %get3A_2988 = arith.constant 0 : index
        %get3A_2989 = tpu.vector_load %arg9[%get3A_2986, %get3A_2987, %get3A_2988] {strides = array<i32>} : memref<4x224x64xf32, #tpu.memory_space<vmem>>, vector<1x1x16xf32>,
        %get3A_2990 = vector.shape_cast %get3A_2989 : vector<1x1x16xf32> to vector<16xf32>
        %add3A_2991 = arith.addf %add3A_2980, %get3A_2990 : vector<16xf32>
        %mul3A_2992 = arith.constant 8 : i32
        %mul3A_2993 = arith.muli %scan3A_2932, %mul3A_2992 : i32
        %add3A_2994 = arith.constant 5 : i32
        %add3A_2995 = arith.addi %mul3A_2993, %add3A_2994 : i32
        %get3A_2996 = arith.constant 2 : i32
        %get3A_2997 = arith.index_cast %get3A_2996 : i32 to index
        %get3A_2998 = arith.index_cast %add3A_2995 : i32 to index
        %get3A_2999 = arith.constant 0 : index
        %get3A_3000 = tpu.vector_load %arg9[%get3A_2997, %get3A_2998, %get3A_2999] {strides = array<i32>} : memref<4x224x64xf32, #tpu.memory_space<vmem>>, vector<1x1x16xf32>,
        %get3A_3001 = vector.shape_cast %get3A_3000 : vector<1x1x16xf32> to vector<16xf32>
        %add3A_3002 = arith.addf %add3A_2991, %get3A_3001 : vector<16xf32>
        %mul3A_3003 = arith.constant 8 : i32
        %mul3A_3004 = arith.muli %scan3A_2932, %mul3A_3003 : i32
        %add3A_3005 = arith.constant 6 : i32
        %add3A_3006 = arith.addi %mul3A_3004, %add3A_3005 : i32
        %get3A_3007 = arith.constant 2 : i32
        %get3A_3008 = arith.index_cast %get3A_3007 : i32 to index
        %get3A_3009 = arith.index_cast %add3A_3006 : i32 to index
        %get3A_3010 = arith.constant 0 : index
        %get3A_3011 = tpu.vector_load %arg9[%get3A_3008, %get3A_3009, %get3A_3010] {strides = array<i32>} : memref<4x224x64xf32, #tpu.memory_space<vmem>>, vector<1x1x16xf32>,
        %get3A_3012 = vector.shape_cast %get3A_3011 : vector<1x1x16xf32> to vector<16xf32>
        %add3A_3013 = arith.addf %add3A_3002, %get3A_3012 : vector<16xf32>
        %mul3A_3014 = arith.constant 8 : i32
        %mul3A_3015 = arith.muli %scan3A_2932, %mul3A_3014 : i32
        %add3A_3016 = arith.constant 7 : i32
        %add3A_3017 = arith.addi %mul3A_3015, %add3A_3016 : i32
        %get3A_3018 = arith.constant 2 : i32
        %get3A_3019 = arith.index_cast %get3A_3018 : i32 to index
        %get3A_3020 = arith.index_cast %add3A_3017 : i32 to index
        %get3A_3021 = arith.constant 0 : index
        %get3A_3022 = tpu.vector_load %arg9[%get3A_3019, %get3A_3020, %get3A_3021] {strides = array<i32>} : memref<4x224x64xf32, #tpu.memory_space<vmem>>, vector<1x1x16xf32>,
        %get3A_3023 = vector.shape_cast %get3A_3022 : vector<1x1x16xf32> to vector<16xf32>
        %add3A_3024 = arith.addf %add3A_3013, %get3A_3023 : vector<16xf32>
        %mul3A_3025 = arith.constant 8 : i32
        %mul3A_3026 = arith.muli %scan3A_2932, %mul3A_3025 : i32
        %add3A_3027 = arith.constant 0 : i32
        %add3A_3028 = arith.addi %mul3A_3026, %add3A_3027 : i32
        %get3A_3029 = arith.constant 2 : i32
        %get3A_3030 = arith.index_cast %get3A_3029 : i32 to index
        %get3A_3031 = arith.index_cast %add3A_3028 : i32 to index
        %get3A_3032 = arith.constant 16 : index
        %get3A_3033 = tpu.vector_load %arg9[%get3A_3030, %get3A_3031, %get3A_3032] {strides = array<i32>} : memref<4x224x64xf32, #tpu.memory_space<vmem>>, vector<1x1x16xf32>,
        %get3A_3034 = vector.shape_cast %get3A_3033 : vector<1x1x16xf32> to vector<16xf32>
        %add3A_3035 = arith.addf %scan3A_2934, %get3A_3034 : vector<16xf32>
        %mul3A_3036 = arith.constant 8 : i32
        %mul3A_3037 = arith.muli %scan3A_2932, %mul3A_3036 : i32
        %add3A_3038 = arith.constant 1 : i32
        %add3A_3039 = arith.addi %mul3A_3037, %add3A_3038 : i32
        %get3A_3040 = arith.constant 2 : i32
        %get3A_3041 = arith.index_cast %get3A_3040 : i32 to index
        %get3A_3042 = arith.index_cast %add3A_3039 : i32 to index
        %get3A_3043 = arith.constant 16 : index
        %get3A_3044 = tpu.vector_load %arg9[%get3A_3041, %get3A_3042, %get3A_3043] {strides = array<i32>} : memref<4x224x64xf32, #tpu.memory_space<vmem>>, vector<1x1x16xf32>,
        %get3A_3045 = vector.shape_cast %get3A_3044 : vector<1x1x16xf32> to vector<16xf32>
        %add3A_3046 = arith.addf %add3A_3035, %get3A_3045 : vector<16xf32>
        %mul3A_3047 = arith.constant 8 : i32
        %mul3A_3048 = arith.muli %scan3A_2932, %mul3A_3047 : i32
        %add3A_3049 = arith.constant 2 : i32
        %add3A_3050 = arith.addi %mul3A_3048, %add3A_3049 : i32
        %get3A_3051 = arith.constant 2 : i32
        %get3A_3052 = arith.index_cast %get3A_3051 : i32 to index
        %get3A_3053 = arith.index_cast %add3A_3050 : i32 to index
        %get3A_3054 = arith.constant 16 : index
        %get3A_3055 = tpu.vector_load %arg9[%get3A_3052, %get3A_3053, %get3A_3054] {strides = array<i32>} : memref<4x224x64xf32, #tpu.memory_space<vmem>>, vector<1x1x16xf32>,
        %get3A_3056 = vector.shape_cast %get3A_3055 : vector<1x1x16xf32> to vector<16xf32>
        %add3A_3057 = arith.addf %add3A_3046, %get3A_3056 : vector<16xf32>
        %mul3A_3058 = arith.constant 8 : i32
        %mul3A_3059 = arith.muli %scan3A_2932, %mul3A_3058 : i32
        %add3A_3060 = arith.constant 3 : i32
        %add3A_3061 = arith.addi %mul3A_3059, %add3A_3060 : i32
        %get3A_3062 = arith.constant 2 : i32
        %get3A_3063 = arith.index_cast %get3A_3062 : i32 to index
        %get3A_3064 = arith.index_cast %add3A_3061 : i32 to index
        %get3A_3065 = arith.constant 16 : index
        %get3A_3066 = tpu.vector_load %arg9[%get3A_3063, %get3A_3064, %get3A_3065] {strides = array<i32>} : memref<4x224x64xf32, #tpu.memory_space<vmem>>, vector<1x1x16xf32>,
        %get3A_3067 = vector.shape_cast %get3A_3066 : vector<1x1x16xf32> to vector<16xf32>
        %add3A_3068 = arith.addf %add3A_3057, %get3A_3067 : vector<16xf32>
        %mul3A_3069 = arith.constant 8 : i32
        %mul3A_3070 = arith.muli %scan3A_2932, %mul3A_3069 : i32
        %add3A_3071 = arith.constant 4 : i32
        %add3A_3072 = arith.addi %mul3A_3070, %add3A_3071 : i32
        %get3A_3073 = arith.constant 2 : i32
        %get3A_3074 = arith.index_cast %get3A_3073 : i32 to index
        %get3A_3075 = arith.index_cast %add3A_3072 : i32 to index
        %get3A_3076 = arith.constant 16 : index
        %get3A_3077 = tpu.vector_load %arg9[%get3A_3074, %get3A_3075, %get3A_3076] {strides = array<i32>} : memref<4x224x64xf32, #tpu.memory_space<vmem>>, vector<1x1x16xf32>,
        %get3A_3078 = vector.shape_cast %get3A_3077 : vector<1x1x16xf32> to vector<16xf32>
        %add3A_3079 = arith.addf %add3A_3068, %get3A_3078 : vector<16xf32>
        %mul3A_3080 = arith.constant 8 : i32
        %mul3A_3081 = arith.muli %scan3A_2932, %mul3A_3080 : i32
        %add3A_3082 = arith.constant 5 : i32
        %add3A_3083 = arith.addi %mul3A_3081, %add3A_3082 : i32
        %get3A_3084 = arith.constant 2 : i32
        %get3A_3085 = arith.index_cast %get3A_3084 : i32 to index
        %get3A_3086 = arith.index_cast %add3A_3083 : i32 to index
        %get3A_3087 = arith.constant 16 : index
        %get3A_3088 = tpu.vector_load %arg9[%get3A_3085, %get3A_3086, %get3A_3087] {strides = array<i32>} : memref<4x224x64xf32, #tpu.memory_space<vmem>>, vector<1x1x16xf32>,
        %get3A_3089 = vector.shape_cast %get3A_3088 : vector<1x1x16xf32> to vector<16xf32>
        %add3A_3090 = arith.addf %add3A_3079, %get3A_3089 : vector<16xf32>
        %mul3A_3091 = arith.constant 8 : i32
        %mul3A_3092 = arith.muli %scan3A_2932, %mul3A_3091 : i32
        %add3A_3093 = arith.constant 6 : i32
        %add3A_3094 = arith.addi %mul3A_3092, %add3A_3093 : i32
        %get3A_3095 = arith.constant 2 : i32
        %get3A_3096 = arith.index_cast %get3A_3095 : i32 to index
        %get3A_3097 = arith.index_cast %add3A_3094 : i32 to index
        %get3A_3098 = arith.constant 16 : index
        %get3A_3099 = tpu.vector_load %arg9[%get3A_3096, %get3A_3097, %get3A_3098] {strides = array<i32>} : memref<4x224x64xf32, #tpu.memory_space<vmem>>, vector<1x1x16xf32>,
        %get3A_3100 = vector.shape_cast %get3A_3099 : vector<1x1x16xf32> to vector<16xf32>
        %add3A_3101 = arith.addf %add3A_3090, %get3A_3100 : vector<16xf32>
        %mul3A_3102 = arith.constant 8 : i32
        %mul3A_3103 = arith.muli %scan3A_2932, %mul3A_3102 : i32
        %add3A_3104 = arith.constant 7 : i32
        %add3A_3105 = arith.addi %mul3A_3103, %add3A_3104 : i32
        %get3A_3106 = arith.constant 2 : i32
        %get3A_3107 = arith.index_cast %get3A_3106 : i32 to index
        %get3A_3108 = arith.index_cast %add3A_3105 : i32 to index
        %get3A_3109 = arith.constant 16 : index
        %get3A_3110 = tpu.vector_load %arg9[%get3A_3107, %get3A_3108, %get3A_3109] {strides = array<i32>} : memref<4x224x64xf32, #tpu.memory_space<vmem>>, vector<1x1x16xf32>,
        %get3A_3111 = vector.shape_cast %get3A_3110 : vector<1x1x16xf32> to vector<16xf32>
        %add3A_3112 = arith.addf %add3A_3101, %get3A_3111 : vector<16xf32>
        %mul3A_3113 = arith.constant 8 : i32
        %mul3A_3114 = arith.muli %scan3A_2932, %mul3A_3113 : i32
        %add3A_3115 = arith.constant 0 : i32
        %add3A_3116 = arith.addi %mul3A_3114, %add3A_3115 : i32
        %get3A_3117 = arith.constant 2 : i32
        %get3A_3118 = arith.index_cast %get3A_3117 : i32 to index
        %get3A_3119 = arith.index_cast %add3A_3116 : i32 to index
        %get3A_3120 = arith.constant 32 : index
        %get3A_3121 = tpu.vector_load %arg9[%get3A_3118, %get3A_3119, %get3A_3120] {strides = array<i32>} : memref<4x224x64xf32, #tpu.memory_space<vmem>>, vector<1x1x16xf32>,
        %get3A_3122 = vector.shape_cast %get3A_3121 : vector<1x1x16xf32> to vector<16xf32>
        %add3A_3123 = arith.addf %scan3A_2935, %get3A_3122 : vector<16xf32>
        %mul3A_3124 = arith.constant 8 : i32
        %mul3A_3125 = arith.muli %scan3A_2932, %mul3A_3124 : i32
        %add3A_3126 = arith.constant 1 : i32
        %add3A_3127 = arith.addi %mul3A_3125, %add3A_3126 : i32
        %get3A_3128 = arith.constant 2 : i32
        %get3A_3129 = arith.index_cast %get3A_3128 : i32 to index
        %get3A_3130 = arith.index_cast %add3A_3127 : i32 to index
        %get3A_3131 = arith.constant 32 : index
        %get3A_3132 = tpu.vector_load %arg9[%get3A_3129, %get3A_3130, %get3A_3131] {strides = array<i32>} : memref<4x224x64xf32, #tpu.memory_space<vmem>>, vector<1x1x16xf32>,
        %get3A_3133 = vector.shape_cast %get3A_3132 : vector<1x1x16xf32> to vector<16xf32>
        %add3A_3134 = arith.addf %add3A_3123, %get3A_3133 : vector<16xf32>
        %mul3A_3135 = arith.constant 8 : i32
        %mul3A_3136 = arith.muli %scan3A_2932, %mul3A_3135 : i32
        %add3A_3137 = arith.constant 2 : i32
        %add3A_3138 = arith.addi %mul3A_3136, %add3A_3137 : i32
        %get3A_3139 = arith.constant 2 : i32
        %get3A_3140 = arith.index_cast %get3A_3139 : i32 to index
        %get3A_3141 = arith.index_cast %add3A_3138 : i32 to index
        %get3A_3142 = arith.constant 32 : index
        %get3A_3143 = tpu.vector_load %arg9[%get3A_3140, %get3A_3141, %get3A_3142] {strides = array<i32>} : memref<4x224x64xf32, #tpu.memory_space<vmem>>, vector<1x1x16xf32>,
        %get3A_3144 = vector.shape_cast %get3A_3143 : vector<1x1x16xf32> to vector<16xf32>
        %add3A_3145 = arith.addf %add3A_3134, %get3A_3144 : vector<16xf32>
        %mul3A_3146 = arith.constant 8 : i32
        %mul3A_3147 = arith.muli %scan3A_2932, %mul3A_3146 : i32
        %add3A_3148 = arith.constant 3 : i32
        %add3A_3149 = arith.addi %mul3A_3147, %add3A_3148 : i32
        %get3A_3150 = arith.constant 2 : i32
        %get3A_3151 = arith.index_cast %get3A_3150 : i32 to index
        %get3A_3152 = arith.index_cast %add3A_3149 : i32 to index
        %get3A_3153 = arith.constant 32 : index
        %get3A_3154 = tpu.vector_load %arg9[%get3A_3151, %get3A_3152, %get3A_3153] {strides = array<i32>} : memref<4x224x64xf32, #tpu.memory_space<vmem>>, vector<1x1x16xf32>,
        %get3A_3155 = vector.shape_cast %get3A_3154 : vector<1x1x16xf32> to vector<16xf32>
        %add3A_3156 = arith.addf %add3A_3145, %get3A_3155 : vector<16xf32>
        %mul3A_3157 = arith.constant 8 : i32
        %mul3A_3158 = arith.muli %scan3A_2932, %mul3A_3157 : i32
        %add3A_3159 = arith.constant 4 : i32
        %add3A_3160 = arith.addi %mul3A_3158, %add3A_3159 : i32
        %get3A_3161 = arith.constant 2 : i32
        %get3A_3162 = arith.index_cast %get3A_3161 : i32 to index
        %get3A_3163 = arith.index_cast %add3A_3160 : i32 to index
        %get3A_3164 = arith.constant 32 : index
        %get3A_3165 = tpu.vector_load %arg9[%get3A_3162, %get3A_3163, %get3A_3164] {strides = array<i32>} : memref<4x224x64xf32, #tpu.memory_space<vmem>>, vector<1x1x16xf32>,
        %get3A_3166 = vector.shape_cast %get3A_3165 : vector<1x1x16xf32> to vector<16xf32>
        %add3A_3167 = arith.addf %add3A_3156, %get3A_3166 : vector<16xf32>
        %mul3A_3168 = arith.constant 8 : i32
        %mul3A_3169 = arith.muli %scan3A_2932, %mul3A_3168 : i32
        %add3A_3170 = arith.constant 5 : i32
        %add3A_3171 = arith.addi %mul3A_3169, %add3A_3170 : i32
        %get3A_3172 = arith.constant 2 : i32
        %get3A_3173 = arith.index_cast %get3A_3172 : i32 to index
        %get3A_3174 = arith.index_cast %add3A_3171 : i32 to index
        %get3A_3175 = arith.constant 32 : index
        %get3A_3176 = tpu.vector_load %arg9[%get3A_3173, %get3A_3174, %get3A_3175] {strides = array<i32>} : memref<4x224x64xf32, #tpu.memory_space<vmem>>, vector<1x1x16xf32>,
        %get3A_3177 = vector.shape_cast %get3A_3176 : vector<1x1x16xf32> to vector<16xf32>
        %add3A_3178 = arith.addf %add3A_3167, %get3A_3177 : vector<16xf32>
        %mul3A_3179 = arith.constant 8 : i32
        %mul3A_3180 = arith.muli %scan3A_2932, %mul3A_3179 : i32
        %add3A_3181 = arith.constant 6 : i32
        %add3A_3182 = arith.addi %mul3A_3180, %add3A_3181 : i32
        %get3A_3183 = arith.constant 2 : i32
        %get3A_3184 = arith.index_cast %get3A_3183 : i32 to index
        %get3A_3185 = arith.index_cast %add3A_3182 : i32 to index
        %get3A_3186 = arith.constant 32 : index
        %get3A_3187 = tpu.vector_load %arg9[%get3A_3184, %get3A_3185, %get3A_3186] {strides = array<i32>} : memref<4x224x64xf32, #tpu.memory_space<vmem>>, vector<1x1x16xf32>,
        %get3A_3188 = vector.shape_cast %get3A_3187 : vector<1x1x16xf32> to vector<16xf32>
        %add3A_3189 = arith.addf %add3A_3178, %get3A_3188 : vector<16xf32>
        %mul3A_3190 = arith.constant 8 : i32
        %mul3A_3191 = arith.muli %scan3A_2932, %mul3A_3190 : i32
        %add3A_3192 = arith.constant 7 : i32
        %add3A_3193 = arith.addi %mul3A_3191, %add3A_3192 : i32
        %get3A_3194 = arith.constant 2 : i32
        %get3A_3195 = arith.index_cast %get3A_3194 : i32 to index
        %get3A_3196 = arith.index_cast %add3A_3193 : i32 to index
        %get3A_3197 = arith.constant 32 : index
        %get3A_3198 = tpu.vector_load %arg9[%get3A_3195, %get3A_3196, %get3A_3197] {strides = array<i32>} : memref<4x224x64xf32, #tpu.memory_space<vmem>>, vector<1x1x16xf32>,
        %get3A_3199 = vector.shape_cast %get3A_3198 : vector<1x1x16xf32> to vector<16xf32>
        %add3A_3200 = arith.addf %add3A_3189, %get3A_3199 : vector<16xf32>
        %mul3A_3201 = arith.constant 8 : i32
        %mul3A_3202 = arith.muli %scan3A_2932, %mul3A_3201 : i32
        %add3A_3203 = arith.constant 0 : i32
        %add3A_3204 = arith.addi %mul3A_3202, %add3A_3203 : i32
        %get3A_3205 = arith.constant 2 : i32
        %get3A_3206 = arith.index_cast %get3A_3205 : i32 to index
        %get3A_3207 = arith.index_cast %add3A_3204 : i32 to index
        %get3A_3208 = arith.constant 48 : index
        %get3A_3209 = tpu.vector_load %arg9[%get3A_3206, %get3A_3207, %get3A_3208] {strides = array<i32>} : memref<4x224x64xf32, #tpu.memory_space<vmem>>, vector<1x1x16xf32>,
        %get3A_3210 = vector.shape_cast %get3A_3209 : vector<1x1x16xf32> to vector<16xf32>
        %add3A_3211 = arith.addf %scan3A_2936, %get3A_3210 : vector<16xf32>
        %mul3A_3212 = arith.constant 8 : i32
        %mul3A_3213 = arith.muli %scan3A_2932, %mul3A_3212 : i32
        %add3A_3214 = arith.constant 1 : i32
        %add3A_3215 = arith.addi %mul3A_3213, %add3A_3214 : i32
        %get3A_3216 = arith.constant 2 : i32
        %get3A_3217 = arith.index_cast %get3A_3216 : i32 to index
        %get3A_3218 = arith.index_cast %add3A_3215 : i32 to index
        %get3A_3219 = arith.constant 48 : index
        %get3A_3220 = tpu.vector_load %arg9[%get3A_3217, %get3A_3218, %get3A_3219] {strides = array<i32>} : memref<4x224x64xf32, #tpu.memory_space<vmem>>, vector<1x1x16xf32>,
        %get3A_3221 = vector.shape_cast %get3A_3220 : vector<1x1x16xf32> to vector<16xf32>
        %add3A_3222 = arith.addf %add3A_3211, %get3A_3221 : vector<16xf32>
        %mul3A_3223 = arith.constant 8 : i32
        %mul3A_3224 = arith.muli %scan3A_2932, %mul3A_3223 : i32
        %add3A_3225 = arith.constant 2 : i32
        %add3A_3226 = arith.addi %mul3A_3224, %add3A_3225 : i32
        %get3A_3227 = arith.constant 2 : i32
        %get3A_3228 = arith.index_cast %get3A_3227 : i32 to index
        %get3A_3229 = arith.index_cast %add3A_3226 : i32 to index
        %get3A_3230 = arith.constant 48 : index
        %get3A_3231 = tpu.vector_load %arg9[%get3A_3228, %get3A_3229, %get3A_3230] {strides = array<i32>} : memref<4x224x64xf32, #tpu.memory_space<vmem>>, vector<1x1x16xf32>,
        %get3A_3232 = vector.shape_cast %get3A_3231 : vector<1x1x16xf32> to vector<16xf32>
        %add3A_3233 = arith.addf %add3A_3222, %get3A_3232 : vector<16xf32>
        %mul3A_3234 = arith.constant 8 : i32
        %mul3A_3235 = arith.muli %scan3A_2932, %mul3A_3234 : i32
        %add3A_3236 = arith.constant 3 : i32
        %add3A_3237 = arith.addi %mul3A_3235, %add3A_3236 : i32
        %get3A_3238 = arith.constant 2 : i32
        %get3A_3239 = arith.index_cast %get3A_3238 : i32 to index
        %get3A_3240 = arith.index_cast %add3A_3237 : i32 to index
        %get3A_3241 = arith.constant 48 : index
        %get3A_3242 = tpu.vector_load %arg9[%get3A_3239, %get3A_3240, %get3A_3241] {strides = array<i32>} : memref<4x224x64xf32, #tpu.memory_space<vmem>>, vector<1x1x16xf32>,
        %get3A_3243 = vector.shape_cast %get3A_3242 : vector<1x1x16xf32> to vector<16xf32>
        %add3A_3244 = arith.addf %add3A_3233, %get3A_3243 : vector<16xf32>
        %mul3A_3245 = arith.constant 8 : i32
        %mul3A_3246 = arith.muli %scan3A_2932, %mul3A_3245 : i32
        %add3A_3247 = arith.constant 4 : i32
        %add3A_3248 = arith.addi %mul3A_3246, %add3A_3247 : i32
        %get3A_3249 = arith.constant 2 : i32
        %get3A_3250 = arith.index_cast %get3A_3249 : i32 to index
        %get3A_3251 = arith.index_cast %add3A_3248 : i32 to index
        %get3A_3252 = arith.constant 48 : index
        %get3A_3253 = tpu.vector_load %arg9[%get3A_3250, %get3A_3251, %get3A_3252] {strides = array<i32>} : memref<4x224x64xf32, #tpu.memory_space<vmem>>, vector<1x1x16xf32>,
        %get3A_3254 = vector.shape_cast %get3A_3253 : vector<1x1x16xf32> to vector<16xf32>
        %add3A_3255 = arith.addf %add3A_3244, %get3A_3254 : vector<16xf32>
        %mul3A_3256 = arith.constant 8 : i32
        %mul3A_3257 = arith.muli %scan3A_2932, %mul3A_3256 : i32
        %add3A_3258 = arith.constant 5 : i32
        %add3A_3259 = arith.addi %mul3A_3257, %add3A_3258 : i32
        %get3A_3260 = arith.constant 2 : i32
        %get3A_3261 = arith.index_cast %get3A_3260 : i32 to index
        %get3A_3262 = arith.index_cast %add3A_3259 : i32 to index
        %get3A_3263 = arith.constant 48 : index
        %get3A_3264 = tpu.vector_load %arg9[%get3A_3261, %get3A_3262, %get3A_3263] {strides = array<i32>} : memref<4x224x64xf32, #tpu.memory_space<vmem>>, vector<1x1x16xf32>,
        %get3A_3265 = vector.shape_cast %get3A_3264 : vector<1x1x16xf32> to vector<16xf32>
        %add3A_3266 = arith.addf %add3A_3255, %get3A_3265 : vector<16xf32>
        %mul3A_3267 = arith.constant 8 : i32
        %mul3A_3268 = arith.muli %scan3A_2932, %mul3A_3267 : i32
        %add3A_3269 = arith.constant 6 : i32
        %add3A_3270 = arith.addi %mul3A_3268, %add3A_3269 : i32
        %get3A_3271 = arith.constant 2 : i32
        %get3A_3272 = arith.index_cast %get3A_3271 : i32 to index
        %get3A_3273 = arith.index_cast %add3A_3270 : i32 to index
        %get3A_3274 = arith.constant 48 : index
        %get3A_3275 = tpu.vector_load %arg9[%get3A_3272, %get3A_3273, %get3A_3274] {strides = array<i32>} : memref<4x224x64xf32, #tpu.memory_space<vmem>>, vector<1x1x16xf32>,
        %get3A_3276 = vector.shape_cast %get3A_3275 : vector<1x1x16xf32> to vector<16xf32>
        %add3A_3277 = arith.addf %add3A_3266, %get3A_3276 : vector<16xf32>
        %mul3A_3278 = arith.constant 8 : i32
        %mul3A_3279 = arith.muli %scan3A_2932, %mul3A_3278 : i32
        %add3A_3280 = arith.constant 7 : i32
        %add3A_3281 = arith.addi %mul3A_3279, %add3A_3280 : i32
        %get3A_3282 = arith.constant 2 : i32
        %get3A_3283 = arith.index_cast %get3A_3282 : i32 to index
        %get3A_3284 = arith.index_cast %add3A_3281 : i32 to index
        %get3A_3285 = arith.constant 48 : index
        %get3A_3286 = tpu.vector_load %arg9[%get3A_3283, %get3A_3284, %get3A_3285] {strides = array<i32>} : memref<4x224x64xf32, #tpu.memory_space<vmem>>, vector<1x1x16xf32>,
        %get3A_3287 = vector.shape_cast %get3A_3286 : vector<1x1x16xf32> to vector<16xf32>
        %add3A_3288 = arith.addf %add3A_3277, %get3A_3287 : vector<16xf32>
        scf.yield %add3A_3024, %add3A_3112, %add3A_3200, %add3A_3288 : vector<16xf32>, vector<16xf32>, vector<16xf32>, vector<16xf32>
      }
      %scan3A_1536 = arith.constant 25 : i32
      %swap3A_1537 = arith.index_cast %add3A_1512 : i32 to index
      %swap3A_1538 = arith.constant 0 : index
      %swap3A_1539 = tpu.vector_load %arg11[%swap3A_1537, %swap3A_1538] {strides = array<i32>} : memref<128x64xf32, #tpu.memory_space<vmem>>, vector<1x16xf32>,
      %swap3A_1540 = vector.shape_cast %swap3A_1539 : vector<1x16xf32> to vector<16xf32>
      %swap3A_1541 = vector.shape_cast %scan3A_1535#0 : vector<16xf32> to vector<1x16xf32>
      tpu.vector_store %arg11[%swap3A_1537, %swap3A_1538], %swap3A_1541 {strides = array<i32>} : memref<128x64xf32, #tpu.memory_space<vmem>>, vector<1x16xf32>,
      %swap3A_1542 = arith.index_cast %add3A_1512 : i32 to index
      %swap3A_1543 = arith.constant 16 : index
      %swap3A_1544 = tpu.vector_load %arg11[%swap3A_1542, %swap3A_1543] {strides = array<i32>} : memref<128x64xf32, #tpu.memory_space<vmem>>, vector<1x16xf32>,
      %swap3A_1545 = vector.shape_cast %swap3A_1544 : vector<1x16xf32> to vector<16xf32>
      %swap3A_1546 = vector.shape_cast %scan3A_1535#1 : vector<16xf32> to vector<1x16xf32>
      tpu.vector_store %arg11[%swap3A_1542, %swap3A_1543], %swap3A_1546 {strides = array<i32>} : memref<128x64xf32, #tpu.memory_space<vmem>>, vector<1x16xf32>,
      %swap3A_1547 = arith.index_cast %add3A_1512 : i32 to index
      %swap3A_1548 = arith.constant 32 : index
      %swap3A_1549 = tpu.vector_load %arg11[%swap3A_1547, %swap3A_1548] {strides = array<i32>} : memref<128x64xf32, #tpu.memory_space<vmem>>, vector<1x16xf32>,
      %swap3A_1550 = vector.shape_cast %swap3A_1549 : vector<1x16xf32> to vector<16xf32>
      %swap3A_1551 = vector.shape_cast %scan3A_1535#2 : vector<16xf32> to vector<1x16xf32>
      tpu.vector_store %arg11[%swap3A_1547, %swap3A_1548], %swap3A_1551 {strides = array<i32>} : memref<128x64xf32, #tpu.memory_space<vmem>>, vector<1x16xf32>,
      %swap3A_1552 = arith.index_cast %add3A_1512 : i32 to index
      %swap3A_1553 = arith.constant 48 : index
      %swap3A_1554 = tpu.vector_load %arg11[%swap3A_1552, %swap3A_1553] {strides = array<i32>} : memref<128x64xf32, #tpu.memory_space<vmem>>, vector<1x16xf32>,
      %swap3A_1555 = vector.shape_cast %swap3A_1554 : vector<1x16xf32> to vector<16xf32>
      %swap3A_1556 = vector.shape_cast %scan3A_1535#3 : vector<16xf32> to vector<1x16xf32>
      tpu.vector_store %arg11[%swap3A_1552, %swap3A_1553], %swap3A_1556 {strides = array<i32>} : memref<128x64xf32, #tpu.memory_space<vmem>>, vector<1x16xf32>,
      %get3A_1557 = arith.constant 2 : i32
      %get3A_1558 = arith.constant 200 : i32
      %get3A_1559 = arith.index_cast %get3A_1557 : i32 to index
      %get3A_1560 = arith.index_cast %get3A_1558 : i32 to index
      %get3A_1561 = arith.constant 0 : index
      %get3A_1562 = tpu.vector_load %arg9[%get3A_1559, %get3A_1560, %get3A_1561] {strides = array<i32>} : memref<4x224x64xf32, #tpu.memory_space<vmem>>, vector<1x1x16xf32>,
      %get3A_1563 = vector.shape_cast %get3A_1562 : vector<1x1x16xf32> to vector<16xf32>
      %get3A_1564 = arith.constant 2 : i32
      %get3A_1565 = arith.constant 201 : i32
      %get3A_1566 = arith.index_cast %get3A_1564 : i32 to index
      %get3A_1567 = arith.index_cast %get3A_1565 : i32 to index
      %get3A_1568 = arith.constant 0 : index
      %get3A_1569 = tpu.vector_load %arg9[%get3A_1566, %get3A_1567, %get3A_1568] {strides = array<i32>} : memref<4x224x64xf32, #tpu.memory_space<vmem>>, vector<1x1x16xf32>,
      %get3A_1570 = vector.shape_cast %get3A_1569 : vector<1x1x16xf32> to vector<16xf32>
      %add3A_1571 = arith.addf %get3A_1563, %get3A_1570 : vector<16xf32>
      %get3A_1572 = arith.constant 2 : i32
      %get3A_1573 = arith.constant 202 : i32
      %get3A_1574 = arith.index_cast %get3A_1572 : i32 to index
      %get3A_1575 = arith.index_cast %get3A_1573 : i32 to index
      %get3A_1576 = arith.constant 0 : index
      %get3A_1577 = tpu.vector_load %arg9[%get3A_1574, %get3A_1575, %get3A_1576] {strides = array<i32>} : memref<4x224x64xf32, #tpu.memory_space<vmem>>, vector<1x1x16xf32>,
      %get3A_1578 = vector.shape_cast %get3A_1577 : vector<1x1x16xf32> to vector<16xf32>
      %add3A_1579 = arith.addf %add3A_1571, %get3A_1578 : vector<16xf32>
      %get3A_1580 = arith.constant 2 : i32
      %get3A_1581 = arith.constant 203 : i32
      %get3A_1582 = arith.index_cast %get3A_1580 : i32 to index
      %get3A_1583 = arith.index_cast %get3A_1581 : i32 to index
      %get3A_1584 = arith.constant 0 : index
      %get3A_1585 = tpu.vector_load %arg9[%get3A_1582, %get3A_1583, %get3A_1584] {strides = array<i32>} : memref<4x224x64xf32, #tpu.memory_space<vmem>>, vector<1x1x16xf32>,
      %get3A_1586 = vector.shape_cast %get3A_1585 : vector<1x1x16xf32> to vector<16xf32>
      %add3A_1587 = arith.addf %add3A_1579, %get3A_1586 : vector<16xf32>
      %get3A_1588 = arith.constant 2 : i32
      %get3A_1589 = arith.constant 204 : i32
      %get3A_1590 = arith.index_cast %get3A_1588 : i32 to index
      %get3A_1591 = arith.index_cast %get3A_1589 : i32 to index
      %get3A_1592 = arith.constant 0 : index
      %get3A_1593 = tpu.vector_load %arg9[%get3A_1590, %get3A_1591, %get3A_1592] {strides = array<i32>} : memref<4x224x64xf32, #tpu.memory_space<vmem>>, vector<1x1x16xf32>,
      %get3A_1594 = vector.shape_cast %get3A_1593 : vector<1x1x16xf32> to vector<16xf32>
      %add3A_1595 = arith.addf %add3A_1587, %get3A_1594 : vector<16xf32>
      %get3A_1596 = arith.constant 2 : i32
      %get3A_1597 = arith.constant 205 : i32
      %get3A_1598 = arith.index_cast %get3A_1596 : i32 to index
      %get3A_1599 = arith.index_cast %get3A_1597 : i32 to index
      %get3A_1600 = arith.constant 0 : index
      %get3A_1601 = tpu.vector_load %arg9[%get3A_1598, %get3A_1599, %get3A_1600] {strides = array<i32>} : memref<4x224x64xf32, #tpu.memory_space<vmem>>, vector<1x1x16xf32>,
      %get3A_1602 = vector.shape_cast %get3A_1601 : vector<1x1x16xf32> to vector<16xf32>
      %add3A_1603 = arith.addf %add3A_1595, %get3A_1602 : vector<16xf32>
      %get3A_1604 = arith.constant 2 : i32
      %get3A_1605 = arith.constant 206 : i32
      %get3A_1606 = arith.index_cast %get3A_1604 : i32 to index
      %get3A_1607 = arith.index_cast %get3A_1605 : i32 to index
      %get3A_1608 = arith.constant 0 : index
      %get3A_1609 = tpu.vector_load %arg9[%get3A_1606, %get3A_1607, %get3A_1608] {strides = array<i32>} : memref<4x224x64xf32, #tpu.memory_space<vmem>>, vector<1x1x16xf32>,
      %get3A_1610 = vector.shape_cast %get3A_1609 : vector<1x1x16xf32> to vector<16xf32>
      %add3A_1611 = arith.addf %add3A_1603, %get3A_1610 : vector<16xf32>
      %get3A_1612 = arith.constant 2 : i32
      %get3A_1613 = arith.constant 207 : i32
      %get3A_1614 = arith.index_cast %get3A_1612 : i32 to index
      %get3A_1615 = arith.index_cast %get3A_1613 : i32 to index
      %get3A_1616 = arith.constant 0 : index
      %get3A_1617 = tpu.vector_load %arg9[%get3A_1614, %get3A_1615, %get3A_1616] {strides = array<i32>} : memref<4x224x64xf32, #tpu.memory_space<vmem>>, vector<1x1x16xf32>,
      %get3A_1618 = vector.shape_cast %get3A_1617 : vector<1x1x16xf32> to vector<16xf32>
      %add3A_1619 = arith.addf %add3A_1611, %get3A_1618 : vector<16xf32>
      %get3A_1620 = arith.constant 2 : i32
      %get3A_1621 = arith.constant 208 : i32
      %get3A_1622 = arith.index_cast %get3A_1620 : i32 to index
      %get3A_1623 = arith.index_cast %get3A_1621 : i32 to index
      %get3A_1624 = arith.constant 0 : index
      %get3A_1625 = tpu.vector_load %arg9[%get3A_1622, %get3A_1623, %get3A_1624] {strides = array<i32>} : memref<4x224x64xf32, #tpu.memory_space<vmem>>, vector<1x1x16xf32>,
      %get3A_1626 = vector.shape_cast %get3A_1625 : vector<1x1x16xf32> to vector<16xf32>
      %add3A_1627 = arith.addf %add3A_1619, %get3A_1626 : vector<16xf32>
      %get3A_1628 = arith.constant 2 : i32
      %get3A_1629 = arith.constant 209 : i32
      %get3A_1630 = arith.index_cast %get3A_1628 : i32 to index
      %get3A_1631 = arith.index_cast %get3A_1629 : i32 to index
      %get3A_1632 = arith.constant 0 : index
      %get3A_1633 = tpu.vector_load %arg9[%get3A_1630, %get3A_1631, %get3A_1632] {strides = array<i32>} : memref<4x224x64xf32, #tpu.memory_space<vmem>>, vector<1x1x16xf32>,
      %get3A_1634 = vector.shape_cast %get3A_1633 : vector<1x1x16xf32> to vector<16xf32>
      %add3A_1635 = arith.addf %add3A_1627, %get3A_1634 : vector<16xf32>
      %get3A_1636 = arith.constant 2 : i32
      %get3A_1637 = arith.constant 210 : i32
      %get3A_1638 = arith.index_cast %get3A_1636 : i32 to index
      %get3A_1639 = arith.index_cast %get3A_1637 : i32 to index
      %get3A_1640 = arith.constant 0 : index
      %get3A_1641 = tpu.vector_load %arg9[%get3A_1638, %get3A_1639, %get3A_1640] {strides = array<i32>} : memref<4x224x64xf32, #tpu.memory_space<vmem>>, vector<1x1x16xf32>,
      %get3A_1642 = vector.shape_cast %get3A_1641 : vector<1x1x16xf32> to vector<16xf32>
      %add3A_1643 = arith.addf %add3A_1635, %get3A_1642 : vector<16xf32>
      %get3A_1644 = arith.constant 2 : i32
      %get3A_1645 = arith.constant 211 : i32
      %get3A_1646 = arith.index_cast %get3A_1644 : i32 to index
      %get3A_1647 = arith.index_cast %get3A_1645 : i32 to index
      %get3A_1648 = arith.constant 0 : index
      %get3A_1649 = tpu.vector_load %arg9[%get3A_1646, %get3A_1647, %get3A_1648] {strides = array<i32>} : memref<4x224x64xf32, #tpu.memory_space<vmem>>, vector<1x1x16xf32>,
      %get3A_1650 = vector.shape_cast %get3A_1649 : vector<1x1x16xf32> to vector<16xf32>
      %add3A_1651 = arith.addf %add3A_1643, %get3A_1650 : vector<16xf32>
      %get3A_1652 = arith.constant 2 : i32
      %get3A_1653 = arith.constant 212 : i32
      %get3A_1654 = arith.index_cast %get3A_1652 : i32 to index
      %get3A_1655 = arith.index_cast %get3A_1653 : i32 to index
      %get3A_1656 = arith.constant 0 : index
      %get3A_1657 = tpu.vector_load %arg9[%get3A_1654, %get3A_1655, %get3A_1656] {strides = array<i32>} : memref<4x224x64xf32, #tpu.memory_space<vmem>>, vector<1x1x16xf32>,
      %get3A_1658 = vector.shape_cast %get3A_1657 : vector<1x1x16xf32> to vector<16xf32>
      %add3A_1659 = arith.addf %add3A_1651, %get3A_1658 : vector<16xf32>
      %get3A_1660 = arith.constant 2 : i32
      %get3A_1661 = arith.constant 213 : i32
      %get3A_1662 = arith.index_cast %get3A_1660 : i32 to index
      %get3A_1663 = arith.index_cast %get3A_1661 : i32 to index
      %get3A_1664 = arith.constant 0 : index
      %get3A_1665 = tpu.vector_load %arg9[%get3A_1662, %get3A_1663, %get3A_1664] {strides = array<i32>} : memref<4x224x64xf32, #tpu.memory_space<vmem>>, vector<1x1x16xf32>,
      %get3A_1666 = vector.shape_cast %get3A_1665 : vector<1x1x16xf32> to vector<16xf32>
      %add3A_1667 = arith.addf %add3A_1659, %get3A_1666 : vector<16xf32>
      %get3A_1668 = arith.constant 2 : i32
      %get3A_1669 = arith.constant 214 : i32
      %get3A_1670 = arith.index_cast %get3A_1668 : i32 to index
      %get3A_1671 = arith.index_cast %get3A_1669 : i32 to index
      %get3A_1672 = arith.constant 0 : index
      %get3A_1673 = tpu.vector_load %arg9[%get3A_1670, %get3A_1671, %get3A_1672] {strides = array<i32>} : memref<4x224x64xf32, #tpu.memory_space<vmem>>, vector<1x1x16xf32>,
      %get3A_1674 = vector.shape_cast %get3A_1673 : vector<1x1x16xf32> to vector<16xf32>
      %add3A_1675 = arith.addf %add3A_1667, %get3A_1674 : vector<16xf32>
      %get3A_1676 = arith.constant 2 : i32
      %get3A_1677 = arith.constant 215 : i32
      %get3A_1678 = arith.index_cast %get3A_1676 : i32 to index
      %get3A_1679 = arith.index_cast %get3A_1677 : i32 to index
      %get3A_1680 = arith.constant 0 : index
      %get3A_1681 = tpu.vector_load %arg9[%get3A_1678, %get3A_1679, %get3A_1680] {strides = array<i32>} : memref<4x224x64xf32, #tpu.memory_space<vmem>>, vector<1x1x16xf32>,
      %get3A_1682 = vector.shape_cast %get3A_1681 : vector<1x1x16xf32> to vector<16xf32>
      %add3A_1683 = arith.addf %add3A_1675, %get3A_1682 : vector<16xf32>
      %get3A_1684 = arith.constant 2 : i32
      %get3A_1685 = arith.constant 216 : i32
      %get3A_1686 = arith.index_cast %get3A_1684 : i32 to index
      %get3A_1687 = arith.index_cast %get3A_1685 : i32 to index
      %get3A_1688 = arith.constant 0 : index
      %get3A_1689 = tpu.vector_load %arg9[%get3A_1686, %get3A_1687, %get3A_1688] {strides = array<i32>} : memref<4x224x64xf32, #tpu.memory_space<vmem>>, vector<1x1x16xf32>,
      %get3A_1690 = vector.shape_cast %get3A_1689 : vector<1x1x16xf32> to vector<16xf32>
      %add3A_1691 = arith.addf %add3A_1683, %get3A_1690 : vector<16xf32>
      %get3A_1692 = arith.constant 2 : i32
      %get3A_1693 = arith.constant 217 : i32
      %get3A_1694 = arith.index_cast %get3A_1692 : i32 to index
      %get3A_1695 = arith.index_cast %get3A_1693 : i32 to index
      %get3A_1696 = arith.constant 0 : index
      %get3A_1697 = tpu.vector_load %arg9[%get3A_1694, %get3A_1695, %get3A_1696] {strides = array<i32>} : memref<4x224x64xf32, #tpu.memory_space<vmem>>, vector<1x1x16xf32>,
      %get3A_1698 = vector.shape_cast %get3A_1697 : vector<1x1x16xf32> to vector<16xf32>
      %add3A_1699 = arith.addf %add3A_1691, %get3A_1698 : vector<16xf32>
      %get3A_1700 = arith.constant 2 : i32
      %get3A_1701 = arith.constant 218 : i32
      %get3A_1702 = arith.index_cast %get3A_1700 : i32 to index
      %get3A_1703 = arith.index_cast %get3A_1701 : i32 to index
      %get3A_1704 = arith.constant 0 : index
      %get3A_1705 = tpu.vector_load %arg9[%get3A_1702, %get3A_1703, %get3A_1704] {strides = array<i32>} : memref<4x224x64xf32, #tpu.memory_space<vmem>>, vector<1x1x16xf32>,
      %get3A_1706 = vector.shape_cast %get3A_1705 : vector<1x1x16xf32> to vector<16xf32>
      %add3A_1707 = arith.addf %add3A_1699, %get3A_1706 : vector<16xf32>
      %get3A_1708 = arith.constant 2 : i32
      %get3A_1709 = arith.constant 219 : i32
      %get3A_1710 = arith.index_cast %get3A_1708 : i32 to index
      %get3A_1711 = arith.index_cast %get3A_1709 : i32 to index
      %get3A_1712 = arith.constant 0 : index
      %get3A_1713 = tpu.vector_load %arg9[%get3A_1710, %get3A_1711, %get3A_1712] {strides = array<i32>} : memref<4x224x64xf32, #tpu.memory_space<vmem>>, vector<1x1x16xf32>,
      %get3A_1714 = vector.shape_cast %get3A_1713 : vector<1x1x16xf32> to vector<16xf32>
      %add3A_1715 = arith.addf %add3A_1707, %get3A_1714 : vector<16xf32>
      %swap3A_1716 = arith.index_cast %add3A_1512 : i32 to index
      %swap3A_1717 = arith.constant 0 : index
      %swap3A_1718 = tpu.vector_load %arg10[%swap3A_1716, %swap3A_1717] {strides = array<i32>} : memref<128x64xf32, #tpu.memory_space<vmem>>, vector<1x16xf32>,
      %swap3A_1719 = vector.shape_cast %swap3A_1718 : vector<1x16xf32> to vector<16xf32>
      %swap3A_1720 = vector.shape_cast %add3A_1715 : vector<16xf32> to vector<1x16xf32>
      tpu.vector_store %arg10[%swap3A_1716, %swap3A_1717], %swap3A_1720 {strides = array<i32>} : memref<128x64xf32, #tpu.memory_space<vmem>>, vector<1x16xf32>,
      %get3A_1721 = arith.constant 2 : i32
      %get3A_1722 = arith.constant 200 : i32
      %get3A_1723 = arith.index_cast %get3A_1721 : i32 to index
      %get3A_1724 = arith.index_cast %get3A_1722 : i32 to index
      %get3A_1725 = arith.constant 16 : index
      %get3A_1726 = tpu.vector_load %arg9[%get3A_1723, %get3A_1724, %get3A_1725] {strides = array<i32>} : memref<4x224x64xf32, #tpu.memory_space<vmem>>, vector<1x1x16xf32>,
      %get3A_1727 = vector.shape_cast %get3A_1726 : vector<1x1x16xf32> to vector<16xf32>
      %get3A_1728 = arith.constant 2 : i32
      %get3A_1729 = arith.constant 201 : i32
      %get3A_1730 = arith.index_cast %get3A_1728 : i32 to index
      %get3A_1731 = arith.index_cast %get3A_1729 : i32 to index
      %get3A_1732 = arith.constant 16 : index
      %get3A_1733 = tpu.vector_load %arg9[%get3A_1730, %get3A_1731, %get3A_1732] {strides = array<i32>} : memref<4x224x64xf32, #tpu.memory_space<vmem>>, vector<1x1x16xf32>,
      %get3A_1734 = vector.shape_cast %get3A_1733 : vector<1x1x16xf32> to vector<16xf32>
      %add3A_1735 = arith.addf %get3A_1727, %get3A_1734 : vector<16xf32>
      %get3A_1736 = arith.constant 2 : i32
      %get3A_1737 = arith.constant 202 : i32
      %get3A_1738 = arith.index_cast %get3A_1736 : i32 to index
      %get3A_1739 = arith.index_cast %get3A_1737 : i32 to index
      %get3A_1740 = arith.constant 16 : index
      %get3A_1741 = tpu.vector_load %arg9[%get3A_1738, %get3A_1739, %get3A_1740] {strides = array<i32>} : memref<4x224x64xf32, #tpu.memory_space<vmem>>, vector<1x1x16xf32>,
      %get3A_1742 = vector.shape_cast %get3A_1741 : vector<1x1x16xf32> to vector<16xf32>
      %add3A_1743 = arith.addf %add3A_1735, %get3A_1742 : vector<16xf32>
      %get3A_1744 = arith.constant 2 : i32
      %get3A_1745 = arith.constant 203 : i32
      %get3A_1746 = arith.index_cast %get3A_1744 : i32 to index
      %get3A_1747 = arith.index_cast %get3A_1745 : i32 to index
      %get3A_1748 = arith.constant 16 : index
      %get3A_1749 = tpu.vector_load %arg9[%get3A_1746, %get3A_1747, %get3A_1748] {strides = array<i32>} : memref<4x224x64xf32, #tpu.memory_space<vmem>>, vector<1x1x16xf32>,
      %get3A_1750 = vector.shape_cast %get3A_1749 : vector<1x1x16xf32> to vector<16xf32>
      %add3A_1751 = arith.addf %add3A_1743, %get3A_1750 : vector<16xf32>
      %get3A_1752 = arith.constant 2 : i32
      %get3A_1753 = arith.constant 204 : i32
      %get3A_1754 = arith.index_cast %get3A_1752 : i32 to index
      %get3A_1755 = arith.index_cast %get3A_1753 : i32 to index
      %get3A_1756 = arith.constant 16 : index
      %get3A_1757 = tpu.vector_load %arg9[%get3A_1754, %get3A_1755, %get3A_1756] {strides = array<i32>} : memref<4x224x64xf32, #tpu.memory_space<vmem>>, vector<1x1x16xf32>,
      %get3A_1758 = vector.shape_cast %get3A_1757 : vector<1x1x16xf32> to vector<16xf32>
      %add3A_1759 = arith.addf %add3A_1751, %get3A_1758 : vector<16xf32>
      %get3A_1760 = arith.constant 2 : i32
      %get3A_1761 = arith.constant 205 : i32
      %get3A_1762 = arith.index_cast %get3A_1760 : i32 to index
      %get3A_1763 = arith.index_cast %get3A_1761 : i32 to index
      %get3A_1764 = arith.constant 16 : index
      %get3A_1765 = tpu.vector_load %arg9[%get3A_1762, %get3A_1763, %get3A_1764] {strides = array<i32>} : memref<4x224x64xf32, #tpu.memory_space<vmem>>, vector<1x1x16xf32>,
      %get3A_1766 = vector.shape_cast %get3A_1765 : vector<1x1x16xf32> to vector<16xf32>
      %add3A_1767 = arith.addf %add3A_1759, %get3A_1766 : vector<16xf32>
      %get3A_1768 = arith.constant 2 : i32
      %get3A_1769 = arith.constant 206 : i32
      %get3A_1770 = arith.index_cast %get3A_1768 : i32 to index
      %get3A_1771 = arith.index_cast %get3A_1769 : i32 to index
      %get3A_1772 = arith.constant 16 : index
      %get3A_1773 = tpu.vector_load %arg9[%get3A_1770, %get3A_1771, %get3A_1772] {strides = array<i32>} : memref<4x224x64xf32, #tpu.memory_space<vmem>>, vector<1x1x16xf32>,
      %get3A_1774 = vector.shape_cast %get3A_1773 : vector<1x1x16xf32> to vector<16xf32>
      %add3A_1775 = arith.addf %add3A_1767, %get3A_1774 : vector<16xf32>
      %get3A_1776 = arith.constant 2 : i32
      %get3A_1777 = arith.constant 207 : i32
      %get3A_1778 = arith.index_cast %get3A_1776 : i32 to index
      %get3A_1779 = arith.index_cast %get3A_1777 : i32 to index
      %get3A_1780 = arith.constant 16 : index
      %get3A_1781 = tpu.vector_load %arg9[%get3A_1778, %get3A_1779, %get3A_1780] {strides = array<i32>} : memref<4x224x64xf32, #tpu.memory_space<vmem>>, vector<1x1x16xf32>,
      %get3A_1782 = vector.shape_cast %get3A_1781 : vector<1x1x16xf32> to vector<16xf32>
      %add3A_1783 = arith.addf %add3A_1775, %get3A_1782 : vector<16xf32>
      %get3A_1784 = arith.constant 2 : i32
      %get3A_1785 = arith.constant 208 : i32
      %get3A_1786 = arith.index_cast %get3A_1784 : i32 to index
      %get3A_1787 = arith.index_cast %get3A_1785 : i32 to index
      %get3A_1788 = arith.constant 16 : index
      %get3A_1789 = tpu.vector_load %arg9[%get3A_1786, %get3A_1787, %get3A_1788] {strides = array<i32>} : memref<4x224x64xf32, #tpu.memory_space<vmem>>, vector<1x1x16xf32>,
      %get3A_1790 = vector.shape_cast %get3A_1789 : vector<1x1x16xf32> to vector<16xf32>
      %add3A_1791 = arith.addf %add3A_1783, %get3A_1790 : vector<16xf32>
      %get3A_1792 = arith.constant 2 : i32
      %get3A_1793 = arith.constant 209 : i32
      %get3A_1794 = arith.index_cast %get3A_1792 : i32 to index
      %get3A_1795 = arith.index_cast %get3A_1793 : i32 to index
      %get3A_1796 = arith.constant 16 : index
      %get3A_1797 = tpu.vector_load %arg9[%get3A_1794, %get3A_1795, %get3A_1796] {strides = array<i32>} : memref<4x224x64xf32, #tpu.memory_space<vmem>>, vector<1x1x16xf32>,
      %get3A_1798 = vector.shape_cast %get3A_1797 : vector<1x1x16xf32> to vector<16xf32>
      %add3A_1799 = arith.addf %add3A_1791, %get3A_1798 : vector<16xf32>
      %get3A_1800 = arith.constant 2 : i32
      %get3A_1801 = arith.constant 210 : i32
      %get3A_1802 = arith.index_cast %get3A_1800 : i32 to index
      %get3A_1803 = arith.index_cast %get3A_1801 : i32 to index
      %get3A_1804 = arith.constant 16 : index
      %get3A_1805 = tpu.vector_load %arg9[%get3A_1802, %get3A_1803, %get3A_1804] {strides = array<i32>} : memref<4x224x64xf32, #tpu.memory_space<vmem>>, vector<1x1x16xf32>,
      %get3A_1806 = vector.shape_cast %get3A_1805 : vector<1x1x16xf32> to vector<16xf32>
      %add3A_1807 = arith.addf %add3A_1799, %get3A_1806 : vector<16xf32>
      %get3A_1808 = arith.constant 2 : i32
      %get3A_1809 = arith.constant 211 : i32
      %get3A_1810 = arith.index_cast %get3A_1808 : i32 to index
      %get3A_1811 = arith.index_cast %get3A_1809 : i32 to index
      %get3A_1812 = arith.constant 16 : index
      %get3A_1813 = tpu.vector_load %arg9[%get3A_1810, %get3A_1811, %get3A_1812] {strides = array<i32>} : memref<4x224x64xf32, #tpu.memory_space<vmem>>, vector<1x1x16xf32>,
      %get3A_1814 = vector.shape_cast %get3A_1813 : vector<1x1x16xf32> to vector<16xf32>
      %add3A_1815 = arith.addf %add3A_1807, %get3A_1814 : vector<16xf32>
      %get3A_1816 = arith.constant 2 : i32
      %get3A_1817 = arith.constant 212 : i32
      %get3A_1818 = arith.index_cast %get3A_1816 : i32 to index
      %get3A_1819 = arith.index_cast %get3A_1817 : i32 to index
      %get3A_1820 = arith.constant 16 : index
      %get3A_1821 = tpu.vector_load %arg9[%get3A_1818, %get3A_1819, %get3A_1820] {strides = array<i32>} : memref<4x224x64xf32, #tpu.memory_space<vmem>>, vector<1x1x16xf32>,
      %get3A_1822 = vector.shape_cast %get3A_1821 : vector<1x1x16xf32> to vector<16xf32>
      %add3A_1823 = arith.addf %add3A_1815, %get3A_1822 : vector<16xf32>
      %get3A_1824 = arith.constant 2 : i32
      %get3A_1825 = arith.constant 213 : i32
      %get3A_1826 = arith.index_cast %get3A_1824 : i32 to index
      %get3A_1827 = arith.index_cast %get3A_1825 : i32 to index
      %get3A_1828 = arith.constant 16 : index
      %get3A_1829 = tpu.vector_load %arg9[%get3A_1826, %get3A_1827, %get3A_1828] {strides = array<i32>} : memref<4x224x64xf32, #tpu.memory_space<vmem>>, vector<1x1x16xf32>,
      %get3A_1830 = vector.shape_cast %get3A_1829 : vector<1x1x16xf32> to vector<16xf32>
      %add3A_1831 = arith.addf %add3A_1823, %get3A_1830 : vector<16xf32>
      %get3A_1832 = arith.constant 2 : i32
      %get3A_1833 = arith.constant 214 : i32
      %get3A_1834 = arith.index_cast %get3A_1832 : i32 to index
      %get3A_1835 = arith.index_cast %get3A_1833 : i32 to index
      %get3A_1836 = arith.constant 16 : index
      %get3A_1837 = tpu.vector_load %arg9[%get3A_1834, %get3A_1835, %get3A_1836] {strides = array<i32>} : memref<4x224x64xf32, #tpu.memory_space<vmem>>, vector<1x1x16xf32>,
      %get3A_1838 = vector.shape_cast %get3A_1837 : vector<1x1x16xf32> to vector<16xf32>
      %add3A_1839 = arith.addf %add3A_1831, %get3A_1838 : vector<16xf32>
      %get3A_1840 = arith.constant 2 : i32
      %get3A_1841 = arith.constant 215 : i32
      %get3A_1842 = arith.index_cast %get3A_1840 : i32 to index
      %get3A_1843 = arith.index_cast %get3A_1841 : i32 to index
      %get3A_1844 = arith.constant 16 : index
      %get3A_1845 = tpu.vector_load %arg9[%get3A_1842, %get3A_1843, %get3A_1844] {strides = array<i32>} : memref<4x224x64xf32, #tpu.memory_space<vmem>>, vector<1x1x16xf32>,
      %get3A_1846 = vector.shape_cast %get3A_1845 : vector<1x1x16xf32> to vector<16xf32>
      %add3A_1847 = arith.addf %add3A_1839, %get3A_1846 : vector<16xf32>
      %get3A_1848 = arith.constant 2 : i32
      %get3A_1849 = arith.constant 216 : i32
      %get3A_1850 = arith.index_cast %get3A_1848 : i32 to index
      %get3A_1851 = arith.index_cast %get3A_1849 : i32 to index
      %get3A_1852 = arith.constant 16 : index
      %get3A_1853 = tpu.vector_load %arg9[%get3A_1850, %get3A_1851, %get3A_1852] {strides = array<i32>} : memref<4x224x64xf32, #tpu.memory_space<vmem>>, vector<1x1x16xf32>,
      %get3A_1854 = vector.shape_cast %get3A_1853 : vector<1x1x16xf32> to vector<16xf32>
      %add3A_1855 = arith.addf %add3A_1847, %get3A_1854 : vector<16xf32>
      %get3A_1856 = arith.constant 2 : i32
      %get3A_1857 = arith.constant 217 : i32
      %get3A_1858 = arith.index_cast %get3A_1856 : i32 to index
      %get3A_1859 = arith.index_cast %get3A_1857 : i32 to index
      %get3A_1860 = arith.constant 16 : index
      %get3A_1861 = tpu.vector_load %arg9[%get3A_1858, %get3A_1859, %get3A_1860] {strides = array<i32>} : memref<4x224x64xf32, #tpu.memory_space<vmem>>, vector<1x1x16xf32>,
      %get3A_1862 = vector.shape_cast %get3A_1861 : vector<1x1x16xf32> to vector<16xf32>
      %add3A_1863 = arith.addf %add3A_1855, %get3A_1862 : vector<16xf32>
      %get3A_1864 = arith.constant 2 : i32
      %get3A_1865 = arith.constant 218 : i32
      %get3A_1866 = arith.index_cast %get3A_1864 : i32 to index
      %get3A_1867 = arith.index_cast %get3A_1865 : i32 to index
      %get3A_1868 = arith.constant 16 : index
      %get3A_1869 = tpu.vector_load %arg9[%get3A_1866, %get3A_1867, %get3A_1868] {strides = array<i32>} : memref<4x224x64xf32, #tpu.memory_space<vmem>>, vector<1x1x16xf32>,
      %get3A_1870 = vector.shape_cast %get3A_1869 : vector<1x1x16xf32> to vector<16xf32>
      %add3A_1871 = arith.addf %add3A_1863, %get3A_1870 : vector<16xf32>
      %get3A_1872 = arith.constant 2 : i32
      %get3A_1873 = arith.constant 219 : i32
      %get3A_1874 = arith.index_cast %get3A_1872 : i32 to index
      %get3A_1875 = arith.index_cast %get3A_1873 : i32 to index
      %get3A_1876 = arith.constant 16 : index
      %get3A_1877 = tpu.vector_load %arg9[%get3A_1874, %get3A_1875, %get3A_1876] {strides = array<i32>} : memref<4x224x64xf32, #tpu.memory_space<vmem>>, vector<1x1x16xf32>,
      %get3A_1878 = vector.shape_cast %get3A_1877 : vector<1x1x16xf32> to vector<16xf32>
      %add3A_1879 = arith.addf %add3A_1871, %get3A_1878 : vector<16xf32>
      %swap3A_1880 = arith.index_cast %add3A_1512 : i32 to index
      %swap3A_1881 = arith.constant 16 : index
      %swap3A_1882 = tpu.vector_load %arg10[%swap3A_1880, %swap3A_1881] {strides = array<i32>} : memref<128x64xf32, #tpu.memory_space<vmem>>, vector<1x16xf32>,
      %swap3A_1883 = vector.shape_cast %swap3A_1882 : vector<1x16xf32> to vector<16xf32>
      %swap3A_1884 = vector.shape_cast %add3A_1879 : vector<16xf32> to vector<1x16xf32>
      tpu.vector_store %arg10[%swap3A_1880, %swap3A_1881], %swap3A_1884 {strides = array<i32>} : memref<128x64xf32, #tpu.memory_space<vmem>>, vector<1x16xf32>,
      %get3A_1885 = arith.constant 2 : i32
      %get3A_1886 = arith.constant 200 : i32
      %get3A_1887 = arith.index_cast %get3A_1885 : i32 to index
      %get3A_1888 = arith.index_cast %get3A_1886 : i32 to index
      %get3A_1889 = arith.constant 32 : index
      %get3A_1890 = tpu.vector_load %arg9[%get3A_1887, %get3A_1888, %get3A_1889] {strides = array<i32>} : memref<4x224x64xf32, #tpu.memory_space<vmem>>, vector<1x1x16xf32>,
      %get3A_1891 = vector.shape_cast %get3A_1890 : vector<1x1x16xf32> to vector<16xf32>
      %get3A_1892 = arith.constant 2 : i32
      %get3A_1893 = arith.constant 201 : i32
      %get3A_1894 = arith.index_cast %get3A_1892 : i32 to index
      %get3A_1895 = arith.index_cast %get3A_1893 : i32 to index
      %get3A_1896 = arith.constant 32 : index
      %get3A_1897 = tpu.vector_load %arg9[%get3A_1894, %get3A_1895, %get3A_1896] {strides = array<i32>} : memref<4x224x64xf32, #tpu.memory_space<vmem>>, vector<1x1x16xf32>,
      %get3A_1898 = vector.shape_cast %get3A_1897 : vector<1x1x16xf32> to vector<16xf32>
      %add3A_1899 = arith.addf %get3A_1891, %get3A_1898 : vector<16xf32>
      %get3A_1900 = arith.constant 2 : i32
      %get3A_1901 = arith.constant 202 : i32
      %get3A_1902 = arith.index_cast %get3A_1900 : i32 to index
      %get3A_1903 = arith.index_cast %get3A_1901 : i32 to index
      %get3A_1904 = arith.constant 32 : index
      %get3A_1905 = tpu.vector_load %arg9[%get3A_1902, %get3A_1903, %get3A_1904] {strides = array<i32>} : memref<4x224x64xf32, #tpu.memory_space<vmem>>, vector<1x1x16xf32>,
      %get3A_1906 = vector.shape_cast %get3A_1905 : vector<1x1x16xf32> to vector<16xf32>
      %add3A_1907 = arith.addf %add3A_1899, %get3A_1906 : vector<16xf32>
      %get3A_1908 = arith.constant 2 : i32
      %get3A_1909 = arith.constant 203 : i32
      %get3A_1910 = arith.index_cast %get3A_1908 : i32 to index
      %get3A_1911 = arith.index_cast %get3A_1909 : i32 to index
      %get3A_1912 = arith.constant 32 : index
      %get3A_1913 = tpu.vector_load %arg9[%get3A_1910, %get3A_1911, %get3A_1912] {strides = array<i32>} : memref<4x224x64xf32, #tpu.memory_space<vmem>>, vector<1x1x16xf32>,
      %get3A_1914 = vector.shape_cast %get3A_1913 : vector<1x1x16xf32> to vector<16xf32>
      %add3A_1915 = arith.addf %add3A_1907, %get3A_1914 : vector<16xf32>
      %get3A_1916 = arith.constant 2 : i32
      %get3A_1917 = arith.constant 204 : i32
      %get3A_1918 = arith.index_cast %get3A_1916 : i32 to index
      %get3A_1919 = arith.index_cast %get3A_1917 : i32 to index
      %get3A_1920 = arith.constant 32 : index
      %get3A_1921 = tpu.vector_load %arg9[%get3A_1918, %get3A_1919, %get3A_1920] {strides = array<i32>} : memref<4x224x64xf32, #tpu.memory_space<vmem>>, vector<1x1x16xf32>,
      %get3A_1922 = vector.shape_cast %get3A_1921 : vector<1x1x16xf32> to vector<16xf32>
      %add3A_1923 = arith.addf %add3A_1915, %get3A_1922 : vector<16xf32>
      %get3A_1924 = arith.constant 2 : i32
      %get3A_1925 = arith.constant 205 : i32
      %get3A_1926 = arith.index_cast %get3A_1924 : i32 to index
      %get3A_1927 = arith.index_cast %get3A_1925 : i32 to index
      %get3A_1928 = arith.constant 32 : index
      %get3A_1929 = tpu.vector_load %arg9[%get3A_1926, %get3A_1927, %get3A_1928] {strides = array<i32>} : memref<4x224x64xf32, #tpu.memory_space<vmem>>, vector<1x1x16xf32>,
      %get3A_1930 = vector.shape_cast %get3A_1929 : vector<1x1x16xf32> to vector<16xf32>
      %add3A_1931 = arith.addf %add3A_1923, %get3A_1930 : vector<16xf32>
      %get3A_1932 = arith.constant 2 : i32
      %get3A_1933 = arith.constant 206 : i32
      %get3A_1934 = arith.index_cast %get3A_1932 : i32 to index
      %get3A_1935 = arith.index_cast %get3A_1933 : i32 to index
      %get3A_1936 = arith.constant 32 : index
      %get3A_1937 = tpu.vector_load %arg9[%get3A_1934, %get3A_1935, %get3A_1936] {strides = array<i32>} : memref<4x224x64xf32, #tpu.memory_space<vmem>>, vector<1x1x16xf32>,
      %get3A_1938 = vector.shape_cast %get3A_1937 : vector<1x1x16xf32> to vector<16xf32>
      %add3A_1939 = arith.addf %add3A_1931, %get3A_1938 : vector<16xf32>
      %get3A_1940 = arith.constant 2 : i32
      %get3A_1941 = arith.constant 207 : i32
      %get3A_1942 = arith.index_cast %get3A_1940 : i32 to index
      %get3A_1943 = arith.index_cast %get3A_1941 : i32 to index
      %get3A_1944 = arith.constant 32 : index
      %get3A_1945 = tpu.vector_load %arg9[%get3A_1942, %get3A_1943, %get3A_1944] {strides = array<i32>} : memref<4x224x64xf32, #tpu.memory_space<vmem>>, vector<1x1x16xf32>,
      %get3A_1946 = vector.shape_cast %get3A_1945 : vector<1x1x16xf32> to vector<16xf32>
      %add3A_1947 = arith.addf %add3A_1939, %get3A_1946 : vector<16xf32>
      %get3A_1948 = arith.constant 2 : i32
      %get3A_1949 = arith.constant 208 : i32
      %get3A_1950 = arith.index_cast %get3A_1948 : i32 to index
      %get3A_1951 = arith.index_cast %get3A_1949 : i32 to index
      %get3A_1952 = arith.constant 32 : index
      %get3A_1953 = tpu.vector_load %arg9[%get3A_1950, %get3A_1951, %get3A_1952] {strides = array<i32>} : memref<4x224x64xf32, #tpu.memory_space<vmem>>, vector<1x1x16xf32>,
      %get3A_1954 = vector.shape_cast %get3A_1953 : vector<1x1x16xf32> to vector<16xf32>
      %add3A_1955 = arith.addf %add3A_1947, %get3A_1954 : vector<16xf32>
      %get3A_1956 = arith.constant 2 : i32
      %get3A_1957 = arith.constant 209 : i32
      %get3A_1958 = arith.index_cast %get3A_1956 : i32 to index
      %get3A_1959 = arith.index_cast %get3A_1957 : i32 to index
      %get3A_1960 = arith.constant 32 : index
      %get3A_1961 = tpu.vector_load %arg9[%get3A_1958, %get3A_1959, %get3A_1960] {strides = array<i32>} : memref<4x224x64xf32, #tpu.memory_space<vmem>>, vector<1x1x16xf32>,
      %get3A_1962 = vector.shape_cast %get3A_1961 : vector<1x1x16xf32> to vector<16xf32>
      %add3A_1963 = arith.addf %add3A_1955, %get3A_1962 : vector<16xf32>
      %get3A_1964 = arith.constant 2 : i32
      %get3A_1965 = arith.constant 210 : i32
      %get3A_1966 = arith.index_cast %get3A_1964 : i32 to index
      %get3A_1967 = arith.index_cast %get3A_1965 : i32 to index
      %get3A_1968 = arith.constant 32 : index
      %get3A_1969 = tpu.vector_load %arg9[%get3A_1966, %get3A_1967, %get3A_1968] {strides = array<i32>} : memref<4x224x64xf32, #tpu.memory_space<vmem>>, vector<1x1x16xf32>,
      %get3A_1970 = vector.shape_cast %get3A_1969 : vector<1x1x16xf32> to vector<16xf32>
      %add3A_1971 = arith.addf %add3A_1963, %get3A_1970 : vector<16xf32>
      %get3A_1972 = arith.constant 2 : i32
      %get3A_1973 = arith.constant 211 : i32
      %get3A_1974 = arith.index_cast %get3A_1972 : i32 to index
      %get3A_1975 = arith.index_cast %get3A_1973 : i32 to index
      %get3A_1976 = arith.constant 32 : index
      %get3A_1977 = tpu.vector_load %arg9[%get3A_1974, %get3A_1975, %get3A_1976] {strides = array<i32>} : memref<4x224x64xf32, #tpu.memory_space<vmem>>, vector<1x1x16xf32>,
      %get3A_1978 = vector.shape_cast %get3A_1977 : vector<1x1x16xf32> to vector<16xf32>
      %add3A_1979 = arith.addf %add3A_1971, %get3A_1978 : vector<16xf32>
      %get3A_1980 = arith.constant 2 : i32
      %get3A_1981 = arith.constant 212 : i32
      %get3A_1982 = arith.index_cast %get3A_1980 : i32 to index
      %get3A_1983 = arith.index_cast %get3A_1981 : i32 to index
      %get3A_1984 = arith.constant 32 : index
      %get3A_1985 = tpu.vector_load %arg9[%get3A_1982, %get3A_1983, %get3A_1984] {strides = array<i32>} : memref<4x224x64xf32, #tpu.memory_space<vmem>>, vector<1x1x16xf32>,
      %get3A_1986 = vector.shape_cast %get3A_1985 : vector<1x1x16xf32> to vector<16xf32>
      %add3A_1987 = arith.addf %add3A_1979, %get3A_1986 : vector<16xf32>
      %get3A_1988 = arith.constant 2 : i32
      %get3A_1989 = arith.constant 213 : i32
      %get3A_1990 = arith.index_cast %get3A_1988 : i32 to index
      %get3A_1991 = arith.index_cast %get3A_1989 : i32 to index
      %get3A_1992 = arith.constant 32 : index
      %get3A_1993 = tpu.vector_load %arg9[%get3A_1990, %get3A_1991, %get3A_1992] {strides = array<i32>} : memref<4x224x64xf32, #tpu.memory_space<vmem>>, vector<1x1x16xf32>,
      %get3A_1994 = vector.shape_cast %get3A_1993 : vector<1x1x16xf32> to vector<16xf32>
      %add3A_1995 = arith.addf %add3A_1987, %get3A_1994 : vector<16xf32>
      %get3A_1996 = arith.constant 2 : i32
      %get3A_1997 = arith.constant 214 : i32
      %get3A_1998 = arith.index_cast %get3A_1996 : i32 to index
      %get3A_1999 = arith.index_cast %get3A_1997 : i32 to index
      %get3A_2000 = arith.constant 32 : index
      %get3A_2001 = tpu.vector_load %arg9[%get3A_1998, %get3A_1999, %get3A_2000] {strides = array<i32>} : memref<4x224x64xf32, #tpu.memory_space<vmem>>, vector<1x1x16xf32>,
      %get3A_2002 = vector.shape_cast %get3A_2001 : vector<1x1x16xf32> to vector<16xf32>
      %add3A_2003 = arith.addf %add3A_1995, %get3A_2002 : vector<16xf32>
      %get3A_2004 = arith.constant 2 : i32
      %get3A_2005 = arith.constant 215 : i32
      %get3A_2006 = arith.index_cast %get3A_2004 : i32 to index
      %get3A_2007 = arith.index_cast %get3A_2005 : i32 to index
      %get3A_2008 = arith.constant 32 : index
      %get3A_2009 = tpu.vector_load %arg9[%get3A_2006, %get3A_2007, %get3A_2008] {strides = array<i32>} : memref<4x224x64xf32, #tpu.memory_space<vmem>>, vector<1x1x16xf32>,
      %get3A_2010 = vector.shape_cast %get3A_2009 : vector<1x1x16xf32> to vector<16xf32>
      %add3A_2011 = arith.addf %add3A_2003, %get3A_2010 : vector<16xf32>
      %get3A_2012 = arith.constant 2 : i32
      %get3A_2013 = arith.constant 216 : i32
      %get3A_2014 = arith.index_cast %get3A_2012 : i32 to index
      %get3A_2015 = arith.index_cast %get3A_2013 : i32 to index
      %get3A_2016 = arith.constant 32 : index
      %get3A_2017 = tpu.vector_load %arg9[%get3A_2014, %get3A_2015, %get3A_2016] {strides = array<i32>} : memref<4x224x64xf32, #tpu.memory_space<vmem>>, vector<1x1x16xf32>,
      %get3A_2018 = vector.shape_cast %get3A_2017 : vector<1x1x16xf32> to vector<16xf32>
      %add3A_2019 = arith.addf %add3A_2011, %get3A_2018 : vector<16xf32>
      %get3A_2020 = arith.constant 2 : i32
      %get3A_2021 = arith.constant 217 : i32
      %get3A_2022 = arith.index_cast %get3A_2020 : i32 to index
      %get3A_2023 = arith.index_cast %get3A_2021 : i32 to index
      %get3A_2024 = arith.constant 32 : index
      %get3A_2025 = tpu.vector_load %arg9[%get3A_2022, %get3A_2023, %get3A_2024] {strides = array<i32>} : memref<4x224x64xf32, #tpu.memory_space<vmem>>, vector<1x1x16xf32>,
      %get3A_2026 = vector.shape_cast %get3A_2025 : vector<1x1x16xf32> to vector<16xf32>
      %add3A_2027 = arith.addf %add3A_2019, %get3A_2026 : vector<16xf32>
      %get3A_2028 = arith.constant 2 : i32
      %get3A_2029 = arith.constant 218 : i32
      %get3A_2030 = arith.index_cast %get3A_2028 : i32 to index
      %get3A_2031 = arith.index_cast %get3A_2029 : i32 to index
      %get3A_2032 = arith.constant 32 : index
      %get3A_2033 = tpu.vector_load %arg9[%get3A_2030, %get3A_2031, %get3A_2032] {strides = array<i32>} : memref<4x224x64xf32, #tpu.memory_space<vmem>>, vector<1x1x16xf32>,
      %get3A_2034 = vector.shape_cast %get3A_2033 : vector<1x1x16xf32> to vector<16xf32>
      %add3A_2035 = arith.addf %add3A_2027, %get3A_2034 : vector<16xf32>
      %get3A_2036 = arith.constant 2 : i32
      %get3A_2037 = arith.constant 219 : i32
      %get3A_2038 = arith.index_cast %get3A_2036 : i32 to index
      %get3A_2039 = arith.index_cast %get3A_2037 : i32 to index
      %get3A_2040 = arith.constant 32 : index
      %get3A_2041 = tpu.vector_load %arg9[%get3A_2038, %get3A_2039, %get3A_2040] {strides = array<i32>} : memref<4x224x64xf32, #tpu.memory_space<vmem>>, vector<1x1x16xf32>,
      %get3A_2042 = vector.shape_cast %get3A_2041 : vector<1x1x16xf32> to vector<16xf32>
      %add3A_2043 = arith.addf %add3A_2035, %get3A_2042 : vector<16xf32>
      %swap3A_2044 = arith.index_cast %add3A_1512 : i32 to index
      %swap3A_2045 = arith.constant 32 : index
      %swap3A_2046 = tpu.vector_load %arg10[%swap3A_2044, %swap3A_2045] {strides = array<i32>} : memref<128x64xf32, #tpu.memory_space<vmem>>, vector<1x16xf32>,
      %swap3A_2047 = vector.shape_cast %swap3A_2046 : vector<1x16xf32> to vector<16xf32>
      %swap3A_2048 = vector.shape_cast %add3A_2043 : vector<16xf32> to vector<1x16xf32>
      tpu.vector_store %arg10[%swap3A_2044, %swap3A_2045], %swap3A_2048 {strides = array<i32>} : memref<128x64xf32, #tpu.memory_space<vmem>>, vector<1x16xf32>,
      %get3A_2049 = arith.constant 2 : i32
      %get3A_2050 = arith.constant 200 : i32
      %get3A_2051 = arith.index_cast %get3A_2049 : i32 to index
      %get3A_2052 = arith.index_cast %get3A_2050 : i32 to index
      %get3A_2053 = arith.constant 48 : index
      %get3A_2054 = tpu.vector_load %arg9[%get3A_2051, %get3A_2052, %get3A_2053] {strides = array<i32>} : memref<4x224x64xf32, #tpu.memory_space<vmem>>, vector<1x1x16xf32>,
      %get3A_2055 = vector.shape_cast %get3A_2054 : vector<1x1x16xf32> to vector<16xf32>
      %get3A_2056 = arith.constant 2 : i32
      %get3A_2057 = arith.constant 201 : i32
      %get3A_2058 = arith.index_cast %get3A_2056 : i32 to index
      %get3A_2059 = arith.index_cast %get3A_2057 : i32 to index
      %get3A_2060 = arith.constant 48 : index
      %get3A_2061 = tpu.vector_load %arg9[%get3A_2058, %get3A_2059, %get3A_2060] {strides = array<i32>} : memref<4x224x64xf32, #tpu.memory_space<vmem>>, vector<1x1x16xf32>,
      %get3A_2062 = vector.shape_cast %get3A_2061 : vector<1x1x16xf32> to vector<16xf32>
      %add3A_2063 = arith.addf %get3A_2055, %get3A_2062 : vector<16xf32>
      %get3A_2064 = arith.constant 2 : i32
      %get3A_2065 = arith.constant 202 : i32
      %get3A_2066 = arith.index_cast %get3A_2064 : i32 to index
      %get3A_2067 = arith.index_cast %get3A_2065 : i32 to index
      %get3A_2068 = arith.constant 48 : index
      %get3A_2069 = tpu.vector_load %arg9[%get3A_2066, %get3A_2067, %get3A_2068] {strides = array<i32>} : memref<4x224x64xf32, #tpu.memory_space<vmem>>, vector<1x1x16xf32>,
      %get3A_2070 = vector.shape_cast %get3A_2069 : vector<1x1x16xf32> to vector<16xf32>
      %add3A_2071 = arith.addf %add3A_2063, %get3A_2070 : vector<16xf32>
      %get3A_2072 = arith.constant 2 : i32
      %get3A_2073 = arith.constant 203 : i32
      %get3A_2074 = arith.index_cast %get3A_2072 : i32 to index
      %get3A_2075 = arith.index_cast %get3A_2073 : i32 to index
      %get3A_2076 = arith.constant 48 : index
      %get3A_2077 = tpu.vector_load %arg9[%get3A_2074, %get3A_2075, %get3A_2076] {strides = array<i32>} : memref<4x224x64xf32, #tpu.memory_space<vmem>>, vector<1x1x16xf32>,
      %get3A_2078 = vector.shape_cast %get3A_2077 : vector<1x1x16xf32> to vector<16xf32>
      %add3A_2079 = arith.addf %add3A_2071, %get3A_2078 : vector<16xf32>
      %get3A_2080 = arith.constant 2 : i32
      %get3A_2081 = arith.constant 204 : i32
      %get3A_2082 = arith.index_cast %get3A_2080 : i32 to index
      %get3A_2083 = arith.index_cast %get3A_2081 : i32 to index
      %get3A_2084 = arith.constant 48 : index
      %get3A_2085 = tpu.vector_load %arg9[%get3A_2082, %get3A_2083, %get3A_2084] {strides = array<i32>} : memref<4x224x64xf32, #tpu.memory_space<vmem>>, vector<1x1x16xf32>,
      %get3A_2086 = vector.shape_cast %get3A_2085 : vector<1x1x16xf32> to vector<16xf32>
      %add3A_2087 = arith.addf %add3A_2079, %get3A_2086 : vector<16xf32>
      %get3A_2088 = arith.constant 2 : i32
      %get3A_2089 = arith.constant 205 : i32
      %get3A_2090 = arith.index_cast %get3A_2088 : i32 to index
      %get3A_2091 = arith.index_cast %get3A_2089 : i32 to index
      %get3A_2092 = arith.constant 48 : index
      %get3A_2093 = tpu.vector_load %arg9[%get3A_2090, %get3A_2091, %get3A_2092] {strides = array<i32>} : memref<4x224x64xf32, #tpu.memory_space<vmem>>, vector<1x1x16xf32>,
      %get3A_2094 = vector.shape_cast %get3A_2093 : vector<1x1x16xf32> to vector<16xf32>
      %add3A_2095 = arith.addf %add3A_2087, %get3A_2094 : vector<16xf32>
      %get3A_2096 = arith.constant 2 : i32
      %get3A_2097 = arith.constant 206 : i32
      %get3A_2098 = arith.index_cast %get3A_2096 : i32 to index
      %get3A_2099 = arith.index_cast %get3A_2097 : i32 to index
      %get3A_2100 = arith.constant 48 : index
      %get3A_2101 = tpu.vector_load %arg9[%get3A_2098, %get3A_2099, %get3A_2100] {strides = array<i32>} : memref<4x224x64xf32, #tpu.memory_space<vmem>>, vector<1x1x16xf32>,
      %get3A_2102 = vector.shape_cast %get3A_2101 : vector<1x1x16xf32> to vector<16xf32>
      %add3A_2103 = arith.addf %add3A_2095, %get3A_2102 : vector<16xf32>
      %get3A_2104 = arith.constant 2 : i32
      %get3A_2105 = arith.constant 207 : i32
      %get3A_2106 = arith.index_cast %get3A_2104 : i32 to index
      %get3A_2107 = arith.index_cast %get3A_2105 : i32 to index
      %get3A_2108 = arith.constant 48 : index
      %get3A_2109 = tpu.vector_load %arg9[%get3A_2106, %get3A_2107, %get3A_2108] {strides = array<i32>} : memref<4x224x64xf32, #tpu.memory_space<vmem>>, vector<1x1x16xf32>,
      %get3A_2110 = vector.shape_cast %get3A_2109 : vector<1x1x16xf32> to vector<16xf32>
      %add3A_2111 = arith.addf %add3A_2103, %get3A_2110 : vector<16xf32>
      %get3A_2112 = arith.constant 2 : i32
      %get3A_2113 = arith.constant 208 : i32
      %get3A_2114 = arith.index_cast %get3A_2112 : i32 to index
      %get3A_2115 = arith.index_cast %get3A_2113 : i32 to index
      %get3A_2116 = arith.constant 48 : index
      %get3A_2117 = tpu.vector_load %arg9[%get3A_2114, %get3A_2115, %get3A_2116] {strides = array<i32>} : memref<4x224x64xf32, #tpu.memory_space<vmem>>, vector<1x1x16xf32>,
      %get3A_2118 = vector.shape_cast %get3A_2117 : vector<1x1x16xf32> to vector<16xf32>
      %add3A_2119 = arith.addf %add3A_2111, %get3A_2118 : vector<16xf32>
      %get3A_2120 = arith.constant 2 : i32
      %get3A_2121 = arith.constant 209 : i32
      %get3A_2122 = arith.index_cast %get3A_2120 : i32 to index
      %get3A_2123 = arith.index_cast %get3A_2121 : i32 to index
      %get3A_2124 = arith.constant 48 : index
      %get3A_2125 = tpu.vector_load %arg9[%get3A_2122, %get3A_2123, %get3A_2124] {strides = array<i32>} : memref<4x224x64xf32, #tpu.memory_space<vmem>>, vector<1x1x16xf32>,
      %get3A_2126 = vector.shape_cast %get3A_2125 : vector<1x1x16xf32> to vector<16xf32>
      %add3A_2127 = arith.addf %add3A_2119, %get3A_2126 : vector<16xf32>
      %get3A_2128 = arith.constant 2 : i32
      %get3A_2129 = arith.constant 210 : i32
      %get3A_2130 = arith.index_cast %get3A_2128 : i32 to index
      %get3A_2131 = arith.index_cast %get3A_2129 : i32 to index
      %get3A_2132 = arith.constant 48 : index
      %get3A_2133 = tpu.vector_load %arg9[%get3A_2130, %get3A_2131, %get3A_2132] {strides = array<i32>} : memref<4x224x64xf32, #tpu.memory_space<vmem>>, vector<1x1x16xf32>,
      %get3A_2134 = vector.shape_cast %get3A_2133 : vector<1x1x16xf32> to vector<16xf32>
      %add3A_2135 = arith.addf %add3A_2127, %get3A_2134 : vector<16xf32>
      %get3A_2136 = arith.constant 2 : i32
      %get3A_2137 = arith.constant 211 : i32
      %get3A_2138 = arith.index_cast %get3A_2136 : i32 to index
      %get3A_2139 = arith.index_cast %get3A_2137 : i32 to index
      %get3A_2140 = arith.constant 48 : index
      %get3A_2141 = tpu.vector_load %arg9[%get3A_2138, %get3A_2139, %get3A_2140] {strides = array<i32>} : memref<4x224x64xf32, #tpu.memory_space<vmem>>, vector<1x1x16xf32>,
      %get3A_2142 = vector.shape_cast %get3A_2141 : vector<1x1x16xf32> to vector<16xf32>
      %add3A_2143 = arith.addf %add3A_2135, %get3A_2142 : vector<16xf32>
      %get3A_2144 = arith.constant 2 : i32
      %get3A_2145 = arith.constant 212 : i32
      %get3A_2146 = arith.index_cast %get3A_2144 : i32 to index
      %get3A_2147 = arith.index_cast %get3A_2145 : i32 to index
      %get3A_2148 = arith.constant 48 : index
      %get3A_2149 = tpu.vector_load %arg9[%get3A_2146, %get3A_2147, %get3A_2148] {strides = array<i32>} : memref<4x224x64xf32, #tpu.memory_space<vmem>>, vector<1x1x16xf32>,
      %get3A_2150 = vector.shape_cast %get3A_2149 : vector<1x1x16xf32> to vector<16xf32>
      %add3A_2151 = arith.addf %add3A_2143, %get3A_2150 : vector<16xf32>
      %get3A_2152 = arith.constant 2 : i32
      %get3A_2153 = arith.constant 213 : i32
      %get3A_2154 = arith.index_cast %get3A_2152 : i32 to index
      %get3A_2155 = arith.index_cast %get3A_2153 : i32 to index
      %get3A_2156 = arith.constant 48 : index
      %get3A_2157 = tpu.vector_load %arg9[%get3A_2154, %get3A_2155, %get3A_2156] {strides = array<i32>} : memref<4x224x64xf32, #tpu.memory_space<vmem>>, vector<1x1x16xf32>,
      %get3A_2158 = vector.shape_cast %get3A_2157 : vector<1x1x16xf32> to vector<16xf32>
      %add3A_2159 = arith.addf %add3A_2151, %get3A_2158 : vector<16xf32>
      %get3A_2160 = arith.constant 2 : i32
      %get3A_2161 = arith.constant 214 : i32
      %get3A_2162 = arith.index_cast %get3A_2160 : i32 to index
      %get3A_2163 = arith.index_cast %get3A_2161 : i32 to index
      %get3A_2164 = arith.constant 48 : index
      %get3A_2165 = tpu.vector_load %arg9[%get3A_2162, %get3A_2163, %get3A_2164] {strides = array<i32>} : memref<4x224x64xf32, #tpu.memory_space<vmem>>, vector<1x1x16xf32>,
      %get3A_2166 = vector.shape_cast %get3A_2165 : vector<1x1x16xf32> to vector<16xf32>
      %add3A_2167 = arith.addf %add3A_2159, %get3A_2166 : vector<16xf32>
      %get3A_2168 = arith.constant 2 : i32
      %get3A_2169 = arith.constant 215 : i32
      %get3A_2170 = arith.index_cast %get3A_2168 : i32 to index
      %get3A_2171 = arith.index_cast %get3A_2169 : i32 to index
      %get3A_2172 = arith.constant 48 : index
      %get3A_2173 = tpu.vector_load %arg9[%get3A_2170, %get3A_2171, %get3A_2172] {strides = array<i32>} : memref<4x224x64xf32, #tpu.memory_space<vmem>>, vector<1x1x16xf32>,
      %get3A_2174 = vector.shape_cast %get3A_2173 : vector<1x1x16xf32> to vector<16xf32>
      %add3A_2175 = arith.addf %add3A_2167, %get3A_2174 : vector<16xf32>
      %get3A_2176 = arith.constant 2 : i32
      %get3A_2177 = arith.constant 216 : i32
      %get3A_2178 = arith.index_cast %get3A_2176 : i32 to index
      %get3A_2179 = arith.index_cast %get3A_2177 : i32 to index
      %get3A_2180 = arith.constant 48 : index
      %get3A_2181 = tpu.vector_load %arg9[%get3A_2178, %get3A_2179, %get3A_2180] {strides = array<i32>} : memref<4x224x64xf32, #tpu.memory_space<vmem>>, vector<1x1x16xf32>,
      %get3A_2182 = vector.shape_cast %get3A_2181 : vector<1x1x16xf32> to vector<16xf32>
      %add3A_2183 = arith.addf %add3A_2175, %get3A_2182 : vector<16xf32>
      %get3A_2184 = arith.constant 2 : i32
      %get3A_2185 = arith.constant 217 : i32
      %get3A_2186 = arith.index_cast %get3A_2184 : i32 to index
      %get3A_2187 = arith.index_cast %get3A_2185 : i32 to index
      %get3A_2188 = arith.constant 48 : index
      %get3A_2189 = tpu.vector_load %arg9[%get3A_2186, %get3A_2187, %get3A_2188] {strides = array<i32>} : memref<4x224x64xf32, #tpu.memory_space<vmem>>, vector<1x1x16xf32>,
      %get3A_2190 = vector.shape_cast %get3A_2189 : vector<1x1x16xf32> to vector<16xf32>
      %add3A_2191 = arith.addf %add3A_2183, %get3A_2190 : vector<16xf32>
      %get3A_2192 = arith.constant 2 : i32
      %get3A_2193 = arith.constant 218 : i32
      %get3A_2194 = arith.index_cast %get3A_2192 : i32 to index
      %get3A_2195 = arith.index_cast %get3A_2193 : i32 to index
      %get3A_2196 = arith.constant 48 : index
      %get3A_2197 = tpu.vector_load %arg9[%get3A_2194, %get3A_2195, %get3A_2196] {strides = array<i32>} : memref<4x224x64xf32, #tpu.memory_space<vmem>>, vector<1x1x16xf32>,
      %get3A_2198 = vector.shape_cast %get3A_2197 : vector<1x1x16xf32> to vector<16xf32>
      %add3A_2199 = arith.addf %add3A_2191, %get3A_2198 : vector<16xf32>
      %get3A_2200 = arith.constant 2 : i32
      %get3A_2201 = arith.constant 219 : i32
      %get3A_2202 = arith.index_cast %get3A_2200 : i32 to index
      %get3A_2203 = arith.index_cast %get3A_2201 : i32 to index
      %get3A_2204 = arith.constant 48 : index
      %get3A_2205 = tpu.vector_load %arg9[%get3A_2202, %get3A_2203, %get3A_2204] {strides = array<i32>} : memref<4x224x64xf32, #tpu.memory_space<vmem>>, vector<1x1x16xf32>,
      %get3A_2206 = vector.shape_cast %get3A_2205 : vector<1x1x16xf32> to vector<16xf32>
      %add3A_2207 = arith.addf %add3A_2199, %get3A_2206 : vector<16xf32>
      %swap3A_2208 = arith.index_cast %add3A_1512 : i32 to index
      %swap3A_2209 = arith.constant 48 : index
      %swap3A_2210 = tpu.vector_load %arg10[%swap3A_2208, %swap3A_2209] {strides = array<i32>} : memref<128x64xf32, #tpu.memory_space<vmem>>, vector<1x16xf32>,
      %swap3A_2211 = vector.shape_cast %swap3A_2210 : vector<1x16xf32> to vector<16xf32>
      %swap3A_2212 = vector.shape_cast %add3A_2207 : vector<16xf32> to vector<1x16xf32>
      tpu.vector_store %arg10[%swap3A_2208, %swap3A_2209], %swap3A_2212 {strides = array<i32>} : memref<128x64xf32, #tpu.memory_space<vmem>>, vector<1x16xf32>,
      %add3A_2213 = arith.constant 4 : i32
      %add3A_2214 = arith.addi %add3A_1512, %add3A_2213 : i32
      %lt3A_2215 = arith.constant 128 : i32
      %lt3A_2216 = arith.cmpi slt, %add3A_2214, %lt3A_2215 : i32
      %convert_element_type3A_2217 = arith.extui %lt3A_2216 : i1 to i32
      %cond3A_2218 = arith.constant 0 : i32
      %cond3A_2219 = arith.cmpi ne, %convert_element_type3A_2217, %cond3A_2218 : i32
      scf.if %cond3A_2219 {
        %add3A_2932 = arith.constant 4 : i32
        %add3A_2933 = arith.addi %add3A_1512, %add3A_2932 : i32
        %mul3A_2934 = arith.constant 200 : i32
        %mul3A_2935 = arith.muli %add3A_2933, %mul3A_2934 : i32
        %dma_start3A_2936 = arith.constant 2 : i32
        %dma_start3A_2937 = arith.constant 0 : i32
        %dma_start3A_2938 = arith.constant 0 : i32
        %dma_start3A_2939 = tpu.memref_slice %arg9[%dma_start3A_2936, %dma_start3A_2937, %dma_start3A_2938] : memref<4x224x64xf32, #tpu.memory_space<vmem>> -> memref<1x200x64xf32, #tpu.memory_space<vmem>>
        %dma_start3A_2940 = tpu.memref_squeeze %dma_start3A_2939 : memref<1x200x64xf32, #tpu.memory_space<vmem>> -> memref<200x64xf32, #tpu.memory_space<vmem>>
        %dma_start3A_2941 = tpu.memref_slice %arg7[%mul3A_2935] : memref<25600xi32, #tpu.memory_space<vmem>> -> memref<200xi32, #tpu.memory_space<vmem>>
        %dma_start3A_2942 = arith.constant 0 : i32
        %dma_start3A_2943 = arith.constant 0 : i32
        %dma_start3A_2944 = tpu.memref_slice %arg4[%dma_start3A_2942, %dma_start3A_2943] : memref<100000x64xf32, #tpu.memory_space<hbm>> -> memref<100000x64xf32, #tpu.memory_space<hbm>>
        tpu.enqueue_indirect_dma source(%dma_start3A_2944 : memref<100000x64xf32, #tpu.memory_space<hbm>>) target(%dma_start3A_2940 : memref<200x64xf32, #tpu.memory_space<vmem>>) offsets(%dma_start3A_2941 : memref<200xi32, #tpu.memory_space<vmem>>) semaphore(%arg14 : memref<!tpu.dma_semaphore, #tpu.memory_space<semaphore_mem>>)
        %mul3A_2945 = arith.constant 24 : i32
        %mul3A_2946 = arith.muli %add3A_2933, %mul3A_2945 : i32
        %dma_start3A_2947 = arith.constant 2 : i32
        %dma_start3A_2948 = arith.constant 200 : i32
        %dma_start3A_2949 = arith.constant 0 : i32
        %dma_start3A_2950 = tpu.memref_slice %arg9[%dma_start3A_2947, %dma_start3A_2948, %dma_start3A_2949] : memref<4x224x64xf32, #tpu.memory_space<vmem>> -> memref<1x24x64xf32, #tpu.memory_space<vmem>>
        %dma_start3A_2951 = tpu.memref_squeeze %dma_start3A_2950 : memref<1x24x64xf32, #tpu.memory_space<vmem>> -> memref<24x64xf32, #tpu.memory_space<vmem>>
        %dma_start3A_2952 = tpu.memref_slice %arg8[%mul3A_2946] : memref<3072xi32, #tpu.memory_space<vmem>> -> memref<24xi32, #tpu.memory_space<vmem>>
        %dma_start3A_2953 = arith.constant 0 : i32
        %dma_start3A_2954 = arith.constant 0 : i32
        %dma_start3A_2955 = tpu.memref_slice %arg4[%dma_start3A_2953, %dma_start3A_2954] : memref<100000x64xf32, #tpu.memory_space<hbm>> -> memref<100000x64xf32, #tpu.memory_space<hbm>>
        tpu.enqueue_indirect_dma source(%dma_start3A_2955 : memref<100000x64xf32, #tpu.memory_space<hbm>>) target(%dma_start3A_2951 : memref<24x64xf32, #tpu.memory_space<vmem>>) offsets(%dma_start3A_2952 : memref<24xi32, #tpu.memory_space<vmem>>) semaphore(%arg14 : memref<!tpu.dma_semaphore, #tpu.memory_space<semaphore_mem>>)
      } else {
      }
      %mul3A_2220 = arith.constant 4 : i32
      %mul3A_2221 = arith.muli %mul3A_2220, %scan3A_92 : i32
      %add3A_2222 = arith.constant 3 : i32
      %add3A_2223 = arith.addi %mul3A_2221, %add3A_2222 : i32
      %dma_wait3A_2224 = arith.constant 3 : i32
      %dma_wait3A_2225 = arith.constant 0 : i32
      %dma_wait3A_2226 = arith.constant 0 : i32
      %dma_wait3A_2227 = tpu.memref_slice %arg9[%dma_wait3A_2224, %dma_wait3A_2225, %dma_wait3A_2226] : memref<4x224x64xf32, #tpu.memory_space<vmem>> -> memref<1x224x64xf32, #tpu.memory_space<vmem>>
      %dma_wait3A_2228 = tpu.memref_squeeze %dma_wait3A_2227 : memref<1x224x64xf32, #tpu.memory_space<vmem>> -> memref<224x64xf32, #tpu.memory_space<vmem>>
      %dma_wait3A_2229 = arith.constant 0 : i32
      %dma_wait3A_2230 = tpu.memref_slice %arg7[%dma_wait3A_2229] : memref<25600xi32, #tpu.memory_space<vmem>> -> memref<224xi32, #tpu.memory_space<vmem>>
      %dma_wait3A_2231 = arith.constant 0 : i32
      %dma_wait3A_2232 = arith.constant 0 : i32
      %dma_wait3A_2233 = tpu.memref_slice %arg4[%dma_wait3A_2231, %dma_wait3A_2232] : memref<100000x64xf32, #tpu.memory_space<hbm>> -> memref<100000x64xf32, #tpu.memory_space<hbm>>
      tpu.wait_indirect_dma semaphore(%arg15 : memref<!tpu.dma_semaphore, #tpu.memory_space<semaphore_mem>>) src(%dma_wait3A_2233 : memref<100000x64xf32, #tpu.memory_space<hbm>>) dst(%dma_wait3A_2228 : memref<224x64xf32, #tpu.memory_space<vmem>>)
      %broadcast_in_dim3A_2234 = arith.constant 0.000000e+00 : f32
      %broadcast_in_dim3A_2235 = vector.broadcast %broadcast_in_dim3A_2234 : f32 to vector<16xf32>
      %broadcast_in_dim3A_2236 = arith.constant 0.000000e+00 : f32
      %broadcast_in_dim3A_2237 = vector.broadcast %broadcast_in_dim3A_2236 : f32 to vector<16xf32>
      %broadcast_in_dim3A_2238 = arith.constant 0.000000e+00 : f32
      %broadcast_in_dim3A_2239 = vector.broadcast %broadcast_in_dim3A_2238 : f32 to vector<16xf32>
      %broadcast_in_dim3A_2240 = arith.constant 0.000000e+00 : f32
      %broadcast_in_dim3A_2241 = vector.broadcast %broadcast_in_dim3A_2240 : f32 to vector<16xf32>
      %scan3A_2242 = arith.constant 0 : i32
      %scan3A_2243 = arith.constant 25 : i32
      %scan3A_2244 = arith.addi %scan3A_2242, %scan3A_2243 : i32
      %scan3A_2245 = arith.constant 1 : i32
      %scan3A_2246:4 = scf.for %scan3A_2932 = %scan3A_2242 to %scan3A_2244 step %scan3A_2245 iter_args(%scan3A_2933 = %broadcast_in_dim3A_2235, %scan3A_2934 = %broadcast_in_dim3A_2237, %scan3A_2935 = %broadcast_in_dim3A_2239, %scan3A_2936 = %broadcast_in_dim3A_2241) -> (vector<16xf32>, vector<16xf32>, vector<16xf32>, vector<16xf32>)  : i32 {
        %mul3A_2937 = arith.constant 8 : i32
        %mul3A_2938 = arith.muli %scan3A_2932, %mul3A_2937 : i32
        %add3A_2939 = arith.constant 0 : i32
        %add3A_2940 = arith.addi %mul3A_2938, %add3A_2939 : i32
        %get3A_2941 = arith.constant 3 : i32
        %get3A_2942 = arith.index_cast %get3A_2941 : i32 to index
        %get3A_2943 = arith.index_cast %add3A_2940 : i32 to index
        %get3A_2944 = arith.constant 0 : index
        %get3A_2945 = tpu.vector_load %arg9[%get3A_2942, %get3A_2943, %get3A_2944] {strides = array<i32>} : memref<4x224x64xf32, #tpu.memory_space<vmem>>, vector<1x1x16xf32>,
        %get3A_2946 = vector.shape_cast %get3A_2945 : vector<1x1x16xf32> to vector<16xf32>
        %add3A_2947 = arith.addf %scan3A_2933, %get3A_2946 : vector<16xf32>
        %mul3A_2948 = arith.constant 8 : i32
        %mul3A_2949 = arith.muli %scan3A_2932, %mul3A_2948 : i32
        %add3A_2950 = arith.constant 1 : i32
        %add3A_2951 = arith.addi %mul3A_2949, %add3A_2950 : i32
        %get3A_2952 = arith.constant 3 : i32
        %get3A_2953 = arith.index_cast %get3A_2952 : i32 to index
        %get3A_2954 = arith.index_cast %add3A_2951 : i32 to index
        %get3A_2955 = arith.constant 0 : index
        %get3A_2956 = tpu.vector_load %arg9[%get3A_2953, %get3A_2954, %get3A_2955] {strides = array<i32>} : memref<4x224x64xf32, #tpu.memory_space<vmem>>, vector<1x1x16xf32>,
        %get3A_2957 = vector.shape_cast %get3A_2956 : vector<1x1x16xf32> to vector<16xf32>
        %add3A_2958 = arith.addf %add3A_2947, %get3A_2957 : vector<16xf32>
        %mul3A_2959 = arith.constant 8 : i32
        %mul3A_2960 = arith.muli %scan3A_2932, %mul3A_2959 : i32
        %add3A_2961 = arith.constant 2 : i32
        %add3A_2962 = arith.addi %mul3A_2960, %add3A_2961 : i32
        %get3A_2963 = arith.constant 3 : i32
        %get3A_2964 = arith.index_cast %get3A_2963 : i32 to index
        %get3A_2965 = arith.index_cast %add3A_2962 : i32 to index
        %get3A_2966 = arith.constant 0 : index
        %get3A_2967 = tpu.vector_load %arg9[%get3A_2964, %get3A_2965, %get3A_2966] {strides = array<i32>} : memref<4x224x64xf32, #tpu.memory_space<vmem>>, vector<1x1x16xf32>,
        %get3A_2968 = vector.shape_cast %get3A_2967 : vector<1x1x16xf32> to vector<16xf32>
        %add3A_2969 = arith.addf %add3A_2958, %get3A_2968 : vector<16xf32>
        %mul3A_2970 = arith.constant 8 : i32
        %mul3A_2971 = arith.muli %scan3A_2932, %mul3A_2970 : i32
        %add3A_2972 = arith.constant 3 : i32
        %add3A_2973 = arith.addi %mul3A_2971, %add3A_2972 : i32
        %get3A_2974 = arith.constant 3 : i32
        %get3A_2975 = arith.index_cast %get3A_2974 : i32 to index
        %get3A_2976 = arith.index_cast %add3A_2973 : i32 to index
        %get3A_2977 = arith.constant 0 : index
        %get3A_2978 = tpu.vector_load %arg9[%get3A_2975, %get3A_2976, %get3A_2977] {strides = array<i32>} : memref<4x224x64xf32, #tpu.memory_space<vmem>>, vector<1x1x16xf32>,
        %get3A_2979 = vector.shape_cast %get3A_2978 : vector<1x1x16xf32> to vector<16xf32>
        %add3A_2980 = arith.addf %add3A_2969, %get3A_2979 : vector<16xf32>
        %mul3A_2981 = arith.constant 8 : i32
        %mul3A_2982 = arith.muli %scan3A_2932, %mul3A_2981 : i32
        %add3A_2983 = arith.constant 4 : i32
        %add3A_2984 = arith.addi %mul3A_2982, %add3A_2983 : i32
        %get3A_2985 = arith.constant 3 : i32
        %get3A_2986 = arith.index_cast %get3A_2985 : i32 to index
        %get3A_2987 = arith.index_cast %add3A_2984 : i32 to index
        %get3A_2988 = arith.constant 0 : index
        %get3A_2989 = tpu.vector_load %arg9[%get3A_2986, %get3A_2987, %get3A_2988] {strides = array<i32>} : memref<4x224x64xf32, #tpu.memory_space<vmem>>, vector<1x1x16xf32>,
        %get3A_2990 = vector.shape_cast %get3A_2989 : vector<1x1x16xf32> to vector<16xf32>
        %add3A_2991 = arith.addf %add3A_2980, %get3A_2990 : vector<16xf32>
        %mul3A_2992 = arith.constant 8 : i32
        %mul3A_2993 = arith.muli %scan3A_2932, %mul3A_2992 : i32
        %add3A_2994 = arith.constant 5 : i32
        %add3A_2995 = arith.addi %mul3A_2993, %add3A_2994 : i32
        %get3A_2996 = arith.constant 3 : i32
        %get3A_2997 = arith.index_cast %get3A_2996 : i32 to index
        %get3A_2998 = arith.index_cast %add3A_2995 : i32 to index
        %get3A_2999 = arith.constant 0 : index
        %get3A_3000 = tpu.vector_load %arg9[%get3A_2997, %get3A_2998, %get3A_2999] {strides = array<i32>} : memref<4x224x64xf32, #tpu.memory_space<vmem>>, vector<1x1x16xf32>,
        %get3A_3001 = vector.shape_cast %get3A_3000 : vector<1x1x16xf32> to vector<16xf32>
        %add3A_3002 = arith.addf %add3A_2991, %get3A_3001 : vector<16xf32>
        %mul3A_3003 = arith.constant 8 : i32
        %mul3A_3004 = arith.muli %scan3A_2932, %mul3A_3003 : i32
        %add3A_3005 = arith.constant 6 : i32
        %add3A_3006 = arith.addi %mul3A_3004, %add3A_3005 : i32
        %get3A_3007 = arith.constant 3 : i32
        %get3A_3008 = arith.index_cast %get3A_3007 : i32 to index
        %get3A_3009 = arith.index_cast %add3A_3006 : i32 to index
        %get3A_3010 = arith.constant 0 : index
        %get3A_3011 = tpu.vector_load %arg9[%get3A_3008, %get3A_3009, %get3A_3010] {strides = array<i32>} : memref<4x224x64xf32, #tpu.memory_space<vmem>>, vector<1x1x16xf32>,
        %get3A_3012 = vector.shape_cast %get3A_3011 : vector<1x1x16xf32> to vector<16xf32>
        %add3A_3013 = arith.addf %add3A_3002, %get3A_3012 : vector<16xf32>
        %mul3A_3014 = arith.constant 8 : i32
        %mul3A_3015 = arith.muli %scan3A_2932, %mul3A_3014 : i32
        %add3A_3016 = arith.constant 7 : i32
        %add3A_3017 = arith.addi %mul3A_3015, %add3A_3016 : i32
        %get3A_3018 = arith.constant 3 : i32
        %get3A_3019 = arith.index_cast %get3A_3018 : i32 to index
        %get3A_3020 = arith.index_cast %add3A_3017 : i32 to index
        %get3A_3021 = arith.constant 0 : index
        %get3A_3022 = tpu.vector_load %arg9[%get3A_3019, %get3A_3020, %get3A_3021] {strides = array<i32>} : memref<4x224x64xf32, #tpu.memory_space<vmem>>, vector<1x1x16xf32>,
        %get3A_3023 = vector.shape_cast %get3A_3022 : vector<1x1x16xf32> to vector<16xf32>
        %add3A_3024 = arith.addf %add3A_3013, %get3A_3023 : vector<16xf32>
        %mul3A_3025 = arith.constant 8 : i32
        %mul3A_3026 = arith.muli %scan3A_2932, %mul3A_3025 : i32
        %add3A_3027 = arith.constant 0 : i32
        %add3A_3028 = arith.addi %mul3A_3026, %add3A_3027 : i32
        %get3A_3029 = arith.constant 3 : i32
        %get3A_3030 = arith.index_cast %get3A_3029 : i32 to index
        %get3A_3031 = arith.index_cast %add3A_3028 : i32 to index
        %get3A_3032 = arith.constant 16 : index
        %get3A_3033 = tpu.vector_load %arg9[%get3A_3030, %get3A_3031, %get3A_3032] {strides = array<i32>} : memref<4x224x64xf32, #tpu.memory_space<vmem>>, vector<1x1x16xf32>,
        %get3A_3034 = vector.shape_cast %get3A_3033 : vector<1x1x16xf32> to vector<16xf32>
        %add3A_3035 = arith.addf %scan3A_2934, %get3A_3034 : vector<16xf32>
        %mul3A_3036 = arith.constant 8 : i32
        %mul3A_3037 = arith.muli %scan3A_2932, %mul3A_3036 : i32
        %add3A_3038 = arith.constant 1 : i32
        %add3A_3039 = arith.addi %mul3A_3037, %add3A_3038 : i32
        %get3A_3040 = arith.constant 3 : i32
        %get3A_3041 = arith.index_cast %get3A_3040 : i32 to index
        %get3A_3042 = arith.index_cast %add3A_3039 : i32 to index
        %get3A_3043 = arith.constant 16 : index
        %get3A_3044 = tpu.vector_load %arg9[%get3A_3041, %get3A_3042, %get3A_3043] {strides = array<i32>} : memref<4x224x64xf32, #tpu.memory_space<vmem>>, vector<1x1x16xf32>,
        %get3A_3045 = vector.shape_cast %get3A_3044 : vector<1x1x16xf32> to vector<16xf32>
        %add3A_3046 = arith.addf %add3A_3035, %get3A_3045 : vector<16xf32>
        %mul3A_3047 = arith.constant 8 : i32
        %mul3A_3048 = arith.muli %scan3A_2932, %mul3A_3047 : i32
        %add3A_3049 = arith.constant 2 : i32
        %add3A_3050 = arith.addi %mul3A_3048, %add3A_3049 : i32
        %get3A_3051 = arith.constant 3 : i32
        %get3A_3052 = arith.index_cast %get3A_3051 : i32 to index
        %get3A_3053 = arith.index_cast %add3A_3050 : i32 to index
        %get3A_3054 = arith.constant 16 : index
        %get3A_3055 = tpu.vector_load %arg9[%get3A_3052, %get3A_3053, %get3A_3054] {strides = array<i32>} : memref<4x224x64xf32, #tpu.memory_space<vmem>>, vector<1x1x16xf32>,
        %get3A_3056 = vector.shape_cast %get3A_3055 : vector<1x1x16xf32> to vector<16xf32>
        %add3A_3057 = arith.addf %add3A_3046, %get3A_3056 : vector<16xf32>
        %mul3A_3058 = arith.constant 8 : i32
        %mul3A_3059 = arith.muli %scan3A_2932, %mul3A_3058 : i32
        %add3A_3060 = arith.constant 3 : i32
        %add3A_3061 = arith.addi %mul3A_3059, %add3A_3060 : i32
        %get3A_3062 = arith.constant 3 : i32
        %get3A_3063 = arith.index_cast %get3A_3062 : i32 to index
        %get3A_3064 = arith.index_cast %add3A_3061 : i32 to index
        %get3A_3065 = arith.constant 16 : index
        %get3A_3066 = tpu.vector_load %arg9[%get3A_3063, %get3A_3064, %get3A_3065] {strides = array<i32>} : memref<4x224x64xf32, #tpu.memory_space<vmem>>, vector<1x1x16xf32>,
        %get3A_3067 = vector.shape_cast %get3A_3066 : vector<1x1x16xf32> to vector<16xf32>
        %add3A_3068 = arith.addf %add3A_3057, %get3A_3067 : vector<16xf32>
        %mul3A_3069 = arith.constant 8 : i32
        %mul3A_3070 = arith.muli %scan3A_2932, %mul3A_3069 : i32
        %add3A_3071 = arith.constant 4 : i32
        %add3A_3072 = arith.addi %mul3A_3070, %add3A_3071 : i32
        %get3A_3073 = arith.constant 3 : i32
        %get3A_3074 = arith.index_cast %get3A_3073 : i32 to index
        %get3A_3075 = arith.index_cast %add3A_3072 : i32 to index
        %get3A_3076 = arith.constant 16 : index
        %get3A_3077 = tpu.vector_load %arg9[%get3A_3074, %get3A_3075, %get3A_3076] {strides = array<i32>} : memref<4x224x64xf32, #tpu.memory_space<vmem>>, vector<1x1x16xf32>,
        %get3A_3078 = vector.shape_cast %get3A_3077 : vector<1x1x16xf32> to vector<16xf32>
        %add3A_3079 = arith.addf %add3A_3068, %get3A_3078 : vector<16xf32>
        %mul3A_3080 = arith.constant 8 : i32
        %mul3A_3081 = arith.muli %scan3A_2932, %mul3A_3080 : i32
        %add3A_3082 = arith.constant 5 : i32
        %add3A_3083 = arith.addi %mul3A_3081, %add3A_3082 : i32
        %get3A_3084 = arith.constant 3 : i32
        %get3A_3085 = arith.index_cast %get3A_3084 : i32 to index
        %get3A_3086 = arith.index_cast %add3A_3083 : i32 to index
        %get3A_3087 = arith.constant 16 : index
        %get3A_3088 = tpu.vector_load %arg9[%get3A_3085, %get3A_3086, %get3A_3087] {strides = array<i32>} : memref<4x224x64xf32, #tpu.memory_space<vmem>>, vector<1x1x16xf32>,
        %get3A_3089 = vector.shape_cast %get3A_3088 : vector<1x1x16xf32> to vector<16xf32>
        %add3A_3090 = arith.addf %add3A_3079, %get3A_3089 : vector<16xf32>
        %mul3A_3091 = arith.constant 8 : i32
        %mul3A_3092 = arith.muli %scan3A_2932, %mul3A_3091 : i32
        %add3A_3093 = arith.constant 6 : i32
        %add3A_3094 = arith.addi %mul3A_3092, %add3A_3093 : i32
        %get3A_3095 = arith.constant 3 : i32
        %get3A_3096 = arith.index_cast %get3A_3095 : i32 to index
        %get3A_3097 = arith.index_cast %add3A_3094 : i32 to index
        %get3A_3098 = arith.constant 16 : index
        %get3A_3099 = tpu.vector_load %arg9[%get3A_3096, %get3A_3097, %get3A_3098] {strides = array<i32>} : memref<4x224x64xf32, #tpu.memory_space<vmem>>, vector<1x1x16xf32>,
        %get3A_3100 = vector.shape_cast %get3A_3099 : vector<1x1x16xf32> to vector<16xf32>
        %add3A_3101 = arith.addf %add3A_3090, %get3A_3100 : vector<16xf32>
        %mul3A_3102 = arith.constant 8 : i32
        %mul3A_3103 = arith.muli %scan3A_2932, %mul3A_3102 : i32
        %add3A_3104 = arith.constant 7 : i32
        %add3A_3105 = arith.addi %mul3A_3103, %add3A_3104 : i32
        %get3A_3106 = arith.constant 3 : i32
        %get3A_3107 = arith.index_cast %get3A_3106 : i32 to index
        %get3A_3108 = arith.index_cast %add3A_3105 : i32 to index
        %get3A_3109 = arith.constant 16 : index
        %get3A_3110 = tpu.vector_load %arg9[%get3A_3107, %get3A_3108, %get3A_3109] {strides = array<i32>} : memref<4x224x64xf32, #tpu.memory_space<vmem>>, vector<1x1x16xf32>,
        %get3A_3111 = vector.shape_cast %get3A_3110 : vector<1x1x16xf32> to vector<16xf32>
        %add3A_3112 = arith.addf %add3A_3101, %get3A_3111 : vector<16xf32>
        %mul3A_3113 = arith.constant 8 : i32
        %mul3A_3114 = arith.muli %scan3A_2932, %mul3A_3113 : i32
        %add3A_3115 = arith.constant 0 : i32
        %add3A_3116 = arith.addi %mul3A_3114, %add3A_3115 : i32
        %get3A_3117 = arith.constant 3 : i32
        %get3A_3118 = arith.index_cast %get3A_3117 : i32 to index
        %get3A_3119 = arith.index_cast %add3A_3116 : i32 to index
        %get3A_3120 = arith.constant 32 : index
        %get3A_3121 = tpu.vector_load %arg9[%get3A_3118, %get3A_3119, %get3A_3120] {strides = array<i32>} : memref<4x224x64xf32, #tpu.memory_space<vmem>>, vector<1x1x16xf32>,
        %get3A_3122 = vector.shape_cast %get3A_3121 : vector<1x1x16xf32> to vector<16xf32>
        %add3A_3123 = arith.addf %scan3A_2935, %get3A_3122 : vector<16xf32>
        %mul3A_3124 = arith.constant 8 : i32
        %mul3A_3125 = arith.muli %scan3A_2932, %mul3A_3124 : i32
        %add3A_3126 = arith.constant 1 : i32
        %add3A_3127 = arith.addi %mul3A_3125, %add3A_3126 : i32
        %get3A_3128 = arith.constant 3 : i32
        %get3A_3129 = arith.index_cast %get3A_3128 : i32 to index
        %get3A_3130 = arith.index_cast %add3A_3127 : i32 to index
        %get3A_3131 = arith.constant 32 : index
        %get3A_3132 = tpu.vector_load %arg9[%get3A_3129, %get3A_3130, %get3A_3131] {strides = array<i32>} : memref<4x224x64xf32, #tpu.memory_space<vmem>>, vector<1x1x16xf32>,
        %get3A_3133 = vector.shape_cast %get3A_3132 : vector<1x1x16xf32> to vector<16xf32>
        %add3A_3134 = arith.addf %add3A_3123, %get3A_3133 : vector<16xf32>
        %mul3A_3135 = arith.constant 8 : i32
        %mul3A_3136 = arith.muli %scan3A_2932, %mul3A_3135 : i32
        %add3A_3137 = arith.constant 2 : i32
        %add3A_3138 = arith.addi %mul3A_3136, %add3A_3137 : i32
        %get3A_3139 = arith.constant 3 : i32
        %get3A_3140 = arith.index_cast %get3A_3139 : i32 to index
        %get3A_3141 = arith.index_cast %add3A_3138 : i32 to index
        %get3A_3142 = arith.constant 32 : index
        %get3A_3143 = tpu.vector_load %arg9[%get3A_3140, %get3A_3141, %get3A_3142] {strides = array<i32>} : memref<4x224x64xf32, #tpu.memory_space<vmem>>, vector<1x1x16xf32>,
        %get3A_3144 = vector.shape_cast %get3A_3143 : vector<1x1x16xf32> to vector<16xf32>
        %add3A_3145 = arith.addf %add3A_3134, %get3A_3144 : vector<16xf32>
        %mul3A_3146 = arith.constant 8 : i32
        %mul3A_3147 = arith.muli %scan3A_2932, %mul3A_3146 : i32
        %add3A_3148 = arith.constant 3 : i32
        %add3A_3149 = arith.addi %mul3A_3147, %add3A_3148 : i32
        %get3A_3150 = arith.constant 3 : i32
        %get3A_3151 = arith.index_cast %get3A_3150 : i32 to index
        %get3A_3152 = arith.index_cast %add3A_3149 : i32 to index
        %get3A_3153 = arith.constant 32 : index
        %get3A_3154 = tpu.vector_load %arg9[%get3A_3151, %get3A_3152, %get3A_3153] {strides = array<i32>} : memref<4x224x64xf32, #tpu.memory_space<vmem>>, vector<1x1x16xf32>,
        %get3A_3155 = vector.shape_cast %get3A_3154 : vector<1x1x16xf32> to vector<16xf32>
        %add3A_3156 = arith.addf %add3A_3145, %get3A_3155 : vector<16xf32>
        %mul3A_3157 = arith.constant 8 : i32
        %mul3A_3158 = arith.muli %scan3A_2932, %mul3A_3157 : i32
        %add3A_3159 = arith.constant 4 : i32
        %add3A_3160 = arith.addi %mul3A_3158, %add3A_3159 : i32
        %get3A_3161 = arith.constant 3 : i32
        %get3A_3162 = arith.index_cast %get3A_3161 : i32 to index
        %get3A_3163 = arith.index_cast %add3A_3160 : i32 to index
        %get3A_3164 = arith.constant 32 : index
        %get3A_3165 = tpu.vector_load %arg9[%get3A_3162, %get3A_3163, %get3A_3164] {strides = array<i32>} : memref<4x224x64xf32, #tpu.memory_space<vmem>>, vector<1x1x16xf32>,
        %get3A_3166 = vector.shape_cast %get3A_3165 : vector<1x1x16xf32> to vector<16xf32>
        %add3A_3167 = arith.addf %add3A_3156, %get3A_3166 : vector<16xf32>
        %mul3A_3168 = arith.constant 8 : i32
        %mul3A_3169 = arith.muli %scan3A_2932, %mul3A_3168 : i32
        %add3A_3170 = arith.constant 5 : i32
        %add3A_3171 = arith.addi %mul3A_3169, %add3A_3170 : i32
        %get3A_3172 = arith.constant 3 : i32
        %get3A_3173 = arith.index_cast %get3A_3172 : i32 to index
        %get3A_3174 = arith.index_cast %add3A_3171 : i32 to index
        %get3A_3175 = arith.constant 32 : index
        %get3A_3176 = tpu.vector_load %arg9[%get3A_3173, %get3A_3174, %get3A_3175] {strides = array<i32>} : memref<4x224x64xf32, #tpu.memory_space<vmem>>, vector<1x1x16xf32>,
        %get3A_3177 = vector.shape_cast %get3A_3176 : vector<1x1x16xf32> to vector<16xf32>
        %add3A_3178 = arith.addf %add3A_3167, %get3A_3177 : vector<16xf32>
        %mul3A_3179 = arith.constant 8 : i32
        %mul3A_3180 = arith.muli %scan3A_2932, %mul3A_3179 : i32
        %add3A_3181 = arith.constant 6 : i32
        %add3A_3182 = arith.addi %mul3A_3180, %add3A_3181 : i32
        %get3A_3183 = arith.constant 3 : i32
        %get3A_3184 = arith.index_cast %get3A_3183 : i32 to index
        %get3A_3185 = arith.index_cast %add3A_3182 : i32 to index
        %get3A_3186 = arith.constant 32 : index
        %get3A_3187 = tpu.vector_load %arg9[%get3A_3184, %get3A_3185, %get3A_3186] {strides = array<i32>} : memref<4x224x64xf32, #tpu.memory_space<vmem>>, vector<1x1x16xf32>,
        %get3A_3188 = vector.shape_cast %get3A_3187 : vector<1x1x16xf32> to vector<16xf32>
        %add3A_3189 = arith.addf %add3A_3178, %get3A_3188 : vector<16xf32>
        %mul3A_3190 = arith.constant 8 : i32
        %mul3A_3191 = arith.muli %scan3A_2932, %mul3A_3190 : i32
        %add3A_3192 = arith.constant 7 : i32
        %add3A_3193 = arith.addi %mul3A_3191, %add3A_3192 : i32
        %get3A_3194 = arith.constant 3 : i32
        %get3A_3195 = arith.index_cast %get3A_3194 : i32 to index
        %get3A_3196 = arith.index_cast %add3A_3193 : i32 to index
        %get3A_3197 = arith.constant 32 : index
        %get3A_3198 = tpu.vector_load %arg9[%get3A_3195, %get3A_3196, %get3A_3197] {strides = array<i32>} : memref<4x224x64xf32, #tpu.memory_space<vmem>>, vector<1x1x16xf32>,
        %get3A_3199 = vector.shape_cast %get3A_3198 : vector<1x1x16xf32> to vector<16xf32>
        %add3A_3200 = arith.addf %add3A_3189, %get3A_3199 : vector<16xf32>
        %mul3A_3201 = arith.constant 8 : i32
        %mul3A_3202 = arith.muli %scan3A_2932, %mul3A_3201 : i32
        %add3A_3203 = arith.constant 0 : i32
        %add3A_3204 = arith.addi %mul3A_3202, %add3A_3203 : i32
        %get3A_3205 = arith.constant 3 : i32
        %get3A_3206 = arith.index_cast %get3A_3205 : i32 to index
        %get3A_3207 = arith.index_cast %add3A_3204 : i32 to index
        %get3A_3208 = arith.constant 48 : index
        %get3A_3209 = tpu.vector_load %arg9[%get3A_3206, %get3A_3207, %get3A_3208] {strides = array<i32>} : memref<4x224x64xf32, #tpu.memory_space<vmem>>, vector<1x1x16xf32>,
        %get3A_3210 = vector.shape_cast %get3A_3209 : vector<1x1x16xf32> to vector<16xf32>
        %add3A_3211 = arith.addf %scan3A_2936, %get3A_3210 : vector<16xf32>
        %mul3A_3212 = arith.constant 8 : i32
        %mul3A_3213 = arith.muli %scan3A_2932, %mul3A_3212 : i32
        %add3A_3214 = arith.constant 1 : i32
        %add3A_3215 = arith.addi %mul3A_3213, %add3A_3214 : i32
        %get3A_3216 = arith.constant 3 : i32
        %get3A_3217 = arith.index_cast %get3A_3216 : i32 to index
        %get3A_3218 = arith.index_cast %add3A_3215 : i32 to index
        %get3A_3219 = arith.constant 48 : index
        %get3A_3220 = tpu.vector_load %arg9[%get3A_3217, %get3A_3218, %get3A_3219] {strides = array<i32>} : memref<4x224x64xf32, #tpu.memory_space<vmem>>, vector<1x1x16xf32>,
        %get3A_3221 = vector.shape_cast %get3A_3220 : vector<1x1x16xf32> to vector<16xf32>
        %add3A_3222 = arith.addf %add3A_3211, %get3A_3221 : vector<16xf32>
        %mul3A_3223 = arith.constant 8 : i32
        %mul3A_3224 = arith.muli %scan3A_2932, %mul3A_3223 : i32
        %add3A_3225 = arith.constant 2 : i32
        %add3A_3226 = arith.addi %mul3A_3224, %add3A_3225 : i32
        %get3A_3227 = arith.constant 3 : i32
        %get3A_3228 = arith.index_cast %get3A_3227 : i32 to index
        %get3A_3229 = arith.index_cast %add3A_3226 : i32 to index
        %get3A_3230 = arith.constant 48 : index
        %get3A_3231 = tpu.vector_load %arg9[%get3A_3228, %get3A_3229, %get3A_3230] {strides = array<i32>} : memref<4x224x64xf32, #tpu.memory_space<vmem>>, vector<1x1x16xf32>,
        %get3A_3232 = vector.shape_cast %get3A_3231 : vector<1x1x16xf32> to vector<16xf32>
        %add3A_3233 = arith.addf %add3A_3222, %get3A_3232 : vector<16xf32>
        %mul3A_3234 = arith.constant 8 : i32
        %mul3A_3235 = arith.muli %scan3A_2932, %mul3A_3234 : i32
        %add3A_3236 = arith.constant 3 : i32
        %add3A_3237 = arith.addi %mul3A_3235, %add3A_3236 : i32
        %get3A_3238 = arith.constant 3 : i32
        %get3A_3239 = arith.index_cast %get3A_3238 : i32 to index
        %get3A_3240 = arith.index_cast %add3A_3237 : i32 to index
        %get3A_3241 = arith.constant 48 : index
        %get3A_3242 = tpu.vector_load %arg9[%get3A_3239, %get3A_3240, %get3A_3241] {strides = array<i32>} : memref<4x224x64xf32, #tpu.memory_space<vmem>>, vector<1x1x16xf32>,
        %get3A_3243 = vector.shape_cast %get3A_3242 : vector<1x1x16xf32> to vector<16xf32>
        %add3A_3244 = arith.addf %add3A_3233, %get3A_3243 : vector<16xf32>
        %mul3A_3245 = arith.constant 8 : i32
        %mul3A_3246 = arith.muli %scan3A_2932, %mul3A_3245 : i32
        %add3A_3247 = arith.constant 4 : i32
        %add3A_3248 = arith.addi %mul3A_3246, %add3A_3247 : i32
        %get3A_3249 = arith.constant 3 : i32
        %get3A_3250 = arith.index_cast %get3A_3249 : i32 to index
        %get3A_3251 = arith.index_cast %add3A_3248 : i32 to index
        %get3A_3252 = arith.constant 48 : index
        %get3A_3253 = tpu.vector_load %arg9[%get3A_3250, %get3A_3251, %get3A_3252] {strides = array<i32>} : memref<4x224x64xf32, #tpu.memory_space<vmem>>, vector<1x1x16xf32>,
        %get3A_3254 = vector.shape_cast %get3A_3253 : vector<1x1x16xf32> to vector<16xf32>
        %add3A_3255 = arith.addf %add3A_3244, %get3A_3254 : vector<16xf32>
        %mul3A_3256 = arith.constant 8 : i32
        %mul3A_3257 = arith.muli %scan3A_2932, %mul3A_3256 : i32
        %add3A_3258 = arith.constant 5 : i32
        %add3A_3259 = arith.addi %mul3A_3257, %add3A_3258 : i32
        %get3A_3260 = arith.constant 3 : i32
        %get3A_3261 = arith.index_cast %get3A_3260 : i32 to index
        %get3A_3262 = arith.index_cast %add3A_3259 : i32 to index
        %get3A_3263 = arith.constant 48 : index
        %get3A_3264 = tpu.vector_load %arg9[%get3A_3261, %get3A_3262, %get3A_3263] {strides = array<i32>} : memref<4x224x64xf32, #tpu.memory_space<vmem>>, vector<1x1x16xf32>,
        %get3A_3265 = vector.shape_cast %get3A_3264 : vector<1x1x16xf32> to vector<16xf32>
        %add3A_3266 = arith.addf %add3A_3255, %get3A_3265 : vector<16xf32>
        %mul3A_3267 = arith.constant 8 : i32
        %mul3A_3268 = arith.muli %scan3A_2932, %mul3A_3267 : i32
        %add3A_3269 = arith.constant 6 : i32
        %add3A_3270 = arith.addi %mul3A_3268, %add3A_3269 : i32
        %get3A_3271 = arith.constant 3 : i32
        %get3A_3272 = arith.index_cast %get3A_3271 : i32 to index
        %get3A_3273 = arith.index_cast %add3A_3270 : i32 to index
        %get3A_3274 = arith.constant 48 : index
        %get3A_3275 = tpu.vector_load %arg9[%get3A_3272, %get3A_3273, %get3A_3274] {strides = array<i32>} : memref<4x224x64xf32, #tpu.memory_space<vmem>>, vector<1x1x16xf32>,
        %get3A_3276 = vector.shape_cast %get3A_3275 : vector<1x1x16xf32> to vector<16xf32>
        %add3A_3277 = arith.addf %add3A_3266, %get3A_3276 : vector<16xf32>
        %mul3A_3278 = arith.constant 8 : i32
        %mul3A_3279 = arith.muli %scan3A_2932, %mul3A_3278 : i32
        %add3A_3280 = arith.constant 7 : i32
        %add3A_3281 = arith.addi %mul3A_3279, %add3A_3280 : i32
        %get3A_3282 = arith.constant 3 : i32
        %get3A_3283 = arith.index_cast %get3A_3282 : i32 to index
        %get3A_3284 = arith.index_cast %add3A_3281 : i32 to index
        %get3A_3285 = arith.constant 48 : index
        %get3A_3286 = tpu.vector_load %arg9[%get3A_3283, %get3A_3284, %get3A_3285] {strides = array<i32>} : memref<4x224x64xf32, #tpu.memory_space<vmem>>, vector<1x1x16xf32>,
        %get3A_3287 = vector.shape_cast %get3A_3286 : vector<1x1x16xf32> to vector<16xf32>
        %add3A_3288 = arith.addf %add3A_3277, %get3A_3287 : vector<16xf32>
        scf.yield %add3A_3024, %add3A_3112, %add3A_3200, %add3A_3288 : vector<16xf32>, vector<16xf32>, vector<16xf32>, vector<16xf32>
      }
      %scan3A_2247 = arith.constant 25 : i32
      %swap3A_2248 = arith.index_cast %add3A_2223 : i32 to index
      %swap3A_2249 = arith.constant 0 : index
      %swap3A_2250 = tpu.vector_load %arg11[%swap3A_2248, %swap3A_2249] {strides = array<i32>} : memref<128x64xf32, #tpu.memory_space<vmem>>, vector<1x16xf32>,
      %swap3A_2251 = vector.shape_cast %swap3A_2250 : vector<1x16xf32> to vector<16xf32>
      %swap3A_2252 = vector.shape_cast %scan3A_2246#0 : vector<16xf32> to vector<1x16xf32>
      tpu.vector_store %arg11[%swap3A_2248, %swap3A_2249], %swap3A_2252 {strides = array<i32>} : memref<128x64xf32, #tpu.memory_space<vmem>>, vector<1x16xf32>,
      %swap3A_2253 = arith.index_cast %add3A_2223 : i32 to index
      %swap3A_2254 = arith.constant 16 : index
      %swap3A_2255 = tpu.vector_load %arg11[%swap3A_2253, %swap3A_2254] {strides = array<i32>} : memref<128x64xf32, #tpu.memory_space<vmem>>, vector<1x16xf32>,
      %swap3A_2256 = vector.shape_cast %swap3A_2255 : vector<1x16xf32> to vector<16xf32>
      %swap3A_2257 = vector.shape_cast %scan3A_2246#1 : vector<16xf32> to vector<1x16xf32>
      tpu.vector_store %arg11[%swap3A_2253, %swap3A_2254], %swap3A_2257 {strides = array<i32>} : memref<128x64xf32, #tpu.memory_space<vmem>>, vector<1x16xf32>,
      %swap3A_2258 = arith.index_cast %add3A_2223 : i32 to index
      %swap3A_2259 = arith.constant 32 : index
      %swap3A_2260 = tpu.vector_load %arg11[%swap3A_2258, %swap3A_2259] {strides = array<i32>} : memref<128x64xf32, #tpu.memory_space<vmem>>, vector<1x16xf32>,
      %swap3A_2261 = vector.shape_cast %swap3A_2260 : vector<1x16xf32> to vector<16xf32>
      %swap3A_2262 = vector.shape_cast %scan3A_2246#2 : vector<16xf32> to vector<1x16xf32>
      tpu.vector_store %arg11[%swap3A_2258, %swap3A_2259], %swap3A_2262 {strides = array<i32>} : memref<128x64xf32, #tpu.memory_space<vmem>>, vector<1x16xf32>,
      %swap3A_2263 = arith.index_cast %add3A_2223 : i32 to index
      %swap3A_2264 = arith.constant 48 : index
      %swap3A_2265 = tpu.vector_load %arg11[%swap3A_2263, %swap3A_2264] {strides = array<i32>} : memref<128x64xf32, #tpu.memory_space<vmem>>, vector<1x16xf32>,
      %swap3A_2266 = vector.shape_cast %swap3A_2265 : vector<1x16xf32> to vector<16xf32>
      %swap3A_2267 = vector.shape_cast %scan3A_2246#3 : vector<16xf32> to vector<1x16xf32>
      tpu.vector_store %arg11[%swap3A_2263, %swap3A_2264], %swap3A_2267 {strides = array<i32>} : memref<128x64xf32, #tpu.memory_space<vmem>>, vector<1x16xf32>,
      %get3A_2268 = arith.constant 3 : i32
      %get3A_2269 = arith.constant 200 : i32
      %get3A_2270 = arith.index_cast %get3A_2268 : i32 to index
      %get3A_2271 = arith.index_cast %get3A_2269 : i32 to index
      %get3A_2272 = arith.constant 0 : index
      %get3A_2273 = tpu.vector_load %arg9[%get3A_2270, %get3A_2271, %get3A_2272] {strides = array<i32>} : memref<4x224x64xf32, #tpu.memory_space<vmem>>, vector<1x1x16xf32>,
      %get3A_2274 = vector.shape_cast %get3A_2273 : vector<1x1x16xf32> to vector<16xf32>
      %get3A_2275 = arith.constant 3 : i32
      %get3A_2276 = arith.constant 201 : i32
      %get3A_2277 = arith.index_cast %get3A_2275 : i32 to index
      %get3A_2278 = arith.index_cast %get3A_2276 : i32 to index
      %get3A_2279 = arith.constant 0 : index
      %get3A_2280 = tpu.vector_load %arg9[%get3A_2277, %get3A_2278, %get3A_2279] {strides = array<i32>} : memref<4x224x64xf32, #tpu.memory_space<vmem>>, vector<1x1x16xf32>,
      %get3A_2281 = vector.shape_cast %get3A_2280 : vector<1x1x16xf32> to vector<16xf32>
      %add3A_2282 = arith.addf %get3A_2274, %get3A_2281 : vector<16xf32>
      %get3A_2283 = arith.constant 3 : i32
      %get3A_2284 = arith.constant 202 : i32
      %get3A_2285 = arith.index_cast %get3A_2283 : i32 to index
      %get3A_2286 = arith.index_cast %get3A_2284 : i32 to index
      %get3A_2287 = arith.constant 0 : index
      %get3A_2288 = tpu.vector_load %arg9[%get3A_2285, %get3A_2286, %get3A_2287] {strides = array<i32>} : memref<4x224x64xf32, #tpu.memory_space<vmem>>, vector<1x1x16xf32>,
      %get3A_2289 = vector.shape_cast %get3A_2288 : vector<1x1x16xf32> to vector<16xf32>
      %add3A_2290 = arith.addf %add3A_2282, %get3A_2289 : vector<16xf32>
      %get3A_2291 = arith.constant 3 : i32
      %get3A_2292 = arith.constant 203 : i32
      %get3A_2293 = arith.index_cast %get3A_2291 : i32 to index
      %get3A_2294 = arith.index_cast %get3A_2292 : i32 to index
      %get3A_2295 = arith.constant 0 : index
      %get3A_2296 = tpu.vector_load %arg9[%get3A_2293, %get3A_2294, %get3A_2295] {strides = array<i32>} : memref<4x224x64xf32, #tpu.memory_space<vmem>>, vector<1x1x16xf32>,
      %get3A_2297 = vector.shape_cast %get3A_2296 : vector<1x1x16xf32> to vector<16xf32>
      %add3A_2298 = arith.addf %add3A_2290, %get3A_2297 : vector<16xf32>
      %get3A_2299 = arith.constant 3 : i32
      %get3A_2300 = arith.constant 204 : i32
      %get3A_2301 = arith.index_cast %get3A_2299 : i32 to index
      %get3A_2302 = arith.index_cast %get3A_2300 : i32 to index
      %get3A_2303 = arith.constant 0 : index
      %get3A_2304 = tpu.vector_load %arg9[%get3A_2301, %get3A_2302, %get3A_2303] {strides = array<i32>} : memref<4x224x64xf32, #tpu.memory_space<vmem>>, vector<1x1x16xf32>,
      %get3A_2305 = vector.shape_cast %get3A_2304 : vector<1x1x16xf32> to vector<16xf32>
      %add3A_2306 = arith.addf %add3A_2298, %get3A_2305 : vector<16xf32>
      %get3A_2307 = arith.constant 3 : i32
      %get3A_2308 = arith.constant 205 : i32
      %get3A_2309 = arith.index_cast %get3A_2307 : i32 to index
      %get3A_2310 = arith.index_cast %get3A_2308 : i32 to index
      %get3A_2311 = arith.constant 0 : index
      %get3A_2312 = tpu.vector_load %arg9[%get3A_2309, %get3A_2310, %get3A_2311] {strides = array<i32>} : memref<4x224x64xf32, #tpu.memory_space<vmem>>, vector<1x1x16xf32>,
      %get3A_2313 = vector.shape_cast %get3A_2312 : vector<1x1x16xf32> to vector<16xf32>
      %add3A_2314 = arith.addf %add3A_2306, %get3A_2313 : vector<16xf32>
      %get3A_2315 = arith.constant 3 : i32
      %get3A_2316 = arith.constant 206 : i32
      %get3A_2317 = arith.index_cast %get3A_2315 : i32 to index
      %get3A_2318 = arith.index_cast %get3A_2316 : i32 to index
      %get3A_2319 = arith.constant 0 : index
      %get3A_2320 = tpu.vector_load %arg9[%get3A_2317, %get3A_2318, %get3A_2319] {strides = array<i32>} : memref<4x224x64xf32, #tpu.memory_space<vmem>>, vector<1x1x16xf32>,
      %get3A_2321 = vector.shape_cast %get3A_2320 : vector<1x1x16xf32> to vector<16xf32>
      %add3A_2322 = arith.addf %add3A_2314, %get3A_2321 : vector<16xf32>
      %get3A_2323 = arith.constant 3 : i32
      %get3A_2324 = arith.constant 207 : i32
      %get3A_2325 = arith.index_cast %get3A_2323 : i32 to index
      %get3A_2326 = arith.index_cast %get3A_2324 : i32 to index
      %get3A_2327 = arith.constant 0 : index
      %get3A_2328 = tpu.vector_load %arg9[%get3A_2325, %get3A_2326, %get3A_2327] {strides = array<i32>} : memref<4x224x64xf32, #tpu.memory_space<vmem>>, vector<1x1x16xf32>,
      %get3A_2329 = vector.shape_cast %get3A_2328 : vector<1x1x16xf32> to vector<16xf32>
      %add3A_2330 = arith.addf %add3A_2322, %get3A_2329 : vector<16xf32>
      %get3A_2331 = arith.constant 3 : i32
      %get3A_2332 = arith.constant 208 : i32
      %get3A_2333 = arith.index_cast %get3A_2331 : i32 to index
      %get3A_2334 = arith.index_cast %get3A_2332 : i32 to index
      %get3A_2335 = arith.constant 0 : index
      %get3A_2336 = tpu.vector_load %arg9[%get3A_2333, %get3A_2334, %get3A_2335] {strides = array<i32>} : memref<4x224x64xf32, #tpu.memory_space<vmem>>, vector<1x1x16xf32>,
      %get3A_2337 = vector.shape_cast %get3A_2336 : vector<1x1x16xf32> to vector<16xf32>
      %add3A_2338 = arith.addf %add3A_2330, %get3A_2337 : vector<16xf32>
      %get3A_2339 = arith.constant 3 : i32
      %get3A_2340 = arith.constant 209 : i32
      %get3A_2341 = arith.index_cast %get3A_2339 : i32 to index
      %get3A_2342 = arith.index_cast %get3A_2340 : i32 to index
      %get3A_2343 = arith.constant 0 : index
      %get3A_2344 = tpu.vector_load %arg9[%get3A_2341, %get3A_2342, %get3A_2343] {strides = array<i32>} : memref<4x224x64xf32, #tpu.memory_space<vmem>>, vector<1x1x16xf32>,
      %get3A_2345 = vector.shape_cast %get3A_2344 : vector<1x1x16xf32> to vector<16xf32>
      %add3A_2346 = arith.addf %add3A_2338, %get3A_2345 : vector<16xf32>
      %get3A_2347 = arith.constant 3 : i32
      %get3A_2348 = arith.constant 210 : i32
      %get3A_2349 = arith.index_cast %get3A_2347 : i32 to index
      %get3A_2350 = arith.index_cast %get3A_2348 : i32 to index
      %get3A_2351 = arith.constant 0 : index
      %get3A_2352 = tpu.vector_load %arg9[%get3A_2349, %get3A_2350, %get3A_2351] {strides = array<i32>} : memref<4x224x64xf32, #tpu.memory_space<vmem>>, vector<1x1x16xf32>,
      %get3A_2353 = vector.shape_cast %get3A_2352 : vector<1x1x16xf32> to vector<16xf32>
      %add3A_2354 = arith.addf %add3A_2346, %get3A_2353 : vector<16xf32>
      %get3A_2355 = arith.constant 3 : i32
      %get3A_2356 = arith.constant 211 : i32
      %get3A_2357 = arith.index_cast %get3A_2355 : i32 to index
      %get3A_2358 = arith.index_cast %get3A_2356 : i32 to index
      %get3A_2359 = arith.constant 0 : index
      %get3A_2360 = tpu.vector_load %arg9[%get3A_2357, %get3A_2358, %get3A_2359] {strides = array<i32>} : memref<4x224x64xf32, #tpu.memory_space<vmem>>, vector<1x1x16xf32>,
      %get3A_2361 = vector.shape_cast %get3A_2360 : vector<1x1x16xf32> to vector<16xf32>
      %add3A_2362 = arith.addf %add3A_2354, %get3A_2361 : vector<16xf32>
      %get3A_2363 = arith.constant 3 : i32
      %get3A_2364 = arith.constant 212 : i32
      %get3A_2365 = arith.index_cast %get3A_2363 : i32 to index
      %get3A_2366 = arith.index_cast %get3A_2364 : i32 to index
      %get3A_2367 = arith.constant 0 : index
      %get3A_2368 = tpu.vector_load %arg9[%get3A_2365, %get3A_2366, %get3A_2367] {strides = array<i32>} : memref<4x224x64xf32, #tpu.memory_space<vmem>>, vector<1x1x16xf32>,
      %get3A_2369 = vector.shape_cast %get3A_2368 : vector<1x1x16xf32> to vector<16xf32>
      %add3A_2370 = arith.addf %add3A_2362, %get3A_2369 : vector<16xf32>
      %get3A_2371 = arith.constant 3 : i32
      %get3A_2372 = arith.constant 213 : i32
      %get3A_2373 = arith.index_cast %get3A_2371 : i32 to index
      %get3A_2374 = arith.index_cast %get3A_2372 : i32 to index
      %get3A_2375 = arith.constant 0 : index
      %get3A_2376 = tpu.vector_load %arg9[%get3A_2373, %get3A_2374, %get3A_2375] {strides = array<i32>} : memref<4x224x64xf32, #tpu.memory_space<vmem>>, vector<1x1x16xf32>,
      %get3A_2377 = vector.shape_cast %get3A_2376 : vector<1x1x16xf32> to vector<16xf32>
      %add3A_2378 = arith.addf %add3A_2370, %get3A_2377 : vector<16xf32>
      %get3A_2379 = arith.constant 3 : i32
      %get3A_2380 = arith.constant 214 : i32
      %get3A_2381 = arith.index_cast %get3A_2379 : i32 to index
      %get3A_2382 = arith.index_cast %get3A_2380 : i32 to index
      %get3A_2383 = arith.constant 0 : index
      %get3A_2384 = tpu.vector_load %arg9[%get3A_2381, %get3A_2382, %get3A_2383] {strides = array<i32>} : memref<4x224x64xf32, #tpu.memory_space<vmem>>, vector<1x1x16xf32>,
      %get3A_2385 = vector.shape_cast %get3A_2384 : vector<1x1x16xf32> to vector<16xf32>
      %add3A_2386 = arith.addf %add3A_2378, %get3A_2385 : vector<16xf32>
      %get3A_2387 = arith.constant 3 : i32
      %get3A_2388 = arith.constant 215 : i32
      %get3A_2389 = arith.index_cast %get3A_2387 : i32 to index
      %get3A_2390 = arith.index_cast %get3A_2388 : i32 to index
      %get3A_2391 = arith.constant 0 : index
      %get3A_2392 = tpu.vector_load %arg9[%get3A_2389, %get3A_2390, %get3A_2391] {strides = array<i32>} : memref<4x224x64xf32, #tpu.memory_space<vmem>>, vector<1x1x16xf32>,
      %get3A_2393 = vector.shape_cast %get3A_2392 : vector<1x1x16xf32> to vector<16xf32>
      %add3A_2394 = arith.addf %add3A_2386, %get3A_2393 : vector<16xf32>
      %get3A_2395 = arith.constant 3 : i32
      %get3A_2396 = arith.constant 216 : i32
      %get3A_2397 = arith.index_cast %get3A_2395 : i32 to index
      %get3A_2398 = arith.index_cast %get3A_2396 : i32 to index
      %get3A_2399 = arith.constant 0 : index
      %get3A_2400 = tpu.vector_load %arg9[%get3A_2397, %get3A_2398, %get3A_2399] {strides = array<i32>} : memref<4x224x64xf32, #tpu.memory_space<vmem>>, vector<1x1x16xf32>,
      %get3A_2401 = vector.shape_cast %get3A_2400 : vector<1x1x16xf32> to vector<16xf32>
      %add3A_2402 = arith.addf %add3A_2394, %get3A_2401 : vector<16xf32>
      %get3A_2403 = arith.constant 3 : i32
      %get3A_2404 = arith.constant 217 : i32
      %get3A_2405 = arith.index_cast %get3A_2403 : i32 to index
      %get3A_2406 = arith.index_cast %get3A_2404 : i32 to index
      %get3A_2407 = arith.constant 0 : index
      %get3A_2408 = tpu.vector_load %arg9[%get3A_2405, %get3A_2406, %get3A_2407] {strides = array<i32>} : memref<4x224x64xf32, #tpu.memory_space<vmem>>, vector<1x1x16xf32>,
      %get3A_2409 = vector.shape_cast %get3A_2408 : vector<1x1x16xf32> to vector<16xf32>
      %add3A_2410 = arith.addf %add3A_2402, %get3A_2409 : vector<16xf32>
      %get3A_2411 = arith.constant 3 : i32
      %get3A_2412 = arith.constant 218 : i32
      %get3A_2413 = arith.index_cast %get3A_2411 : i32 to index
      %get3A_2414 = arith.index_cast %get3A_2412 : i32 to index
      %get3A_2415 = arith.constant 0 : index
      %get3A_2416 = tpu.vector_load %arg9[%get3A_2413, %get3A_2414, %get3A_2415] {strides = array<i32>} : memref<4x224x64xf32, #tpu.memory_space<vmem>>, vector<1x1x16xf32>,
      %get3A_2417 = vector.shape_cast %get3A_2416 : vector<1x1x16xf32> to vector<16xf32>
      %add3A_2418 = arith.addf %add3A_2410, %get3A_2417 : vector<16xf32>
      %get3A_2419 = arith.constant 3 : i32
      %get3A_2420 = arith.constant 219 : i32
      %get3A_2421 = arith.index_cast %get3A_2419 : i32 to index
      %get3A_2422 = arith.index_cast %get3A_2420 : i32 to index
      %get3A_2423 = arith.constant 0 : index
      %get3A_2424 = tpu.vector_load %arg9[%get3A_2421, %get3A_2422, %get3A_2423] {strides = array<i32>} : memref<4x224x64xf32, #tpu.memory_space<vmem>>, vector<1x1x16xf32>,
      %get3A_2425 = vector.shape_cast %get3A_2424 : vector<1x1x16xf32> to vector<16xf32>
      %add3A_2426 = arith.addf %add3A_2418, %get3A_2425 : vector<16xf32>
      %swap3A_2427 = arith.index_cast %add3A_2223 : i32 to index
      %swap3A_2428 = arith.constant 0 : index
      %swap3A_2429 = tpu.vector_load %arg10[%swap3A_2427, %swap3A_2428] {strides = array<i32>} : memref<128x64xf32, #tpu.memory_space<vmem>>, vector<1x16xf32>,
      %swap3A_2430 = vector.shape_cast %swap3A_2429 : vector<1x16xf32> to vector<16xf32>
      %swap3A_2431 = vector.shape_cast %add3A_2426 : vector<16xf32> to vector<1x16xf32>
      tpu.vector_store %arg10[%swap3A_2427, %swap3A_2428], %swap3A_2431 {strides = array<i32>} : memref<128x64xf32, #tpu.memory_space<vmem>>, vector<1x16xf32>,
      %get3A_2432 = arith.constant 3 : i32
      %get3A_2433 = arith.constant 200 : i32
      %get3A_2434 = arith.index_cast %get3A_2432 : i32 to index
      %get3A_2435 = arith.index_cast %get3A_2433 : i32 to index
      %get3A_2436 = arith.constant 16 : index
      %get3A_2437 = tpu.vector_load %arg9[%get3A_2434, %get3A_2435, %get3A_2436] {strides = array<i32>} : memref<4x224x64xf32, #tpu.memory_space<vmem>>, vector<1x1x16xf32>,
      %get3A_2438 = vector.shape_cast %get3A_2437 : vector<1x1x16xf32> to vector<16xf32>
      %get3A_2439 = arith.constant 3 : i32
      %get3A_2440 = arith.constant 201 : i32
      %get3A_2441 = arith.index_cast %get3A_2439 : i32 to index
      %get3A_2442 = arith.index_cast %get3A_2440 : i32 to index
      %get3A_2443 = arith.constant 16 : index
      %get3A_2444 = tpu.vector_load %arg9[%get3A_2441, %get3A_2442, %get3A_2443] {strides = array<i32>} : memref<4x224x64xf32, #tpu.memory_space<vmem>>, vector<1x1x16xf32>,
      %get3A_2445 = vector.shape_cast %get3A_2444 : vector<1x1x16xf32> to vector<16xf32>
      %add3A_2446 = arith.addf %get3A_2438, %get3A_2445 : vector<16xf32>
      %get3A_2447 = arith.constant 3 : i32
      %get3A_2448 = arith.constant 202 : i32
      %get3A_2449 = arith.index_cast %get3A_2447 : i32 to index
      %get3A_2450 = arith.index_cast %get3A_2448 : i32 to index
      %get3A_2451 = arith.constant 16 : index
      %get3A_2452 = tpu.vector_load %arg9[%get3A_2449, %get3A_2450, %get3A_2451] {strides = array<i32>} : memref<4x224x64xf32, #tpu.memory_space<vmem>>, vector<1x1x16xf32>,
      %get3A_2453 = vector.shape_cast %get3A_2452 : vector<1x1x16xf32> to vector<16xf32>
      %add3A_2454 = arith.addf %add3A_2446, %get3A_2453 : vector<16xf32>
      %get3A_2455 = arith.constant 3 : i32
      %get3A_2456 = arith.constant 203 : i32
      %get3A_2457 = arith.index_cast %get3A_2455 : i32 to index
      %get3A_2458 = arith.index_cast %get3A_2456 : i32 to index
      %get3A_2459 = arith.constant 16 : index
      %get3A_2460 = tpu.vector_load %arg9[%get3A_2457, %get3A_2458, %get3A_2459] {strides = array<i32>} : memref<4x224x64xf32, #tpu.memory_space<vmem>>, vector<1x1x16xf32>,
      %get3A_2461 = vector.shape_cast %get3A_2460 : vector<1x1x16xf32> to vector<16xf32>
      %add3A_2462 = arith.addf %add3A_2454, %get3A_2461 : vector<16xf32>
      %get3A_2463 = arith.constant 3 : i32
      %get3A_2464 = arith.constant 204 : i32
      %get3A_2465 = arith.index_cast %get3A_2463 : i32 to index
      %get3A_2466 = arith.index_cast %get3A_2464 : i32 to index
      %get3A_2467 = arith.constant 16 : index
      %get3A_2468 = tpu.vector_load %arg9[%get3A_2465, %get3A_2466, %get3A_2467] {strides = array<i32>} : memref<4x224x64xf32, #tpu.memory_space<vmem>>, vector<1x1x16xf32>,
      %get3A_2469 = vector.shape_cast %get3A_2468 : vector<1x1x16xf32> to vector<16xf32>
      %add3A_2470 = arith.addf %add3A_2462, %get3A_2469 : vector<16xf32>
      %get3A_2471 = arith.constant 3 : i32
      %get3A_2472 = arith.constant 205 : i32
      %get3A_2473 = arith.index_cast %get3A_2471 : i32 to index
      %get3A_2474 = arith.index_cast %get3A_2472 : i32 to index
      %get3A_2475 = arith.constant 16 : index
      %get3A_2476 = tpu.vector_load %arg9[%get3A_2473, %get3A_2474, %get3A_2475] {strides = array<i32>} : memref<4x224x64xf32, #tpu.memory_space<vmem>>, vector<1x1x16xf32>,
      %get3A_2477 = vector.shape_cast %get3A_2476 : vector<1x1x16xf32> to vector<16xf32>
      %add3A_2478 = arith.addf %add3A_2470, %get3A_2477 : vector<16xf32>
      %get3A_2479 = arith.constant 3 : i32
      %get3A_2480 = arith.constant 206 : i32
      %get3A_2481 = arith.index_cast %get3A_2479 : i32 to index
      %get3A_2482 = arith.index_cast %get3A_2480 : i32 to index
      %get3A_2483 = arith.constant 16 : index
      %get3A_2484 = tpu.vector_load %arg9[%get3A_2481, %get3A_2482, %get3A_2483] {strides = array<i32>} : memref<4x224x64xf32, #tpu.memory_space<vmem>>, vector<1x1x16xf32>,
      %get3A_2485 = vector.shape_cast %get3A_2484 : vector<1x1x16xf32> to vector<16xf32>
      %add3A_2486 = arith.addf %add3A_2478, %get3A_2485 : vector<16xf32>
      %get3A_2487 = arith.constant 3 : i32
      %get3A_2488 = arith.constant 207 : i32
      %get3A_2489 = arith.index_cast %get3A_2487 : i32 to index
      %get3A_2490 = arith.index_cast %get3A_2488 : i32 to index
      %get3A_2491 = arith.constant 16 : index
      %get3A_2492 = tpu.vector_load %arg9[%get3A_2489, %get3A_2490, %get3A_2491] {strides = array<i32>} : memref<4x224x64xf32, #tpu.memory_space<vmem>>, vector<1x1x16xf32>,
      %get3A_2493 = vector.shape_cast %get3A_2492 : vector<1x1x16xf32> to vector<16xf32>
      %add3A_2494 = arith.addf %add3A_2486, %get3A_2493 : vector<16xf32>
      %get3A_2495 = arith.constant 3 : i32
      %get3A_2496 = arith.constant 208 : i32
      %get3A_2497 = arith.index_cast %get3A_2495 : i32 to index
      %get3A_2498 = arith.index_cast %get3A_2496 : i32 to index
      %get3A_2499 = arith.constant 16 : index
      %get3A_2500 = tpu.vector_load %arg9[%get3A_2497, %get3A_2498, %get3A_2499] {strides = array<i32>} : memref<4x224x64xf32, #tpu.memory_space<vmem>>, vector<1x1x16xf32>,
      %get3A_2501 = vector.shape_cast %get3A_2500 : vector<1x1x16xf32> to vector<16xf32>
      %add3A_2502 = arith.addf %add3A_2494, %get3A_2501 : vector<16xf32>
      %get3A_2503 = arith.constant 3 : i32
      %get3A_2504 = arith.constant 209 : i32
      %get3A_2505 = arith.index_cast %get3A_2503 : i32 to index
      %get3A_2506 = arith.index_cast %get3A_2504 : i32 to index
      %get3A_2507 = arith.constant 16 : index
      %get3A_2508 = tpu.vector_load %arg9[%get3A_2505, %get3A_2506, %get3A_2507] {strides = array<i32>} : memref<4x224x64xf32, #tpu.memory_space<vmem>>, vector<1x1x16xf32>,
      %get3A_2509 = vector.shape_cast %get3A_2508 : vector<1x1x16xf32> to vector<16xf32>
      %add3A_2510 = arith.addf %add3A_2502, %get3A_2509 : vector<16xf32>
      %get3A_2511 = arith.constant 3 : i32
      %get3A_2512 = arith.constant 210 : i32
      %get3A_2513 = arith.index_cast %get3A_2511 : i32 to index
      %get3A_2514 = arith.index_cast %get3A_2512 : i32 to index
      %get3A_2515 = arith.constant 16 : index
      %get3A_2516 = tpu.vector_load %arg9[%get3A_2513, %get3A_2514, %get3A_2515] {strides = array<i32>} : memref<4x224x64xf32, #tpu.memory_space<vmem>>, vector<1x1x16xf32>,
      %get3A_2517 = vector.shape_cast %get3A_2516 : vector<1x1x16xf32> to vector<16xf32>
      %add3A_2518 = arith.addf %add3A_2510, %get3A_2517 : vector<16xf32>
      %get3A_2519 = arith.constant 3 : i32
      %get3A_2520 = arith.constant 211 : i32
      %get3A_2521 = arith.index_cast %get3A_2519 : i32 to index
      %get3A_2522 = arith.index_cast %get3A_2520 : i32 to index
      %get3A_2523 = arith.constant 16 : index
      %get3A_2524 = tpu.vector_load %arg9[%get3A_2521, %get3A_2522, %get3A_2523] {strides = array<i32>} : memref<4x224x64xf32, #tpu.memory_space<vmem>>, vector<1x1x16xf32>,
      %get3A_2525 = vector.shape_cast %get3A_2524 : vector<1x1x16xf32> to vector<16xf32>
      %add3A_2526 = arith.addf %add3A_2518, %get3A_2525 : vector<16xf32>
      %get3A_2527 = arith.constant 3 : i32
      %get3A_2528 = arith.constant 212 : i32
      %get3A_2529 = arith.index_cast %get3A_2527 : i32 to index
      %get3A_2530 = arith.index_cast %get3A_2528 : i32 to index
      %get3A_2531 = arith.constant 16 : index
      %get3A_2532 = tpu.vector_load %arg9[%get3A_2529, %get3A_2530, %get3A_2531] {strides = array<i32>} : memref<4x224x64xf32, #tpu.memory_space<vmem>>, vector<1x1x16xf32>,
      %get3A_2533 = vector.shape_cast %get3A_2532 : vector<1x1x16xf32> to vector<16xf32>
      %add3A_2534 = arith.addf %add3A_2526, %get3A_2533 : vector<16xf32>
      %get3A_2535 = arith.constant 3 : i32
      %get3A_2536 = arith.constant 213 : i32
      %get3A_2537 = arith.index_cast %get3A_2535 : i32 to index
      %get3A_2538 = arith.index_cast %get3A_2536 : i32 to index
      %get3A_2539 = arith.constant 16 : index
      %get3A_2540 = tpu.vector_load %arg9[%get3A_2537, %get3A_2538, %get3A_2539] {strides = array<i32>} : memref<4x224x64xf32, #tpu.memory_space<vmem>>, vector<1x1x16xf32>,
      %get3A_2541 = vector.shape_cast %get3A_2540 : vector<1x1x16xf32> to vector<16xf32>
      %add3A_2542 = arith.addf %add3A_2534, %get3A_2541 : vector<16xf32>
      %get3A_2543 = arith.constant 3 : i32
      %get3A_2544 = arith.constant 214 : i32
      %get3A_2545 = arith.index_cast %get3A_2543 : i32 to index
      %get3A_2546 = arith.index_cast %get3A_2544 : i32 to index
      %get3A_2547 = arith.constant 16 : index
      %get3A_2548 = tpu.vector_load %arg9[%get3A_2545, %get3A_2546, %get3A_2547] {strides = array<i32>} : memref<4x224x64xf32, #tpu.memory_space<vmem>>, vector<1x1x16xf32>,
      %get3A_2549 = vector.shape_cast %get3A_2548 : vector<1x1x16xf32> to vector<16xf32>
      %add3A_2550 = arith.addf %add3A_2542, %get3A_2549 : vector<16xf32>
      %get3A_2551 = arith.constant 3 : i32
      %get3A_2552 = arith.constant 215 : i32
      %get3A_2553 = arith.index_cast %get3A_2551 : i32 to index
      %get3A_2554 = arith.index_cast %get3A_2552 : i32 to index
      %get3A_2555 = arith.constant 16 : index
      %get3A_2556 = tpu.vector_load %arg9[%get3A_2553, %get3A_2554, %get3A_2555] {strides = array<i32>} : memref<4x224x64xf32, #tpu.memory_space<vmem>>, vector<1x1x16xf32>,
      %get3A_2557 = vector.shape_cast %get3A_2556 : vector<1x1x16xf32> to vector<16xf32>
      %add3A_2558 = arith.addf %add3A_2550, %get3A_2557 : vector<16xf32>
      %get3A_2559 = arith.constant 3 : i32
      %get3A_2560 = arith.constant 216 : i32
      %get3A_2561 = arith.index_cast %get3A_2559 : i32 to index
      %get3A_2562 = arith.index_cast %get3A_2560 : i32 to index
      %get3A_2563 = arith.constant 16 : index
      %get3A_2564 = tpu.vector_load %arg9[%get3A_2561, %get3A_2562, %get3A_2563] {strides = array<i32>} : memref<4x224x64xf32, #tpu.memory_space<vmem>>, vector<1x1x16xf32>,
      %get3A_2565 = vector.shape_cast %get3A_2564 : vector<1x1x16xf32> to vector<16xf32>
      %add3A_2566 = arith.addf %add3A_2558, %get3A_2565 : vector<16xf32>
      %get3A_2567 = arith.constant 3 : i32
      %get3A_2568 = arith.constant 217 : i32
      %get3A_2569 = arith.index_cast %get3A_2567 : i32 to index
      %get3A_2570 = arith.index_cast %get3A_2568 : i32 to index
      %get3A_2571 = arith.constant 16 : index
      %get3A_2572 = tpu.vector_load %arg9[%get3A_2569, %get3A_2570, %get3A_2571] {strides = array<i32>} : memref<4x224x64xf32, #tpu.memory_space<vmem>>, vector<1x1x16xf32>,
      %get3A_2573 = vector.shape_cast %get3A_2572 : vector<1x1x16xf32> to vector<16xf32>
      %add3A_2574 = arith.addf %add3A_2566, %get3A_2573 : vector<16xf32>
      %get3A_2575 = arith.constant 3 : i32
      %get3A_2576 = arith.constant 218 : i32
      %get3A_2577 = arith.index_cast %get3A_2575 : i32 to index
      %get3A_2578 = arith.index_cast %get3A_2576 : i32 to index
      %get3A_2579 = arith.constant 16 : index
      %get3A_2580 = tpu.vector_load %arg9[%get3A_2577, %get3A_2578, %get3A_2579] {strides = array<i32>} : memref<4x224x64xf32, #tpu.memory_space<vmem>>, vector<1x1x16xf32>,
      %get3A_2581 = vector.shape_cast %get3A_2580 : vector<1x1x16xf32> to vector<16xf32>
      %add3A_2582 = arith.addf %add3A_2574, %get3A_2581 : vector<16xf32>
      %get3A_2583 = arith.constant 3 : i32
      %get3A_2584 = arith.constant 219 : i32
      %get3A_2585 = arith.index_cast %get3A_2583 : i32 to index
      %get3A_2586 = arith.index_cast %get3A_2584 : i32 to index
      %get3A_2587 = arith.constant 16 : index
      %get3A_2588 = tpu.vector_load %arg9[%get3A_2585, %get3A_2586, %get3A_2587] {strides = array<i32>} : memref<4x224x64xf32, #tpu.memory_space<vmem>>, vector<1x1x16xf32>,
      %get3A_2589 = vector.shape_cast %get3A_2588 : vector<1x1x16xf32> to vector<16xf32>
      %add3A_2590 = arith.addf %add3A_2582, %get3A_2589 : vector<16xf32>
      %swap3A_2591 = arith.index_cast %add3A_2223 : i32 to index
      %swap3A_2592 = arith.constant 16 : index
      %swap3A_2593 = tpu.vector_load %arg10[%swap3A_2591, %swap3A_2592] {strides = array<i32>} : memref<128x64xf32, #tpu.memory_space<vmem>>, vector<1x16xf32>,
      %swap3A_2594 = vector.shape_cast %swap3A_2593 : vector<1x16xf32> to vector<16xf32>
      %swap3A_2595 = vector.shape_cast %add3A_2590 : vector<16xf32> to vector<1x16xf32>
      tpu.vector_store %arg10[%swap3A_2591, %swap3A_2592], %swap3A_2595 {strides = array<i32>} : memref<128x64xf32, #tpu.memory_space<vmem>>, vector<1x16xf32>,
      %get3A_2596 = arith.constant 3 : i32
      %get3A_2597 = arith.constant 200 : i32
      %get3A_2598 = arith.index_cast %get3A_2596 : i32 to index
      %get3A_2599 = arith.index_cast %get3A_2597 : i32 to index
      %get3A_2600 = arith.constant 32 : index
      %get3A_2601 = tpu.vector_load %arg9[%get3A_2598, %get3A_2599, %get3A_2600] {strides = array<i32>} : memref<4x224x64xf32, #tpu.memory_space<vmem>>, vector<1x1x16xf32>,
      %get3A_2602 = vector.shape_cast %get3A_2601 : vector<1x1x16xf32> to vector<16xf32>
      %get3A_2603 = arith.constant 3 : i32
      %get3A_2604 = arith.constant 201 : i32
      %get3A_2605 = arith.index_cast %get3A_2603 : i32 to index
      %get3A_2606 = arith.index_cast %get3A_2604 : i32 to index
      %get3A_2607 = arith.constant 32 : index
      %get3A_2608 = tpu.vector_load %arg9[%get3A_2605, %get3A_2606, %get3A_2607] {strides = array<i32>} : memref<4x224x64xf32, #tpu.memory_space<vmem>>, vector<1x1x16xf32>,
      %get3A_2609 = vector.shape_cast %get3A_2608 : vector<1x1x16xf32> to vector<16xf32>
      %add3A_2610 = arith.addf %get3A_2602, %get3A_2609 : vector<16xf32>
      %get3A_2611 = arith.constant 3 : i32
      %get3A_2612 = arith.constant 202 : i32
      %get3A_2613 = arith.index_cast %get3A_2611 : i32 to index
      %get3A_2614 = arith.index_cast %get3A_2612 : i32 to index
      %get3A_2615 = arith.constant 32 : index
      %get3A_2616 = tpu.vector_load %arg9[%get3A_2613, %get3A_2614, %get3A_2615] {strides = array<i32>} : memref<4x224x64xf32, #tpu.memory_space<vmem>>, vector<1x1x16xf32>,
      %get3A_2617 = vector.shape_cast %get3A_2616 : vector<1x1x16xf32> to vector<16xf32>
      %add3A_2618 = arith.addf %add3A_2610, %get3A_2617 : vector<16xf32>
      %get3A_2619 = arith.constant 3 : i32
      %get3A_2620 = arith.constant 203 : i32
      %get3A_2621 = arith.index_cast %get3A_2619 : i32 to index
      %get3A_2622 = arith.index_cast %get3A_2620 : i32 to index
      %get3A_2623 = arith.constant 32 : index
      %get3A_2624 = tpu.vector_load %arg9[%get3A_2621, %get3A_2622, %get3A_2623] {strides = array<i32>} : memref<4x224x64xf32, #tpu.memory_space<vmem>>, vector<1x1x16xf32>,
      %get3A_2625 = vector.shape_cast %get3A_2624 : vector<1x1x16xf32> to vector<16xf32>
      %add3A_2626 = arith.addf %add3A_2618, %get3A_2625 : vector<16xf32>
      %get3A_2627 = arith.constant 3 : i32
      %get3A_2628 = arith.constant 204 : i32
      %get3A_2629 = arith.index_cast %get3A_2627 : i32 to index
      %get3A_2630 = arith.index_cast %get3A_2628 : i32 to index
      %get3A_2631 = arith.constant 32 : index
      %get3A_2632 = tpu.vector_load %arg9[%get3A_2629, %get3A_2630, %get3A_2631] {strides = array<i32>} : memref<4x224x64xf32, #tpu.memory_space<vmem>>, vector<1x1x16xf32>,
      %get3A_2633 = vector.shape_cast %get3A_2632 : vector<1x1x16xf32> to vector<16xf32>
      %add3A_2634 = arith.addf %add3A_2626, %get3A_2633 : vector<16xf32>
      %get3A_2635 = arith.constant 3 : i32
      %get3A_2636 = arith.constant 205 : i32
      %get3A_2637 = arith.index_cast %get3A_2635 : i32 to index
      %get3A_2638 = arith.index_cast %get3A_2636 : i32 to index
      %get3A_2639 = arith.constant 32 : index
      %get3A_2640 = tpu.vector_load %arg9[%get3A_2637, %get3A_2638, %get3A_2639] {strides = array<i32>} : memref<4x224x64xf32, #tpu.memory_space<vmem>>, vector<1x1x16xf32>,
      %get3A_2641 = vector.shape_cast %get3A_2640 : vector<1x1x16xf32> to vector<16xf32>
      %add3A_2642 = arith.addf %add3A_2634, %get3A_2641 : vector<16xf32>
      %get3A_2643 = arith.constant 3 : i32
      %get3A_2644 = arith.constant 206 : i32
      %get3A_2645 = arith.index_cast %get3A_2643 : i32 to index
      %get3A_2646 = arith.index_cast %get3A_2644 : i32 to index
      %get3A_2647 = arith.constant 32 : index
      %get3A_2648 = tpu.vector_load %arg9[%get3A_2645, %get3A_2646, %get3A_2647] {strides = array<i32>} : memref<4x224x64xf32, #tpu.memory_space<vmem>>, vector<1x1x16xf32>,
      %get3A_2649 = vector.shape_cast %get3A_2648 : vector<1x1x16xf32> to vector<16xf32>
      %add3A_2650 = arith.addf %add3A_2642, %get3A_2649 : vector<16xf32>
      %get3A_2651 = arith.constant 3 : i32
      %get3A_2652 = arith.constant 207 : i32
      %get3A_2653 = arith.index_cast %get3A_2651 : i32 to index
      %get3A_2654 = arith.index_cast %get3A_2652 : i32 to index
      %get3A_2655 = arith.constant 32 : index
      %get3A_2656 = tpu.vector_load %arg9[%get3A_2653, %get3A_2654, %get3A_2655] {strides = array<i32>} : memref<4x224x64xf32, #tpu.memory_space<vmem>>, vector<1x1x16xf32>,
      %get3A_2657 = vector.shape_cast %get3A_2656 : vector<1x1x16xf32> to vector<16xf32>
      %add3A_2658 = arith.addf %add3A_2650, %get3A_2657 : vector<16xf32>
      %get3A_2659 = arith.constant 3 : i32
      %get3A_2660 = arith.constant 208 : i32
      %get3A_2661 = arith.index_cast %get3A_2659 : i32 to index
      %get3A_2662 = arith.index_cast %get3A_2660 : i32 to index
      %get3A_2663 = arith.constant 32 : index
      %get3A_2664 = tpu.vector_load %arg9[%get3A_2661, %get3A_2662, %get3A_2663] {strides = array<i32>} : memref<4x224x64xf32, #tpu.memory_space<vmem>>, vector<1x1x16xf32>,
      %get3A_2665 = vector.shape_cast %get3A_2664 : vector<1x1x16xf32> to vector<16xf32>
      %add3A_2666 = arith.addf %add3A_2658, %get3A_2665 : vector<16xf32>
      %get3A_2667 = arith.constant 3 : i32
      %get3A_2668 = arith.constant 209 : i32
      %get3A_2669 = arith.index_cast %get3A_2667 : i32 to index
      %get3A_2670 = arith.index_cast %get3A_2668 : i32 to index
      %get3A_2671 = arith.constant 32 : index
      %get3A_2672 = tpu.vector_load %arg9[%get3A_2669, %get3A_2670, %get3A_2671] {strides = array<i32>} : memref<4x224x64xf32, #tpu.memory_space<vmem>>, vector<1x1x16xf32>,
      %get3A_2673 = vector.shape_cast %get3A_2672 : vector<1x1x16xf32> to vector<16xf32>
      %add3A_2674 = arith.addf %add3A_2666, %get3A_2673 : vector<16xf32>
      %get3A_2675 = arith.constant 3 : i32
      %get3A_2676 = arith.constant 210 : i32
      %get3A_2677 = arith.index_cast %get3A_2675 : i32 to index
      %get3A_2678 = arith.index_cast %get3A_2676 : i32 to index
      %get3A_2679 = arith.constant 32 : index
      %get3A_2680 = tpu.vector_load %arg9[%get3A_2677, %get3A_2678, %get3A_2679] {strides = array<i32>} : memref<4x224x64xf32, #tpu.memory_space<vmem>>, vector<1x1x16xf32>,
      %get3A_2681 = vector.shape_cast %get3A_2680 : vector<1x1x16xf32> to vector<16xf32>
      %add3A_2682 = arith.addf %add3A_2674, %get3A_2681 : vector<16xf32>
      %get3A_2683 = arith.constant 3 : i32
      %get3A_2684 = arith.constant 211 : i32
      %get3A_2685 = arith.index_cast %get3A_2683 : i32 to index
      %get3A_2686 = arith.index_cast %get3A_2684 : i32 to index
      %get3A_2687 = arith.constant 32 : index
      %get3A_2688 = tpu.vector_load %arg9[%get3A_2685, %get3A_2686, %get3A_2687] {strides = array<i32>} : memref<4x224x64xf32, #tpu.memory_space<vmem>>, vector<1x1x16xf32>,
      %get3A_2689 = vector.shape_cast %get3A_2688 : vector<1x1x16xf32> to vector<16xf32>
      %add3A_2690 = arith.addf %add3A_2682, %get3A_2689 : vector<16xf32>
      %get3A_2691 = arith.constant 3 : i32
      %get3A_2692 = arith.constant 212 : i32
      %get3A_2693 = arith.index_cast %get3A_2691 : i32 to index
      %get3A_2694 = arith.index_cast %get3A_2692 : i32 to index
      %get3A_2695 = arith.constant 32 : index
      %get3A_2696 = tpu.vector_load %arg9[%get3A_2693, %get3A_2694, %get3A_2695] {strides = array<i32>} : memref<4x224x64xf32, #tpu.memory_space<vmem>>, vector<1x1x16xf32>,
      %get3A_2697 = vector.shape_cast %get3A_2696 : vector<1x1x16xf32> to vector<16xf32>
      %add3A_2698 = arith.addf %add3A_2690, %get3A_2697 : vector<16xf32>
      %get3A_2699 = arith.constant 3 : i32
      %get3A_2700 = arith.constant 213 : i32
      %get3A_2701 = arith.index_cast %get3A_2699 : i32 to index
      %get3A_2702 = arith.index_cast %get3A_2700 : i32 to index
      %get3A_2703 = arith.constant 32 : index
      %get3A_2704 = tpu.vector_load %arg9[%get3A_2701, %get3A_2702, %get3A_2703] {strides = array<i32>} : memref<4x224x64xf32, #tpu.memory_space<vmem>>, vector<1x1x16xf32>,
      %get3A_2705 = vector.shape_cast %get3A_2704 : vector<1x1x16xf32> to vector<16xf32>
      %add3A_2706 = arith.addf %add3A_2698, %get3A_2705 : vector<16xf32>
      %get3A_2707 = arith.constant 3 : i32
      %get3A_2708 = arith.constant 214 : i32
      %get3A_2709 = arith.index_cast %get3A_2707 : i32 to index
      %get3A_2710 = arith.index_cast %get3A_2708 : i32 to index
      %get3A_2711 = arith.constant 32 : index
      %get3A_2712 = tpu.vector_load %arg9[%get3A_2709, %get3A_2710, %get3A_2711] {strides = array<i32>} : memref<4x224x64xf32, #tpu.memory_space<vmem>>, vector<1x1x16xf32>,
      %get3A_2713 = vector.shape_cast %get3A_2712 : vector<1x1x16xf32> to vector<16xf32>
      %add3A_2714 = arith.addf %add3A_2706, %get3A_2713 : vector<16xf32>
      %get3A_2715 = arith.constant 3 : i32
      %get3A_2716 = arith.constant 215 : i32
      %get3A_2717 = arith.index_cast %get3A_2715 : i32 to index
      %get3A_2718 = arith.index_cast %get3A_2716 : i32 to index
      %get3A_2719 = arith.constant 32 : index
      %get3A_2720 = tpu.vector_load %arg9[%get3A_2717, %get3A_2718, %get3A_2719] {strides = array<i32>} : memref<4x224x64xf32, #tpu.memory_space<vmem>>, vector<1x1x16xf32>,
      %get3A_2721 = vector.shape_cast %get3A_2720 : vector<1x1x16xf32> to vector<16xf32>
      %add3A_2722 = arith.addf %add3A_2714, %get3A_2721 : vector<16xf32>
      %get3A_2723 = arith.constant 3 : i32
      %get3A_2724 = arith.constant 216 : i32
      %get3A_2725 = arith.index_cast %get3A_2723 : i32 to index
      %get3A_2726 = arith.index_cast %get3A_2724 : i32 to index
      %get3A_2727 = arith.constant 32 : index
      %get3A_2728 = tpu.vector_load %arg9[%get3A_2725, %get3A_2726, %get3A_2727] {strides = array<i32>} : memref<4x224x64xf32, #tpu.memory_space<vmem>>, vector<1x1x16xf32>,
      %get3A_2729 = vector.shape_cast %get3A_2728 : vector<1x1x16xf32> to vector<16xf32>
      %add3A_2730 = arith.addf %add3A_2722, %get3A_2729 : vector<16xf32>
      %get3A_2731 = arith.constant 3 : i32
      %get3A_2732 = arith.constant 217 : i32
      %get3A_2733 = arith.index_cast %get3A_2731 : i32 to index
      %get3A_2734 = arith.index_cast %get3A_2732 : i32 to index
      %get3A_2735 = arith.constant 32 : index
      %get3A_2736 = tpu.vector_load %arg9[%get3A_2733, %get3A_2734, %get3A_2735] {strides = array<i32>} : memref<4x224x64xf32, #tpu.memory_space<vmem>>, vector<1x1x16xf32>,
      %get3A_2737 = vector.shape_cast %get3A_2736 : vector<1x1x16xf32> to vector<16xf32>
      %add3A_2738 = arith.addf %add3A_2730, %get3A_2737 : vector<16xf32>
      %get3A_2739 = arith.constant 3 : i32
      %get3A_2740 = arith.constant 218 : i32
      %get3A_2741 = arith.index_cast %get3A_2739 : i32 to index
      %get3A_2742 = arith.index_cast %get3A_2740 : i32 to index
      %get3A_2743 = arith.constant 32 : index
      %get3A_2744 = tpu.vector_load %arg9[%get3A_2741, %get3A_2742, %get3A_2743] {strides = array<i32>} : memref<4x224x64xf32, #tpu.memory_space<vmem>>, vector<1x1x16xf32>,
      %get3A_2745 = vector.shape_cast %get3A_2744 : vector<1x1x16xf32> to vector<16xf32>
      %add3A_2746 = arith.addf %add3A_2738, %get3A_2745 : vector<16xf32>
      %get3A_2747 = arith.constant 3 : i32
      %get3A_2748 = arith.constant 219 : i32
      %get3A_2749 = arith.index_cast %get3A_2747 : i32 to index
      %get3A_2750 = arith.index_cast %get3A_2748 : i32 to index
      %get3A_2751 = arith.constant 32 : index
      %get3A_2752 = tpu.vector_load %arg9[%get3A_2749, %get3A_2750, %get3A_2751] {strides = array<i32>} : memref<4x224x64xf32, #tpu.memory_space<vmem>>, vector<1x1x16xf32>,
      %get3A_2753 = vector.shape_cast %get3A_2752 : vector<1x1x16xf32> to vector<16xf32>
      %add3A_2754 = arith.addf %add3A_2746, %get3A_2753 : vector<16xf32>
      %swap3A_2755 = arith.index_cast %add3A_2223 : i32 to index
      %swap3A_2756 = arith.constant 32 : index
      %swap3A_2757 = tpu.vector_load %arg10[%swap3A_2755, %swap3A_2756] {strides = array<i32>} : memref<128x64xf32, #tpu.memory_space<vmem>>, vector<1x16xf32>,
      %swap3A_2758 = vector.shape_cast %swap3A_2757 : vector<1x16xf32> to vector<16xf32>
      %swap3A_2759 = vector.shape_cast %add3A_2754 : vector<16xf32> to vector<1x16xf32>
      tpu.vector_store %arg10[%swap3A_2755, %swap3A_2756], %swap3A_2759 {strides = array<i32>} : memref<128x64xf32, #tpu.memory_space<vmem>>, vector<1x16xf32>,
      %get3A_2760 = arith.constant 3 : i32
      %get3A_2761 = arith.constant 200 : i32
      %get3A_2762 = arith.index_cast %get3A_2760 : i32 to index
      %get3A_2763 = arith.index_cast %get3A_2761 : i32 to index
      %get3A_2764 = arith.constant 48 : index
      %get3A_2765 = tpu.vector_load %arg9[%get3A_2762, %get3A_2763, %get3A_2764] {strides = array<i32>} : memref<4x224x64xf32, #tpu.memory_space<vmem>>, vector<1x1x16xf32>,
      %get3A_2766 = vector.shape_cast %get3A_2765 : vector<1x1x16xf32> to vector<16xf32>
      %get3A_2767 = arith.constant 3 : i32
      %get3A_2768 = arith.constant 201 : i32
      %get3A_2769 = arith.index_cast %get3A_2767 : i32 to index
      %get3A_2770 = arith.index_cast %get3A_2768 : i32 to index
      %get3A_2771 = arith.constant 48 : index
      %get3A_2772 = tpu.vector_load %arg9[%get3A_2769, %get3A_2770, %get3A_2771] {strides = array<i32>} : memref<4x224x64xf32, #tpu.memory_space<vmem>>, vector<1x1x16xf32>,
      %get3A_2773 = vector.shape_cast %get3A_2772 : vector<1x1x16xf32> to vector<16xf32>
      %add3A_2774 = arith.addf %get3A_2766, %get3A_2773 : vector<16xf32>
      %get3A_2775 = arith.constant 3 : i32
      %get3A_2776 = arith.constant 202 : i32
      %get3A_2777 = arith.index_cast %get3A_2775 : i32 to index
      %get3A_2778 = arith.index_cast %get3A_2776 : i32 to index
      %get3A_2779 = arith.constant 48 : index
      %get3A_2780 = tpu.vector_load %arg9[%get3A_2777, %get3A_2778, %get3A_2779] {strides = array<i32>} : memref<4x224x64xf32, #tpu.memory_space<vmem>>, vector<1x1x16xf32>,
      %get3A_2781 = vector.shape_cast %get3A_2780 : vector<1x1x16xf32> to vector<16xf32>
      %add3A_2782 = arith.addf %add3A_2774, %get3A_2781 : vector<16xf32>
      %get3A_2783 = arith.constant 3 : i32
      %get3A_2784 = arith.constant 203 : i32
      %get3A_2785 = arith.index_cast %get3A_2783 : i32 to index
      %get3A_2786 = arith.index_cast %get3A_2784 : i32 to index
      %get3A_2787 = arith.constant 48 : index
      %get3A_2788 = tpu.vector_load %arg9[%get3A_2785, %get3A_2786, %get3A_2787] {strides = array<i32>} : memref<4x224x64xf32, #tpu.memory_space<vmem>>, vector<1x1x16xf32>,
      %get3A_2789 = vector.shape_cast %get3A_2788 : vector<1x1x16xf32> to vector<16xf32>
      %add3A_2790 = arith.addf %add3A_2782, %get3A_2789 : vector<16xf32>
      %get3A_2791 = arith.constant 3 : i32
      %get3A_2792 = arith.constant 204 : i32
      %get3A_2793 = arith.index_cast %get3A_2791 : i32 to index
      %get3A_2794 = arith.index_cast %get3A_2792 : i32 to index
      %get3A_2795 = arith.constant 48 : index
      %get3A_2796 = tpu.vector_load %arg9[%get3A_2793, %get3A_2794, %get3A_2795] {strides = array<i32>} : memref<4x224x64xf32, #tpu.memory_space<vmem>>, vector<1x1x16xf32>,
      %get3A_2797 = vector.shape_cast %get3A_2796 : vector<1x1x16xf32> to vector<16xf32>
      %add3A_2798 = arith.addf %add3A_2790, %get3A_2797 : vector<16xf32>
      %get3A_2799 = arith.constant 3 : i32
      %get3A_2800 = arith.constant 205 : i32
      %get3A_2801 = arith.index_cast %get3A_2799 : i32 to index
      %get3A_2802 = arith.index_cast %get3A_2800 : i32 to index
      %get3A_2803 = arith.constant 48 : index
      %get3A_2804 = tpu.vector_load %arg9[%get3A_2801, %get3A_2802, %get3A_2803] {strides = array<i32>} : memref<4x224x64xf32, #tpu.memory_space<vmem>>, vector<1x1x16xf32>,
      %get3A_2805 = vector.shape_cast %get3A_2804 : vector<1x1x16xf32> to vector<16xf32>
      %add3A_2806 = arith.addf %add3A_2798, %get3A_2805 : vector<16xf32>
      %get3A_2807 = arith.constant 3 : i32
      %get3A_2808 = arith.constant 206 : i32
      %get3A_2809 = arith.index_cast %get3A_2807 : i32 to index
      %get3A_2810 = arith.index_cast %get3A_2808 : i32 to index
      %get3A_2811 = arith.constant 48 : index
      %get3A_2812 = tpu.vector_load %arg9[%get3A_2809, %get3A_2810, %get3A_2811] {strides = array<i32>} : memref<4x224x64xf32, #tpu.memory_space<vmem>>, vector<1x1x16xf32>,
      %get3A_2813 = vector.shape_cast %get3A_2812 : vector<1x1x16xf32> to vector<16xf32>
      %add3A_2814 = arith.addf %add3A_2806, %get3A_2813 : vector<16xf32>
      %get3A_2815 = arith.constant 3 : i32
      %get3A_2816 = arith.constant 207 : i32
      %get3A_2817 = arith.index_cast %get3A_2815 : i32 to index
      %get3A_2818 = arith.index_cast %get3A_2816 : i32 to index
      %get3A_2819 = arith.constant 48 : index
      %get3A_2820 = tpu.vector_load %arg9[%get3A_2817, %get3A_2818, %get3A_2819] {strides = array<i32>} : memref<4x224x64xf32, #tpu.memory_space<vmem>>, vector<1x1x16xf32>,
      %get3A_2821 = vector.shape_cast %get3A_2820 : vector<1x1x16xf32> to vector<16xf32>
      %add3A_2822 = arith.addf %add3A_2814, %get3A_2821 : vector<16xf32>
      %get3A_2823 = arith.constant 3 : i32
      %get3A_2824 = arith.constant 208 : i32
      %get3A_2825 = arith.index_cast %get3A_2823 : i32 to index
      %get3A_2826 = arith.index_cast %get3A_2824 : i32 to index
      %get3A_2827 = arith.constant 48 : index
      %get3A_2828 = tpu.vector_load %arg9[%get3A_2825, %get3A_2826, %get3A_2827] {strides = array<i32>} : memref<4x224x64xf32, #tpu.memory_space<vmem>>, vector<1x1x16xf32>,
      %get3A_2829 = vector.shape_cast %get3A_2828 : vector<1x1x16xf32> to vector<16xf32>
      %add3A_2830 = arith.addf %add3A_2822, %get3A_2829 : vector<16xf32>
      %get3A_2831 = arith.constant 3 : i32
      %get3A_2832 = arith.constant 209 : i32
      %get3A_2833 = arith.index_cast %get3A_2831 : i32 to index
      %get3A_2834 = arith.index_cast %get3A_2832 : i32 to index
      %get3A_2835 = arith.constant 48 : index
      %get3A_2836 = tpu.vector_load %arg9[%get3A_2833, %get3A_2834, %get3A_2835] {strides = array<i32>} : memref<4x224x64xf32, #tpu.memory_space<vmem>>, vector<1x1x16xf32>,
      %get3A_2837 = vector.shape_cast %get3A_2836 : vector<1x1x16xf32> to vector<16xf32>
      %add3A_2838 = arith.addf %add3A_2830, %get3A_2837 : vector<16xf32>
      %get3A_2839 = arith.constant 3 : i32
      %get3A_2840 = arith.constant 210 : i32
      %get3A_2841 = arith.index_cast %get3A_2839 : i32 to index
      %get3A_2842 = arith.index_cast %get3A_2840 : i32 to index
      %get3A_2843 = arith.constant 48 : index
      %get3A_2844 = tpu.vector_load %arg9[%get3A_2841, %get3A_2842, %get3A_2843] {strides = array<i32>} : memref<4x224x64xf32, #tpu.memory_space<vmem>>, vector<1x1x16xf32>,
      %get3A_2845 = vector.shape_cast %get3A_2844 : vector<1x1x16xf32> to vector<16xf32>
      %add3A_2846 = arith.addf %add3A_2838, %get3A_2845 : vector<16xf32>
      %get3A_2847 = arith.constant 3 : i32
      %get3A_2848 = arith.constant 211 : i32
      %get3A_2849 = arith.index_cast %get3A_2847 : i32 to index
      %get3A_2850 = arith.index_cast %get3A_2848 : i32 to index
      %get3A_2851 = arith.constant 48 : index
      %get3A_2852 = tpu.vector_load %arg9[%get3A_2849, %get3A_2850, %get3A_2851] {strides = array<i32>} : memref<4x224x64xf32, #tpu.memory_space<vmem>>, vector<1x1x16xf32>,
      %get3A_2853 = vector.shape_cast %get3A_2852 : vector<1x1x16xf32> to vector<16xf32>
      %add3A_2854 = arith.addf %add3A_2846, %get3A_2853 : vector<16xf32>
      %get3A_2855 = arith.constant 3 : i32
      %get3A_2856 = arith.constant 212 : i32
      %get3A_2857 = arith.index_cast %get3A_2855 : i32 to index
      %get3A_2858 = arith.index_cast %get3A_2856 : i32 to index
      %get3A_2859 = arith.constant 48 : index
      %get3A_2860 = tpu.vector_load %arg9[%get3A_2857, %get3A_2858, %get3A_2859] {strides = array<i32>} : memref<4x224x64xf32, #tpu.memory_space<vmem>>, vector<1x1x16xf32>,
      %get3A_2861 = vector.shape_cast %get3A_2860 : vector<1x1x16xf32> to vector<16xf32>
      %add3A_2862 = arith.addf %add3A_2854, %get3A_2861 : vector<16xf32>
      %get3A_2863 = arith.constant 3 : i32
      %get3A_2864 = arith.constant 213 : i32
      %get3A_2865 = arith.index_cast %get3A_2863 : i32 to index
      %get3A_2866 = arith.index_cast %get3A_2864 : i32 to index
      %get3A_2867 = arith.constant 48 : index
      %get3A_2868 = tpu.vector_load %arg9[%get3A_2865, %get3A_2866, %get3A_2867] {strides = array<i32>} : memref<4x224x64xf32, #tpu.memory_space<vmem>>, vector<1x1x16xf32>,
      %get3A_2869 = vector.shape_cast %get3A_2868 : vector<1x1x16xf32> to vector<16xf32>
      %add3A_2870 = arith.addf %add3A_2862, %get3A_2869 : vector<16xf32>
      %get3A_2871 = arith.constant 3 : i32
      %get3A_2872 = arith.constant 214 : i32
      %get3A_2873 = arith.index_cast %get3A_2871 : i32 to index
      %get3A_2874 = arith.index_cast %get3A_2872 : i32 to index
      %get3A_2875 = arith.constant 48 : index
      %get3A_2876 = tpu.vector_load %arg9[%get3A_2873, %get3A_2874, %get3A_2875] {strides = array<i32>} : memref<4x224x64xf32, #tpu.memory_space<vmem>>, vector<1x1x16xf32>,
      %get3A_2877 = vector.shape_cast %get3A_2876 : vector<1x1x16xf32> to vector<16xf32>
      %add3A_2878 = arith.addf %add3A_2870, %get3A_2877 : vector<16xf32>
      %get3A_2879 = arith.constant 3 : i32
      %get3A_2880 = arith.constant 215 : i32
      %get3A_2881 = arith.index_cast %get3A_2879 : i32 to index
      %get3A_2882 = arith.index_cast %get3A_2880 : i32 to index
      %get3A_2883 = arith.constant 48 : index
      %get3A_2884 = tpu.vector_load %arg9[%get3A_2881, %get3A_2882, %get3A_2883] {strides = array<i32>} : memref<4x224x64xf32, #tpu.memory_space<vmem>>, vector<1x1x16xf32>,
      %get3A_2885 = vector.shape_cast %get3A_2884 : vector<1x1x16xf32> to vector<16xf32>
      %add3A_2886 = arith.addf %add3A_2878, %get3A_2885 : vector<16xf32>
      %get3A_2887 = arith.constant 3 : i32
      %get3A_2888 = arith.constant 216 : i32
      %get3A_2889 = arith.index_cast %get3A_2887 : i32 to index
      %get3A_2890 = arith.index_cast %get3A_2888 : i32 to index
      %get3A_2891 = arith.constant 48 : index
      %get3A_2892 = tpu.vector_load %arg9[%get3A_2889, %get3A_2890, %get3A_2891] {strides = array<i32>} : memref<4x224x64xf32, #tpu.memory_space<vmem>>, vector<1x1x16xf32>,
      %get3A_2893 = vector.shape_cast %get3A_2892 : vector<1x1x16xf32> to vector<16xf32>
      %add3A_2894 = arith.addf %add3A_2886, %get3A_2893 : vector<16xf32>
      %get3A_2895 = arith.constant 3 : i32
      %get3A_2896 = arith.constant 217 : i32
      %get3A_2897 = arith.index_cast %get3A_2895 : i32 to index
      %get3A_2898 = arith.index_cast %get3A_2896 : i32 to index
      %get3A_2899 = arith.constant 48 : index
      %get3A_2900 = tpu.vector_load %arg9[%get3A_2897, %get3A_2898, %get3A_2899] {strides = array<i32>} : memref<4x224x64xf32, #tpu.memory_space<vmem>>, vector<1x1x16xf32>,
      %get3A_2901 = vector.shape_cast %get3A_2900 : vector<1x1x16xf32> to vector<16xf32>
      %add3A_2902 = arith.addf %add3A_2894, %get3A_2901 : vector<16xf32>
      %get3A_2903 = arith.constant 3 : i32
      %get3A_2904 = arith.constant 218 : i32
      %get3A_2905 = arith.index_cast %get3A_2903 : i32 to index
      %get3A_2906 = arith.index_cast %get3A_2904 : i32 to index
      %get3A_2907 = arith.constant 48 : index
      %get3A_2908 = tpu.vector_load %arg9[%get3A_2905, %get3A_2906, %get3A_2907] {strides = array<i32>} : memref<4x224x64xf32, #tpu.memory_space<vmem>>, vector<1x1x16xf32>,
      %get3A_2909 = vector.shape_cast %get3A_2908 : vector<1x1x16xf32> to vector<16xf32>
      %add3A_2910 = arith.addf %add3A_2902, %get3A_2909 : vector<16xf32>
      %get3A_2911 = arith.constant 3 : i32
      %get3A_2912 = arith.constant 219 : i32
      %get3A_2913 = arith.index_cast %get3A_2911 : i32 to index
      %get3A_2914 = arith.index_cast %get3A_2912 : i32 to index
      %get3A_2915 = arith.constant 48 : index
      %get3A_2916 = tpu.vector_load %arg9[%get3A_2913, %get3A_2914, %get3A_2915] {strides = array<i32>} : memref<4x224x64xf32, #tpu.memory_space<vmem>>, vector<1x1x16xf32>,
      %get3A_2917 = vector.shape_cast %get3A_2916 : vector<1x1x16xf32> to vector<16xf32>
      %add3A_2918 = arith.addf %add3A_2910, %get3A_2917 : vector<16xf32>
      %swap3A_2919 = arith.index_cast %add3A_2223 : i32 to index
      %swap3A_2920 = arith.constant 48 : index
      %swap3A_2921 = tpu.vector_load %arg10[%swap3A_2919, %swap3A_2920] {strides = array<i32>} : memref<128x64xf32, #tpu.memory_space<vmem>>, vector<1x16xf32>,
      %swap3A_2922 = vector.shape_cast %swap3A_2921 : vector<1x16xf32> to vector<16xf32>
      %swap3A_2923 = vector.shape_cast %add3A_2918 : vector<16xf32> to vector<1x16xf32>
      tpu.vector_store %arg10[%swap3A_2919, %swap3A_2920], %swap3A_2923 {strides = array<i32>} : memref<128x64xf32, #tpu.memory_space<vmem>>, vector<1x16xf32>,
      %add3A_2924 = arith.constant 4 : i32
      %add3A_2925 = arith.addi %add3A_2223, %add3A_2924 : i32
      %lt3A_2926 = arith.constant 128 : i32
      %lt3A_2927 = arith.cmpi slt, %add3A_2925, %lt3A_2926 : i32
      %convert_element_type3A_2928 = arith.extui %lt3A_2927 : i1 to i32
      %cond3A_2929 = arith.constant 0 : i32
      %cond3A_2930 = arith.cmpi ne, %convert_element_type3A_2928, %cond3A_2929 : i32
      scf.if %cond3A_2930 {
        %add3A_2932 = arith.constant 4 : i32
        %add3A_2933 = arith.addi %add3A_2223, %add3A_2932 : i32
        %mul3A_2934 = arith.constant 200 : i32
        %mul3A_2935 = arith.muli %add3A_2933, %mul3A_2934 : i32
        %dma_start3A_2936 = arith.constant 3 : i32
        %dma_start3A_2937 = arith.constant 0 : i32
        %dma_start3A_2938 = arith.constant 0 : i32
        %dma_start3A_2939 = tpu.memref_slice %arg9[%dma_start3A_2936, %dma_start3A_2937, %dma_start3A_2938] : memref<4x224x64xf32, #tpu.memory_space<vmem>> -> memref<1x200x64xf32, #tpu.memory_space<vmem>>
        %dma_start3A_2940 = tpu.memref_squeeze %dma_start3A_2939 : memref<1x200x64xf32, #tpu.memory_space<vmem>> -> memref<200x64xf32, #tpu.memory_space<vmem>>
        %dma_start3A_2941 = tpu.memref_slice %arg7[%mul3A_2935] : memref<25600xi32, #tpu.memory_space<vmem>> -> memref<200xi32, #tpu.memory_space<vmem>>
        %dma_start3A_2942 = arith.constant 0 : i32
        %dma_start3A_2943 = arith.constant 0 : i32
        %dma_start3A_2944 = tpu.memref_slice %arg4[%dma_start3A_2942, %dma_start3A_2943] : memref<100000x64xf32, #tpu.memory_space<hbm>> -> memref<100000x64xf32, #tpu.memory_space<hbm>>
        tpu.enqueue_indirect_dma source(%dma_start3A_2944 : memref<100000x64xf32, #tpu.memory_space<hbm>>) target(%dma_start3A_2940 : memref<200x64xf32, #tpu.memory_space<vmem>>) offsets(%dma_start3A_2941 : memref<200xi32, #tpu.memory_space<vmem>>) semaphore(%arg15 : memref<!tpu.dma_semaphore, #tpu.memory_space<semaphore_mem>>)
        %mul3A_2945 = arith.constant 24 : i32
        %mul3A_2946 = arith.muli %add3A_2933, %mul3A_2945 : i32
        %dma_start3A_2947 = arith.constant 3 : i32
        %dma_start3A_2948 = arith.constant 200 : i32
        %dma_start3A_2949 = arith.constant 0 : i32
        %dma_start3A_2950 = tpu.memref_slice %arg9[%dma_start3A_2947, %dma_start3A_2948, %dma_start3A_2949] : memref<4x224x64xf32, #tpu.memory_space<vmem>> -> memref<1x24x64xf32, #tpu.memory_space<vmem>>
        %dma_start3A_2951 = tpu.memref_squeeze %dma_start3A_2950 : memref<1x24x64xf32, #tpu.memory_space<vmem>> -> memref<24x64xf32, #tpu.memory_space<vmem>>
        %dma_start3A_2952 = tpu.memref_slice %arg8[%mul3A_2946] : memref<3072xi32, #tpu.memory_space<vmem>> -> memref<24xi32, #tpu.memory_space<vmem>>
        %dma_start3A_2953 = arith.constant 0 : i32
        %dma_start3A_2954 = arith.constant 0 : i32
        %dma_start3A_2955 = tpu.memref_slice %arg4[%dma_start3A_2953, %dma_start3A_2954] : memref<100000x64xf32, #tpu.memory_space<hbm>> -> memref<100000x64xf32, #tpu.memory_space<hbm>>
        tpu.enqueue_indirect_dma source(%dma_start3A_2955 : memref<100000x64xf32, #tpu.memory_space<hbm>>) target(%dma_start3A_2951 : memref<24x64xf32, #tpu.memory_space<vmem>>) offsets(%dma_start3A_2952 : memref<24xi32, #tpu.memory_space<vmem>>) semaphore(%arg15 : memref<!tpu.dma_semaphore, #tpu.memory_space<semaphore_mem>>)
      } else {
      }
      %scan3A_2931 = arith.constant 0 : i32
      scf.yield %scan3A_2931 : i32
    }
    %scan3A_91 = arith.constant 32 : i32
    "tpu.region"() ({
      %run_scoped3A = tpu.sem_alloc : memref<!tpu.dma_semaphore, #tpu.memory_space<semaphore_mem>>
      %dma_start3A_92 = arith.constant 0 : i32
      %dma_start3A_93 = tpu.memref_slice %arg5[%mul3A_2, %dma_start3A_92] : memref<4096x64xf32, #tpu.memory_space<hbm>> -> memref<128x64xf32, #tpu.memory_space<hbm>>
      %dma_start3A_94 = arith.constant 0 : i32
      %dma_start3A_95 = tpu.memref_slice %arg5[%mul3A_2, %dma_start3A_94] : memref<4096x64xf32, #tpu.memory_space<hbm>> -> memref<128x64xf32, #tpu.memory_space<hbm>>
      tpu.enqueue_dma source(%arg10 : memref<128x64xf32, #tpu.memory_space<vmem>>) target(%dma_start3A_95 : memref<128x64xf32, #tpu.memory_space<hbm>>) target_semaphore(%run_scoped3A : memref<!tpu.dma_semaphore, #tpu.memory_space<semaphore_mem>>)
      %dma_wait3A = arith.constant 0 : i32
      %dma_wait3A_96 = tpu.memref_slice %arg5[%mul3A_2, %dma_wait3A] : memref<4096x64xf32, #tpu.memory_space<hbm>> -> memref<128x64xf32, #tpu.memory_space<hbm>>
      %dma_wait3A_97 = arith.constant 0 : i32
      %dma_wait3A_98 = tpu.memref_slice %arg5[%mul3A_2, %dma_wait3A_97] : memref<4096x64xf32, #tpu.memory_space<hbm>> -> memref<128x64xf32, #tpu.memory_space<hbm>>
      tpu.wait_dma2 semaphore(%run_scoped3A : memref<!tpu.dma_semaphore, #tpu.memory_space<semaphore_mem>>) src(%arg10 : memref<128x64xf32, #tpu.memory_space<vmem>>) dst(%dma_wait3A_98 : memref<128x64xf32, #tpu.memory_space<hbm>>)
      tpu.yield
    }) : () -> ()
    "tpu.region"() ({
      %run_scoped3A = tpu.sem_alloc : memref<!tpu.dma_semaphore, #tpu.memory_space<semaphore_mem>>
      %dma_start3A_92 = arith.constant 0 : i32
      %dma_start3A_93 = tpu.memref_slice %arg6[%mul3A_2, %dma_start3A_92] : memref<4096x64xf32, #tpu.memory_space<hbm>> -> memref<128x64xf32, #tpu.memory_space<hbm>>
      %dma_start3A_94 = arith.constant 0 : i32
      %dma_start3A_95 = tpu.memref_slice %arg6[%mul3A_2, %dma_start3A_94] : memref<4096x64xf32, #tpu.memory_space<hbm>> -> memref<128x64xf32, #tpu.memory_space<hbm>>
      tpu.enqueue_dma source(%arg11 : memref<128x64xf32, #tpu.memory_space<vmem>>) target(%dma_start3A_95 : memref<128x64xf32, #tpu.memory_space<hbm>>) target_semaphore(%run_scoped3A : memref<!tpu.dma_semaphore, #tpu.memory_space<semaphore_mem>>)
      %dma_wait3A = arith.constant 0 : i32
      %dma_wait3A_96 = tpu.memref_slice %arg6[%mul3A_2, %dma_wait3A] : memref<4096x64xf32, #tpu.memory_space<hbm>> -> memref<128x64xf32, #tpu.memory_space<hbm>>
      %dma_wait3A_97 = arith.constant 0 : i32
      %dma_wait3A_98 = tpu.memref_slice %arg6[%mul3A_2, %dma_wait3A_97] : memref<4096x64xf32, #tpu.memory_space<hbm>> -> memref<128x64xf32, #tpu.memory_space<hbm>>
      tpu.wait_dma2 semaphore(%run_scoped3A : memref<!tpu.dma_semaphore, #tpu.memory_space<semaphore_mem>>) src(%arg11 : memref<128x64xf32, #tpu.memory_space<vmem>>) dst(%dma_wait3A_98 : memref<128x64xf32, #tpu.memory_space<hbm>>)
      tpu.yield
    }) : () -> ()
    return
  }
}

module attributes {stable_mosaic.version = 14 : i64} {
  func.func @_fc_body(%arg0: i32, %arg1: memref<512x64xf32, #tpu.memory_space<vmem>>, %arg2: memref<512x64xf32, #tpu.memory_space<vmem>>, %arg3: memref<512x1xf32, #tpu.memory_space<vmem>>, %arg4: memref<512x1xf32, #tpu.memory_space<vmem>>, %arg5: memref<512x1xf32, #tpu.memory_space<vmem>>, %arg6: memref<64x128xf32, #tpu.memory_space<vmem>>, %arg7: memref<64x128xf32, #tpu.memory_space<vmem>>, %arg8: memref<1x128xf32, #tpu.memory_space<vmem>>, %arg9: memref<1x128xf32, #tpu.memory_space<vmem>>, %arg10: memref<512x128xf32, #tpu.memory_space<vmem>>) attributes {dimension_semantics = [#tpu.dimension_semantics<arbitrary>], iteration_bounds = array<i64: 8>, scalar_prefetch = 0 : i64, scratch_operands = 0 : i64, tpu.core_type = #tpu.core_type<tc>, window_params = [{transform_indices = @transform_0, window_bounds = array<i64: 512, 64>}, {transform_indices = @transform_1, window_bounds = array<i64: 512, 64>}, {transform_indices = @transform_2, window_bounds = array<i64: 512, 1>}, {transform_indices = @transform_3, window_bounds = array<i64: 512, 1>}, {transform_indices = @transform_4, window_bounds = array<i64: 512, 1>}, {pipeline_mode = #tpu.pipeline_mode<synchronous>, transform_indices = @transform_5, window_bounds = array<i64: 64, 128>}, {pipeline_mode = #tpu.pipeline_mode<synchronous>, transform_indices = @transform_6, window_bounds = array<i64: 64, 128>}, {pipeline_mode = #tpu.pipeline_mode<synchronous>, transform_indices = @transform_7, window_bounds = array<i64: 1, 128>}, {pipeline_mode = #tpu.pipeline_mode<synchronous>, transform_indices = @transform_8, window_bounds = array<i64: 1, 128>}, {transform_indices = @transform_9, window_bounds = array<i64: 512, 128>}]} {
    %get3A = arith.constant 0 : index
    %get3A_0 = arith.constant 0 : index
    %get3A_1 = vector.load %arg1[%get3A, %get3A_0] : memref<512x64xf32, #tpu.memory_space<vmem>>, vector<512x64xf32>
    %get3A_2 = arith.constant 0 : index
    %get3A_3 = arith.constant 0 : index
    %get3A_4 = vector.load %arg3[%get3A_2, %get3A_3] : memref<512x1xf32, #tpu.memory_space<vmem>>, vector<512x1xf32>
    %div3A = vector.broadcast %get3A_4 : vector<512x1xf32> to vector<512x64xf32>
    %div3A_5 = arith.divf %get3A_1, %div3A : vector<512x64xf32>
    %get3A_6 = arith.constant 0 : index
    %get3A_7 = arith.constant 0 : index
    %get3A_8 = vector.load %arg2[%get3A_6, %get3A_7] : memref<512x64xf32, #tpu.memory_space<vmem>>, vector<512x64xf32>
    %get3A_9 = arith.constant 0 : index
    %get3A_10 = arith.constant 0 : index
    %get3A_11 = vector.load %arg4[%get3A_9, %get3A_10] : memref<512x1xf32, #tpu.memory_space<vmem>>, vector<512x1xf32>
    %div3A_12 = vector.broadcast %get3A_11 : vector<512x1xf32> to vector<512x64xf32>
    %div3A_13 = arith.divf %get3A_8, %div3A_12 : vector<512x64xf32>
    %get3A_14 = arith.constant 0 : index
    %get3A_15 = arith.constant 0 : index
    %get3A_16 = vector.load %arg6[%get3A_14, %get3A_15] : memref<64x128xf32, #tpu.memory_space<vmem>>, vector<64x128xf32>
    %dot_general3A = arith.constant dense<0.000000e+00> : vector<512x128xf32>
    %dot_general3A_17 = tpu.matmul %div3A_5, %get3A_16, %dot_general3A {dimension_numbers = #tpu.dot_dimension_numbers<[1], [0], [0], [1], [0, 0, 1, 1], [], []>, transpose_lhs_hint = false} : vector<512x64xf32>, vector<64x128xf32>, vector<512x128xf32> -> vector<512x128xf32>
    %get3A_18 = arith.constant 0 : index
    %get3A_19 = arith.constant 0 : index
    %get3A_20 = vector.load %arg7[%get3A_18, %get3A_19] : memref<64x128xf32, #tpu.memory_space<vmem>>, vector<64x128xf32>
    %dot_general3A_21 = arith.constant dense<0.000000e+00> : vector<512x128xf32>
    %dot_general3A_22 = tpu.matmul %div3A_13, %get3A_20, %dot_general3A_21 {dimension_numbers = #tpu.dot_dimension_numbers<[1], [0], [0], [1], [0, 0, 1, 1], [], []>, transpose_lhs_hint = false} : vector<512x64xf32>, vector<64x128xf32>, vector<512x128xf32> -> vector<512x128xf32>
    %add3A = arith.addf %dot_general3A_17, %dot_general3A_22 : vector<512x128xf32>
    %get3A_23 = arith.constant 0 : index
    %get3A_24 = arith.constant 0 : index
    %get3A_25 = vector.load %arg5[%get3A_23, %get3A_24] : memref<512x1xf32, #tpu.memory_space<vmem>>, vector<512x1xf32>
    %get3A_26 = arith.constant 0 : index
    %get3A_27 = arith.constant 0 : index
    %get3A_28 = vector.load %arg8[%get3A_26, %get3A_27] : memref<1x128xf32, #tpu.memory_space<vmem>>, vector<1x128xf32>
    %mul3A = vector.broadcast %get3A_25 : vector<512x1xf32> to vector<512x128xf32>
    %mul3A_29 = vector.broadcast %get3A_28 : vector<1x128xf32> to vector<512x128xf32>
    %mul3A_30 = arith.mulf %mul3A, %mul3A_29 : vector<512x128xf32>
    %add3A_31 = arith.addf %add3A, %mul3A_30 : vector<512x128xf32>
    %get3A_32 = arith.constant 0 : index
    %get3A_33 = arith.constant 0 : index
    %get3A_34 = vector.load %arg9[%get3A_32, %get3A_33] : memref<1x128xf32, #tpu.memory_space<vmem>>, vector<1x128xf32>
    %add3A_35 = vector.broadcast %get3A_34 : vector<1x128xf32> to vector<512x128xf32>
    %add3A_36 = arith.addf %add3A_31, %add3A_35 : vector<512x128xf32>
    %swap3A = arith.constant 0 : index
    %swap3A_37 = arith.constant 0 : index
    %swap3A_38 = vector.load %arg10[%swap3A, %swap3A_37] : memref<512x128xf32, #tpu.memory_space<vmem>>, vector<512x128xf32>
    tpu.vector_store %arg10[%swap3A, %swap3A_37], %add3A_36 {strides = array<i32>} : memref<512x128xf32, #tpu.memory_space<vmem>>, vector<512x128xf32>,
    return
  }
  func.func @transform_0(%arg0: i32) -> (i32, i32) {
    %c0_i32 = arith.constant 0 : i32
    %c0_i32_0 = arith.constant 0 : i32
    return %arg0, %c0_i32 : i32, i32
  }
  func.func @transform_1(%arg0: i32) -> (i32, i32) {
    %c0_i32 = arith.constant 0 : i32
    %c0_i32_0 = arith.constant 0 : i32
    return %arg0, %c0_i32 : i32, i32
  }
  func.func @transform_2(%arg0: i32) -> (i32, i32) {
    %c0_i32 = arith.constant 0 : i32
    %c0_i32_0 = arith.constant 0 : i32
    return %arg0, %c0_i32 : i32, i32
  }
  func.func @transform_3(%arg0: i32) -> (i32, i32) {
    %c0_i32 = arith.constant 0 : i32
    %c0_i32_0 = arith.constant 0 : i32
    return %arg0, %c0_i32 : i32, i32
  }
  func.func @transform_4(%arg0: i32) -> (i32, i32) {
    %c0_i32 = arith.constant 0 : i32
    %c0_i32_0 = arith.constant 0 : i32
    return %arg0, %c0_i32 : i32, i32
  }
  func.func @transform_5(%arg0: i32) -> (i32, i32) {
    %c0_i32 = arith.constant 0 : i32
    %c0_i32_0 = arith.constant 0 : i32
    %c0_i32_1 = arith.constant 0 : i32
    return %c0_i32, %c0_i32_0 : i32, i32
  }
  func.func @transform_6(%arg0: i32) -> (i32, i32) {
    %c0_i32 = arith.constant 0 : i32
    %c0_i32_0 = arith.constant 0 : i32
    %c0_i32_1 = arith.constant 0 : i32
    return %c0_i32, %c0_i32_0 : i32, i32
  }
  func.func @transform_7(%arg0: i32) -> (i32, i32) {
    %c0_i32 = arith.constant 0 : i32
    %c0_i32_0 = arith.constant 0 : i32
    %c0_i32_1 = arith.constant 0 : i32
    return %c0_i32, %c0_i32_0 : i32, i32
  }
  func.func @transform_8(%arg0: i32) -> (i32, i32) {
    %c0_i32 = arith.constant 0 : i32
    %c0_i32_0 = arith.constant 0 : i32
    %c0_i32_1 = arith.constant 0 : i32
    return %c0_i32, %c0_i32_0 : i32, i32
  }
  func.func @transform_9(%arg0: i32) -> (i32, i32) {
    %c0_i32 = arith.constant 0 : i32
    %c0_i32_0 = arith.constant 0 : i32
    return %arg0, %c0_i32 : i32, i32
  }
}

</mosaic_0001>

<sc_bundles>
// kernel: kernel.4.cloned.1.call-start
scs
__scs_entry_jumppad:
0x0: {  	(pc) =	sbr.rel $0x88, $3  }
0x1: {  	(tag) =	ssettag $0x0;
	lr =	simm.s32 $0x1  }
0x2: {  	[smem:$0x3F99] =	sst lr;
	_ =	strace $0xD0000000  }
0x3: {  	_ = 	snop  }
0x4: {  	_ = 	snop  }
0x5: {  	_ = 	snop  }
0x6: {  	_ = 	snop  }
0x7: {  	_ = 	snop  }
__scs_overlays_trampoline_lowered:
0x8: {  	[smem:$0x3FA8] =	sst s0  }
0x9: {  	[smem:$0x3FA9] =	sst s1  }
0xa: {  	[smem:$0x3FAA] =	sst s2  }
0xb: {  	[smem:$0x3FAB] =	sst s3  }
0xc: {  	[smem:$0x3FAC] =	sst s4  }
0xd: {  	[smem:$0x3FAD] =	sst s5  }
0xe: {  	[smem:$0x3FAE] =	sst s6  }
0xf: {  	[smem:$0x3FAF] =	sst s7  }
0x10: {  	[smem:$0x3FB0] =	sst s8  }
0x11: {  	[smem:$0x3FB1] =	sst s9;
	s0 =	simm.s32 @!p0 $0x0  }
0x12: {  	s1 =	sld [smem:$0x3F97];
	s0 =	simm.s32 @p0 $0x1  }
0x13: {  	[smem:$0x3FB2] =	sst s0;
	s0 =	simm.s32 @!p1 $0x0  }
0x14: {  	s2 =	sld [smem:$0x3F96];
	s0 =	simm.s32 @p1 $0x1  }
0x15: {  	[smem:$0x3FB3] =	sst s0;
	s0 =	simm.s32 @!p2 $0x0  }
0x16: {  	s3 =	sld [smem:$0x3FDB];
	s0 =	simm.s32 @p2 $0x1  }
0x17: {  	s4 =	simm.s32 $0x1BF5;
	[smem:$0x3FB5] =	sst s0  }
0x18: {  	s0 =	sld [smem:$0x3F98];
	_ =	swait.ge [sflag:s4], $0x0  }
0x19: {  	s7 =	sld [smem:$0x3F99]  }
0x1a: {  	s8 =	sadd.s32 $0xFFFFE003, lr  }
0x1b: {  	s9 =	sadd.s32 $0xFFFFFEF7, lr;
	s5 =	simm.s32 $0xFFFFFFFF;
	p2 =	slt.u32 s8, $0xFFFFF086  }
0x1c: {  	p1 =	slt.u32 s9, $0xF7A;
	s5 =	simm.s32 @!p2 $0x0  }
0x1d: {  	s5 =	simm.s32 @p1 $0x1;
	p0 =	seq.s32 s7, s2  }
0x1e: {  	s7 =	smul.u32 @!p0 $0xF7A, s2;
	p2 =	seq.s32 @!p0 s5, $0x0  }
0x1f: {  	s9 =	smul.u32 $0xF7A, s1;
	s8 =	simm.s32 @!p0 $0x1BF5;
	p2 =	por !p2, p0  }
0x20: {  	[sflag:s8] =	ssyncset.s32 @!p0 $0xFFFFF086;
	s6 =	sadd.s32 @!p0 s3, s7;
	s7 =	simm.s32 @!p0 $0x108  }
0x21: {  	s3 =	sadd.s32 s3, s9;
	s6 =	sadd.s32 @!p0 $0x88, s6;
	s7 =	simm.s32 @p2 $0x1082  }
0x22: {  	[simem:s7], [sflag:s8] =	dma.local @!p0 [hbm:s6], $0xF7A  }
0x23: {  	s9 =	sor.u32 $0xD0000000, s2;
	s6 =	simm.s32 $0x108;
	_ =	swait.ge @!p0 [sflag:s8], $0x0  }
0x24: {  	s3 =	sadd.s32 $0x88, s3;
	s6 =	simm.s32 @!p1 $0x1082;
	[sflag:s4] =	ssyncset.s32 $0xFFFFF086  }
0x25: {  	[simem:s6], [sflag:s4] =	dma.local [hbm:s3], $0xF7A  }
0x26: {  	[smem:$0x3F99] =	sst s1;
	(tag) =	ssettag s2;
	_ =	strace s9  }
0x27: {  	s1 =	sld [smem:$0x3FA9]  }
0x28: {  	s2 =	sld [smem:$0x3FAA]  }
0x29: {  	s4 =	sld [smem:$0x3FAC]  }
0x2a: {  	p0 =	seq.s32 s5, $0x0;
	s5 =	sld [smem:$0x3FAD]  }
0x2b: {  	s6 =	sld [smem:$0x3FAE]  }
0x2c: {  	s7 =	sld [smem:$0x3FAF]  }
0x2d: {  	s3 =	simm.s32 $0x108;
	s8 =	sld [smem:$0x3FB0]  }
0x2e: {  	s3 =	simm.s32 @!p0 $0x1082;
	s9 =	sld [smem:$0x3FB1]  }
0x2f: {  	lr =	sadd.s32 s0, s3;
	s0 =	sld [smem:$0x3FA8]  }
0x30: {  	s3 =	sld [smem:$0x3FAB]  }
0x31: {  	[smem:$0x3FB4] =	sst s10  }
0x32: {  	s10 =	sld [smem:$0x3FB2];
	_ =	sdelay $0x3  }
0x33: {  	p0 =	seq.s32 s10, $0x1;
	s10 =	sld [smem:$0x3FB4];
	_ =	sdelay $0x3  }
0x34: {  	[smem:$0x3FB4] =	sst s10  }
0x35: {  	s10 =	sld [smem:$0x3FB3];
	_ =	sdelay $0x3  }
0x36: {  	p1 =	seq.s32 s10, $0x1;
	s10 =	sld [smem:$0x3FB4];
	_ =	sdelay $0x3  }
0x37: {  	[smem:$0x3FB4] =	sst s10  }
0x38: {  	s10 =	sld [smem:$0x3FB5]  }
0x39: {  	_ = 	snop;
	(pc) =	sbr.ind lr, $3  }
0x3a: {  	_ = 	snop  }
0x3b: {  	_ = 	snop  }
0x3c: {  	p2 =	seq.s32 s10, $0x1;
	s10 =	sld [smem:$0x3FB4]  }
0x3d: {  	_ =	shalt  }
0x3e: {  	_ =	shalt  }
0x3f: {  	_ =	shalt  }
0x40: {  	_ =	shalt  }
0x41: {  	_ =	shalt  }
0x42: {  	_ =	shalt  }
0x43: {  	_ =	shalt  }
0x44: {  	_ =	shalt  }
0x45: {  	_ =	shalt  }
0x46: {  	_ =	shalt  }
0x47: {  	_ =	shalt  }
0x48: {  	_ =	shalt  }
0x49: {  	_ =	shalt  }
0x4a: {  	_ =	shalt  }
0x4b: {  	_ =	shalt  }
0x4c: {  	_ =	shalt  }
0x4d: {  	_ =	shalt  }
0x4e: {  	_ =	shalt  }
0x4f: {  	_ =	shalt  }
0x50: {  	_ =	shalt  }
0x51: {  	_ =	shalt  }
0x52: {  	_ =	shalt  }
0x53: {  	_ =	shalt  }
0x54: {  	_ =	shalt  }
0x55: {  	_ =	shalt  }
0x56: {  	_ =	shalt  }
0x57: {  	_ =	shalt  }
0x58: {  	_ =	shalt  }
0x59: {  	_ =	shalt  }
0x5a: {  	_ =	shalt  }
0x5b: {  	_ =	shalt  }
0x5c: {  	_ =	shalt  }
0x5d: {  	_ =	shalt  }
0x5e: {  	_ =	shalt  }
0x5f: {  	_ =	shalt  }
0x60: {  	_ =	shalt  }
0x61: {  	_ =	shalt  }
0x62: {  	_ =	shalt  }
0x63: {  	_ =	shalt  }
0x64: {  	_ =	shalt  }
0x65: {  	_ =	shalt  }
0x66: {  	_ =	shalt  }
0x67: {  	_ =	shalt  }
0x68: {  	_ =	shalt  }
0x69: {  	_ =	shalt  }
0x6a: {  	_ =	shalt  }
0x6b: {  	_ =	shalt  }
0x6c: {  	_ =	shalt  }
0x6d: {  	_ =	shalt  }
0x6e: {  	_ =	shalt  }
0x6f: {  	_ =	shalt  }
0x70: {  	_ =	shalt  }
0x71: {  	_ =	shalt  }
0x72: {  	_ =	shalt  }
0x73: {  	_ =	shalt  }
0x74: {  	_ =	shalt  }
0x75: {  	_ =	shalt  }
0x76: {  	_ =	shalt  }
0x77: {  	_ =	shalt  }
0x78: {  	_ =	shalt  }
0x79: {  	_ =	shalt  }
0x7a: {  	_ =	shalt  }
0x7b: {  	_ =	shalt  }
0x7c: {  	_ =	shalt  }
0x7d: {  	_ =	shalt  }
0x7e: {  	_ =	shalt  }
0x7f: {  	_ =	shalt  }
0x80: {  	_ =	shalt  }
0x81: {  	_ =	shalt  }
0x82: {  	_ =	shalt  }
0x83: {  	_ =	shalt  }
0x84: {  	_ =	shalt  }
0x85: {  	_ =	shalt  }
0x86: {  	_ =	shalt  }
0x87: {  	_ =	shalt  }
.Lfunc_end0:
.L_simem_size_0:
called_computation_lowered:
.L_overlay_start_0:
0x88: {  	s2 =	sld [smem:$0x3FD9]  }
0x89: {  	s3 =	sld [smem:$0x3FFE];
	_ =	sdelay $0x1  }
0x8a: {  	s1 =	srdreg.scid  }
0x8b: {  	s0 =	sand.u32 $0x1, s1  }
0x8c: {  	s17 =	sshll.u32 s0, $0xA;
	s2 =	sadd.s32 s3, s2  }
0x8d: {  	s2 =	sadd.s32 s2, s17  }
0x8e: {  	[smem:$0x3FC0] =	sst s2  }
0x8f: {  	_ = 	snop  }
0x90: {  	s2 =	sld [smem:$0x3FD0];
	(tm) =	ssettm $0x1  }
0x91: {  	s18 =	sld [smem:$0x3FFB];
	_ =	sdelay $0x3  }
0x92: {  	_ =	strace s18  }
0x93: {  	s3 =	sld [smem:$0x3FFC];
	_ =	sdelay $0x3  }
0x94: {  	_ =	strace s3  }
0x95: {  	s3 =	sld [smem:$0x3FFD];
	_ =	sdelay $0x3  }
0x96: {  	_ =	strace s3  }
0x97: {  	_ =	strace $0x8FFFFFFF  }
0x98: {  	s19 =	sld [smem:$0x3FDB];
	_ =	sdelay $0x1  }
0x99: {  	s4 =	simm.s32 $_scs_section_size  }
0x9a: {  	s5 =	simm.s32 $_size__tile_overlayer_lowered;
	s6 =	simm.s32 $_tile_overlayer_lowered  }
0x9b: {  	s22 =	simm.s32 $0x1BFF;
	s21 =	sshll.u32 s6, $0x1;
	s3 =	sadd.s32 s4, s19  }
0x9c: {  	s7 =	simm.s32 $0x0;
	s20 =	sshll.u32 s5, $0x1;
	s5 =	sadd.s32 s21, s3  }
0x9d: {  	[timem:s7], [sflag:s22] =	dma.local [hbm:s5], s20  }
0x9e: {  	_ =	swait.ge [sflag:s22], s20  }
0x9f: {  	s4 =	ssub.s32 $0x0, s20;
	[sflag:s22] =	ssyncset.done $0x0  }
0xa0: {  	[sflag:s22] =	ssyncadd.s32 s4;
	_ =	sdelay $0x1  }
0xa1: {  	s23 =	simm.s32 $0x1B8B  }
0xa2: {  	_ =	swait.ge [sflag:s23], $0x1  }
0xa3: {  	[sflag:s23] =	ssyncset.done $0x0  }
0xa4: {  	s25 =	simm.s32 $0x1B8E;
	s24 =	sld [smem:$0x3FFE];
	[sflag:s23] =	ssyncadd.s32 $0xFFFFFFFF  }
0xa5: {  	s26 =	simm.s32 $execute0_lowered;
	[smem:$0x3FD2] =	sst s25  }
0xa6: {  	s5 =	sshll.u32 s26, $0x1;
	_ =	strace $0x80000046;
	[dreg:$0x1] =	wrdreg $0xFFFFFFFF  }
0xa7: {  	s28 =	simm.s32 $_size_execute0_lowered;
	s3 =	sadd.s32 s3, s5;
	[dreg:$0x0] =	wrdreg $0x0  }
0xa8: {  	s5 =	sshll.u32 s28, $0x1;
	[dreg:$0x2] =	wrdreg s3  }
0xa9: {  	[dreg:$0x3] =	wrdreg s5  }
0xaa: {  	[dreg:$0x4] =	wrdreg $0xC0  }
0xab: {  	_ =	task [dreg:s7], $0x5FFFF  }
0xac: {  	[dreg:$0x1] =	wrdreg $0xFFFFFFFF  }
0xad: {  	[dreg:$0x0] =	wrdreg $0x60  }
0xae: {  	[dreg:$0x2] =	wrdreg s24  }
0xaf: {  	[dreg:$0x3] =	wrdreg s2  }
0xb0: {  	[dreg:$0x4] =	wrdreg $0x9  }
0xb1: {  	_ =	task.clear_ibuf [dreg:s7], $0x5FFFF;
	_ =	strace $0x90000046  }
0xb2: {  	s29 =	simm.s32 $0x9;
	_ =	strace $0x80000048  }
0xb3: {  	_ =	swait.ge [sflag:s29], $0x1  }
0xb4: {  	[sflag:s29] =	ssyncadd.s32 $0xFFFFFFFF  }
0xb5: {  	_ =	strace $0x90000048  }
0xb6: {  	_ =	sfence  }
0xb7: {  	s30 =	sld [smem:$0x0];
	_ =	sdelay $0x2  }
0xb8: {  	s31 =	sshll.u32 s1, $0xD;
	s1 =	sshrl.u32 s1, $0x2  }
0xb9: {  	s3 =	sand.u32 $0x4000, s31;
	s1 =	sadd.s32 s1, s30  }
0xba: {  	s0 =	sor.u32 s3, s0;
	s1 =	sshll.u32 s1, $0x11  }
0xbb: {  	s0 =	sor.u32 s1, s0  }
0xbc: {  	s0 =	sadd.s32 $0x8F2B, s0  }
0xbd: {  	[sflag:s0] =	ssyncadd.remote.s32 $0x1  }
0xbe: {  	_ =	sfence.sel $0xFFFF  }
0xbf: {  	[dreg:$0x0] =	wrdreg $0xFFFFFFFF;
	(pc) =	sbr.abs _section_cstart, $3  }
0xc0: {  	[dreg:$0x1] =	wrdreg $0xFFFFFFFF  }
0xc1: {  	_ =	task.clear_ibuf [dreg:s7], $0x2FFFF;
	_ =	strace $0x9FFFFFFF  }
0xc2: {  	(tm) =	ssettm $0x7FFFFFFF  }
0xc3: {  	_ =	shalt  }
tec
execute0_lowered:
.L_overlay_start_1:
0x0: {  	(tag) =	ssettag $0x1  }
0x1: {  	s0 =	srdreg.scid;
	s1 =	rddreg [dreg:$0x0]  }
0x2: {  	s2 =	stileid.u32;
	s6 =	rddreg [dreg:$0x1]  }
0x3: {  	s9 =	simm.s32 $0x5;
	s10 =	simm.s32 $0x6400;
	s11 =	simm.s32 $0xC8  }
0x4: {  	s13 =	simm.s32 $0x18;
	s20 =	simm.s32 $0x6430;
	s21 =	simm.s32 $0x11200  }
0x5: {  	s22 =	simm.s32 $0x258;
	s23 =	simm.s32 $0x11800;
	s24 =	simm.s32 $0x6448  }
0x6: {  	s25 =	simm.s32 $0x14A00;
	s26 =	simm.s32 $0x1;
	s28 =	simm.s32 $0x2  }
0x7: {  	s29 =	simm.s32 $0x3;
	s0 =	sand.u32 $0x1, s0;
	s2 =	sshll.u32 s2, $0x1  }
0x8: {  	s30 =	simm.s32 $0x4;
	s31 =	simm.s32 $0x15000;
	s3 =	sor.u32 s0, s2  }
0x9: {  	s2 =	simm.s32 $0x0;
	s0 =	ssub.s32 $0x2, s0;
	s4 =	smul.u32 $0xC80, s3  }
0xa: {  	[smem:$0x7FF] =	sst s2;
	s5 =	smul.u32 $0x180, s3;
	s7 =	sshll.u32 s3, $0xA  }
.Ltmp0:
0xb: {  	s3 =	sadd.s32 $0x188800, s1;
	s8 =	sshrl.u32 s0, $0x1;
	(pc) =	sbr.rel .LBB2_1-.Ltmp0, $4  }
0xc: {  	_ =	strace $0x80000047;
	s0 =	ssub.s32 s0, s8;
	s6 =	sadd.s32 s6, s7  }
0xd: {  	s4 =	sadd.s32 s4, s1;
	s5 =	sadd.s32 s5, s1;
	s1 =	sadd.s32 s7, s1  }
0xe: {  	s8 =	smax.u32 s0, $0x1;
	s0 =	simm.s32 $0x0;
	s4 =	sadd.s32 $0x1E00, s4  }
0xf: {  	s5 =	sadd.s32 $0x1AE00, s5;
	s7 =	sadd.s32 $0x1DE00, s1;
	s1 =	simm.s32 $0x17000  }
.LBB2_12:
0x10: {  	[hbm4b:s6+s2] =	stream.linear.scatter [tilespmem:s31], [sflag:$0x5], $0x2000, $0x38;
	[tilespmem:$0x19000] =	vst v63  }
0x11: {  	s0 =	sadd.s32 $0x1, s0;
	_ =	swait.ge [sflag:s9], $0x2000  }
0x12: {  	p0 =	sne.s32 s0, s8;
	[sflag:s9] =	ssyncset.done $0x0  }
.Ltmp1:
0x13: {  	[sflag:s9] =	ssyncadd.s32 $0xFFFFE000;
	(pc) =	sbr.rel @!p0 .LBB2_13-.Ltmp1, $4  }
0x14: {  	[hbm4b:s7+s2] =	stream.linear.scatter [tilespmem:s1], [sflag:$0x5], $0x2000, $0x38;
	[tilespmem:$0x19000] =	vst v63  }
0x15: {  	_ =	swait.ge [sflag:s9], $0x2000  }
0x16: {  	[sflag:s9] =	ssyncset.done $0x0  }
0x17: {  	[sflag:s9] =	ssyncadd.s32 $0xFFFFE000  }
.LBB2_1:
0x18: {  	[tilespmem:s2], [sflag:$0x5] =	stream.linear.gather [hbm4b:s4+s2], $0x6400, $0x38;
	[tilespmem:$0x19000] =	vst v63  }
0x19: {  	_ =	swait.ge [sflag:s9], $0x6400  }
0x1a: {  	[sflag:s9] =	ssyncset.done $0x0  }
0x1b: {  	[sflag:s9] =	ssyncadd.s32 $0xFFFF9C00  }
0x1c: {  	[tilespmem:s10], [sflag:$0x5] =	stream.linear.gather [hbm4b:s5+s2], $0xC00, $0x38;
	[tilespmem:$0x19000] =	vst v63  }
0x1d: {  	_ =	swait.ge [sflag:s9], $0xC00  }
0x1e: {  	[sflag:s9] =	ssyncset.done $0x0  }
0x1f: {  	s12 =	simm.s32 $0x7000;
	[sflag:s9] =	ssyncadd.s32 $0xFFFFF400  }
0x20: {  	[tilespmem:s12], [sflag:$0x1] =	stream.indirect.gather [hbm4b:s3+s11], $0x40, s2, s11, $0xb8;
	[tilespmem:$0x19000] =	vst v63  }
0x21: {  	s15 =	simm.s32 $0xA200  }
0x22: {  	[tilespmem:s15], [sflag:$0x1] =	stream.indirect.gather [hbm4b:s3+s13], $0x40, s10, s13, $0xb8;
	[tilespmem:$0x19000] =	vst v63  }
0x23: {  	s16 =	simm.s32 $0xA800  }
0x24: {  	[tilespmem:s16], [sflag:$0x2] =	stream.indirect.gather [hbm4b:s3+s11], $0x40, s11, s11, $0xb8;
	[tilespmem:$0x19000] =	vst v63  }
0x25: {  	s17 =	simm.s32 $0x6418;
	s14 =	simm.s32 $0xDA00  }
0x26: {  	[tilespmem:s14], [sflag:$0x2] =	stream.indirect.gather [hbm4b:s3+s13], $0x40, s17, s13, $0xb8;
	[tilespmem:$0x19000] =	vst v63  }
0x27: {  	s18 =	simm.s32 $0x190;
	s19 =	simm.s32 $0xE000  }
0x28: {  	[tilespmem:s19], [sflag:$0x3] =	stream.indirect.gather [hbm4b:s3+s11], $0x40, s18, s11, $0xb8;
	[tilespmem:$0x19000] =	vst v63  }
0x29: {  	_ = 	snop  }
0x2a: {  	[tilespmem:s21], [sflag:$0x3] =	stream.indirect.gather [hbm4b:s3+s13], $0x40, s20, s13, $0xb8;
	[tilespmem:$0x19000] =	vst v63  }
0x2b: {  	_ = 	snop  }
0x2c: {  	[tilespmem:s23], [sflag:$0x4] =	stream.indirect.gather [hbm4b:s3+s11], $0x40, s22, s11, $0xb8;
	[tilespmem:$0x19000] =	vst v63  }
0x2d: {  	s12 =	simm.s32 $0x0  }
0x2e: {  	[tilespmem:s25], [sflag:$0x4] =	stream.indirect.gather [hbm4b:s3+s13], $0x40, s24, s13, $0xb8;
	[tilespmem:$0x19000] =	vst v63  }
.LBB2_2:
0x2f: {  	_ =	swait.ge [sflag:s26], $0x3800  }
0x30: {  	[sflag:s26] =	ssyncset.done $0x0  }
0x31: {  	s14 =	simm.s32 $0x0;
	[sflag:s26] =	ssyncadd.s32 $0xFFFFC800  }
0x32: {  	v0 =	vld [tilespmem:s14+$0x71C0]  }
0x33: {  	v1 =	vld [tilespmem:s14+$0x71D0]  }
0x34: {  	v2 =	vld [tilespmem:s14+$0x7180]  }
0x35: {  	v3 =	vld [tilespmem:s14+$0x7190]  }
0x36: {  	v4 =	vld [tilespmem:s14+$0x7140]  }
0x37: {  	v5 =	vld [tilespmem:s14+$0x7150]  }
0x38: {  	v6 =	vld [tilespmem:s14+$0x7100]  }
0x39: {  	v7 =	vld [tilespmem:s14+$0x7110]  }
0x3a: {  	v9 =	vld [tilespmem:s14+$0x70C0]  }
0x3b: {  	v8 =	vld [tilespmem:s14+$0x70D0]  }
0x3c: {  	v11 =	vld [tilespmem:s14+$0x7080]  }
0x3d: {  	v10 =	vld [tilespmem:s14+$0x7090]  }
0x3e: {  	v17 =	vld [tilespmem:s14+$0x7040]  }
0x3f: {  	v16 =	vld [tilespmem:s14+$0x7050]  }
0x40: {  	v19 =	vld [tilespmem:s14+$0x7000]  }
0x41: {  	v13 =	vimm.f32 $0.0e+00;
	v20 =	vld [tilespmem:s14+$0x7010]  }
0x42: {  	s15 =	simm.s32 $0x800;
	v15 =	vimm.f32 $0.0e+00;
	v14 =	vimm.f32 $0.0e+00;
	v12 =	vimm.f32 $0.0e+00;
	v18 =	vld [tilespmem:s14+$0x7020]  }
.LBB2_3:
0x43: {  	p0 =	sne.s32 s15, $0xC000;
	v21 =	vld [tilespmem:s14+$0x7030]  }
0x44: {  	v22 =	vld [tilespmem:s14+$0x7060]  }
0x45: {  	v23 =	vld [tilespmem:s14+$0x7070]  }
0x46: {  	v24 =	vld [tilespmem:s14+$0x70A0]  }
0x47: {  	v13 =	vadd.f32 v19, v13;
	v15 =	vadd.f32 v20, v15;
	v19 =	vld [tilespmem:s14+$0x70B0]  }
0x48: {  	v14 =	vadd.f32 v18, v14;
	v18 =	vld [tilespmem:s14+$0x70E0];
	v12 =	vadd.f32 v21, v12  }
0x49: {  	v13 =	vadd.f32 v17, v13;
	v15 =	vadd.f32 v16, v15;
	v16 =	vld [tilespmem:s14+$0x70F0]  }
0x4a: {  	v14 =	vadd.f32 v22, v14;
	v17 =	vld [tilespmem:s14+$0x7120];
	v12 =	vadd.f32 v23, v12  }
0x4b: {  	v11 =	vadd.f32 v11, v13;
	v10 =	vadd.f32 v10, v15;
	v13 =	vld [tilespmem:s14+$0x7130]  }
0x4c: {  	v14 =	vadd.f32 v24, v14;
	v15 =	vld [tilespmem:s14+$0x7160];
	v12 =	vadd.f32 v19, v12  }
0x4d: {  	v9 =	vadd.f32 v9, v11;
	v8 =	vadd.f32 v8, v10;
	v10 =	vld [tilespmem:s14+$0x7170]  }
0x4e: {  	v11 =	vadd.f32 v18, v14;
	v14 =	vld [tilespmem:s14+$0x71A0];
	v12 =	vadd.f32 v16, v12  }
0x4f: {  	v6 =	vadd.f32 v6, v9;
	v7 =	vadd.f32 v7, v8;
	v8 =	vld [tilespmem:s14+$0x71B0]  }
0x50: {  	v9 =	vadd.f32 v17, v11;
	v11 =	vld [tilespmem:s14+$0x71E0];
	v12 =	vadd.f32 v13, v12  }
0x51: {  	v4 =	vadd.f32 v4, v6;
	v5 =	vadd.f32 v5, v7;
	v6 =	vld [tilespmem:s14+$0x71F0];
	s14 =	sshra.s32 s15, $0x2  }
0x52: {  	v9 =	vadd.f32 v15, v9;
	v7 =	vld [tilespmem:s14+$0x71C0];
	v10 =	vadd.f32 v10, v12  }
0x53: {  	v4 =	vadd.f32 v2, v4;
	v5 =	vadd.f32 v3, v5;
	v16 =	vld [tilespmem:s14+$0x71D0]  }
0x54: {  	v9 =	vadd.f32 v14, v9;
	v2 =	vld [tilespmem:s14+$0x7180];
	v8 =	vadd.f32 v8, v10  }
0x55: {  	v13 =	vadd.f32 v0, v4;
	v15 =	vadd.f32 v1, v5;
	v3 =	vld [tilespmem:s14+$0x7190]  }
0x56: {  	v14 =	vadd.f32 v11, v9;
	v4 =	vld [tilespmem:s14+$0x7140];
	v12 =	vadd.f32 v6, v8  }
0x57: {  	v5 =	vld [tilespmem:s14+$0x7150];
	v0 =	vmov v7  }
0x58: {  	v6 =	vld [tilespmem:s14+$0x7100];
	v1 =	vmov v16  }
0x59: {  	v7 =	vld [tilespmem:s14+$0x7110]  }
0x5a: {  	v9 =	vld [tilespmem:s14+$0x70C0]  }
0x5b: {  	v8 =	vld [tilespmem:s14+$0x70D0]  }
0x5c: {  	v11 =	vld [tilespmem:s14+$0x7080]  }
0x5d: {  	v10 =	vld [tilespmem:s14+$0x7090]  }
.Ltmp2:
0x5e: {  	v17 =	vld [tilespmem:s14+$0x7040];
	(pc) =	sbr.rel @p0 .LBB2_3-.Ltmp2, $4  }
0x5f: {  	v16 =	vld [tilespmem:s14+$0x7050]  }
0x60: {  	v19 =	vld [tilespmem:s14+$0x7000]  }
0x61: {  	v20 =	vld [tilespmem:s14+$0x7010]  }
0x62: {  	s15 =	sadd.s32 $0x800, s15;
	v18 =	vld [tilespmem:s14+$0x7020]  }
0x63: {  	v21 =	vld [tilespmem:s14+$0x7030]  }
0x64: {  	v22 =	vld [tilespmem:s14+$0x7060]  }
0x65: {  	v23 =	vld [tilespmem:s14+$0x7070];
	v13 =	vadd.f32 v19, v13  }
0x66: {  	v19 =	vld [tilespmem:s14+$0x70A0];
	v15 =	vadd.f32 v20, v15  }
0x67: {  	v20 =	vld [tilespmem:s14+$0x70B0];
	v14 =	vadd.f32 v18, v14;
	v13 =	vadd.f32 v17, v13  }
0x68: {  	v17 =	vld [tilespmem:s14+$0x70E0];
	v12 =	vadd.f32 v21, v12;
	v15 =	vadd.f32 v16, v15  }
0x69: {  	v16 =	vld [tilespmem:s14+$0x70F0];
	v14 =	vadd.f32 v22, v14;
	v11 =	vadd.f32 v11, v13  }
0x6a: {  	v13 =	vld [tilespmem:s14+$0x7120];
	v12 =	vadd.f32 v23, v12;
	v10 =	vadd.f32 v10, v15  }
0x6b: {  	v15 =	vld [tilespmem:s14+$0x7130];
	v14 =	vadd.f32 v19, v14;
	v9 =	vadd.f32 v9, v11  }
0x6c: {  	v11 =	vld [tilespmem:s14+$0x7160];
	v12 =	vadd.f32 v20, v12;
	v8 =	vadd.f32 v8, v10  }
0x6d: {  	v10 =	vld [tilespmem:s14+$0x7170];
	v14 =	vadd.f32 v17, v14;
	v6 =	vadd.f32 v6, v9  }
0x6e: {  	v9 =	vld [tilespmem:s14+$0x71A0];
	v12 =	vadd.f32 v16, v12;
	v7 =	vadd.f32 v7, v8  }
0x6f: {  	v8 =	vld [tilespmem:s14+$0x71B0];
	v13 =	vadd.f32 v13, v14;
	v4 =	vadd.f32 v4, v6  }
0x70: {  	v6 =	vld [tilespmem:s14+$0x71E0];
	v12 =	vadd.f32 v15, v12;
	v5 =	vadd.f32 v5, v7  }
0x71: {  	v7 =	vld [tilespmem:s14+$0x71F0];
	v11 =	vadd.f32 v11, v13;
	v2 =	vadd.f32 v2, v4  }
0x72: {  	v4 =	vadd.f32 v10, v12;
	v3 =	vadd.f32 v3, v5  }
0x73: {  	v5 =	vadd.f32 v9, v11;
	v0 =	vadd.f32 v0, v2  }
0x74: {  	s14 =	sshll.u32 s12, $0x8;
	v2 =	vadd.f32 v8, v4;
	v1 =	vadd.f32 v1, v3  }
0x75: {  	v3 =	vadd.f32 v6, v5;
	[tilespmem:s14+$0x17000] =	vst v0  }
0x76: {  	v0 =	vadd.f32 v7, v2;
	[tilespmem:s14+$0x17010] =	vst v1  }
0x77: {  	[tilespmem:s14+$0x17020] =	vst v3  }
0x78: {  	[tilespmem:s14+$0x17030] =	vst v0  }
0x79: {  	v0 =	vld [tilespmem:$0xA200]  }
0x7a: {  	v1 =	vld [tilespmem:$0xA240];
	_ =	sdelay $0x1  }
0x7b: {  	v2 =	vld [tilespmem:$0xA280];
	_ =	sdelay $0x1  }
0x7c: {  	v3 =	vld [tilespmem:$0xA2C0]  }
0x7d: {  	v0 =	vadd.f32 v1, v0  }
0x7e: {  	v1 =	vld [tilespmem:$0xA300]  }
0x7f: {  	v0 =	vadd.f32 v2, v0  }
0x80: {  	v2 =	vld [tilespmem:$0xA340]  }
0x81: {  	v0 =	vadd.f32 v3, v0  }
0x82: {  	v3 =	vld [tilespmem:$0xA380]  }
0x83: {  	v0 =	vadd.f32 v1, v0  }
0x84: {  	v1 =	vld [tilespmem:$0xA3C0]  }
0x85: {  	v0 =	vadd.f32 v2, v0  }
0x86: {  	v2 =	vld [tilespmem:$0xA400]  }
0x87: {  	v0 =	vadd.f32 v3, v0  }
0x88: {  	v3 =	vld [tilespmem:$0xA440]  }
0x89: {  	v0 =	vadd.f32 v1, v0  }
0x8a: {  	v1 =	vld [tilespmem:$0xA480]  }
0x8b: {  	v0 =	vadd.f32 v2, v0  }
0x8c: {  	v2 =	vld [tilespmem:$0xA4C0]  }
0x8d: {  	v0 =	vadd.f32 v3, v0  }
0x8e: {  	v3 =	vld [tilespmem:$0xA500]  }
0x8f: {  	v0 =	vadd.f32 v1, v0  }
0x90: {  	v1 =	vld [tilespmem:$0xA540]  }
0x91: {  	v0 =	vadd.f32 v2, v0  }
0x92: {  	v2 =	vld [tilespmem:$0xA580]  }
0x93: {  	v0 =	vadd.f32 v3, v0  }
0x94: {  	v3 =	vld [tilespmem:$0xA5C0]  }
0x95: {  	v0 =	vadd.f32 v1, v0  }
0x96: {  	v1 =	vld [tilespmem:$0xA600]  }
0x97: {  	v0 =	vadd.f32 v2, v0  }
0x98: {  	v2 =	vld [tilespmem:$0xA640]  }
0x99: {  	v0 =	vadd.f32 v3, v0  }
0x9a: {  	v3 =	vld [tilespmem:$0xA680]  }
0x9b: {  	v0 =	vadd.f32 v1, v0  }
0x9c: {  	v1 =	vld [tilespmem:$0xA6C0]  }
0x9d: {  	v0 =	vadd.f32 v2, v0;
	_ =	sdelay $0x1  }
0x9e: {  	v0 =	vadd.f32 v3, v0;
	_ =	sdelay $0x1  }
0x9f: {  	v0 =	vadd.f32 v1, v0;
	_ =	sdelay $0x1  }
0xa0: {  	[tilespmem:s14+$0x15000] =	vst v0  }
0xa1: {  	v0 =	vld [tilespmem:$0xA210]  }
0xa2: {  	v1 =	vld [tilespmem:$0xA250];
	_ =	sdelay $0x1  }
0xa3: {  	v2 =	vld [tilespmem:$0xA290];
	_ =	sdelay $0x1  }
0xa4: {  	v3 =	vld [tilespmem:$0xA2D0]  }
0xa5: {  	v0 =	vadd.f32 v1, v0  }
0xa6: {  	v1 =	vld [tilespmem:$0xA310]  }
0xa7: {  	v0 =	vadd.f32 v2, v0  }
0xa8: {  	v2 =	vld [tilespmem:$0xA350]  }
0xa9: {  	v0 =	vadd.f32 v3, v0  }
0xaa: {  	v3 =	vld [tilespmem:$0xA390]  }
0xab: {  	v0 =	vadd.f32 v1, v0  }
0xac: {  	v1 =	vld [tilespmem:$0xA3D0]  }
0xad: {  	v0 =	vadd.f32 v2, v0  }
0xae: {  	v2 =	vld [tilespmem:$0xA410]  }
0xaf: {  	v0 =	vadd.f32 v3, v0  }
0xb0: {  	v3 =	vld [tilespmem:$0xA450]  }
0xb1: {  	v0 =	vadd.f32 v1, v0  }
0xb2: {  	v1 =	vld [tilespmem:$0xA490]  }
0xb3: {  	v0 =	vadd.f32 v2, v0  }
0xb4: {  	v2 =	vld [tilespmem:$0xA4D0]  }
0xb5: {  	v0 =	vadd.f32 v3, v0  }
0xb6: {  	v3 =	vld [tilespmem:$0xA510]  }
0xb7: {  	v0 =	vadd.f32 v1, v0  }
0xb8: {  	v1 =	vld [tilespmem:$0xA550]  }
0xb9: {  	v0 =	vadd.f32 v2, v0  }
0xba: {  	v2 =	vld [tilespmem:$0xA590]  }
0xbb: {  	v0 =	vadd.f32 v3, v0  }
0xbc: {  	v3 =	vld [tilespmem:$0xA5D0]  }
0xbd: {  	v0 =	vadd.f32 v1, v0  }
0xbe: {  	v1 =	vld [tilespmem:$0xA610]  }
0xbf: {  	v0 =	vadd.f32 v2, v0  }
0xc0: {  	v2 =	vld [tilespmem:$0xA650]  }
0xc1: {  	v0 =	vadd.f32 v3, v0  }
0xc2: {  	v3 =	vld [tilespmem:$0xA690]  }
0xc3: {  	v0 =	vadd.f32 v1, v0  }
0xc4: {  	v1 =	vld [tilespmem:$0xA6D0]  }
0xc5: {  	v0 =	vadd.f32 v2, v0;
	_ =	sdelay $0x1  }
0xc6: {  	v0 =	vadd.f32 v3, v0;
	_ =	sdelay $0x1  }
0xc7: {  	v0 =	vadd.f32 v1, v0;
	_ =	sdelay $0x1  }
0xc8: {  	[tilespmem:s14+$0x15010] =	vst v0  }
0xc9: {  	v0 =	vld [tilespmem:$0xA220]  }
0xca: {  	v1 =	vld [tilespmem:$0xA260];
	_ =	sdelay $0x1  }
0xcb: {  	v2 =	vld [tilespmem:$0xA2A0];
	_ =	sdelay $0x1  }
0xcc: {  	v3 =	vld [tilespmem:$0xA2E0]  }
0xcd: {  	v0 =	vadd.f32 v1, v0  }
0xce: {  	v1 =	vld [tilespmem:$0xA320]  }
0xcf: {  	v0 =	vadd.f32 v2, v0  }
0xd0: {  	v2 =	vld [tilespmem:$0xA360]  }
0xd1: {  	v0 =	vadd.f32 v3, v0  }
0xd2: {  	v3 =	vld [tilespmem:$0xA3A0]  }
0xd3: {  	v0 =	vadd.f32 v1, v0  }
0xd4: {  	v1 =	vld [tilespmem:$0xA3E0]  }
0xd5: {  	v0 =	vadd.f32 v2, v0  }
0xd6: {  	v2 =	vld [tilespmem:$0xA420]  }
0xd7: {  	v0 =	vadd.f32 v3, v0  }
0xd8: {  	v3 =	vld [tilespmem:$0xA460]  }
0xd9: {  	v0 =	vadd.f32 v1, v0  }
0xda: {  	v1 =	vld [tilespmem:$0xA4A0]  }
0xdb: {  	v0 =	vadd.f32 v2, v0  }
0xdc: {  	v2 =	vld [tilespmem:$0xA4E0]  }
0xdd: {  	v0 =	vadd.f32 v3, v0  }
0xde: {  	v3 =	vld [tilespmem:$0xA520]  }
0xdf: {  	v0 =	vadd.f32 v1, v0  }
0xe0: {  	v1 =	vld [tilespmem:$0xA560]  }
0xe1: {  	v0 =	vadd.f32 v2, v0  }
0xe2: {  	v2 =	vld [tilespmem:$0xA5A0]  }
0xe3: {  	v0 =	vadd.f32 v3, v0  }
0xe4: {  	v3 =	vld [tilespmem:$0xA5E0]  }
0xe5: {  	v0 =	vadd.f32 v1, v0  }
0xe6: {  	v1 =	vld [tilespmem:$0xA620]  }
0xe7: {  	v0 =	vadd.f32 v2, v0  }
0xe8: {  	v2 =	vld [tilespmem:$0xA660]  }
0xe9: {  	v0 =	vadd.f32 v3, v0  }
0xea: {  	v3 =	vld [tilespmem:$0xA6A0]  }
0xeb: {  	v0 =	vadd.f32 v1, v0  }
0xec: {  	v1 =	vld [tilespmem:$0xA6E0]  }
0xed: {  	v0 =	vadd.f32 v2, v0;
	_ =	sdelay $0x1  }
0xee: {  	v0 =	vadd.f32 v3, v0;
	_ =	sdelay $0x1  }
0xef: {  	v0 =	vadd.f32 v1, v0;
	_ =	sdelay $0x1  }
0xf0: {  	[tilespmem:s14+$0x15020] =	vst v0  }
0xf1: {  	v0 =	vld [tilespmem:$0xA230]  }
0xf2: {  	v1 =	vld [tilespmem:$0xA270];
	_ =	sdelay $0x1  }
0xf3: {  	v2 =	vld [tilespmem:$0xA2B0];
	_ =	sdelay $0x1  }
0xf4: {  	v3 =	vld [tilespmem:$0xA2F0]  }
0xf5: {  	v0 =	vadd.f32 v1, v0  }
0xf6: {  	v1 =	vld [tilespmem:$0xA330]  }
0xf7: {  	v0 =	vadd.f32 v2, v0  }
0xf8: {  	v2 =	vld [tilespmem:$0xA370]  }
0xf9: {  	v0 =	vadd.f32 v3, v0  }
0xfa: {  	v3 =	vld [tilespmem:$0xA3B0]  }
0xfb: {  	v0 =	vadd.f32 v1, v0  }
0xfc: {  	v1 =	vld [tilespmem:$0xA3F0]  }
0xfd: {  	v0 =	vadd.f32 v2, v0  }
0xfe: {  	v2 =	vld [tilespmem:$0xA430]  }
0xff: {  	v0 =	vadd.f32 v3, v0  }
0x100: {  	v3 =	vld [tilespmem:$0xA470]  }
0x101: {  	v0 =	vadd.f32 v1, v0  }
0x102: {  	v1 =	vld [tilespmem:$0xA4B0]  }
0x103: {  	v0 =	vadd.f32 v2, v0  }
0x104: {  	v2 =	vld [tilespmem:$0xA4F0]  }
0x105: {  	v0 =	vadd.f32 v3, v0  }
0x106: {  	v3 =	vld [tilespmem:$0xA530]  }
0x107: {  	v0 =	vadd.f32 v1, v0  }
0x108: {  	v1 =	vld [tilespmem:$0xA570]  }
0x109: {  	v0 =	vadd.f32 v2, v0  }
0x10a: {  	v2 =	vld [tilespmem:$0xA5B0]  }
0x10b: {  	v0 =	vadd.f32 v3, v0  }
0x10c: {  	v3 =	vld [tilespmem:$0xA5F0]  }
0x10d: {  	v0 =	vadd.f32 v1, v0  }
0x10e: {  	v1 =	vld [tilespmem:$0xA630]  }
0x10f: {  	v0 =	vadd.f32 v2, v0  }
0x110: {  	v2 =	vld [tilespmem:$0xA670]  }
0x111: {  	v0 =	vadd.f32 v3, v0  }
0x112: {  	v3 =	vld [tilespmem:$0xA6B0]  }
0x113: {  	v0 =	vadd.f32 v1, v0  }
0x114: {  	v1 =	vld [tilespmem:$0xA6F0]  }
0x115: {  	v0 =	vadd.f32 v2, v0  }
0x116: {  	s15 =	sshll.u32 s12, $0x2;
	p0 =	seq.s32 s12, $0x1F  }
0x117: {  	s16 =	sadd.s32 @!p0 $0x4, s15;
	v0 =	vadd.f32 v3, v0  }
0x118: {  	s17 =	smul.u32 @!p0 $0x320, s16  }
0x119: {  	s16 =	smul.u32 @!p0 $0x60, s16;
	v0 =	vadd.f32 v1, v0  }
0x11a: {  	s18 =	simm.s32 @!p0 $0xC8  }
0x11b: {  	s19 =	simm.s32 @!p0 $0x7000;
	s17 =	sshra.s32 @!p0 s17, $0x2;
	s16 =	sshra.s32 @!p0 s16, $0x2;
	[tilespmem:s14+$0x15030] =	vst v0  }
0x11c: {  	[tilespmem:s19], [sflag:$0x1] =	stream.indirect.gather @!p0 [hbm4b:s3+s18], $0x40, s17, s18, $0xb8;
	[tilespmem:$0x19000] =	vst v63  }
0x11d: {  	s16 =	sadd.s32 @!p0 $0x6400, s16;
	s17 =	simm.s32 @!p0 $0x18;
	s18 =	simm.s32 @!p0 $0xA200  }
0x11e: {  	[tilespmem:s18], [sflag:$0x1] =	stream.indirect.gather @!p0 [hbm4b:s3+s17], $0x40, s16, s17, $0xb8;
	[tilespmem:$0x19000] =	vst v63  }
0x11f: {  	_ =	swait.ge [sflag:s28], $0x3800  }
0x120: {  	[sflag:s28] =	ssyncset.done $0x0  }
0x121: {  	s16 =	simm.s32 $0x0;
	[sflag:s28] =	ssyncadd.s32 $0xFFFFC800  }
0x122: {  	v0 =	vld [tilespmem:s16+$0xA9C0]  }
0x123: {  	v1 =	vld [tilespmem:s16+$0xA9D0]  }
0x124: {  	v2 =	vld [tilespmem:s16+$0xA980]  }
0x125: {  	v3 =	vld [tilespmem:s16+$0xA990]  }
0x126: {  	v4 =	vld [tilespmem:s16+$0xA940]  }
0x127: {  	v5 =	vld [tilespmem:s16+$0xA950]  }
0x128: {  	v6 =	vld [tilespmem:s16+$0xA900]  }
0x129: {  	v7 =	vld [tilespmem:s16+$0xA910]  }
0x12a: {  	v9 =	vld [tilespmem:s16+$0xA8C0]  }
0x12b: {  	v8 =	vld [tilespmem:s16+$0xA8D0]  }
0x12c: {  	v11 =	vld [tilespmem:s16+$0xA880]  }
0x12d: {  	v10 =	vld [tilespmem:s16+$0xA890]  }
0x12e: {  	v17 =	vld [tilespmem:s16+$0xA840]  }
0x12f: {  	v16 =	vld [tilespmem:s16+$0xA850]  }
0x130: {  	v19 =	vld [tilespmem:s16+$0xA800]  }
0x131: {  	v14 =	vimm.f32 $0.0e+00;
	v20 =	vld [tilespmem:s16+$0xA810]  }
0x132: {  	v15 =	vimm.f32 $0.0e+00;
	v13 =	vimm.f32 $0.0e+00;
	v12 =	vimm.f32 $0.0e+00;
	s17 =	simm.s32 $0x800;
	v18 =	vld [tilespmem:s16+$0xA820]  }
.LBB2_5:
0x133: {  	p1 =	sne.s32 s17, $0xC000;
	v21 =	vld [tilespmem:s16+$0xA830]  }
0x134: {  	v22 =	vld [tilespmem:s16+$0xA860]  }
0x135: {  	v23 =	vld [tilespmem:s16+$0xA870]  }
0x136: {  	v24 =	vld [tilespmem:s16+$0xA8A0]  }
0x137: {  	v13 =	vadd.f32 v19, v13;
	v15 =	vadd.f32 v20, v15;
	v19 =	vld [tilespmem:s16+$0xA8B0]  }
0x138: {  	v14 =	vadd.f32 v18, v14;
	v18 =	vld [tilespmem:s16+$0xA8E0];
	v12 =	vadd.f32 v21, v12  }
0x139: {  	v13 =	vadd.f32 v17, v13;
	v15 =	vadd.f32 v16, v15;
	v16 =	vld [tilespmem:s16+$0xA8F0]  }
0x13a: {  	v14 =	vadd.f32 v22, v14;
	v17 =	vld [tilespmem:s16+$0xA920];
	v12 =	vadd.f32 v23, v12  }
0x13b: {  	v11 =	vadd.f32 v11, v13;
	v10 =	vadd.f32 v10, v15;
	v13 =	vld [tilespmem:s16+$0xA930]  }
0x13c: {  	v14 =	vadd.f32 v24, v14;
	v15 =	vld [tilespmem:s16+$0xA960];
	v12 =	vadd.f32 v19, v12  }
0x13d: {  	v9 =	vadd.f32 v9, v11;
	v8 =	vadd.f32 v8, v10;
	v10 =	vld [tilespmem:s16+$0xA970]  }
0x13e: {  	v11 =	vadd.f32 v18, v14;
	v14 =	vld [tilespmem:s16+$0xA9A0];
	v12 =	vadd.f32 v16, v12  }
0x13f: {  	v6 =	vadd.f32 v6, v9;
	v7 =	vadd.f32 v7, v8;
	v8 =	vld [tilespmem:s16+$0xA9B0]  }
0x140: {  	v9 =	vadd.f32 v17, v11;
	v11 =	vld [tilespmem:s16+$0xA9E0];
	v12 =	vadd.f32 v13, v12  }
0x141: {  	v4 =	vadd.f32 v4, v6;
	v5 =	vadd.f32 v5, v7;
	v6 =	vld [tilespmem:s16+$0xA9F0];
	s16 =	sshra.s32 s17, $0x2  }
0x142: {  	v9 =	vadd.f32 v15, v9;
	v7 =	vld [tilespmem:s16+$0xA9C0];
	v10 =	vadd.f32 v10, v12  }
0x143: {  	v4 =	vadd.f32 v2, v4;
	v5 =	vadd.f32 v3, v5;
	v16 =	vld [tilespmem:s16+$0xA9D0]  }
0x144: {  	v9 =	vadd.f32 v14, v9;
	v2 =	vld [tilespmem:s16+$0xA980];
	v8 =	vadd.f32 v8, v10  }
0x145: {  	v13 =	vadd.f32 v0, v4;
	v15 =	vadd.f32 v1, v5;
	v3 =	vld [tilespmem:s16+$0xA990]  }
0x146: {  	v14 =	vadd.f32 v11, v9;
	v4 =	vld [tilespmem:s16+$0xA940];
	v12 =	vadd.f32 v6, v8  }
0x147: {  	v5 =	vld [tilespmem:s16+$0xA950];
	v0 =	vmov v7  }
0x148: {  	v6 =	vld [tilespmem:s16+$0xA900];
	v1 =	vmov v16  }
0x149: {  	v7 =	vld [tilespmem:s16+$0xA910]  }
0x14a: {  	v9 =	vld [tilespmem:s16+$0xA8C0]  }
0x14b: {  	v8 =	vld [tilespmem:s16+$0xA8D0]  }
0x14c: {  	v11 =	vld [tilespmem:s16+$0xA880]  }
0x14d: {  	v10 =	vld [tilespmem:s16+$0xA890]  }
.Ltmp3:
0x14e: {  	v17 =	vld [tilespmem:s16+$0xA840];
	(pc) =	sbr.rel @p1 .LBB2_5-.Ltmp3, $4  }
0x14f: {  	v16 =	vld [tilespmem:s16+$0xA850]  }
0x150: {  	v19 =	vld [tilespmem:s16+$0xA800]  }
0x151: {  	v20 =	vld [tilespmem:s16+$0xA810]  }
0x152: {  	s17 =	sadd.s32 $0x800, s17;
	v18 =	vld [tilespmem:s16+$0xA820]  }
0x153: {  	v21 =	vld [tilespmem:s16+$0xA830]  }
0x154: {  	v22 =	vld [tilespmem:s16+$0xA860]  }
0x155: {  	v23 =	vld [tilespmem:s16+$0xA870];
	v13 =	vadd.f32 v19, v13  }
0x156: {  	v19 =	vld [tilespmem:s16+$0xA8A0];
	v15 =	vadd.f32 v20, v15  }
0x157: {  	v20 =	vld [tilespmem:s16+$0xA8B0];
	v14 =	vadd.f32 v18, v14;
	v13 =	vadd.f32 v17, v13  }
0x158: {  	v17 =	vld [tilespmem:s16+$0xA8E0];
	v12 =	vadd.f32 v21, v12;
	v15 =	vadd.f32 v16, v15  }
0x159: {  	v16 =	vld [tilespmem:s16+$0xA8F0];
	v14 =	vadd.f32 v22, v14;
	v11 =	vadd.f32 v11, v13  }
0x15a: {  	v13 =	vld [tilespmem:s16+$0xA920];
	v12 =	vadd.f32 v23, v12;
	v10 =	vadd.f32 v10, v15  }
0x15b: {  	v15 =	vld [tilespmem:s16+$0xA930];
	v14 =	vadd.f32 v19, v14;
	v9 =	vadd.f32 v9, v11  }
0x15c: {  	v11 =	vld [tilespmem:s16+$0xA960];
	v12 =	vadd.f32 v20, v12;
	v8 =	vadd.f32 v8, v10  }
0x15d: {  	v10 =	vld [tilespmem:s16+$0xA970];
	v14 =	vadd.f32 v17, v14;
	v6 =	vadd.f32 v6, v9  }
0x15e: {  	v9 =	vld [tilespmem:s16+$0xA9A0];
	v12 =	vadd.f32 v16, v12;
	v7 =	vadd.f32 v7, v8  }
0x15f: {  	v8 =	vld [tilespmem:s16+$0xA9B0];
	v13 =	vadd.f32 v13, v14;
	v4 =	vadd.f32 v4, v6  }
0x160: {  	v6 =	vld [tilespmem:s16+$0xA9E0];
	v12 =	vadd.f32 v15, v12;
	v5 =	vadd.f32 v5, v7  }
0x161: {  	v7 =	vld [tilespmem:s16+$0xA9F0];
	v11 =	vadd.f32 v11, v13;
	v2 =	vadd.f32 v2, v4  }
0x162: {  	v4 =	vadd.f32 v10, v12;
	v3 =	vadd.f32 v3, v5  }
0x163: {  	v5 =	vadd.f32 v9, v11;
	v0 =	vadd.f32 v0, v2  }
0x164: {  	v2 =	vadd.f32 v8, v4;
	v1 =	vadd.f32 v1, v3  }
0x165: {  	v3 =	vadd.f32 v6, v5;
	[tilespmem:s14+$0x17040] =	vst v0  }
0x166: {  	v0 =	vadd.f32 v7, v2;
	[tilespmem:s14+$0x17050] =	vst v1  }
0x167: {  	[tilespmem:s14+$0x17060] =	vst v3  }
0x168: {  	[tilespmem:s14+$0x17070] =	vst v0  }
0x169: {  	v0 =	vld [tilespmem:$0xDA00]  }
0x16a: {  	v1 =	vld [tilespmem:$0xDA40];
	_ =	sdelay $0x1  }
0x16b: {  	v2 =	vld [tilespmem:$0xDA80];
	_ =	sdelay $0x1  }
0x16c: {  	v3 =	vld [tilespmem:$0xDAC0]  }
0x16d: {  	v0 =	vadd.f32 v1, v0  }
0x16e: {  	v1 =	vld [tilespmem:$0xDB00]  }
0x16f: {  	v0 =	vadd.f32 v2, v0  }
0x170: {  	v2 =	vld [tilespmem:$0xDB40]  }
0x171: {  	v0 =	vadd.f32 v3, v0  }
0x172: {  	v3 =	vld [tilespmem:$0xDB80]  }
0x173: {  	v0 =	vadd.f32 v1, v0  }
0x174: {  	v1 =	vld [tilespmem:$0xDBC0]  }
0x175: {  	v0 =	vadd.f32 v2, v0  }
0x176: {  	v2 =	vld [tilespmem:$0xDC00]  }
0x177: {  	v0 =	vadd.f32 v3, v0  }
0x178: {  	v3 =	vld [tilespmem:$0xDC40]  }
0x179: {  	v0 =	vadd.f32 v1, v0  }
0x17a: {  	v1 =	vld [tilespmem:$0xDC80]  }
0x17b: {  	v0 =	vadd.f32 v2, v0  }
0x17c: {  	v2 =	vld [tilespmem:$0xDCC0]  }
0x17d: {  	v0 =	vadd.f32 v3, v0  }
0x17e: {  	v3 =	vld [tilespmem:$0xDD00]  }
0x17f: {  	v0 =	vadd.f32 v1, v0  }
0x180: {  	v1 =	vld [tilespmem:$0xDD40]  }
0x181: {  	v0 =	vadd.f32 v2, v0  }
0x182: {  	v2 =	vld [tilespmem:$0xDD80]  }
0x183: {  	v0 =	vadd.f32 v3, v0  }
0x184: {  	v3 =	vld [tilespmem:$0xDDC0]  }
0x185: {  	v0 =	vadd.f32 v1, v0  }
0x186: {  	v1 =	vld [tilespmem:$0xDE00]  }
0x187: {  	v0 =	vadd.f32 v2, v0  }
0x188: {  	v2 =	vld [tilespmem:$0xDE40]  }
0x189: {  	v0 =	vadd.f32 v3, v0  }
0x18a: {  	v3 =	vld [tilespmem:$0xDE80]  }
0x18b: {  	v0 =	vadd.f32 v1, v0  }
0x18c: {  	v1 =	vld [tilespmem:$0xDEC0]  }
0x18d: {  	v0 =	vadd.f32 v2, v0;
	_ =	sdelay $0x1  }
0x18e: {  	v0 =	vadd.f32 v3, v0;
	_ =	sdelay $0x1  }
0x18f: {  	v0 =	vadd.f32 v1, v0;
	_ =	sdelay $0x1  }
0x190: {  	[tilespmem:s14+$0x15040] =	vst v0  }
0x191: {  	v0 =	vld [tilespmem:$0xDA10]  }
0x192: {  	v1 =	vld [tilespmem:$0xDA50];
	_ =	sdelay $0x1  }
0x193: {  	v2 =	vld [tilespmem:$0xDA90];
	_ =	sdelay $0x1  }
0x194: {  	v3 =	vld [tilespmem:$0xDAD0]  }
0x195: {  	v0 =	vadd.f32 v1, v0  }
0x196: {  	v1 =	vld [tilespmem:$0xDB10]  }
0x197: {  	v0 =	vadd.f32 v2, v0  }
0x198: {  	v2 =	vld [tilespmem:$0xDB50]  }
0x199: {  	v0 =	vadd.f32 v3, v0  }
0x19a: {  	v3 =	vld [tilespmem:$0xDB90]  }
0x19b: {  	v0 =	vadd.f32 v1, v0  }
0x19c: {  	v1 =	vld [tilespmem:$0xDBD0]  }
0x19d: {  	v0 =	vadd.f32 v2, v0  }
0x19e: {  	v2 =	vld [tilespmem:$0xDC10]  }
0x19f: {  	v0 =	vadd.f32 v3, v0  }
0x1a0: {  	v3 =	vld [tilespmem:$0xDC50]  }
0x1a1: {  	v0 =	vadd.f32 v1, v0  }
0x1a2: {  	v1 =	vld [tilespmem:$0xDC90]  }
0x1a3: {  	v0 =	vadd.f32 v2, v0  }
0x1a4: {  	v2 =	vld [tilespmem:$0xDCD0]  }
0x1a5: {  	v0 =	vadd.f32 v3, v0  }
0x1a6: {  	v3 =	vld [tilespmem:$0xDD10]  }
0x1a7: {  	v0 =	vadd.f32 v1, v0  }
0x1a8: {  	v1 =	vld [tilespmem:$0xDD50]  }
0x1a9: {  	v0 =	vadd.f32 v2, v0  }
0x1aa: {  	v2 =	vld [tilespmem:$0xDD90]  }
0x1ab: {  	v0 =	vadd.f32 v3, v0  }
0x1ac: {  	v3 =	vld [tilespmem:$0xDDD0]  }
0x1ad: {  	v0 =	vadd.f32 v1, v0  }
0x1ae: {  	v1 =	vld [tilespmem:$0xDE10]  }
0x1af: {  	v0 =	vadd.f32 v2, v0  }
0x1b0: {  	v2 =	vld [tilespmem:$0xDE50]  }
0x1b1: {  	v0 =	vadd.f32 v3, v0  }
0x1b2: {  	v3 =	vld [tilespmem:$0xDE90]  }
0x1b3: {  	v0 =	vadd.f32 v1, v0  }
0x1b4: {  	v1 =	vld [tilespmem:$0xDED0]  }
0x1b5: {  	v0 =	vadd.f32 v2, v0;
	_ =	sdelay $0x1  }
0x1b6: {  	v0 =	vadd.f32 v3, v0;
	_ =	sdelay $0x1  }
0x1b7: {  	v0 =	vadd.f32 v1, v0;
	_ =	sdelay $0x1  }
0x1b8: {  	[tilespmem:s14+$0x15050] =	vst v0  }
0x1b9: {  	v0 =	vld [tilespmem:$0xDA20]  }
0x1ba: {  	v1 =	vld [tilespmem:$0xDA60];
	_ =	sdelay $0x1  }
0x1bb: {  	v2 =	vld [tilespmem:$0xDAA0];
	_ =	sdelay $0x1  }
0x1bc: {  	v3 =	vld [tilespmem:$0xDAE0]  }
0x1bd: {  	v0 =	vadd.f32 v1, v0  }
0x1be: {  	v1 =	vld [tilespmem:$0xDB20]  }
0x1bf: {  	v0 =	vadd.f32 v2, v0  }
0x1c0: {  	v2 =	vld [tilespmem:$0xDB60]  }
0x1c1: {  	v0 =	vadd.f32 v3, v0  }
0x1c2: {  	v3 =	vld [tilespmem:$0xDBA0]  }
0x1c3: {  	v0 =	vadd.f32 v1, v0  }
0x1c4: {  	v1 =	vld [tilespmem:$0xDBE0]  }
0x1c5: {  	v0 =	vadd.f32 v2, v0  }
0x1c6: {  	v2 =	vld [tilespmem:$0xDC20]  }
0x1c7: {  	v0 =	vadd.f32 v3, v0  }
0x1c8: {  	v3 =	vld [tilespmem:$0xDC60]  }
0x1c9: {  	v0 =	vadd.f32 v1, v0  }
0x1ca: {  	v1 =	vld [tilespmem:$0xDCA0]  }
0x1cb: {  	v0 =	vadd.f32 v2, v0  }
0x1cc: {  	v2 =	vld [tilespmem:$0xDCE0]  }
0x1cd: {  	v0 =	vadd.f32 v3, v0  }
0x1ce: {  	v3 =	vld [tilespmem:$0xDD20]  }
0x1cf: {  	v0 =	vadd.f32 v1, v0  }
0x1d0: {  	v1 =	vld [tilespmem:$0xDD60]  }
0x1d1: {  	v0 =	vadd.f32 v2, v0  }
0x1d2: {  	v2 =	vld [tilespmem:$0xDDA0]  }
0x1d3: {  	v0 =	vadd.f32 v3, v0  }
0x1d4: {  	v3 =	vld [tilespmem:$0xDDE0]  }
0x1d5: {  	v0 =	vadd.f32 v1, v0  }
0x1d6: {  	v1 =	vld [tilespmem:$0xDE20]  }
0x1d7: {  	v0 =	vadd.f32 v2, v0  }
0x1d8: {  	v2 =	vld [tilespmem:$0xDE60]  }
0x1d9: {  	v0 =	vadd.f32 v3, v0  }
0x1da: {  	v3 =	vld [tilespmem:$0xDEA0]  }
0x1db: {  	v0 =	vadd.f32 v1, v0  }
0x1dc: {  	v1 =	vld [tilespmem:$0xDEE0]  }
0x1dd: {  	v0 =	vadd.f32 v2, v0;
	_ =	sdelay $0x1  }
0x1de: {  	v0 =	vadd.f32 v3, v0;
	_ =	sdelay $0x1  }
0x1df: {  	v0 =	vadd.f32 v1, v0;
	_ =	sdelay $0x1  }
0x1e0: {  	[tilespmem:s14+$0x15060] =	vst v0  }
0x1e1: {  	v0 =	vld [tilespmem:$0xDA30]  }
0x1e2: {  	v1 =	vld [tilespmem:$0xDA70];
	_ =	sdelay $0x1  }
0x1e3: {  	v2 =	vld [tilespmem:$0xDAB0];
	_ =	sdelay $0x1  }
0x1e4: {  	v3 =	vld [tilespmem:$0xDAF0]  }
0x1e5: {  	v0 =	vadd.f32 v1, v0  }
0x1e6: {  	v1 =	vld [tilespmem:$0xDB30]  }
0x1e7: {  	v0 =	vadd.f32 v2, v0  }
0x1e8: {  	v2 =	vld [tilespmem:$0xDB70]  }
0x1e9: {  	v0 =	vadd.f32 v3, v0  }
0x1ea: {  	v3 =	vld [tilespmem:$0xDBB0]  }
0x1eb: {  	v0 =	vadd.f32 v1, v0  }
0x1ec: {  	v1 =	vld [tilespmem:$0xDBF0]  }
0x1ed: {  	v0 =	vadd.f32 v2, v0  }
0x1ee: {  	v2 =	vld [tilespmem:$0xDC30]  }
0x1ef: {  	v0 =	vadd.f32 v3, v0  }
0x1f0: {  	v3 =	vld [tilespmem:$0xDC70]  }
0x1f1: {  	v0 =	vadd.f32 v1, v0  }
0x1f2: {  	v1 =	vld [tilespmem:$0xDCB0]  }
0x1f3: {  	v0 =	vadd.f32 v2, v0  }
0x1f4: {  	v2 =	vld [tilespmem:$0xDCF0]  }
0x1f5: {  	v0 =	vadd.f32 v3, v0  }
0x1f6: {  	v3 =	vld [tilespmem:$0xDD30]  }
0x1f7: {  	v0 =	vadd.f32 v1, v0  }
0x1f8: {  	v1 =	vld [tilespmem:$0xDD70]  }
0x1f9: {  	v0 =	vadd.f32 v2, v0  }
0x1fa: {  	v2 =	vld [tilespmem:$0xDDB0]  }
0x1fb: {  	v0 =	vadd.f32 v3, v0  }
0x1fc: {  	v3 =	vld [tilespmem:$0xDDF0]  }
0x1fd: {  	v0 =	vadd.f32 v1, v0  }
0x1fe: {  	v1 =	vld [tilespmem:$0xDE30]  }
0x1ff: {  	v0 =	vadd.f32 v2, v0  }
0x200: {  	v2 =	vld [tilespmem:$0xDE70]  }
0x201: {  	v0 =	vadd.f32 v3, v0  }
0x202: {  	v3 =	vld [tilespmem:$0xDEB0]  }
0x203: {  	v0 =	vadd.f32 v1, v0  }
0x204: {  	v1 =	vld [tilespmem:$0xDEF0]  }
0x205: {  	v0 =	vadd.f32 v2, v0;
	_ =	sdelay $0x1  }
0x206: {  	s16 =	sadd.s32 @!p0 $0x5, s15;
	v0 =	vadd.f32 v3, v0  }
0x207: {  	s17 =	smul.u32 @!p0 $0x320, s16  }
0x208: {  	s16 =	smul.u32 @!p0 $0x60, s16;
	v0 =	vadd.f32 v1, v0  }
0x209: {  	s18 =	simm.s32 @!p0 $0xC8  }
0x20a: {  	s19 =	simm.s32 @!p0 $0xA800;
	s17 =	sshra.s32 @!p0 s17, $0x2;
	s16 =	sshra.s32 @!p0 s16, $0x2;
	[tilespmem:s14+$0x15070] =	vst v0  }
0x20b: {  	[tilespmem:s19], [sflag:$0x2] =	stream.indirect.gather @!p0 [hbm4b:s3+s18], $0x40, s17, s18, $0xb8;
	[tilespmem:$0x19000] =	vst v63  }
0x20c: {  	s16 =	sadd.s32 @!p0 $0x6400, s16;
	s17 =	simm.s32 @!p0 $0x18;
	s18 =	simm.s32 @!p0 $0xDA00  }
0x20d: {  	[tilespmem:s18], [sflag:$0x2] =	stream.indirect.gather @!p0 [hbm4b:s3+s17], $0x40, s16, s17, $0xb8;
	[tilespmem:$0x19000] =	vst v63  }
0x20e: {  	_ =	swait.ge [sflag:s29], $0x3800  }
0x20f: {  	[sflag:s29] =	ssyncset.done $0x0  }
0x210: {  	s16 =	simm.s32 $0x0;
	[sflag:s29] =	ssyncadd.s32 $0xFFFFC800  }
0x211: {  	v0 =	vld [tilespmem:s16+$0xE1C0]  }
0x212: {  	v1 =	vld [tilespmem:s16+$0xE1D0]  }
0x213: {  	v2 =	vld [tilespmem:s16+$0xE180]  }
0x214: {  	v3 =	vld [tilespmem:s16+$0xE190]  }
0x215: {  	v4 =	vld [tilespmem:s16+$0xE140]  }
0x216: {  	v5 =	vld [tilespmem:s16+$0xE150]  }
0x217: {  	v6 =	vld [tilespmem:s16+$0xE100]  }
0x218: {  	v7 =	vld [tilespmem:s16+$0xE110]  }
0x219: {  	v9 =	vld [tilespmem:s16+$0xE0C0]  }
0x21a: {  	v8 =	vld [tilespmem:s16+$0xE0D0]  }
0x21b: {  	v11 =	vld [tilespmem:s16+$0xE080]  }
0x21c: {  	v10 =	vld [tilespmem:s16+$0xE090]  }
0x21d: {  	v17 =	vld [tilespmem:s16+$0xE040]  }
0x21e: {  	v16 =	vld [tilespmem:s16+$0xE050]  }
0x21f: {  	v19 =	vld [tilespmem:s16+$0xE000]  }
0x220: {  	v14 =	vimm.f32 $0.0e+00;
	v20 =	vld [tilespmem:s16+$0xE010]  }
0x221: {  	v15 =	vimm.f32 $0.0e+00;
	v13 =	vimm.f32 $0.0e+00;
	v12 =	vimm.f32 $0.0e+00;
	s17 =	simm.s32 $0x800;
	v18 =	vld [tilespmem:s16+$0xE020]  }
.LBB2_7:
0x222: {  	p1 =	sne.s32 s17, $0xC000;
	v21 =	vld [tilespmem:s16+$0xE030]  }
0x223: {  	v22 =	vld [tilespmem:s16+$0xE060]  }
0x224: {  	v23 =	vld [tilespmem:s16+$0xE070]  }
0x225: {  	v24 =	vld [tilespmem:s16+$0xE0A0]  }
0x226: {  	v13 =	vadd.f32 v19, v13;
	v15 =	vadd.f32 v20, v15;
	v19 =	vld [tilespmem:s16+$0xE0B0]  }
0x227: {  	v14 =	vadd.f32 v18, v14;
	v18 =	vld [tilespmem:s16+$0xE0E0];
	v12 =	vadd.f32 v21, v12  }
0x228: {  	v13 =	vadd.f32 v17, v13;
	v15 =	vadd.f32 v16, v15;
	v16 =	vld [tilespmem:s16+$0xE0F0]  }
0x229: {  	v14 =	vadd.f32 v22, v14;
	v17 =	vld [tilespmem:s16+$0xE120];
	v12 =	vadd.f32 v23, v12  }
0x22a: {  	v11 =	vadd.f32 v11, v13;
	v10 =	vadd.f32 v10, v15;
	v13 =	vld [tilespmem:s16+$0xE130]  }
0x22b: {  	v14 =	vadd.f32 v24, v14;
	v15 =	vld [tilespmem:s16+$0xE160];
	v12 =	vadd.f32 v19, v12  }
0x22c: {  	v9 =	vadd.f32 v9, v11;
	v8 =	vadd.f32 v8, v10;
	v10 =	vld [tilespmem:s16+$0xE170]  }
0x22d: {  	v11 =	vadd.f32 v18, v14;
	v14 =	vld [tilespmem:s16+$0xE1A0];
	v12 =	vadd.f32 v16, v12  }
0x22e: {  	v6 =	vadd.f32 v6, v9;
	v7 =	vadd.f32 v7, v8;
	v8 =	vld [tilespmem:s16+$0xE1B0]  }
0x22f: {  	v9 =	vadd.f32 v17, v11;
	v11 =	vld [tilespmem:s16+$0xE1E0];
	v12 =	vadd.f32 v13, v12  }
0x230: {  	v4 =	vadd.f32 v4, v6;
	v5 =	vadd.f32 v5, v7;
	v6 =	vld [tilespmem:s16+$0xE1F0];
	s16 =	sshra.s32 s17, $0x2  }
0x231: {  	v9 =	vadd.f32 v15, v9;
	v7 =	vld [tilespmem:s16+$0xE1C0];
	v10 =	vadd.f32 v10, v12  }
0x232: {  	v4 =	vadd.f32 v2, v4;
	v5 =	vadd.f32 v3, v5;
	v16 =	vld [tilespmem:s16+$0xE1D0]  }
0x233: {  	v9 =	vadd.f32 v14, v9;
	v2 =	vld [tilespmem:s16+$0xE180];
	v8 =	vadd.f32 v8, v10  }
0x234: {  	v13 =	vadd.f32 v0, v4;
	v15 =	vadd.f32 v1, v5;
	v3 =	vld [tilespmem:s16+$0xE190]  }
0x235: {  	v14 =	vadd.f32 v11, v9;
	v4 =	vld [tilespmem:s16+$0xE140];
	v12 =	vadd.f32 v6, v8  }
0x236: {  	v5 =	vld [tilespmem:s16+$0xE150];
	v0 =	vmov v7  }
0x237: {  	v6 =	vld [tilespmem:s16+$0xE100];
	v1 =	vmov v16  }
0x238: {  	v7 =	vld [tilespmem:s16+$0xE110]  }
0x239: {  	v9 =	vld [tilespmem:s16+$0xE0C0]  }
0x23a: {  	v8 =	vld [tilespmem:s16+$0xE0D0]  }
0x23b: {  	v11 =	vld [tilespmem:s16+$0xE080]  }
0x23c: {  	v10 =	vld [tilespmem:s16+$0xE090]  }
.Ltmp4:
0x23d: {  	v17 =	vld [tilespmem:s16+$0xE040];
	(pc) =	sbr.rel @p1 .LBB2_7-.Ltmp4, $4  }
0x23e: {  	v16 =	vld [tilespmem:s16+$0xE050]  }
0x23f: {  	v19 =	vld [tilespmem:s16+$0xE000]  }
0x240: {  	v20 =	vld [tilespmem:s16+$0xE010]  }
0x241: {  	s17 =	sadd.s32 $0x800, s17;
	v18 =	vld [tilespmem:s16+$0xE020]  }
0x242: {  	v21 =	vld [tilespmem:s16+$0xE030]  }
0x243: {  	v22 =	vld [tilespmem:s16+$0xE060]  }
0x244: {  	v23 =	vld [tilespmem:s16+$0xE070];
	v13 =	vadd.f32 v19, v13  }
0x245: {  	v19 =	vld [tilespmem:s16+$0xE0A0];
	v15 =	vadd.f32 v20, v15  }
0x246: {  	v20 =	vld [tilespmem:s16+$0xE0B0];
	v14 =	vadd.f32 v18, v14;
	v13 =	vadd.f32 v17, v13  }
0x247: {  	v17 =	vld [tilespmem:s16+$0xE0E0];
	v12 =	vadd.f32 v21, v12;
	v15 =	vadd.f32 v16, v15  }
0x248: {  	v16 =	vld [tilespmem:s16+$0xE0F0];
	v14 =	vadd.f32 v22, v14;
	v11 =	vadd.f32 v11, v13  }
0x249: {  	v13 =	vld [tilespmem:s16+$0xE120];
	v12 =	vadd.f32 v23, v12;
	v10 =	vadd.f32 v10, v15  }
0x24a: {  	v15 =	vld [tilespmem:s16+$0xE130];
	v14 =	vadd.f32 v19, v14;
	v9 =	vadd.f32 v9, v11  }
0x24b: {  	v11 =	vld [tilespmem:s16+$0xE160];
	v12 =	vadd.f32 v20, v12;
	v8 =	vadd.f32 v8, v10  }
0x24c: {  	v10 =	vld [tilespmem:s16+$0xE170];
	v14 =	vadd.f32 v17, v14;
	v6 =	vadd.f32 v6, v9  }
0x24d: {  	v9 =	vld [tilespmem:s16+$0xE1A0];
	v12 =	vadd.f32 v16, v12;
	v7 =	vadd.f32 v7, v8  }
0x24e: {  	v8 =	vld [tilespmem:s16+$0xE1B0];
	v13 =	vadd.f32 v13, v14;
	v4 =	vadd.f32 v4, v6  }
0x24f: {  	v6 =	vld [tilespmem:s16+$0xE1E0];
	v12 =	vadd.f32 v15, v12;
	v5 =	vadd.f32 v5, v7  }
0x250: {  	v7 =	vld [tilespmem:s16+$0xE1F0];
	v11 =	vadd.f32 v11, v13;
	v2 =	vadd.f32 v2, v4  }
0x251: {  	v4 =	vadd.f32 v10, v12;
	v3 =	vadd.f32 v3, v5  }
0x252: {  	v5 =	vadd.f32 v9, v11;
	v0 =	vadd.f32 v0, v2  }
0x253: {  	v2 =	vadd.f32 v8, v4;
	v1 =	vadd.f32 v1, v3  }
0x254: {  	v3 =	vadd.f32 v6, v5;
	[tilespmem:s14+$0x17080] =	vst v0  }
0x255: {  	v0 =	vadd.f32 v7, v2;
	[tilespmem:s14+$0x17090] =	vst v1  }
0x256: {  	[tilespmem:s14+$0x170A0] =	vst v3  }
0x257: {  	[tilespmem:s14+$0x170B0] =	vst v0  }
0x258: {  	v0 =	vld [tilespmem:$0x11200]  }
0x259: {  	v1 =	vld [tilespmem:$0x11240];
	_ =	sdelay $0x1  }
0x25a: {  	v2 =	vld [tilespmem:$0x11280];
	_ =	sdelay $0x1  }
0x25b: {  	v3 =	vld [tilespmem:$0x112C0]  }
0x25c: {  	v0 =	vadd.f32 v1, v0  }
0x25d: {  	v1 =	vld [tilespmem:$0x11300]  }
0x25e: {  	v0 =	vadd.f32 v2, v0  }
0x25f: {  	v2 =	vld [tilespmem:$0x11340]  }
0x260: {  	v0 =	vadd.f32 v3, v0  }
0x261: {  	v3 =	vld [tilespmem:$0x11380]  }
0x262: {  	v0 =	vadd.f32 v1, v0  }
0x263: {  	v1 =	vld [tilespmem:$0x113C0]  }
0x264: {  	v0 =	vadd.f32 v2, v0  }
0x265: {  	v2 =	vld [tilespmem:$0x11400]  }
0x266: {  	v0 =	vadd.f32 v3, v0  }
0x267: {  	v3 =	vld [tilespmem:$0x11440]  }
0x268: {  	v0 =	vadd.f32 v1, v0  }
0x269: {  	v1 =	vld [tilespmem:$0x11480]  }
0x26a: {  	v0 =	vadd.f32 v2, v0  }
0x26b: {  	v2 =	vld [tilespmem:$0x114C0]  }
0x26c: {  	v0 =	vadd.f32 v3, v0  }
0x26d: {  	v3 =	vld [tilespmem:$0x11500]  }
0x26e: {  	v0 =	vadd.f32 v1, v0  }
0x26f: {  	v1 =	vld [tilespmem:$0x11540]  }
0x270: {  	v0 =	vadd.f32 v2, v0  }
0x271: {  	v2 =	vld [tilespmem:$0x11580]  }
0x272: {  	v0 =	vadd.f32 v3, v0  }
0x273: {  	v3 =	vld [tilespmem:$0x115C0]  }
0x274: {  	v0 =	vadd.f32 v1, v0  }
0x275: {  	v1 =	vld [tilespmem:$0x11600]  }
0x276: {  	v0 =	vadd.f32 v2, v0  }
0x277: {  	v2 =	vld [tilespmem:$0x11640]  }
0x278: {  	v0 =	vadd.f32 v3, v0  }
0x279: {  	v3 =	vld [tilespmem:$0x11680]  }
0x27a: {  	v0 =	vadd.f32 v1, v0  }
0x27b: {  	v1 =	vld [tilespmem:$0x116C0]  }
0x27c: {  	v0 =	vadd.f32 v2, v0;
	_ =	sdelay $0x1  }
0x27d: {  	v0 =	vadd.f32 v3, v0;
	_ =	sdelay $0x1  }
0x27e: {  	v0 =	vadd.f32 v1, v0;
	_ =	sdelay $0x1  }
0x27f: {  	[tilespmem:s14+$0x15080] =	vst v0  }
0x280: {  	v0 =	vld [tilespmem:$0x11210]  }
0x281: {  	v1 =	vld [tilespmem:$0x11250];
	_ =	sdelay $0x1  }
0x282: {  	v2 =	vld [tilespmem:$0x11290];
	_ =	sdelay $0x1  }
0x283: {  	v3 =	vld [tilespmem:$0x112D0]  }
0x284: {  	v0 =	vadd.f32 v1, v0  }
0x285: {  	v1 =	vld [tilespmem:$0x11310]  }
0x286: {  	v0 =	vadd.f32 v2, v0  }
0x287: {  	v2 =	vld [tilespmem:$0x11350]  }
0x288: {  	v0 =	vadd.f32 v3, v0  }
0x289: {  	v3 =	vld [tilespmem:$0x11390]  }
0x28a: {  	v0 =	vadd.f32 v1, v0  }
0x28b: {  	v1 =	vld [tilespmem:$0x113D0]  }
0x28c: {  	v0 =	vadd.f32 v2, v0  }
0x28d: {  	v2 =	vld [tilespmem:$0x11410]  }
0x28e: {  	v0 =	vadd.f32 v3, v0  }
0x28f: {  	v3 =	vld [tilespmem:$0x11450]  }
0x290: {  	v0 =	vadd.f32 v1, v0  }
0x291: {  	v1 =	vld [tilespmem:$0x11490]  }
0x292: {  	v0 =	vadd.f32 v2, v0  }
0x293: {  	v2 =	vld [tilespmem:$0x114D0]  }
0x294: {  	v0 =	vadd.f32 v3, v0  }
0x295: {  	v3 =	vld [tilespmem:$0x11510]  }
0x296: {  	v0 =	vadd.f32 v1, v0  }
0x297: {  	v1 =	vld [tilespmem:$0x11550]  }
0x298: {  	v0 =	vadd.f32 v2, v0  }
0x299: {  	v2 =	vld [tilespmem:$0x11590]  }
0x29a: {  	v0 =	vadd.f32 v3, v0  }
0x29b: {  	v3 =	vld [tilespmem:$0x115D0]  }
0x29c: {  	v0 =	vadd.f32 v1, v0  }
0x29d: {  	v1 =	vld [tilespmem:$0x11610]  }
0x29e: {  	v0 =	vadd.f32 v2, v0  }
0x29f: {  	v2 =	vld [tilespmem:$0x11650]  }
0x2a0: {  	v0 =	vadd.f32 v3, v0  }
0x2a1: {  	v3 =	vld [tilespmem:$0x11690]  }
0x2a2: {  	v0 =	vadd.f32 v1, v0  }
0x2a3: {  	v1 =	vld [tilespmem:$0x116D0]  }
0x2a4: {  	v0 =	vadd.f32 v2, v0;
	_ =	sdelay $0x1  }
0x2a5: {  	v0 =	vadd.f32 v3, v0;
	_ =	sdelay $0x1  }
0x2a6: {  	v0 =	vadd.f32 v1, v0;
	_ =	sdelay $0x1  }
0x2a7: {  	[tilespmem:s14+$0x15090] =	vst v0  }
0x2a8: {  	v0 =	vld [tilespmem:$0x11220]  }
0x2a9: {  	v1 =	vld [tilespmem:$0x11260];
	_ =	sdelay $0x1  }
0x2aa: {  	v2 =	vld [tilespmem:$0x112A0];
	_ =	sdelay $0x1  }
0x2ab: {  	v3 =	vld [tilespmem:$0x112E0]  }
0x2ac: {  	v0 =	vadd.f32 v1, v0  }
0x2ad: {  	v1 =	vld [tilespmem:$0x11320]  }
0x2ae: {  	v0 =	vadd.f32 v2, v0  }
0x2af: {  	v2 =	vld [tilespmem:$0x11360]  }
0x2b0: {  	v0 =	vadd.f32 v3, v0  }
0x2b1: {  	v3 =	vld [tilespmem:$0x113A0]  }
0x2b2: {  	v0 =	vadd.f32 v1, v0  }
0x2b3: {  	v1 =	vld [tilespmem:$0x113E0]  }
0x2b4: {  	v0 =	vadd.f32 v2, v0  }
0x2b5: {  	v2 =	vld [tilespmem:$0x11420]  }
0x2b6: {  	v0 =	vadd.f32 v3, v0  }
0x2b7: {  	v3 =	vld [tilespmem:$0x11460]  }
0x2b8: {  	v0 =	vadd.f32 v1, v0  }
0x2b9: {  	v1 =	vld [tilespmem:$0x114A0]  }
0x2ba: {  	v0 =	vadd.f32 v2, v0  }
0x2bb: {  	v2 =	vld [tilespmem:$0x114E0]  }
0x2bc: {  	v0 =	vadd.f32 v3, v0  }
0x2bd: {  	v3 =	vld [tilespmem:$0x11520]  }
0x2be: {  	v0 =	vadd.f32 v1, v0  }
0x2bf: {  	v1 =	vld [tilespmem:$0x11560]  }
0x2c0: {  	v0 =	vadd.f32 v2, v0  }
0x2c1: {  	v2 =	vld [tilespmem:$0x115A0]  }
0x2c2: {  	v0 =	vadd.f32 v3, v0  }
0x2c3: {  	v3 =	vld [tilespmem:$0x115E0]  }
0x2c4: {  	v0 =	vadd.f32 v1, v0  }
0x2c5: {  	v1 =	vld [tilespmem:$0x11620]  }
0x2c6: {  	v0 =	vadd.f32 v2, v0  }
0x2c7: {  	v2 =	vld [tilespmem:$0x11660]  }
0x2c8: {  	v0 =	vadd.f32 v3, v0  }
0x2c9: {  	v3 =	vld [tilespmem:$0x116A0]  }
0x2ca: {  	v0 =	vadd.f32 v1, v0  }
0x2cb: {  	v1 =	vld [tilespmem:$0x116E0]  }
0x2cc: {  	v0 =	vadd.f32 v2, v0;
	_ =	sdelay $0x1  }
0x2cd: {  	v0 =	vadd.f32 v3, v0;
	_ =	sdelay $0x1  }
0x2ce: {  	v0 =	vadd.f32 v1, v0;
	_ =	sdelay $0x1  }
0x2cf: {  	[tilespmem:s14+$0x150A0] =	vst v0  }
0x2d0: {  	v0 =	vld [tilespmem:$0x11230]  }
0x2d1: {  	v1 =	vld [tilespmem:$0x11270];
	_ =	sdelay $0x1  }
0x2d2: {  	v2 =	vld [tilespmem:$0x112B0];
	_ =	sdelay $0x1  }
0x2d3: {  	v3 =	vld [tilespmem:$0x112F0]  }
0x2d4: {  	v0 =	vadd.f32 v1, v0  }
0x2d5: {  	v1 =	vld [tilespmem:$0x11330]  }
0x2d6: {  	v0 =	vadd.f32 v2, v0  }
0x2d7: {  	v2 =	vld [tilespmem:$0x11370]  }
0x2d8: {  	v0 =	vadd.f32 v3, v0  }
0x2d9: {  	v3 =	vld [tilespmem:$0x113B0]  }
0x2da: {  	v0 =	vadd.f32 v1, v0  }
0x2db: {  	v1 =	vld [tilespmem:$0x113F0]  }
0x2dc: {  	v0 =	vadd.f32 v2, v0  }
0x2dd: {  	v2 =	vld [tilespmem:$0x11430]  }
0x2de: {  	v0 =	vadd.f32 v3, v0  }
0x2df: {  	v3 =	vld [tilespmem:$0x11470]  }
0x2e0: {  	v0 =	vadd.f32 v1, v0  }
0x2e1: {  	v1 =	vld [tilespmem:$0x114B0]  }
0x2e2: {  	v0 =	vadd.f32 v2, v0  }
0x2e3: {  	v2 =	vld [tilespmem:$0x114F0]  }
0x2e4: {  	v0 =	vadd.f32 v3, v0  }
0x2e5: {  	v3 =	vld [tilespmem:$0x11530]  }
0x2e6: {  	v0 =	vadd.f32 v1, v0  }
0x2e7: {  	v1 =	vld [tilespmem:$0x11570]  }
0x2e8: {  	v0 =	vadd.f32 v2, v0  }
0x2e9: {  	v2 =	vld [tilespmem:$0x115B0]  }
0x2ea: {  	v0 =	vadd.f32 v3, v0  }
0x2eb: {  	v3 =	vld [tilespmem:$0x115F0]  }
0x2ec: {  	v0 =	vadd.f32 v1, v0  }
0x2ed: {  	v1 =	vld [tilespmem:$0x11630]  }
0x2ee: {  	v0 =	vadd.f32 v2, v0  }
0x2ef: {  	v2 =	vld [tilespmem:$0x11670]  }
0x2f0: {  	v0 =	vadd.f32 v3, v0  }
0x2f1: {  	v3 =	vld [tilespmem:$0x116B0]  }
0x2f2: {  	v0 =	vadd.f32 v1, v0  }
0x2f3: {  	v1 =	vld [tilespmem:$0x116F0]  }
0x2f4: {  	v0 =	vadd.f32 v2, v0;
	_ =	sdelay $0x1  }
0x2f5: {  	s16 =	sadd.s32 @!p0 $0x6, s15;
	v0 =	vadd.f32 v3, v0  }
0x2f6: {  	s17 =	smul.u32 @!p0 $0x320, s16  }
0x2f7: {  	s16 =	smul.u32 @!p0 $0x60, s16;
	v0 =	vadd.f32 v1, v0  }
0x2f8: {  	s18 =	simm.s32 @!p0 $0xC8  }
0x2f9: {  	s19 =	simm.s32 @!p0 $0xE000;
	s17 =	sshra.s32 @!p0 s17, $0x2;
	s16 =	sshra.s32 @!p0 s16, $0x2;
	[tilespmem:s14+$0x150B0] =	vst v0  }
0x2fa: {  	[tilespmem:s19], [sflag:$0x3] =	stream.indirect.gather @!p0 [hbm4b:s3+s18], $0x40, s17, s18, $0xb8;
	[tilespmem:$0x19000] =	vst v63  }
0x2fb: {  	s16 =	sadd.s32 @!p0 $0x6400, s16;
	s17 =	simm.s32 @!p0 $0x18;
	s18 =	simm.s32 @!p0 $0x11200  }
0x2fc: {  	[tilespmem:s18], [sflag:$0x3] =	stream.indirect.gather @!p0 [hbm4b:s3+s17], $0x40, s16, s17, $0xb8;
	[tilespmem:$0x19000] =	vst v63  }
0x2fd: {  	_ =	swait.ge [sflag:s30], $0x3800  }
0x2fe: {  	[sflag:s30] =	ssyncset.done $0x0  }
0x2ff: {  	s16 =	simm.s32 $0x0;
	[sflag:s30] =	ssyncadd.s32 $0xFFFFC800  }
0x300: {  	v0 =	vld [tilespmem:s16+$0x119C0]  }
0x301: {  	v1 =	vld [tilespmem:s16+$0x119D0]  }
0x302: {  	v2 =	vld [tilespmem:s16+$0x11980]  }
0x303: {  	v3 =	vld [tilespmem:s16+$0x11990]  }
0x304: {  	v4 =	vld [tilespmem:s16+$0x11940]  }
0x305: {  	v5 =	vld [tilespmem:s16+$0x11950]  }
0x306: {  	v6 =	vld [tilespmem:s16+$0x11900]  }
0x307: {  	v7 =	vld [tilespmem:s16+$0x11910]  }
0x308: {  	v9 =	vld [tilespmem:s16+$0x118C0]  }
0x309: {  	v8 =	vld [tilespmem:s16+$0x118D0]  }
0x30a: {  	v11 =	vld [tilespmem:s16+$0x11880]  }
0x30b: {  	v10 =	vld [tilespmem:s16+$0x11890]  }
0x30c: {  	v17 =	vld [tilespmem:s16+$0x11840]  }
0x30d: {  	v16 =	vld [tilespmem:s16+$0x11850]  }
0x30e: {  	v19 =	vld [tilespmem:s16+$0x11800]  }
0x30f: {  	v14 =	vimm.f32 $0.0e+00;
	v20 =	vld [tilespmem:s16+$0x11810]  }
0x310: {  	v15 =	vimm.f32 $0.0e+00;
	v13 =	vimm.f32 $0.0e+00;
	v12 =	vimm.f32 $0.0e+00;
	s17 =	simm.s32 $0x800;
	v18 =	vld [tilespmem:s16+$0x11820]  }
.LBB2_9:
0x311: {  	p1 =	sne.s32 s17, $0xC000;
	v21 =	vld [tilespmem:s16+$0x11830]  }
0x312: {  	v22 =	vld [tilespmem:s16+$0x11860]  }
0x313: {  	v23 =	vld [tilespmem:s16+$0x11870]  }
0x314: {  	v24 =	vld [tilespmem:s16+$0x118A0]  }
0x315: {  	v13 =	vadd.f32 v19, v13;
	v15 =	vadd.f32 v20, v15;
	v19 =	vld [tilespmem:s16+$0x118B0]  }
0x316: {  	v14 =	vadd.f32 v18, v14;
	v18 =	vld [tilespmem:s16+$0x118E0];
	v12 =	vadd.f32 v21, v12  }
0x317: {  	v13 =	vadd.f32 v17, v13;
	v15 =	vadd.f32 v16, v15;
	v16 =	vld [tilespmem:s16+$0x118F0]  }
0x318: {  	v14 =	vadd.f32 v22, v14;
	v17 =	vld [tilespmem:s16+$0x11920];
	v12 =	vadd.f32 v23, v12  }
0x319: {  	v11 =	vadd.f32 v11, v13;
	v10 =	vadd.f32 v10, v15;
	v13 =	vld [tilespmem:s16+$0x11930]  }
0x31a: {  	v14 =	vadd.f32 v24, v14;
	v15 =	vld [tilespmem:s16+$0x11960];
	v12 =	vadd.f32 v19, v12  }
0x31b: {  	v9 =	vadd.f32 v9, v11;
	v8 =	vadd.f32 v8, v10;
	v10 =	vld [tilespmem:s16+$0x11970]  }
0x31c: {  	v11 =	vadd.f32 v18, v14;
	v14 =	vld [tilespmem:s16+$0x119A0];
	v12 =	vadd.f32 v16, v12  }
0x31d: {  	v6 =	vadd.f32 v6, v9;
	v7 =	vadd.f32 v7, v8;
	v8 =	vld [tilespmem:s16+$0x119B0]  }
0x31e: {  	v9 =	vadd.f32 v17, v11;
	v11 =	vld [tilespmem:s16+$0x119E0];
	v12 =	vadd.f32 v13, v12  }
0x31f: {  	v4 =	vadd.f32 v4, v6;
	v5 =	vadd.f32 v5, v7;
	v6 =	vld [tilespmem:s16+$0x119F0];
	s16 =	sshra.s32 s17, $0x2  }
0x320: {  	v9 =	vadd.f32 v15, v9;
	v7 =	vld [tilespmem:s16+$0x119C0];
	v10 =	vadd.f32 v10, v12  }
0x321: {  	v4 =	vadd.f32 v2, v4;
	v5 =	vadd.f32 v3, v5;
	v16 =	vld [tilespmem:s16+$0x119D0]  }
0x322: {  	v9 =	vadd.f32 v14, v9;
	v2 =	vld [tilespmem:s16+$0x11980];
	v8 =	vadd.f32 v8, v10  }
0x323: {  	v13 =	vadd.f32 v0, v4;
	v15 =	vadd.f32 v1, v5;
	v3 =	vld [tilespmem:s16+$0x11990]  }
0x324: {  	v14 =	vadd.f32 v11, v9;
	v4 =	vld [tilespmem:s16+$0x11940];
	v12 =	vadd.f32 v6, v8  }
0x325: {  	v5 =	vld [tilespmem:s16+$0x11950];
	v0 =	vmov v7  }
0x326: {  	v6 =	vld [tilespmem:s16+$0x11900];
	v1 =	vmov v16  }
0x327: {  	v7 =	vld [tilespmem:s16+$0x11910]  }
0x328: {  	v9 =	vld [tilespmem:s16+$0x118C0]  }
0x329: {  	v8 =	vld [tilespmem:s16+$0x118D0]  }
0x32a: {  	v11 =	vld [tilespmem:s16+$0x11880]  }
0x32b: {  	v10 =	vld [tilespmem:s16+$0x11890]  }
.Ltmp5:
0x32c: {  	v17 =	vld [tilespmem:s16+$0x11840];
	(pc) =	sbr.rel @p1 .LBB2_9-.Ltmp5, $4  }
0x32d: {  	v16 =	vld [tilespmem:s16+$0x11850]  }
0x32e: {  	v19 =	vld [tilespmem:s16+$0x11800]  }
0x32f: {  	v20 =	vld [tilespmem:s16+$0x11810]  }
0x330: {  	s17 =	sadd.s32 $0x800, s17;
	v18 =	vld [tilespmem:s16+$0x11820]  }
0x331: {  	v21 =	vld [tilespmem:s16+$0x11830]  }
0x332: {  	v22 =	vld [tilespmem:s16+$0x11860]  }
0x333: {  	v23 =	vld [tilespmem:s16+$0x11870];
	v13 =	vadd.f32 v19, v13  }
0x334: {  	v31 =	vld [tilespmem:s16+$0x118A0];
	v15 =	vadd.f32 v20, v15  }
0x335: {  	v32 =	vld [tilespmem:s16+$0x118B0];
	v14 =	vadd.f32 v18, v14;
	v13 =	vadd.f32 v17, v13  }
0x336: {  	v33 =	vld [tilespmem:s16+$0x118E0];
	v12 =	vadd.f32 v21, v12;
	v15 =	vadd.f32 v16, v15  }
0x337: {  	v34 =	vld [tilespmem:s16+$0x118F0];
	v14 =	vadd.f32 v22, v14;
	v11 =	vadd.f32 v11, v13  }
0x338: {  	v35 =	vld [tilespmem:s16+$0x11920];
	v12 =	vadd.f32 v23, v12;
	v10 =	vadd.f32 v10, v15  }
0x339: {  	v36 =	vld [tilespmem:s16+$0x11930];
	v14 =	vadd.f32 v31, v14;
	v9 =	vadd.f32 v9, v11  }
0x33a: {  	v37 =	vld [tilespmem:s16+$0x11960];
	v12 =	vadd.f32 v32, v12;
	v8 =	vadd.f32 v8, v10  }
0x33b: {  	v38 =	vld [tilespmem:s16+$0x11970];
	v14 =	vadd.f32 v33, v14;
	v6 =	vadd.f32 v6, v9  }
0x33c: {  	v39 =	vld [tilespmem:s16+$0x119A0];
	v12 =	vadd.f32 v34, v12;
	v7 =	vadd.f32 v7, v8  }
0x33d: {  	v40 =	vld [tilespmem:s16+$0x119B0];
	v13 =	vadd.f32 v35, v14;
	v4 =	vadd.f32 v4, v6  }
0x33e: {  	v41 =	vld [tilespmem:s16+$0x119E0];
	v12 =	vadd.f32 v36, v12;
	v5 =	vadd.f32 v5, v7  }
0x33f: {  	v42 =	vld [tilespmem:s16+$0x119F0];
	v11 =	vadd.f32 v37, v13;
	v2 =	vadd.f32 v2, v4  }
0x340: {  	v43 =	vadd.f32 v38, v12;
	v3 =	vadd.f32 v3, v5  }
0x341: {  	v44 =	vadd.f32 v39, v11;
	v0 =	vadd.f32 v0, v2  }
0x342: {  	v45 =	vadd.f32 v40, v43;
	v1 =	vadd.f32 v1, v3  }
0x343: {  	v46 =	vadd.f32 v41, v44;
	[tilespmem:s14+$0x170C0] =	vst v0  }
0x344: {  	v47 =	vadd.f32 v42, v45;
	[tilespmem:s14+$0x170D0] =	vst v1  }
0x345: {  	[tilespmem:s14+$0x170E0] =	vst v46  }
0x346: {  	[tilespmem:s14+$0x170F0] =	vst v47  }
0x347: {  	v0 =	vld [tilespmem:$0x14A00]  }
0x348: {  	v1 =	vld [tilespmem:$0x14A40];
	_ =	sdelay $0x1  }
0x349: {  	v48 =	vld [tilespmem:$0x14A80];
	_ =	sdelay $0x1  }
0x34a: {  	v3 =	vld [tilespmem:$0x14AC0]  }
0x34b: {  	v0 =	vadd.f32 v1, v0  }
0x34c: {  	v49 =	vld [tilespmem:$0x14B00]  }
0x34d: {  	v0 =	vadd.f32 v48, v0  }
0x34e: {  	v50 =	vld [tilespmem:$0x14B40]  }
0x34f: {  	v0 =	vadd.f32 v3, v0  }
0x350: {  	v51 =	vld [tilespmem:$0x14B80]  }
0x351: {  	v0 =	vadd.f32 v49, v0  }
0x352: {  	v52 =	vld [tilespmem:$0x14BC0]  }
0x353: {  	v0 =	vadd.f32 v50, v0  }
0x354: {  	v53 =	vld [tilespmem:$0x14C00]  }
0x355: {  	v0 =	vadd.f32 v51, v0  }
0x356: {  	v54 =	vld [tilespmem:$0x14C40]  }
0x357: {  	v0 =	vadd.f32 v52, v0  }
0x358: {  	v55 =	vld [tilespmem:$0x14C80]  }
0x359: {  	v0 =	vadd.f32 v53, v0  }
0x35a: {  	v56 =	vld [tilespmem:$0x14CC0]  }
0x35b: {  	v0 =	vadd.f32 v54, v0  }
0x35c: {  	v57 =	vld [tilespmem:$0x14D00]  }
0x35d: {  	v0 =	vadd.f32 v55, v0  }
0x35e: {  	v58 =	vld [tilespmem:$0x14D40]  }
0x35f: {  	v0 =	vadd.f32 v56, v0  }
0x360: {  	v59 =	vld [tilespmem:$0x14D80]  }
0x361: {  	v0 =	vadd.f32 v57, v0  }
0x362: {  	v60 =	vld [tilespmem:$0x14DC0]  }
0x363: {  	v0 =	vadd.f32 v58, v0  }
0x364: {  	v61 =	vld [tilespmem:$0x14E00]  }
0x365: {  	v0 =	vadd.f32 v59, v0  }
0x366: {  	v62 =	vld [tilespmem:$0x14E40]  }
0x367: {  	v0 =	vadd.f32 v60, v0  }
0x368: {  	v63 =	vld [tilespmem:$0x14E80]  }
0x369: {  	v0 =	vadd.f32 v61, v0  }
0x36a: {  	v6 =	vld [tilespmem:$0x14EC0]  }
0x36b: {  	v0 =	vadd.f32 v62, v0;
	_ =	sdelay $0x1  }
0x36c: {  	v0 =	vadd.f32 v63, v0;
	_ =	sdelay $0x1  }
0x36d: {  	v0 =	vadd.f32 v6, v0;
	_ =	sdelay $0x1  }
0x36e: {  	[tilespmem:s14+$0x150C0] =	vst v0  }
0x36f: {  	v0 =	vld [tilespmem:$0x14A10]  }
0x370: {  	v7 =	vld [tilespmem:$0x14A50];
	_ =	sdelay $0x1  }
0x371: {  	v8 =	vld [tilespmem:$0x14A90];
	_ =	sdelay $0x1  }
0x372: {  	v9 =	vld [tilespmem:$0x14AD0]  }
0x373: {  	v0 =	vadd.f32 v7, v0  }
0x374: {  	v10 =	vld [tilespmem:$0x14B10]  }
0x375: {  	v0 =	vadd.f32 v8, v0  }
0x376: {  	v11 =	vld [tilespmem:$0x14B50]  }
0x377: {  	v0 =	vadd.f32 v9, v0  }
0x378: {  	v12 =	vld [tilespmem:$0x14B90]  }
0x379: {  	v0 =	vadd.f32 v10, v0  }
0x37a: {  	v13 =	vld [tilespmem:$0x14BD0]  }
0x37b: {  	v0 =	vadd.f32 v11, v0  }
0x37c: {  	v14 =	vld [tilespmem:$0x14C10]  }
0x37d: {  	v0 =	vadd.f32 v12, v0  }
0x37e: {  	v15 =	vld [tilespmem:$0x14C50]  }
0x37f: {  	v0 =	vadd.f32 v13, v0  }
0x380: {  	v16 =	vld [tilespmem:$0x14C90]  }
0x381: {  	v0 =	vadd.f32 v14, v0  }
0x382: {  	v17 =	vld [tilespmem:$0x14CD0]  }
0x383: {  	v0 =	vadd.f32 v15, v0  }
0x384: {  	v18 =	vld [tilespmem:$0x14D10]  }
0x385: {  	v0 =	vadd.f32 v16, v0  }
0x386: {  	v19 =	vld [tilespmem:$0x14D50]  }
0x387: {  	v0 =	vadd.f32 v17, v0  }
0x388: {  	v20 =	vld [tilespmem:$0x14D90]  }
0x389: {  	v0 =	vadd.f32 v18, v0  }
0x38a: {  	v21 =	vld [tilespmem:$0x14DD0]  }
0x38b: {  	v0 =	vadd.f32 v19, v0  }
0x38c: {  	v22 =	vld [tilespmem:$0x14E10]  }
0x38d: {  	v0 =	vadd.f32 v20, v0  }
0x38e: {  	v23 =	vld [tilespmem:$0x14E50]  }
0x38f: {  	v0 =	vadd.f32 v21, v0  }
0x390: {  	v24 =	vld [tilespmem:$0x14E90]  }
0x391: {  	v0 =	vadd.f32 v22, v0  }
0x392: {  	v25 =	vld [tilespmem:$0x14ED0]  }
0x393: {  	v0 =	vadd.f32 v23, v0;
	_ =	sdelay $0x1  }
0x394: {  	v0 =	vadd.f32 v24, v0;
	_ =	sdelay $0x1  }
0x395: {  	v0 =	vadd.f32 v25, v0;
	_ =	sdelay $0x1  }
0x396: {  	[tilespmem:s14+$0x150D0] =	vst v0  }
0x397: {  	v0 =	vld [tilespmem:$0x14A20]  }
0x398: {  	v26 =	vld [tilespmem:$0x14A60];
	_ =	sdelay $0x1  }
0x399: {  	v27 =	vld [tilespmem:$0x14AA0];
	_ =	sdelay $0x1  }
0x39a: {  	v28 =	vld [tilespmem:$0x14AE0]  }
0x39b: {  	v0 =	vadd.f32 v26, v0  }
0x39c: {  	v29 =	vld [tilespmem:$0x14B20]  }
0x39d: {  	v0 =	vadd.f32 v27, v0  }
0x39e: {  	v30 =	vld [tilespmem:$0x14B60]  }
0x39f: {  	v0 =	vadd.f32 v28, v0  }
0x3a0: {  	v31 =	vld [tilespmem:$0x14BA0]  }
0x3a1: {  	v0 =	vadd.f32 v29, v0  }
0x3a2: {  	v32 =	vld [tilespmem:$0x14BE0]  }
0x3a3: {  	v0 =	vadd.f32 v30, v0  }
0x3a4: {  	v33 =	vld [tilespmem:$0x14C20]  }
0x3a5: {  	v0 =	vadd.f32 v31, v0  }
0x3a6: {  	v34 =	vld [tilespmem:$0x14C60]  }
0x3a7: {  	v0 =	vadd.f32 v32, v0  }
0x3a8: {  	v35 =	vld [tilespmem:$0x14CA0]  }
0x3a9: {  	v0 =	vadd.f32 v33, v0  }
0x3aa: {  	v36 =	vld [tilespmem:$0x14CE0]  }
0x3ab: {  	v0 =	vadd.f32 v34, v0  }
0x3ac: {  	v37 =	vld [tilespmem:$0x14D20]  }
0x3ad: {  	v0 =	vadd.f32 v35, v0  }
0x3ae: {  	v38 =	vld [tilespmem:$0x14D60]  }
0x3af: {  	v0 =	vadd.f32 v36, v0  }
0x3b0: {  	v39 =	vld [tilespmem:$0x14DA0]  }
0x3b1: {  	v0 =	vadd.f32 v37, v0  }
0x3b2: {  	v40 =	vld [tilespmem:$0x14DE0]  }
0x3b3: {  	v0 =	vadd.f32 v38, v0  }
0x3b4: {  	v41 =	vld [tilespmem:$0x14E20]  }
0x3b5: {  	v0 =	vadd.f32 v39, v0  }
0x3b6: {  	v42 =	vld [tilespmem:$0x14E60]  }
0x3b7: {  	v0 =	vadd.f32 v40, v0  }
0x3b8: {  	v43 =	vld [tilespmem:$0x14EA0]  }
0x3b9: {  	v0 =	vadd.f32 v41, v0  }
0x3ba: {  	v44 =	vld [tilespmem:$0x14EE0]  }
0x3bb: {  	v0 =	vadd.f32 v42, v0;
	_ =	sdelay $0x1  }
0x3bc: {  	v0 =	vadd.f32 v43, v0;
	_ =	sdelay $0x1  }
0x3bd: {  	v0 =	vadd.f32 v44, v0;
	_ =	sdelay $0x1  }
0x3be: {  	[tilespmem:s14+$0x150E0] =	vst v0  }
0x3bf: {  	v0 =	vld [tilespmem:$0x14A30]  }
0x3c0: {  	v45 =	vld [tilespmem:$0x14A70];
	_ =	sdelay $0x1  }
0x3c1: {  	v46 =	vld [tilespmem:$0x14AB0];
	_ =	sdelay $0x1  }
0x3c2: {  	v47 =	vld [tilespmem:$0x14AF0]  }
0x3c3: {  	v0 =	vadd.f32 v45, v0  }
0x3c4: {  	v48 =	vld [tilespmem:$0x14B30]  }
0x3c5: {  	v0 =	vadd.f32 v46, v0  }
0x3c6: {  	v49 =	vld [tilespmem:$0x14B70]  }
0x3c7: {  	v0 =	vadd.f32 v47, v0  }
0x3c8: {  	v50 =	vld [tilespmem:$0x14BB0]  }
0x3c9: {  	v0 =	vadd.f32 v48, v0  }
0x3ca: {  	v51 =	vld [tilespmem:$0x14BF0]  }
0x3cb: {  	v0 =	vadd.f32 v49, v0  }
0x3cc: {  	v52 =	vld [tilespmem:$0x14C30]  }
0x3cd: {  	v0 =	vadd.f32 v50, v0  }
0x3ce: {  	v53 =	vld [tilespmem:$0x14C70]  }
0x3cf: {  	v0 =	vadd.f32 v51, v0  }
0x3d0: {  	v54 =	vld [tilespmem:$0x14CB0]  }
0x3d1: {  	v0 =	vadd.f32 v52, v0  }
0x3d2: {  	v55 =	vld [tilespmem:$0x14CF0]  }
0x3d3: {  	v0 =	vadd.f32 v53, v0  }
0x3d4: {  	v56 =	vld [tilespmem:$0x14D30]  }
0x3d5: {  	v0 =	vadd.f32 v54, v0  }
0x3d6: {  	v57 =	vld [tilespmem:$0x14D70]  }
0x3d7: {  	v0 =	vadd.f32 v55, v0  }
0x3d8: {  	v58 =	vld [tilespmem:$0x14DB0]  }
0x3d9: {  	v0 =	vadd.f32 v56, v0  }
0x3da: {  	v59 =	vld [tilespmem:$0x14DF0]  }
0x3db: {  	v0 =	vadd.f32 v57, v0  }
0x3dc: {  	v60 =	vld [tilespmem:$0x14E30]  }
0x3dd: {  	v0 =	vadd.f32 v58, v0  }
0x3de: {  	v61 =	vld [tilespmem:$0x14E70]  }
0x3df: {  	v0 =	vadd.f32 v59, v0  }
0x3e0: {  	v62 =	vld [tilespmem:$0x14EB0]  }
0x3e1: {  	v0 =	vadd.f32 v60, v0  }
0x3e2: {  	v63 =	vld [tilespmem:$0x14EF0]  }
0x3e3: {  	v0 =	vadd.f32 v61, v0;
	_ =	sdelay $0x1  }
.Ltmp6:
0x3e4: {  	v0 =	vadd.f32 v62, v0;
	(pc) =	sbr.rel @p0 .LBB2_12-.Ltmp6, $3  }
0x3e5: {  	_ = 	snop  }
0x3e6: {  	v0 =	vadd.f32 v63, v0;
	_ =	sdelay $0x1  }
0x3e7: {  	[tilespmem:s14+$0x150F0] =	vst v0  }
0x3e8: {  	s14 =	sadd.s32 $0x7, s15  }
0x3e9: {  	s15 =	smul.u32 $0x320, s14  }
0x3ea: {  	s14 =	smul.u32 $0x60, s14  }
.Ltmp7:
0x3eb: {  	_ = 	snop;
	(pc) =	sbr.rel .LBB2_2-.Ltmp7, $4  }
0x3ec: {  	s15 =	sshra.s32 s15, $0x2;
	s14 =	sshra.s32 s14, $0x2  }
0x3ed: {  	[tilespmem:s23], [sflag:$0x4] =	stream.indirect.gather [hbm4b:s3+s11], $0x40, s15, s11, $0xb8;
	[tilespmem:$0x19000] =	vst v63  }
0x3ee: {  	s12 =	sadd.s32 $0x1, s12;
	s14 =	sadd.s32 $0x6400, s14  }
0x3ef: {  	[tilespmem:s25], [sflag:$0x4] =	stream.indirect.gather [hbm4b:s3+s13], $0x40, s14, s13, $0xb8;
	[tilespmem:$0x19000] =	vst v63  }
.LBB2_13:
0x3f0: {  	_ =	sfence.sel $0x180000  }
0x3f1: {  	[bflag:$0x0] =	sbarrier.arrive $0xFFFF  }
0x3f2: {  	_ =	strace $0x90000047  }
0x3f3: {  	s0 =	stileid.u32;
	[bflag:$0x2] =	sbarrier.arrive $0xFFFF  }
0x3f4: {  	p0 =	sne.s32 s0, $0x0;
	s0 =	rddreg [dreg:$0x2]  }
0x3f5: {  	s0 =	sadd.s32 @!p0 $0x100000, s0  }
0x3f6: {  	[sflag:s0] =	ssyncadd.tile.s32 @!p0 $0x1;
	_ =	shalt  }
.Lfunc_end2:
_tile_overlayer_lowered:
.L_overlay_start_2:
0x3f7: {  	(tag) =	ssettag $0x2  }
0x3f8: {  	s0 =	rddreg [dreg:$0x0];
	s2 =	stileid.u32  }
0x3f9: {  	s1 =	rddreg [dreg:$0x1];
	p0 =	sne.s32 s2, $0x0  }
0x3fa: {  	s3 =	rddreg [dreg:$0x2];
	[bflag:$0x3] =	sbarrier.arrive $0xFFFF;
	s2 =	simm.s32 @!p0 $0x1C05  }
0x3fb: {  	[timem:s3], [sflag:s2] =	dma.local @!p0 [hbm:s0], s1  }
0x3fc: {  	s0 =	simm.s32 @!p0 $0x5  }
0x3fd: {  	_ =	swait.ge @!p0 [sflag:s0], s1  }
0x3fe: {  	s1 =	ssub.s32 @!p0 $0x0, s1;
	[sflag:s0] =	ssyncset.done @!p0 $0x0  }
0x3ff: {  	[sflag:s0] =	ssyncadd.s32 @!p0 s1  }
0x400: {  	[bflag:$0x3] =	sbarrier.arrive $0xFFFF  }
0x401: {  	_ =	shalt  }

</sc_bundles>
